<compile_context>
chip_gen: v7x
topology: tpu7x:2x2x1
jax: 0.10.2.dev20260603
libtpu: 0.0.44.dev20260713+nightly
codegen_flags: <defaults>
</compile_context>

<pallas_src>
import functools

import jax
import jax.numpy as jnp
import numpy as np
from jax import lax
from jax.experimental import pallas as pl
from jax.experimental.pallas import tpu as pltpu
from jax.experimental.pallas import tpu_sc as plsc

VOCAB = 100000
D = 768
B = 4
S = 2048
N_ROWS = B * S

_info = plsc.get_sparse_core_info()
NC, NS, L = _info.num_cores, _info.num_subcores, _info.num_lanes
NW = NC * NS
POS_PER_W = S // NW
BLK = 8
NBLK = POS_PER_W // BLK
NGEN = 4
AHEAD = 2
ROWS = B * BLK
GROUPS = D // L

SCALE = np.float32(np.sqrt(np.float32(D)))

_mesh = plsc.VectorSubcoreMesh(core_axis_name="c", subcore_axis_name="s")


@functools.partial(
    pl.kernel,
    mesh=_mesh,
    out_type=jax.ShapeDtypeStruct((N_ROWS, D), jnp.float32),
    scratch_types=(
        [pltpu.VMEM((NBLK * ROWS,), jnp.int32)]
        + [pltpu.VMEM((ROWS, D), jnp.float32) for _ in range(NGEN)]
        + [pltpu.VMEM((BLK, D), jnp.float32) for _ in range(NGEN)]
        + [pltpu.SemaphoreType.DMA for _ in range(1 + 2 * NGEN)]
    ),
)
def _embed_kernel(
    idx_hbm, table_hbm, pos_hbm, out_hbm,
    idx_v, xa, xb, xc, xd, pa, pb, pc, pd,
    isem, gin0, gin1, gin2, gin3, gout0, gout1, gout2, gout3,
):
    wid = lax.axis_index("s") * NC + lax.axis_index("c")
    pos0 = wid * POS_PER_W

    icp = pltpu.async_copy(
        idx_hbm.at[pl.ds(wid * (NBLK * ROWS), NBLK * ROWS)], idx_v, isem
    )

    xv = (xa, xb, xc, xd)
    pv = (pa, pb, pc, pd)
    gin = (gin0, gin1, gin2, gin3)
    gout = (gout0, gout1, gout2, gout3)

    def start_ins(g):
        p = g % NGEN
        return [
            pltpu.async_copy(
                pos_hbm.at[pl.ds(pos0 + g * BLK, BLK), :], pv[p], gin[p]
            ),
            pltpu.async_copy(
                table_hbm.at[idx_v.at[pl.ds(g * ROWS, ROWS)]], xv[p], gin[p]
            ),
        ]

    def start_outs(g):
        p = g % NGEN
        return [
            pltpu.async_copy(
                xv[p].at[pl.ds(b * BLK, BLK), :],
                out_hbm.at[pl.ds(b * S + pos0 + g * BLK, BLK), :],
                gout[p],
            )
            for b in range(B)
        ]

    icp.wait()

    pending_in = {g: start_ins(g) for g in range(AHEAD)}
    pending_out = {}

    for g in range(NBLK):
        p = g % NGEN
        for cp in pending_in.pop(g):
            cp.wait()
        if g + AHEAD < NBLK:
            q = (g + AHEAD) % NGEN
            if q in pending_out:
                for cp in pending_out.pop(q):
                    cp.wait()
            pending_in[g + AHEAD] = start_ins(g + AHEAD)

        x_v = xv[p]
        pos_v = pv[p]

        @plsc.parallel_loop(0, BLK, unroll=1)
        def row_body(r):
            @plsc.parallel_loop(0, D, step=L, unroll=4)
            def group_body(off):
                sl = pl.ds(off, L)
                pg = pos_v[r, sl]
                x_v[r, sl] = x_v[r, sl] * SCALE + pg
                x_v[BLK + r, sl] = x_v[BLK + r, sl] * SCALE + pg
                x_v[2 * BLK + r, sl] = x_v[2 * BLK + r, sl] * SCALE + pg
                x_v[3 * BLK + r, sl] = x_v[3 * BLK + r, sl] * SCALE + pg

        pending_out[p] = start_outs(g)

    for p in list(pending_out):
        for cp in pending_out.pop(p):
            cp.wait()


def kernel(inputs, token_table, pos_embedding):
    idx = (
        inputs.astype(jnp.int32)
        .reshape(B, NW, NBLK, BLK)
        .transpose(1, 2, 0, 3)
        .reshape(N_ROWS)
    )
    out = _embed_kernel(idx, token_table, pos_embedding)
    return out.reshape(B, S, D)

# --- scband reference (transcript-rebuilt; emitter-appended) ---
"""Pipeline reference for scband-encoder-77807627534701 (READ-ONLY COPY).

The authoritative reference and input builder live on the scoring server;
editing this copy changes nothing except your own understanding.
"""

import jax, jax.numpy as jnp
import numpy as np

VOCAB = 100000
D_MODEL = 768
MAX_SEQ = 2048
BATCH = 4
SEQ = 2048


def setup_inputs(seed: int = 0) -> dict:
    key = jax.random.key(seed)
    k1, k2, k3 = jax.random.split(key, 3)
    inputs = jax.random.randint(k1, (BATCH, SEQ), 0, VOCAB, dtype=jnp.int64 if jax.config.jax_enable_x64 else jnp.int32)
    token_table = jax.random.normal(k2, (VOCAB, D_MODEL), dtype=jnp.float32) * 0.05
    pos_embedding = jax.random.normal(k3, (MAX_SEQ, D_MODEL), dtype=jnp.float32) * 0.05
    return {"inputs": inputs, "token_table": token_table, "pos_embedding": pos_embedding}


def reference(inputs, token_table, pos_embedding):
    seq_length = inputs.shape[1]
    positions = jnp.arange(seq_length)
    positions = positions[None, :]  # [1, S]
    pos = jnp.take(pos_embedding, positions, axis=0)  # [1, S, D]
    x = jnp.take(token_table, inputs, axis=0)  # [B, S, D]
    x = x * jnp.sqrt(jnp.asarray(D_MODEL, dtype=jnp.float32))
    x = x + pos
    # dropout is identity at inference (training=False)
    return x

if __name__ == "__main__":
    import jax
    _d = setup_inputs()
    print(jax.jit(kernel)(*tuple(_d.values())))

</pallas_src>

<mosaic_0001>
#map = affine_map<(d0, d1) -> (0)>
#map1 = affine_map<(d0, d1) -> (0, 0)>
module attributes {stable_mosaic.version = 14 : i64} {
  func.func @_embed_kernel(%arg0: i32, %arg1: i32, %arg2: memref<8192xi32, #tpu.memory_space<hbm>>, %arg3: memref<100000x768xf32, #tpu.memory_space<hbm>>, %arg4: memref<2048x768xf32, #tpu.memory_space<hbm>>, %arg5: memref<8192x768xf32, #tpu.memory_space<hbm>>, %arg6: memref<256xi32, #tpu.memory_space<vmem>>, %arg7: memref<32x768xf32, #tpu.memory_space<vmem>>, %arg8: memref<32x768xf32, #tpu.memory_space<vmem>>, %arg9: memref<32x768xf32, #tpu.memory_space<vmem>>, %arg10: memref<32x768xf32, #tpu.memory_space<vmem>>, %arg11: memref<8x768xf32, #tpu.memory_space<vmem>>, %arg12: memref<8x768xf32, #tpu.memory_space<vmem>>, %arg13: memref<8x768xf32, #tpu.memory_space<vmem>>, %arg14: memref<8x768xf32, #tpu.memory_space<vmem>>, %arg15: memref<!tpu.dma_semaphore, #tpu.memory_space<semaphore_mem>>, %arg16: memref<!tpu.dma_semaphore, #tpu.memory_space<semaphore_mem>>, %arg17: memref<!tpu.dma_semaphore, #tpu.memory_space<semaphore_mem>>, %arg18: memref<!tpu.dma_semaphore, #tpu.memory_space<semaphore_mem>>, %arg19: memref<!tpu.dma_semaphore, #tpu.memory_space<semaphore_mem>>, %arg20: memref<!tpu.dma_semaphore, #tpu.memory_space<semaphore_mem>>, %arg21: memref<!tpu.dma_semaphore, #tpu.memory_space<semaphore_mem>>, %arg22: memref<!tpu.dma_semaphore, #tpu.memory_space<semaphore_mem>>, %arg23: memref<!tpu.dma_semaphore, #tpu.memory_space<semaphore_mem>>) attributes {dimension_semantics = [#tpu.dimension_semantics<core_parallel>, #tpu.dimension_semantics<subcore_parallel>], iteration_bounds = array<i64: 2, 16>, scalar_prefetch = 0 : i64, scratch_operands = 18 : i64, tpu.core_type = #tpu.core_type<sc_vector_subcore>, window_params = [{transform_indices = #map}, {transform_indices = #map1}, {transform_indices = #map1}, {transform_indices = #map1}]} {
    %mul3A = arith.constant 2 : i32
    %mul3A_0 = arith.muli %arg1, %mul3A : i32
    %add3A = arith.addi %mul3A_0, %arg0 : i32
    %mul3A_1 = arith.constant 64 : i32
    %mul3A_2 = arith.muli %add3A, %mul3A_1 : i32
    %mul3A_3 = arith.constant 256 : i32
    %mul3A_4 = arith.muli %add3A, %mul3A_3 : i32
    %dma_start3A = tpu.memref_slice %arg2[%mul3A_4] : memref<8192xi32, #tpu.memory_space<hbm>> -> memref<256xi32, #tpu.memory_space<hbm>>
    %dma_start3A_5 = tpu.memref_slice %arg2[%mul3A_4] : memref<8192xi32, #tpu.memory_space<hbm>> -> memref<256xi32, #tpu.memory_space<hbm>>
    tpu.enqueue_dma source(%dma_start3A_5 : memref<256xi32, #tpu.memory_space<hbm>>) target(%arg6 : memref<256xi32, #tpu.memory_space<vmem>>) target_semaphore(%arg15 : memref<!tpu.dma_semaphore, #tpu.memory_space<semaphore_mem>>)
    %dma_wait3A = tpu.memref_slice %arg2[%mul3A_4] : memref<8192xi32, #tpu.memory_space<hbm>> -> memref<256xi32, #tpu.memory_space<hbm>>
    %dma_wait3A_6 = tpu.memref_slice %arg2[%mul3A_4] : memref<8192xi32, #tpu.memory_space<hbm>> -> memref<256xi32, #tpu.memory_space<hbm>>
    tpu.wait_dma2 semaphore(%arg15 : memref<!tpu.dma_semaphore, #tpu.memory_space<semaphore_mem>>) src(%dma_wait3A_6 : memref<256xi32, #tpu.memory_space<hbm>>) dst(%arg6 : memref<256xi32, #tpu.memory_space<vmem>>)
    %add3A_7 = arith.constant 0 : i32
    %add3A_8 = arith.addi %mul3A_2, %add3A_7 : i32
    %dma_start3A_9 = arith.constant 0 : i32
    %dma_start3A_10 = tpu.memref_slice %arg4[%add3A_8, %dma_start3A_9] : memref<2048x768xf32, #tpu.memory_space<hbm>> -> memref<8x768xf32, #tpu.memory_space<hbm>>
    %dma_start3A_11 = arith.constant 0 : i32
    %dma_start3A_12 = tpu.memref_slice %arg4[%add3A_8, %dma_start3A_11] : memref<2048x768xf32, #tpu.memory_space<hbm>> -> memref<8x768xf32, #tpu.memory_space<hbm>>
    tpu.enqueue_dma source(%dma_start3A_12 : memref<8x768xf32, #tpu.memory_space<hbm>>) target(%arg11 : memref<8x768xf32, #tpu.memory_space<vmem>>) target_semaphore(%arg16 : memref<!tpu.dma_semaphore, #tpu.memory_space<semaphore_mem>>)
    %dma_start3A_13 = arith.constant 0 : i32
    %dma_start3A_14 = tpu.memref_slice %arg6[%dma_start3A_13] : memref<256xi32, #tpu.memory_space<vmem>> -> memref<32xi32, #tpu.memory_space<vmem>>
    %dma_start3A_15 = arith.constant 0 : i32
    %dma_start3A_16 = arith.constant 0 : i32
    %dma_start3A_17 = tpu.memref_slice %arg3[%dma_start3A_15, %dma_start3A_16] : memref<100000x768xf32, #tpu.memory_space<hbm>> -> memref<100000x768xf32, #tpu.memory_space<hbm>>
    tpu.enqueue_indirect_dma source(%dma_start3A_17 : memref<100000x768xf32, #tpu.memory_space<hbm>>) target(%arg7 : memref<32x768xf32, #tpu.memory_space<vmem>>) offsets(%dma_start3A_14 : memref<32xi32, #tpu.memory_space<vmem>>) semaphore(%arg16 : memref<!tpu.dma_semaphore, #tpu.memory_space<semaphore_mem>>)
    %add3A_18 = arith.constant 8 : i32
    %add3A_19 = arith.addi %mul3A_2, %add3A_18 : i32
    %dma_start3A_20 = arith.constant 0 : i32
    %dma_start3A_21 = tpu.memref_slice %arg4[%add3A_19, %dma_start3A_20] : memref<2048x768xf32, #tpu.memory_space<hbm>> -> memref<8x768xf32, #tpu.memory_space<hbm>>
    %dma_start3A_22 = arith.constant 0 : i32
    %dma_start3A_23 = tpu.memref_slice %arg4[%add3A_19, %dma_start3A_22] : memref<2048x768xf32, #tpu.memory_space<hbm>> -> memref<8x768xf32, #tpu.memory_space<hbm>>
    tpu.enqueue_dma source(%dma_start3A_23 : memref<8x768xf32, #tpu.memory_space<hbm>>) target(%arg12 : memref<8x768xf32, #tpu.memory_space<vmem>>) target_semaphore(%arg17 : memref<!tpu.dma_semaphore, #tpu.memory_space<semaphore_mem>>)
    %dma_start3A_24 = arith.constant 32 : i32
    %dma_start3A_25 = tpu.memref_slice %arg6[%dma_start3A_24] : memref<256xi32, #tpu.memory_space<vmem>> -> memref<32xi32, #tpu.memory_space<vmem>>
    %dma_start3A_26 = arith.constant 0 : i32
    %dma_start3A_27 = arith.constant 0 : i32
    %dma_start3A_28 = tpu.memref_slice %arg3[%dma_start3A_26, %dma_start3A_27] : memref<100000x768xf32, #tpu.memory_space<hbm>> -> memref<100000x768xf32, #tpu.memory_space<hbm>>
    tpu.enqueue_indirect_dma source(%dma_start3A_28 : memref<100000x768xf32, #tpu.memory_space<hbm>>) target(%arg8 : memref<32x768xf32, #tpu.memory_space<vmem>>) offsets(%dma_start3A_25 : memref<32xi32, #tpu.memory_space<vmem>>) semaphore(%arg17 : memref<!tpu.dma_semaphore, #tpu.memory_space<semaphore_mem>>)
    %dma_wait3A_29 = arith.constant 0 : i32
    %dma_wait3A_30 = tpu.memref_slice %arg4[%add3A_8, %dma_wait3A_29] : memref<2048x768xf32, #tpu.memory_space<hbm>> -> memref<8x768xf32, #tpu.memory_space<hbm>>
    %dma_wait3A_31 = arith.constant 0 : i32
    %dma_wait3A_32 = tpu.memref_slice %arg4[%add3A_8, %dma_wait3A_31] : memref<2048x768xf32, #tpu.memory_space<hbm>> -> memref<8x768xf32, #tpu.memory_space<hbm>>
    tpu.wait_dma2 semaphore(%arg16 : memref<!tpu.dma_semaphore, #tpu.memory_space<semaphore_mem>>) src(%dma_wait3A_32 : memref<8x768xf32, #tpu.memory_space<hbm>>) dst(%arg11 : memref<8x768xf32, #tpu.memory_space<vmem>>)
    %dma_wait3A_33 = arith.constant 0 : i32
    %dma_wait3A_34 = tpu.memref_slice %arg6[%dma_wait3A_33] : memref<256xi32, #tpu.memory_space<vmem>> -> memref<32xi32, #tpu.memory_space<vmem>>
    %dma_wait3A_35 = arith.constant 0 : i32
    %dma_wait3A_36 = arith.constant 0 : i32
    %dma_wait3A_37 = tpu.memref_slice %arg3[%dma_wait3A_35, %dma_wait3A_36] : memref<100000x768xf32, #tpu.memory_space<hbm>> -> memref<100000x768xf32, #tpu.memory_space<hbm>>
    tpu.wait_indirect_dma semaphore(%arg16 : memref<!tpu.dma_semaphore, #tpu.memory_space<semaphore_mem>>) src(%dma_wait3A_37 : memref<100000x768xf32, #tpu.memory_space<hbm>>) dst(%arg7 : memref<32x768xf32, #tpu.memory_space<vmem>>)
    %add3A_38 = arith.constant 16 : i32
    %add3A_39 = arith.addi %mul3A_2, %add3A_38 : i32
    %dma_start3A_40 = arith.constant 0 : i32
    %dma_start3A_41 = tpu.memref_slice %arg4[%add3A_39, %dma_start3A_40] : memref<2048x768xf32, #tpu.memory_space<hbm>> -> memref<8x768xf32, #tpu.memory_space<hbm>>
    %dma_start3A_42 = arith.constant 0 : i32
    %dma_start3A_43 = tpu.memref_slice %arg4[%add3A_39, %dma_start3A_42] : memref<2048x768xf32, #tpu.memory_space<hbm>> -> memref<8x768xf32, #tpu.memory_space<hbm>>
    tpu.enqueue_dma source(%dma_start3A_43 : memref<8x768xf32, #tpu.memory_space<hbm>>) target(%arg13 : memref<8x768xf32, #tpu.memory_space<vmem>>) target_semaphore(%arg18 : memref<!tpu.dma_semaphore, #tpu.memory_space<semaphore_mem>>)
    %dma_start3A_44 = arith.constant 64 : i32
    %dma_start3A_45 = tpu.memref_slice %arg6[%dma_start3A_44] : memref<256xi32, #tpu.memory_space<vmem>> -> memref<32xi32, #tpu.memory_space<vmem>>
    %dma_start3A_46 = arith.constant 0 : i32
    %dma_start3A_47 = arith.constant 0 : i32
    %dma_start3A_48 = tpu.memref_slice %arg3[%dma_start3A_46, %dma_start3A_47] : memref<100000x768xf32, #tpu.memory_space<hbm>> -> memref<100000x768xf32, #tpu.memory_space<hbm>>
    tpu.enqueue_indirect_dma source(%dma_start3A_48 : memref<100000x768xf32, #tpu.memory_space<hbm>>) target(%arg9 : memref<32x768xf32, #tpu.memory_space<vmem>>) offsets(%dma_start3A_45 : memref<32xi32, #tpu.memory_space<vmem>>) semaphore(%arg18 : memref<!tpu.dma_semaphore, #tpu.memory_space<semaphore_mem>>)
    %parallel_loop3A = arith.constant 0 : i32
    %parallel_loop3A_49 = arith.constant 8 : i32
    %parallel_loop3A_50 = arith.constant 1 : i32
    scf.for %parallel_loop3A_958 = %parallel_loop3A to %parallel_loop3A_49 step %parallel_loop3A_50  : i32 {
      %parallel_loop3A_959 = arith.constant 0 : i32
      %parallel_loop3A_960 = arith.constant 768 : i32
      %parallel_loop3A_961 = arith.constant 16 : i32
      scf.for %parallel_loop3A_962 = %parallel_loop3A_959 to %parallel_loop3A_960 step %parallel_loop3A_961  : i32 {
        %parallel_loop3A_963 = arith.index_cast %parallel_loop3A_958 : i32 to index
        %parallel_loop3A_964 = arith.index_cast %parallel_loop3A_962 : i32 to index
        %parallel_loop3A_965 = tpu.vector_load %arg11[%parallel_loop3A_963, %parallel_loop3A_964] {strides = array<i32>} : memref<8x768xf32, #tpu.memory_space<vmem>>, vector<1x16xf32>,
        %parallel_loop3A_966 = vector.shape_cast %parallel_loop3A_965 : vector<1x16xf32> to vector<16xf32>
        %parallel_loop3A_967 = arith.index_cast %parallel_loop3A_958 : i32 to index
        %parallel_loop3A_968 = arith.index_cast %parallel_loop3A_962 : i32 to index
        %parallel_loop3A_969 = tpu.vector_load %arg7[%parallel_loop3A_967, %parallel_loop3A_968] {strides = array<i32>} : memref<32x768xf32, #tpu.memory_space<vmem>>, vector<1x16xf32>,
        %parallel_loop3A_970 = vector.shape_cast %parallel_loop3A_969 : vector<1x16xf32> to vector<16xf32>
        %parallel_loop3A_971 = arith.constant 27.7128124 : f32
        %parallel_loop3A_972 = vector.broadcast %parallel_loop3A_971 : f32 to vector<16xf32>
        %parallel_loop3A_973 = arith.mulf %parallel_loop3A_970, %parallel_loop3A_972 : vector<16xf32>
        %parallel_loop3A_974 = arith.addf %parallel_loop3A_973, %parallel_loop3A_966 : vector<16xf32>
        %parallel_loop3A_975 = arith.index_cast %parallel_loop3A_958 : i32 to index
        %parallel_loop3A_976 = arith.index_cast %parallel_loop3A_962 : i32 to index
        %parallel_loop3A_977 = tpu.vector_load %arg7[%parallel_loop3A_975, %parallel_loop3A_976] {strides = array<i32>} : memref<32x768xf32, #tpu.memory_space<vmem>>, vector<1x16xf32>,
        %parallel_loop3A_978 = vector.shape_cast %parallel_loop3A_977 : vector<1x16xf32> to vector<16xf32>
        %parallel_loop3A_979 = vector.shape_cast %parallel_loop3A_974 : vector<16xf32> to vector<1x16xf32>
        tpu.vector_store %arg7[%parallel_loop3A_975, %parallel_loop3A_976], %parallel_loop3A_979 {strides = array<i32>} : memref<32x768xf32, #tpu.memory_space<vmem>>, vector<1x16xf32>,
        %parallel_loop3A_980 = arith.constant 8 : i32
        %parallel_loop3A_981 = arith.addi %parallel_loop3A_980, %parallel_loop3A_958 : i32
        %parallel_loop3A_982 = arith.index_cast %parallel_loop3A_981 : i32 to index
        %parallel_loop3A_983 = arith.index_cast %parallel_loop3A_962 : i32 to index
        %parallel_loop3A_984 = tpu.vector_load %arg7[%parallel_loop3A_982, %parallel_loop3A_983] {strides = array<i32>} : memref<32x768xf32, #tpu.memory_space<vmem>>, vector<1x16xf32>,
        %parallel_loop3A_985 = vector.shape_cast %parallel_loop3A_984 : vector<1x16xf32> to vector<16xf32>
        %parallel_loop3A_986 = arith.constant 27.7128124 : f32
        %parallel_loop3A_987 = vector.broadcast %parallel_loop3A_986 : f32 to vector<16xf32>
        %parallel_loop3A_988 = arith.mulf %parallel_loop3A_985, %parallel_loop3A_987 : vector<16xf32>
        %parallel_loop3A_989 = arith.addf %parallel_loop3A_988, %parallel_loop3A_966 : vector<16xf32>
        %parallel_loop3A_990 = arith.constant 8 : i32
        %parallel_loop3A_991 = arith.addi %parallel_loop3A_990, %parallel_loop3A_958 : i32
        %parallel_loop3A_992 = arith.index_cast %parallel_loop3A_991 : i32 to index
        %parallel_loop3A_993 = arith.index_cast %parallel_loop3A_962 : i32 to index
        %parallel_loop3A_994 = tpu.vector_load %arg7[%parallel_loop3A_992, %parallel_loop3A_993] {strides = array<i32>} : memref<32x768xf32, #tpu.memory_space<vmem>>, vector<1x16xf32>,
        %parallel_loop3A_995 = vector.shape_cast %parallel_loop3A_994 : vector<1x16xf32> to vector<16xf32>
        %parallel_loop3A_996 = vector.shape_cast %parallel_loop3A_989 : vector<16xf32> to vector<1x16xf32>
        tpu.vector_store %arg7[%parallel_loop3A_992, %parallel_loop3A_993], %parallel_loop3A_996 {strides = array<i32>} : memref<32x768xf32, #tpu.memory_space<vmem>>, vector<1x16xf32>,
        %parallel_loop3A_997 = arith.constant 16 : i32
        %parallel_loop3A_998 = arith.addi %parallel_loop3A_997, %parallel_loop3A_958 : i32
        %parallel_loop3A_999 = arith.index_cast %parallel_loop3A_998 : i32 to index
        %parallel_loop3A_1000 = arith.index_cast %parallel_loop3A_962 : i32 to index
        %parallel_loop3A_1001 = tpu.vector_load %arg7[%parallel_loop3A_999, %parallel_loop3A_1000] {strides = array<i32>} : memref<32x768xf32, #tpu.memory_space<vmem>>, vector<1x16xf32>,
        %parallel_loop3A_1002 = vector.shape_cast %parallel_loop3A_1001 : vector<1x16xf32> to vector<16xf32>
        %parallel_loop3A_1003 = arith.constant 27.7128124 : f32
        %parallel_loop3A_1004 = vector.broadcast %parallel_loop3A_1003 : f32 to vector<16xf32>
        %parallel_loop3A_1005 = arith.mulf %parallel_loop3A_1002, %parallel_loop3A_1004 : vector<16xf32>
        %parallel_loop3A_1006 = arith.addf %parallel_loop3A_1005, %parallel_loop3A_966 : vector<16xf32>
        %parallel_loop3A_1007 = arith.constant 16 : i32
        %parallel_loop3A_1008 = arith.addi %parallel_loop3A_1007, %parallel_loop3A_958 : i32
        %parallel_loop3A_1009 = arith.index_cast %parallel_loop3A_1008 : i32 to index
        %parallel_loop3A_1010 = arith.index_cast %parallel_loop3A_962 : i32 to index
        %parallel_loop3A_1011 = tpu.vector_load %arg7[%parallel_loop3A_1009, %parallel_loop3A_1010] {strides = array<i32>} : memref<32x768xf32, #tpu.memory_space<vmem>>, vector<1x16xf32>,
        %parallel_loop3A_1012 = vector.shape_cast %parallel_loop3A_1011 : vector<1x16xf32> to vector<16xf32>
        %parallel_loop3A_1013 = vector.shape_cast %parallel_loop3A_1006 : vector<16xf32> to vector<1x16xf32>
        tpu.vector_store %arg7[%parallel_loop3A_1009, %parallel_loop3A_1010], %parallel_loop3A_1013 {strides = array<i32>} : memref<32x768xf32, #tpu.memory_space<vmem>>, vector<1x16xf32>,
        %parallel_loop3A_1014 = arith.constant 24 : i32
        %parallel_loop3A_1015 = arith.addi %parallel_loop3A_1014, %parallel_loop3A_958 : i32
        %parallel_loop3A_1016 = arith.index_cast %parallel_loop3A_1015 : i32 to index
        %parallel_loop3A_1017 = arith.index_cast %parallel_loop3A_962 : i32 to index
        %parallel_loop3A_1018 = tpu.vector_load %arg7[%parallel_loop3A_1016, %parallel_loop3A_1017] {strides = array<i32>} : memref<32x768xf32, #tpu.memory_space<vmem>>, vector<1x16xf32>,
        %parallel_loop3A_1019 = vector.shape_cast %parallel_loop3A_1018 : vector<1x16xf32> to vector<16xf32>
        %parallel_loop3A_1020 = arith.constant 27.7128124 : f32
        %parallel_loop3A_1021 = vector.broadcast %parallel_loop3A_1020 : f32 to vector<16xf32>
        %parallel_loop3A_1022 = arith.mulf %parallel_loop3A_1019, %parallel_loop3A_1021 : vector<16xf32>
        %parallel_loop3A_1023 = arith.addf %parallel_loop3A_1022, %parallel_loop3A_966 : vector<16xf32>
        %parallel_loop3A_1024 = arith.constant 24 : i32
        %parallel_loop3A_1025 = arith.addi %parallel_loop3A_1024, %parallel_loop3A_958 : i32
        %parallel_loop3A_1026 = arith.index_cast %parallel_loop3A_1025 : i32 to index
        %parallel_loop3A_1027 = arith.index_cast %parallel_loop3A_962 : i32 to index
        %parallel_loop3A_1028 = tpu.vector_load %arg7[%parallel_loop3A_1026, %parallel_loop3A_1027] {strides = array<i32>} : memref<32x768xf32, #tpu.memory_space<vmem>>, vector<1x16xf32>,
        %parallel_loop3A_1029 = vector.shape_cast %parallel_loop3A_1028 : vector<1x16xf32> to vector<16xf32>
        %parallel_loop3A_1030 = vector.shape_cast %parallel_loop3A_1023 : vector<16xf32> to vector<1x16xf32>
        tpu.vector_store %arg7[%parallel_loop3A_1026, %parallel_loop3A_1027], %parallel_loop3A_1030 {strides = array<i32>} : memref<32x768xf32, #tpu.memory_space<vmem>>, vector<1x16xf32>,
      } {sc.loop_unroll_factor = 4 : i64, sc.parallel_access}
    } {sc.loop_unroll_factor = 1 : i64, sc.parallel_access}
    %add3A_51 = arith.constant 0 : i32
    %add3A_52 = arith.addi %add3A_51, %mul3A_2 : i32
    %add3A_53 = arith.constant 0 : i32
    %add3A_54 = arith.addi %add3A_52, %add3A_53 : i32
    %dma_start3A_55 = arith.constant 0 : i32
    %dma_start3A_56 = arith.constant 0 : i32
    %dma_start3A_57 = tpu.memref_slice %arg7[%dma_start3A_55, %dma_start3A_56] : memref<32x768xf32, #tpu.memory_space<vmem>> -> memref<8x768xf32, #tpu.memory_space<vmem>>
    %dma_start3A_58 = arith.constant 0 : i32
    %dma_start3A_59 = tpu.memref_slice %arg5[%add3A_54, %dma_start3A_58] : memref<8192x768xf32, #tpu.memory_space<hbm>> -> memref<8x768xf32, #tpu.memory_space<hbm>>
    %dma_start3A_60 = arith.constant 0 : i32
    %dma_start3A_61 = tpu.memref_slice %arg5[%add3A_54, %dma_start3A_60] : memref<8192x768xf32, #tpu.memory_space<hbm>> -> memref<8x768xf32, #tpu.memory_space<hbm>>
    %dma_start3A_62 = arith.constant 0 : i32
    %dma_start3A_63 = arith.constant 0 : i32
    %dma_start3A_64 = tpu.memref_slice %arg7[%dma_start3A_62, %dma_start3A_63] : memref<32x768xf32, #tpu.memory_space<vmem>> -> memref<8x768xf32, #tpu.memory_space<vmem>>
    tpu.enqueue_dma source(%dma_start3A_64 : memref<8x768xf32, #tpu.memory_space<vmem>>) target(%dma_start3A_61 : memref<8x768xf32, #tpu.memory_space<hbm>>) target_semaphore(%arg20 : memref<!tpu.dma_semaphore, #tpu.memory_space<semaphore_mem>>)
    %add3A_65 = arith.constant 2048 : i32
    %add3A_66 = arith.addi %add3A_65, %mul3A_2 : i32
    %add3A_67 = arith.constant 0 : i32
    %add3A_68 = arith.addi %add3A_66, %add3A_67 : i32
    %dma_start3A_69 = arith.constant 8 : i32
    %dma_start3A_70 = arith.constant 0 : i32
    %dma_start3A_71 = tpu.memref_slice %arg7[%dma_start3A_69, %dma_start3A_70] : memref<32x768xf32, #tpu.memory_space<vmem>> -> memref<8x768xf32, #tpu.memory_space<vmem>>
    %dma_start3A_72 = arith.constant 0 : i32
    %dma_start3A_73 = tpu.memref_slice %arg5[%add3A_68, %dma_start3A_72] : memref<8192x768xf32, #tpu.memory_space<hbm>> -> memref<8x768xf32, #tpu.memory_space<hbm>>
    %dma_start3A_74 = arith.constant 0 : i32
    %dma_start3A_75 = tpu.memref_slice %arg5[%add3A_68, %dma_start3A_74] : memref<8192x768xf32, #tpu.memory_space<hbm>> -> memref<8x768xf32, #tpu.memory_space<hbm>>
    %dma_start3A_76 = arith.constant 8 : i32
    %dma_start3A_77 = arith.constant 0 : i32
    %dma_start3A_78 = tpu.memref_slice %arg7[%dma_start3A_76, %dma_start3A_77] : memref<32x768xf32, #tpu.memory_space<vmem>> -> memref<8x768xf32, #tpu.memory_space<vmem>>
    tpu.enqueue_dma source(%dma_start3A_78 : memref<8x768xf32, #tpu.memory_space<vmem>>) target(%dma_start3A_75 : memref<8x768xf32, #tpu.memory_space<hbm>>) target_semaphore(%arg20 : memref<!tpu.dma_semaphore, #tpu.memory_space<semaphore_mem>>)
    %add3A_79 = arith.constant 4096 : i32
    %add3A_80 = arith.addi %add3A_79, %mul3A_2 : i32
    %add3A_81 = arith.constant 0 : i32
    %add3A_82 = arith.addi %add3A_80, %add3A_81 : i32
    %dma_start3A_83 = arith.constant 16 : i32
    %dma_start3A_84 = arith.constant 0 : i32
    %dma_start3A_85 = tpu.memref_slice %arg7[%dma_start3A_83, %dma_start3A_84] : memref<32x768xf32, #tpu.memory_space<vmem>> -> memref<8x768xf32, #tpu.memory_space<vmem>>
    %dma_start3A_86 = arith.constant 0 : i32
    %dma_start3A_87 = tpu.memref_slice %arg5[%add3A_82, %dma_start3A_86] : memref<8192x768xf32, #tpu.memory_space<hbm>> -> memref<8x768xf32, #tpu.memory_space<hbm>>
    %dma_start3A_88 = arith.constant 0 : i32
    %dma_start3A_89 = tpu.memref_slice %arg5[%add3A_82, %dma_start3A_88] : memref<8192x768xf32, #tpu.memory_space<hbm>> -> memref<8x768xf32, #tpu.memory_space<hbm>>
    %dma_start3A_90 = arith.constant 16 : i32
    %dma_start3A_91 = arith.constant 0 : i32
    %dma_start3A_92 = tpu.memref_slice %arg7[%dma_start3A_90, %dma_start3A_91] : memref<32x768xf32, #tpu.memory_space<vmem>> -> memref<8x768xf32, #tpu.memory_space<vmem>>
    tpu.enqueue_dma source(%dma_start3A_92 : memref<8x768xf32, #tpu.memory_space<vmem>>) target(%dma_start3A_89 : memref<8x768xf32, #tpu.memory_space<hbm>>) target_semaphore(%arg20 : memref<!tpu.dma_semaphore, #tpu.memory_space<semaphore_mem>>)
    %add3A_93 = arith.constant 6144 : i32
    %add3A_94 = arith.addi %add3A_93, %mul3A_2 : i32
    %add3A_95 = arith.constant 0 : i32
    %add3A_96 = arith.addi %add3A_94, %add3A_95 : i32
    %dma_start3A_97 = arith.constant 24 : i32
    %dma_start3A_98 = arith.constant 0 : i32
    %dma_start3A_99 = tpu.memref_slice %arg7[%dma_start3A_97, %dma_start3A_98] : memref<32x768xf32, #tpu.memory_space<vmem>> -> memref<8x768xf32, #tpu.memory_space<vmem>>
    %dma_start3A_100 = arith.constant 0 : i32
    %dma_start3A_101 = tpu.memref_slice %arg5[%add3A_96, %dma_start3A_100] : memref<8192x768xf32, #tpu.memory_space<hbm>> -> memref<8x768xf32, #tpu.memory_space<hbm>>
    %dma_start3A_102 = arith.constant 0 : i32
    %dma_start3A_103 = tpu.memref_slice %arg5[%add3A_96, %dma_start3A_102] : memref<8192x768xf32, #tpu.memory_space<hbm>> -> memref<8x768xf32, #tpu.memory_space<hbm>>
    %dma_start3A_104 = arith.constant 24 : i32
    %dma_start3A_105 = arith.constant 0 : i32
    %dma_start3A_106 = tpu.memref_slice %arg7[%dma_start3A_104, %dma_start3A_105] : memref<32x768xf32, #tpu.memory_space<vmem>> -> memref<8x768xf32, #tpu.memory_space<vmem>>
    tpu.enqueue_dma source(%dma_start3A_106 : memref<8x768xf32, #tpu.memory_space<vmem>>) target(%dma_start3A_103 : memref<8x768xf32, #tpu.memory_space<hbm>>) target_semaphore(%arg20 : memref<!tpu.dma_semaphore, #tpu.memory_space<semaphore_mem>>)
    %dma_wait3A_107 = arith.constant 0 : i32
    %dma_wait3A_108 = tpu.memref_slice %arg4[%add3A_19, %dma_wait3A_107] : memref<2048x768xf32, #tpu.memory_space<hbm>> -> memref<8x768xf32, #tpu.memory_space<hbm>>
    %dma_wait3A_109 = arith.constant 0 : i32
    %dma_wait3A_110 = tpu.memref_slice %arg4[%add3A_19, %dma_wait3A_109] : memref<2048x768xf32, #tpu.memory_space<hbm>> -> memref<8x768xf32, #tpu.memory_space<hbm>>
    tpu.wait_dma2 semaphore(%arg17 : memref<!tpu.dma_semaphore, #tpu.memory_space<semaphore_mem>>) src(%dma_wait3A_110 : memref<8x768xf32, #tpu.memory_space<hbm>>) dst(%arg12 : memref<8x768xf32, #tpu.memory_space<vmem>>)
    %dma_wait3A_111 = arith.constant 32 : i32
    %dma_wait3A_112 = tpu.memref_slice %arg6[%dma_wait3A_111] : memref<256xi32, #tpu.memory_space<vmem>> -> memref<32xi32, #tpu.memory_space<vmem>>
    %dma_wait3A_113 = arith.constant 0 : i32
    %dma_wait3A_114 = arith.constant 0 : i32
    %dma_wait3A_115 = tpu.memref_slice %arg3[%dma_wait3A_113, %dma_wait3A_114] : memref<100000x768xf32, #tpu.memory_space<hbm>> -> memref<100000x768xf32, #tpu.memory_space<hbm>>
    tpu.wait_indirect_dma semaphore(%arg17 : memref<!tpu.dma_semaphore, #tpu.memory_space<semaphore_mem>>) src(%dma_wait3A_115 : memref<100000x768xf32, #tpu.memory_space<hbm>>) dst(%arg8 : memref<32x768xf32, #tpu.memory_space<vmem>>)
    %add3A_116 = arith.constant 24 : i32
    %add3A_117 = arith.addi %mul3A_2, %add3A_116 : i32
    %dma_start3A_118 = arith.constant 0 : i32
    %dma_start3A_119 = tpu.memref_slice %arg4[%add3A_117, %dma_start3A_118] : memref<2048x768xf32, #tpu.memory_space<hbm>> -> memref<8x768xf32, #tpu.memory_space<hbm>>
    %dma_start3A_120 = arith.constant 0 : i32
    %dma_start3A_121 = tpu.memref_slice %arg4[%add3A_117, %dma_start3A_120] : memref<2048x768xf32, #tpu.memory_space<hbm>> -> memref<8x768xf32, #tpu.memory_space<hbm>>
    tpu.enqueue_dma source(%dma_start3A_121 : memref<8x768xf32, #tpu.memory_space<hbm>>) target(%arg14 : memref<8x768xf32, #tpu.memory_space<vmem>>) target_semaphore(%arg19 : memref<!tpu.dma_semaphore, #tpu.memory_space<semaphore_mem>>)
    %dma_start3A_122 = arith.constant 96 : i32
    %dma_start3A_123 = tpu.memref_slice %arg6[%dma_start3A_122] : memref<256xi32, #tpu.memory_space<vmem>> -> memref<32xi32, #tpu.memory_space<vmem>>
    %dma_start3A_124 = arith.constant 0 : i32
    %dma_start3A_125 = arith.constant 0 : i32
    %dma_start3A_126 = tpu.memref_slice %arg3[%dma_start3A_124, %dma_start3A_125] : memref<100000x768xf32, #tpu.memory_space<hbm>> -> memref<100000x768xf32, #tpu.memory_space<hbm>>
    tpu.enqueue_indirect_dma source(%dma_start3A_126 : memref<100000x768xf32, #tpu.memory_space<hbm>>) target(%arg10 : memref<32x768xf32, #tpu.memory_space<vmem>>) offsets(%dma_start3A_123 : memref<32xi32, #tpu.memory_space<vmem>>) semaphore(%arg19 : memref<!tpu.dma_semaphore, #tpu.memory_space<semaphore_mem>>)
    %parallel_loop3A_127 = arith.constant 0 : i32
    %parallel_loop3A_128 = arith.constant 8 : i32
    %parallel_loop3A_129 = arith.constant 1 : i32
    scf.for %parallel_loop3A_958 = %parallel_loop3A_127 to %parallel_loop3A_128 step %parallel_loop3A_129  : i32 {
      %parallel_loop3A_959 = arith.constant 0 : i32
      %parallel_loop3A_960 = arith.constant 768 : i32
      %parallel_loop3A_961 = arith.constant 16 : i32
      scf.for %parallel_loop3A_962 = %parallel_loop3A_959 to %parallel_loop3A_960 step %parallel_loop3A_961  : i32 {
        %parallel_loop3A_963 = arith.index_cast %parallel_loop3A_958 : i32 to index
        %parallel_loop3A_964 = arith.index_cast %parallel_loop3A_962 : i32 to index
        %parallel_loop3A_965 = tpu.vector_load %arg12[%parallel_loop3A_963, %parallel_loop3A_964] {strides = array<i32>} : memref<8x768xf32, #tpu.memory_space<vmem>>, vector<1x16xf32>,
        %parallel_loop3A_966 = vector.shape_cast %parallel_loop3A_965 : vector<1x16xf32> to vector<16xf32>
        %parallel_loop3A_967 = arith.index_cast %parallel_loop3A_958 : i32 to index
        %parallel_loop3A_968 = arith.index_cast %parallel_loop3A_962 : i32 to index
        %parallel_loop3A_969 = tpu.vector_load %arg8[%parallel_loop3A_967, %parallel_loop3A_968] {strides = array<i32>} : memref<32x768xf32, #tpu.memory_space<vmem>>, vector<1x16xf32>,
        %parallel_loop3A_970 = vector.shape_cast %parallel_loop3A_969 : vector<1x16xf32> to vector<16xf32>
        %parallel_loop3A_971 = arith.constant 27.7128124 : f32
        %parallel_loop3A_972 = vector.broadcast %parallel_loop3A_971 : f32 to vector<16xf32>
        %parallel_loop3A_973 = arith.mulf %parallel_loop3A_970, %parallel_loop3A_972 : vector<16xf32>
        %parallel_loop3A_974 = arith.addf %parallel_loop3A_973, %parallel_loop3A_966 : vector<16xf32>
        %parallel_loop3A_975 = arith.index_cast %parallel_loop3A_958 : i32 to index
        %parallel_loop3A_976 = arith.index_cast %parallel_loop3A_962 : i32 to index
        %parallel_loop3A_977 = tpu.vector_load %arg8[%parallel_loop3A_975, %parallel_loop3A_976] {strides = array<i32>} : memref<32x768xf32, #tpu.memory_space<vmem>>, vector<1x16xf32>,
        %parallel_loop3A_978 = vector.shape_cast %parallel_loop3A_977 : vector<1x16xf32> to vector<16xf32>
        %parallel_loop3A_979 = vector.shape_cast %parallel_loop3A_974 : vector<16xf32> to vector<1x16xf32>
        tpu.vector_store %arg8[%parallel_loop3A_975, %parallel_loop3A_976], %parallel_loop3A_979 {strides = array<i32>} : memref<32x768xf32, #tpu.memory_space<vmem>>, vector<1x16xf32>,
        %parallel_loop3A_980 = arith.constant 8 : i32
        %parallel_loop3A_981 = arith.addi %parallel_loop3A_980, %parallel_loop3A_958 : i32
        %parallel_loop3A_982 = arith.index_cast %parallel_loop3A_981 : i32 to index
        %parallel_loop3A_983 = arith.index_cast %parallel_loop3A_962 : i32 to index
        %parallel_loop3A_984 = tpu.vector_load %arg8[%parallel_loop3A_982, %parallel_loop3A_983] {strides = array<i32>} : memref<32x768xf32, #tpu.memory_space<vmem>>, vector<1x16xf32>,
        %parallel_loop3A_985 = vector.shape_cast %parallel_loop3A_984 : vector<1x16xf32> to vector<16xf32>
        %parallel_loop3A_986 = arith.constant 27.7128124 : f32
        %parallel_loop3A_987 = vector.broadcast %parallel_loop3A_986 : f32 to vector<16xf32>
        %parallel_loop3A_988 = arith.mulf %parallel_loop3A_985, %parallel_loop3A_987 : vector<16xf32>
        %parallel_loop3A_989 = arith.addf %parallel_loop3A_988, %parallel_loop3A_966 : vector<16xf32>
        %parallel_loop3A_990 = arith.constant 8 : i32
        %parallel_loop3A_991 = arith.addi %parallel_loop3A_990, %parallel_loop3A_958 : i32
        %parallel_loop3A_992 = arith.index_cast %parallel_loop3A_991 : i32 to index
        %parallel_loop3A_993 = arith.index_cast %parallel_loop3A_962 : i32 to index
        %parallel_loop3A_994 = tpu.vector_load %arg8[%parallel_loop3A_992, %parallel_loop3A_993] {strides = array<i32>} : memref<32x768xf32, #tpu.memory_space<vmem>>, vector<1x16xf32>,
        %parallel_loop3A_995 = vector.shape_cast %parallel_loop3A_994 : vector<1x16xf32> to vector<16xf32>
        %parallel_loop3A_996 = vector.shape_cast %parallel_loop3A_989 : vector<16xf32> to vector<1x16xf32>
        tpu.vector_store %arg8[%parallel_loop3A_992, %parallel_loop3A_993], %parallel_loop3A_996 {strides = array<i32>} : memref<32x768xf32, #tpu.memory_space<vmem>>, vector<1x16xf32>,
        %parallel_loop3A_997 = arith.constant 16 : i32
        %parallel_loop3A_998 = arith.addi %parallel_loop3A_997, %parallel_loop3A_958 : i32
        %parallel_loop3A_999 = arith.index_cast %parallel_loop3A_998 : i32 to index
        %parallel_loop3A_1000 = arith.index_cast %parallel_loop3A_962 : i32 to index
        %parallel_loop3A_1001 = tpu.vector_load %arg8[%parallel_loop3A_999, %parallel_loop3A_1000] {strides = array<i32>} : memref<32x768xf32, #tpu.memory_space<vmem>>, vector<1x16xf32>,
        %parallel_loop3A_1002 = vector.shape_cast %parallel_loop3A_1001 : vector<1x16xf32> to vector<16xf32>
        %parallel_loop3A_1003 = arith.constant 27.7128124 : f32
        %parallel_loop3A_1004 = vector.broadcast %parallel_loop3A_1003 : f32 to vector<16xf32>
        %parallel_loop3A_1005 = arith.mulf %parallel_loop3A_1002, %parallel_loop3A_1004 : vector<16xf32>
        %parallel_loop3A_1006 = arith.addf %parallel_loop3A_1005, %parallel_loop3A_966 : vector<16xf32>
        %parallel_loop3A_1007 = arith.constant 16 : i32
        %parallel_loop3A_1008 = arith.addi %parallel_loop3A_1007, %parallel_loop3A_958 : i32
        %parallel_loop3A_1009 = arith.index_cast %parallel_loop3A_1008 : i32 to index
        %parallel_loop3A_1010 = arith.index_cast %parallel_loop3A_962 : i32 to index
        %parallel_loop3A_1011 = tpu.vector_load %arg8[%parallel_loop3A_1009, %parallel_loop3A_1010] {strides = array<i32>} : memref<32x768xf32, #tpu.memory_space<vmem>>, vector<1x16xf32>,
        %parallel_loop3A_1012 = vector.shape_cast %parallel_loop3A_1011 : vector<1x16xf32> to vector<16xf32>
        %parallel_loop3A_1013 = vector.shape_cast %parallel_loop3A_1006 : vector<16xf32> to vector<1x16xf32>
        tpu.vector_store %arg8[%parallel_loop3A_1009, %parallel_loop3A_1010], %parallel_loop3A_1013 {strides = array<i32>} : memref<32x768xf32, #tpu.memory_space<vmem>>, vector<1x16xf32>,
        %parallel_loop3A_1014 = arith.constant 24 : i32
        %parallel_loop3A_1015 = arith.addi %parallel_loop3A_1014, %parallel_loop3A_958 : i32
        %parallel_loop3A_1016 = arith.index_cast %parallel_loop3A_1015 : i32 to index
        %parallel_loop3A_1017 = arith.index_cast %parallel_loop3A_962 : i32 to index
        %parallel_loop3A_1018 = tpu.vector_load %arg8[%parallel_loop3A_1016, %parallel_loop3A_1017] {strides = array<i32>} : memref<32x768xf32, #tpu.memory_space<vmem>>, vector<1x16xf32>,
        %parallel_loop3A_1019 = vector.shape_cast %parallel_loop3A_1018 : vector<1x16xf32> to vector<16xf32>
        %parallel_loop3A_1020 = arith.constant 27.7128124 : f32
        %parallel_loop3A_1021 = vector.broadcast %parallel_loop3A_1020 : f32 to vector<16xf32>
        %parallel_loop3A_1022 = arith.mulf %parallel_loop3A_1019, %parallel_loop3A_1021 : vector<16xf32>
        %parallel_loop3A_1023 = arith.addf %parallel_loop3A_1022, %parallel_loop3A_966 : vector<16xf32>
        %parallel_loop3A_1024 = arith.constant 24 : i32
        %parallel_loop3A_1025 = arith.addi %parallel_loop3A_1024, %parallel_loop3A_958 : i32
        %parallel_loop3A_1026 = arith.index_cast %parallel_loop3A_1025 : i32 to index
        %parallel_loop3A_1027 = arith.index_cast %parallel_loop3A_962 : i32 to index
        %parallel_loop3A_1028 = tpu.vector_load %arg8[%parallel_loop3A_1026, %parallel_loop3A_1027] {strides = array<i32>} : memref<32x768xf32, #tpu.memory_space<vmem>>, vector<1x16xf32>,
        %parallel_loop3A_1029 = vector.shape_cast %parallel_loop3A_1028 : vector<1x16xf32> to vector<16xf32>
        %parallel_loop3A_1030 = vector.shape_cast %parallel_loop3A_1023 : vector<16xf32> to vector<1x16xf32>
        tpu.vector_store %arg8[%parallel_loop3A_1026, %parallel_loop3A_1027], %parallel_loop3A_1030 {strides = array<i32>} : memref<32x768xf32, #tpu.memory_space<vmem>>, vector<1x16xf32>,
      } {sc.loop_unroll_factor = 4 : i64, sc.parallel_access}
    } {sc.loop_unroll_factor = 1 : i64, sc.parallel_access}
    %add3A_130 = arith.constant 0 : i32
    %add3A_131 = arith.addi %add3A_130, %mul3A_2 : i32
    %add3A_132 = arith.constant 8 : i32
    %add3A_133 = arith.addi %add3A_131, %add3A_132 : i32
    %dma_start3A_134 = arith.constant 0 : i32
    %dma_start3A_135 = arith.constant 0 : i32
    %dma_start3A_136 = tpu.memref_slice %arg8[%dma_start3A_134, %dma_start3A_135] : memref<32x768xf32, #tpu.memory_space<vmem>> -> memref<8x768xf32, #tpu.memory_space<vmem>>
    %dma_start3A_137 = arith.constant 0 : i32
    %dma_start3A_138 = tpu.memref_slice %arg5[%add3A_133, %dma_start3A_137] : memref<8192x768xf32, #tpu.memory_space<hbm>> -> memref<8x768xf32, #tpu.memory_space<hbm>>
    %dma_start3A_139 = arith.constant 0 : i32
    %dma_start3A_140 = tpu.memref_slice %arg5[%add3A_133, %dma_start3A_139] : memref<8192x768xf32, #tpu.memory_space<hbm>> -> memref<8x768xf32, #tpu.memory_space<hbm>>
    %dma_start3A_141 = arith.constant 0 : i32
    %dma_start3A_142 = arith.constant 0 : i32
    %dma_start3A_143 = tpu.memref_slice %arg8[%dma_start3A_141, %dma_start3A_142] : memref<32x768xf32, #tpu.memory_space<vmem>> -> memref<8x768xf32, #tpu.memory_space<vmem>>
    tpu.enqueue_dma source(%dma_start3A_143 : memref<8x768xf32, #tpu.memory_space<vmem>>) target(%dma_start3A_140 : memref<8x768xf32, #tpu.memory_space<hbm>>) target_semaphore(%arg21 : memref<!tpu.dma_semaphore, #tpu.memory_space<semaphore_mem>>)
    %add3A_144 = arith.constant 2048 : i32
    %add3A_145 = arith.addi %add3A_144, %mul3A_2 : i32
    %add3A_146 = arith.constant 8 : i32
    %add3A_147 = arith.addi %add3A_145, %add3A_146 : i32
    %dma_start3A_148 = arith.constant 8 : i32
    %dma_start3A_149 = arith.constant 0 : i32
    %dma_start3A_150 = tpu.memref_slice %arg8[%dma_start3A_148, %dma_start3A_149] : memref<32x768xf32, #tpu.memory_space<vmem>> -> memref<8x768xf32, #tpu.memory_space<vmem>>
    %dma_start3A_151 = arith.constant 0 : i32
    %dma_start3A_152 = tpu.memref_slice %arg5[%add3A_147, %dma_start3A_151] : memref<8192x768xf32, #tpu.memory_space<hbm>> -> memref<8x768xf32, #tpu.memory_space<hbm>>
    %dma_start3A_153 = arith.constant 0 : i32
    %dma_start3A_154 = tpu.memref_slice %arg5[%add3A_147, %dma_start3A_153] : memref<8192x768xf32, #tpu.memory_space<hbm>> -> memref<8x768xf32, #tpu.memory_space<hbm>>
    %dma_start3A_155 = arith.constant 8 : i32
    %dma_start3A_156 = arith.constant 0 : i32
    %dma_start3A_157 = tpu.memref_slice %arg8[%dma_start3A_155, %dma_start3A_156] : memref<32x768xf32, #tpu.memory_space<vmem>> -> memref<8x768xf32, #tpu.memory_space<vmem>>
    tpu.enqueue_dma source(%dma_start3A_157 : memref<8x768xf32, #tpu.memory_space<vmem>>) target(%dma_start3A_154 : memref<8x768xf32, #tpu.memory_space<hbm>>) target_semaphore(%arg21 : memref<!tpu.dma_semaphore, #tpu.memory_space<semaphore_mem>>)
    %add3A_158 = arith.constant 4096 : i32
    %add3A_159 = arith.addi %add3A_158, %mul3A_2 : i32
    %add3A_160 = arith.constant 8 : i32
    %add3A_161 = arith.addi %add3A_159, %add3A_160 : i32
    %dma_start3A_162 = arith.constant 16 : i32
    %dma_start3A_163 = arith.constant 0 : i32
    %dma_start3A_164 = tpu.memref_slice %arg8[%dma_start3A_162, %dma_start3A_163] : memref<32x768xf32, #tpu.memory_space<vmem>> -> memref<8x768xf32, #tpu.memory_space<vmem>>
    %dma_start3A_165 = arith.constant 0 : i32
    %dma_start3A_166 = tpu.memref_slice %arg5[%add3A_161, %dma_start3A_165] : memref<8192x768xf32, #tpu.memory_space<hbm>> -> memref<8x768xf32, #tpu.memory_space<hbm>>
    %dma_start3A_167 = arith.constant 0 : i32
    %dma_start3A_168 = tpu.memref_slice %arg5[%add3A_161, %dma_start3A_167] : memref<8192x768xf32, #tpu.memory_space<hbm>> -> memref<8x768xf32, #tpu.memory_space<hbm>>
    %dma_start3A_169 = arith.constant 16 : i32
    %dma_start3A_170 = arith.constant 0 : i32
    %dma_start3A_171 = tpu.memref_slice %arg8[%dma_start3A_169, %dma_start3A_170] : memref<32x768xf32, #tpu.memory_space<vmem>> -> memref<8x768xf32, #tpu.memory_space<vmem>>
    tpu.enqueue_dma source(%dma_start3A_171 : memref<8x768xf32, #tpu.memory_space<vmem>>) target(%dma_start3A_168 : memref<8x768xf32, #tpu.memory_space<hbm>>) target_semaphore(%arg21 : memref<!tpu.dma_semaphore, #tpu.memory_space<semaphore_mem>>)
    %add3A_172 = arith.constant 6144 : i32
    %add3A_173 = arith.addi %add3A_172, %mul3A_2 : i32
    %add3A_174 = arith.constant 8 : i32
    %add3A_175 = arith.addi %add3A_173, %add3A_174 : i32
    %dma_start3A_176 = arith.constant 24 : i32
    %dma_start3A_177 = arith.constant 0 : i32
    %dma_start3A_178 = tpu.memref_slice %arg8[%dma_start3A_176, %dma_start3A_177] : memref<32x768xf32, #tpu.memory_space<vmem>> -> memref<8x768xf32, #tpu.memory_space<vmem>>
    %dma_start3A_179 = arith.constant 0 : i32
    %dma_start3A_180 = tpu.memref_slice %arg5[%add3A_175, %dma_start3A_179] : memref<8192x768xf32, #tpu.memory_space<hbm>> -> memref<8x768xf32, #tpu.memory_space<hbm>>
    %dma_start3A_181 = arith.constant 0 : i32
    %dma_start3A_182 = tpu.memref_slice %arg5[%add3A_175, %dma_start3A_181] : memref<8192x768xf32, #tpu.memory_space<hbm>> -> memref<8x768xf32, #tpu.memory_space<hbm>>
    %dma_start3A_183 = arith.constant 24 : i32
    %dma_start3A_184 = arith.constant 0 : i32
    %dma_start3A_185 = tpu.memref_slice %arg8[%dma_start3A_183, %dma_start3A_184] : memref<32x768xf32, #tpu.memory_space<vmem>> -> memref<8x768xf32, #tpu.memory_space<vmem>>
    tpu.enqueue_dma source(%dma_start3A_185 : memref<8x768xf32, #tpu.memory_space<vmem>>) target(%dma_start3A_182 : memref<8x768xf32, #tpu.memory_space<hbm>>) target_semaphore(%arg21 : memref<!tpu.dma_semaphore, #tpu.memory_space<semaphore_mem>>)
    %dma_wait3A_186 = arith.constant 0 : i32
    %dma_wait3A_187 = tpu.memref_slice %arg4[%add3A_39, %dma_wait3A_186] : memref<2048x768xf32, #tpu.memory_space<hbm>> -> memref<8x768xf32, #tpu.memory_space<hbm>>
    %dma_wait3A_188 = arith.constant 0 : i32
    %dma_wait3A_189 = tpu.memref_slice %arg4[%add3A_39, %dma_wait3A_188] : memref<2048x768xf32, #tpu.memory_space<hbm>> -> memref<8x768xf32, #tpu.memory_space<hbm>>
    tpu.wait_dma2 semaphore(%arg18 : memref<!tpu.dma_semaphore, #tpu.memory_space<semaphore_mem>>) src(%dma_wait3A_189 : memref<8x768xf32, #tpu.memory_space<hbm>>) dst(%arg13 : memref<8x768xf32, #tpu.memory_space<vmem>>)
    %dma_wait3A_190 = arith.constant 64 : i32
    %dma_wait3A_191 = tpu.memref_slice %arg6[%dma_wait3A_190] : memref<256xi32, #tpu.memory_space<vmem>> -> memref<32xi32, #tpu.memory_space<vmem>>
    %dma_wait3A_192 = arith.constant 0 : i32
    %dma_wait3A_193 = arith.constant 0 : i32
    %dma_wait3A_194 = tpu.memref_slice %arg3[%dma_wait3A_192, %dma_wait3A_193] : memref<100000x768xf32, #tpu.memory_space<hbm>> -> memref<100000x768xf32, #tpu.memory_space<hbm>>
    tpu.wait_indirect_dma semaphore(%arg18 : memref<!tpu.dma_semaphore, #tpu.memory_space<semaphore_mem>>) src(%dma_wait3A_194 : memref<100000x768xf32, #tpu.memory_space<hbm>>) dst(%arg9 : memref<32x768xf32, #tpu.memory_space<vmem>>)
    %dma_wait3A_195 = arith.constant 0 : i32
    %dma_wait3A_196 = arith.constant 0 : i32
    %dma_wait3A_197 = tpu.memref_slice %arg7[%dma_wait3A_195, %dma_wait3A_196] : memref<32x768xf32, #tpu.memory_space<vmem>> -> memref<8x768xf32, #tpu.memory_space<vmem>>
    %dma_wait3A_198 = arith.constant 0 : i32
    %dma_wait3A_199 = tpu.memref_slice %arg5[%add3A_54, %dma_wait3A_198] : memref<8192x768xf32, #tpu.memory_space<hbm>> -> memref<8x768xf32, #tpu.memory_space<hbm>>
    %dma_wait3A_200 = arith.constant 0 : i32
    %dma_wait3A_201 = tpu.memref_slice %arg5[%add3A_54, %dma_wait3A_200] : memref<8192x768xf32, #tpu.memory_space<hbm>> -> memref<8x768xf32, #tpu.memory_space<hbm>>
    %dma_wait3A_202 = arith.constant 0 : i32
    %dma_wait3A_203 = arith.constant 0 : i32
    %dma_wait3A_204 = tpu.memref_slice %arg7[%dma_wait3A_202, %dma_wait3A_203] : memref<32x768xf32, #tpu.memory_space<vmem>> -> memref<8x768xf32, #tpu.memory_space<vmem>>
    tpu.wait_dma2 semaphore(%arg20 : memref<!tpu.dma_semaphore, #tpu.memory_space<semaphore_mem>>) src(%dma_wait3A_204 : memref<8x768xf32, #tpu.memory_space<vmem>>) dst(%dma_wait3A_201 : memref<8x768xf32, #tpu.memory_space<hbm>>)
    %dma_wait3A_205 = arith.constant 8 : i32
    %dma_wait3A_206 = arith.constant 0 : i32
    %dma_wait3A_207 = tpu.memref_slice %arg7[%dma_wait3A_205, %dma_wait3A_206] : memref<32x768xf32, #tpu.memory_space<vmem>> -> memref<8x768xf32, #tpu.memory_space<vmem>>
    %dma_wait3A_208 = arith.constant 0 : i32
    %dma_wait3A_209 = tpu.memref_slice %arg5[%add3A_68, %dma_wait3A_208] : memref<8192x768xf32, #tpu.memory_space<hbm>> -> memref<8x768xf32, #tpu.memory_space<hbm>>
    %dma_wait3A_210 = arith.constant 0 : i32
    %dma_wait3A_211 = tpu.memref_slice %arg5[%add3A_68, %dma_wait3A_210] : memref<8192x768xf32, #tpu.memory_space<hbm>> -> memref<8x768xf32, #tpu.memory_space<hbm>>
    %dma_wait3A_212 = arith.constant 8 : i32
    %dma_wait3A_213 = arith.constant 0 : i32
    %dma_wait3A_214 = tpu.memref_slice %arg7[%dma_wait3A_212, %dma_wait3A_213] : memref<32x768xf32, #tpu.memory_space<vmem>> -> memref<8x768xf32, #tpu.memory_space<vmem>>
    tpu.wait_dma2 semaphore(%arg20 : memref<!tpu.dma_semaphore, #tpu.memory_space<semaphore_mem>>) src(%dma_wait3A_214 : memref<8x768xf32, #tpu.memory_space<vmem>>) dst(%dma_wait3A_211 : memref<8x768xf32, #tpu.memory_space<hbm>>)
    %dma_wait3A_215 = arith.constant 16 : i32
    %dma_wait3A_216 = arith.constant 0 : i32
    %dma_wait3A_217 = tpu.memref_slice %arg7[%dma_wait3A_215, %dma_wait3A_216] : memref<32x768xf32, #tpu.memory_space<vmem>> -> memref<8x768xf32, #tpu.memory_space<vmem>>
    %dma_wait3A_218 = arith.constant 0 : i32
    %dma_wait3A_219 = tpu.memref_slice %arg5[%add3A_82, %dma_wait3A_218] : memref<8192x768xf32, #tpu.memory_space<hbm>> -> memref<8x768xf32, #tpu.memory_space<hbm>>
    %dma_wait3A_220 = arith.constant 0 : i32
    %dma_wait3A_221 = tpu.memref_slice %arg5[%add3A_82, %dma_wait3A_220] : memref<8192x768xf32, #tpu.memory_space<hbm>> -> memref<8x768xf32, #tpu.memory_space<hbm>>
    %dma_wait3A_222 = arith.constant 16 : i32
    %dma_wait3A_223 = arith.constant 0 : i32
    %dma_wait3A_224 = tpu.memref_slice %arg7[%dma_wait3A_222, %dma_wait3A_223] : memref<32x768xf32, #tpu.memory_space<vmem>> -> memref<8x768xf32, #tpu.memory_space<vmem>>
    tpu.wait_dma2 semaphore(%arg20 : memref<!tpu.dma_semaphore, #tpu.memory_space<semaphore_mem>>) src(%dma_wait3A_224 : memref<8x768xf32, #tpu.memory_space<vmem>>) dst(%dma_wait3A_221 : memref<8x768xf32, #tpu.memory_space<hbm>>)
    %dma_wait3A_225 = arith.constant 24 : i32
    %dma_wait3A_226 = arith.constant 0 : i32
    %dma_wait3A_227 = tpu.memref_slice %arg7[%dma_wait3A_225, %dma_wait3A_226] : memref<32x768xf32, #tpu.memory_space<vmem>> -> memref<8x768xf32, #tpu.memory_space<vmem>>
    %dma_wait3A_228 = arith.constant 0 : i32
    %dma_wait3A_229 = tpu.memref_slice %arg5[%add3A_96, %dma_wait3A_228] : memref<8192x768xf32, #tpu.memory_space<hbm>> -> memref<8x768xf32, #tpu.memory_space<hbm>>
    %dma_wait3A_230 = arith.constant 0 : i32
    %dma_wait3A_231 = tpu.memref_slice %arg5[%add3A_96, %dma_wait3A_230] : memref<8192x768xf32, #tpu.memory_space<hbm>> -> memref<8x768xf32, #tpu.memory_space<hbm>>
    %dma_wait3A_232 = arith.constant 24 : i32
    %dma_wait3A_233 = arith.constant 0 : i32
    %dma_wait3A_234 = tpu.memref_slice %arg7[%dma_wait3A_232, %dma_wait3A_233] : memref<32x768xf32, #tpu.memory_space<vmem>> -> memref<8x768xf32, #tpu.memory_space<vmem>>
    tpu.wait_dma2 semaphore(%arg20 : memref<!tpu.dma_semaphore, #tpu.memory_space<semaphore_mem>>) src(%dma_wait3A_234 : memref<8x768xf32, #tpu.memory_space<vmem>>) dst(%dma_wait3A_231 : memref<8x768xf32, #tpu.memory_space<hbm>>)
    %add3A_235 = arith.constant 32 : i32
    %add3A_236 = arith.addi %mul3A_2, %add3A_235 : i32
    %dma_start3A_237 = arith.constant 0 : i32
    %dma_start3A_238 = tpu.memref_slice %arg4[%add3A_236, %dma_start3A_237] : memref<2048x768xf32, #tpu.memory_space<hbm>> -> memref<8x768xf32, #tpu.memory_space<hbm>>
    %dma_start3A_239 = arith.constant 0 : i32
    %dma_start3A_240 = tpu.memref_slice %arg4[%add3A_236, %dma_start3A_239] : memref<2048x768xf32, #tpu.memory_space<hbm>> -> memref<8x768xf32, #tpu.memory_space<hbm>>
    tpu.enqueue_dma source(%dma_start3A_240 : memref<8x768xf32, #tpu.memory_space<hbm>>) target(%arg11 : memref<8x768xf32, #tpu.memory_space<vmem>>) target_semaphore(%arg16 : memref<!tpu.dma_semaphore, #tpu.memory_space<semaphore_mem>>)
    %dma_start3A_241 = arith.constant 128 : i32
    %dma_start3A_242 = tpu.memref_slice %arg6[%dma_start3A_241] : memref<256xi32, #tpu.memory_space<vmem>> -> memref<32xi32, #tpu.memory_space<vmem>>
    %dma_start3A_243 = arith.constant 0 : i32
    %dma_start3A_244 = arith.constant 0 : i32
    %dma_start3A_245 = tpu.memref_slice %arg3[%dma_start3A_243, %dma_start3A_244] : memref<100000x768xf32, #tpu.memory_space<hbm>> -> memref<100000x768xf32, #tpu.memory_space<hbm>>
    tpu.enqueue_indirect_dma source(%dma_start3A_245 : memref<100000x768xf32, #tpu.memory_space<hbm>>) target(%arg7 : memref<32x768xf32, #tpu.memory_space<vmem>>) offsets(%dma_start3A_242 : memref<32xi32, #tpu.memory_space<vmem>>) semaphore(%arg16 : memref<!tpu.dma_semaphore, #tpu.memory_space<semaphore_mem>>)
    %parallel_loop3A_246 = arith.constant 0 : i32
    %parallel_loop3A_247 = arith.constant 8 : i32
    %parallel_loop3A_248 = arith.constant 1 : i32
    scf.for %parallel_loop3A_958 = %parallel_loop3A_246 to %parallel_loop3A_247 step %parallel_loop3A_248  : i32 {
      %parallel_loop3A_959 = arith.constant 0 : i32
      %parallel_loop3A_960 = arith.constant 768 : i32
      %parallel_loop3A_961 = arith.constant 16 : i32
      scf.for %parallel_loop3A_962 = %parallel_loop3A_959 to %parallel_loop3A_960 step %parallel_loop3A_961  : i32 {
        %parallel_loop3A_963 = arith.index_cast %parallel_loop3A_958 : i32 to index
        %parallel_loop3A_964 = arith.index_cast %parallel_loop3A_962 : i32 to index
        %parallel_loop3A_965 = tpu.vector_load %arg13[%parallel_loop3A_963, %parallel_loop3A_964] {strides = array<i32>} : memref<8x768xf32, #tpu.memory_space<vmem>>, vector<1x16xf32>,
        %parallel_loop3A_966 = vector.shape_cast %parallel_loop3A_965 : vector<1x16xf32> to vector<16xf32>
        %parallel_loop3A_967 = arith.index_cast %parallel_loop3A_958 : i32 to index
        %parallel_loop3A_968 = arith.index_cast %parallel_loop3A_962 : i32 to index
        %parallel_loop3A_969 = tpu.vector_load %arg9[%parallel_loop3A_967, %parallel_loop3A_968] {strides = array<i32>} : memref<32x768xf32, #tpu.memory_space<vmem>>, vector<1x16xf32>,
        %parallel_loop3A_970 = vector.shape_cast %parallel_loop3A_969 : vector<1x16xf32> to vector<16xf32>
        %parallel_loop3A_971 = arith.constant 27.7128124 : f32
        %parallel_loop3A_972 = vector.broadcast %parallel_loop3A_971 : f32 to vector<16xf32>
        %parallel_loop3A_973 = arith.mulf %parallel_loop3A_970, %parallel_loop3A_972 : vector<16xf32>
        %parallel_loop3A_974 = arith.addf %parallel_loop3A_973, %parallel_loop3A_966 : vector<16xf32>
        %parallel_loop3A_975 = arith.index_cast %parallel_loop3A_958 : i32 to index
        %parallel_loop3A_976 = arith.index_cast %parallel_loop3A_962 : i32 to index
        %parallel_loop3A_977 = tpu.vector_load %arg9[%parallel_loop3A_975, %parallel_loop3A_976] {strides = array<i32>} : memref<32x768xf32, #tpu.memory_space<vmem>>, vector<1x16xf32>,
        %parallel_loop3A_978 = vector.shape_cast %parallel_loop3A_977 : vector<1x16xf32> to vector<16xf32>
        %parallel_loop3A_979 = vector.shape_cast %parallel_loop3A_974 : vector<16xf32> to vector<1x16xf32>
        tpu.vector_store %arg9[%parallel_loop3A_975, %parallel_loop3A_976], %parallel_loop3A_979 {strides = array<i32>} : memref<32x768xf32, #tpu.memory_space<vmem>>, vector<1x16xf32>,
        %parallel_loop3A_980 = arith.constant 8 : i32
        %parallel_loop3A_981 = arith.addi %parallel_loop3A_980, %parallel_loop3A_958 : i32
        %parallel_loop3A_982 = arith.index_cast %parallel_loop3A_981 : i32 to index
        %parallel_loop3A_983 = arith.index_cast %parallel_loop3A_962 : i32 to index
        %parallel_loop3A_984 = tpu.vector_load %arg9[%parallel_loop3A_982, %parallel_loop3A_983] {strides = array<i32>} : memref<32x768xf32, #tpu.memory_space<vmem>>, vector<1x16xf32>,
        %parallel_loop3A_985 = vector.shape_cast %parallel_loop3A_984 : vector<1x16xf32> to vector<16xf32>
        %parallel_loop3A_986 = arith.constant 27.7128124 : f32
        %parallel_loop3A_987 = vector.broadcast %parallel_loop3A_986 : f32 to vector<16xf32>
        %parallel_loop3A_988 = arith.mulf %parallel_loop3A_985, %parallel_loop3A_987 : vector<16xf32>
        %parallel_loop3A_989 = arith.addf %parallel_loop3A_988, %parallel_loop3A_966 : vector<16xf32>
        %parallel_loop3A_990 = arith.constant 8 : i32
        %parallel_loop3A_991 = arith.addi %parallel_loop3A_990, %parallel_loop3A_958 : i32
        %parallel_loop3A_992 = arith.index_cast %parallel_loop3A_991 : i32 to index
        %parallel_loop3A_993 = arith.index_cast %parallel_loop3A_962 : i32 to index
        %parallel_loop3A_994 = tpu.vector_load %arg9[%parallel_loop3A_992, %parallel_loop3A_993] {strides = array<i32>} : memref<32x768xf32, #tpu.memory_space<vmem>>, vector<1x16xf32>,
        %parallel_loop3A_995 = vector.shape_cast %parallel_loop3A_994 : vector<1x16xf32> to vector<16xf32>
        %parallel_loop3A_996 = vector.shape_cast %parallel_loop3A_989 : vector<16xf32> to vector<1x16xf32>
        tpu.vector_store %arg9[%parallel_loop3A_992, %parallel_loop3A_993], %parallel_loop3A_996 {strides = array<i32>} : memref<32x768xf32, #tpu.memory_space<vmem>>, vector<1x16xf32>,
        %parallel_loop3A_997 = arith.constant 16 : i32
        %parallel_loop3A_998 = arith.addi %parallel_loop3A_997, %parallel_loop3A_958 : i32
        %parallel_loop3A_999 = arith.index_cast %parallel_loop3A_998 : i32 to index
        %parallel_loop3A_1000 = arith.index_cast %parallel_loop3A_962 : i32 to index
        %parallel_loop3A_1001 = tpu.vector_load %arg9[%parallel_loop3A_999, %parallel_loop3A_1000] {strides = array<i32>} : memref<32x768xf32, #tpu.memory_space<vmem>>, vector<1x16xf32>,
        %parallel_loop3A_1002 = vector.shape_cast %parallel_loop3A_1001 : vector<1x16xf32> to vector<16xf32>
        %parallel_loop3A_1003 = arith.constant 27.7128124 : f32
        %parallel_loop3A_1004 = vector.broadcast %parallel_loop3A_1003 : f32 to vector<16xf32>
        %parallel_loop3A_1005 = arith.mulf %parallel_loop3A_1002, %parallel_loop3A_1004 : vector<16xf32>
        %parallel_loop3A_1006 = arith.addf %parallel_loop3A_1005, %parallel_loop3A_966 : vector<16xf32>
        %parallel_loop3A_1007 = arith.constant 16 : i32
        %parallel_loop3A_1008 = arith.addi %parallel_loop3A_1007, %parallel_loop3A_958 : i32
        %parallel_loop3A_1009 = arith.index_cast %parallel_loop3A_1008 : i32 to index
        %parallel_loop3A_1010 = arith.index_cast %parallel_loop3A_962 : i32 to index
        %parallel_loop3A_1011 = tpu.vector_load %arg9[%parallel_loop3A_1009, %parallel_loop3A_1010] {strides = array<i32>} : memref<32x768xf32, #tpu.memory_space<vmem>>, vector<1x16xf32>,
        %parallel_loop3A_1012 = vector.shape_cast %parallel_loop3A_1011 : vector<1x16xf32> to vector<16xf32>
        %parallel_loop3A_1013 = vector.shape_cast %parallel_loop3A_1006 : vector<16xf32> to vector<1x16xf32>
        tpu.vector_store %arg9[%parallel_loop3A_1009, %parallel_loop3A_1010], %parallel_loop3A_1013 {strides = array<i32>} : memref<32x768xf32, #tpu.memory_space<vmem>>, vector<1x16xf32>,
        %parallel_loop3A_1014 = arith.constant 24 : i32
        %parallel_loop3A_1015 = arith.addi %parallel_loop3A_1014, %parallel_loop3A_958 : i32
        %parallel_loop3A_1016 = arith.index_cast %parallel_loop3A_1015 : i32 to index
        %parallel_loop3A_1017 = arith.index_cast %parallel_loop3A_962 : i32 to index
        %parallel_loop3A_1018 = tpu.vector_load %arg9[%parallel_loop3A_1016, %parallel_loop3A_1017] {strides = array<i32>} : memref<32x768xf32, #tpu.memory_space<vmem>>, vector<1x16xf32>,
        %parallel_loop3A_1019 = vector.shape_cast %parallel_loop3A_1018 : vector<1x16xf32> to vector<16xf32>
        %parallel_loop3A_1020 = arith.constant 27.7128124 : f32
        %parallel_loop3A_1021 = vector.broadcast %parallel_loop3A_1020 : f32 to vector<16xf32>
        %parallel_loop3A_1022 = arith.mulf %parallel_loop3A_1019, %parallel_loop3A_1021 : vector<16xf32>
        %parallel_loop3A_1023 = arith.addf %parallel_loop3A_1022, %parallel_loop3A_966 : vector<16xf32>
        %parallel_loop3A_1024 = arith.constant 24 : i32
        %parallel_loop3A_1025 = arith.addi %parallel_loop3A_1024, %parallel_loop3A_958 : i32
        %parallel_loop3A_1026 = arith.index_cast %parallel_loop3A_1025 : i32 to index
        %parallel_loop3A_1027 = arith.index_cast %parallel_loop3A_962 : i32 to index
        %parallel_loop3A_1028 = tpu.vector_load %arg9[%parallel_loop3A_1026, %parallel_loop3A_1027] {strides = array<i32>} : memref<32x768xf32, #tpu.memory_space<vmem>>, vector<1x16xf32>,
        %parallel_loop3A_1029 = vector.shape_cast %parallel_loop3A_1028 : vector<1x16xf32> to vector<16xf32>
        %parallel_loop3A_1030 = vector.shape_cast %parallel_loop3A_1023 : vector<16xf32> to vector<1x16xf32>
        tpu.vector_store %arg9[%parallel_loop3A_1026, %parallel_loop3A_1027], %parallel_loop3A_1030 {strides = array<i32>} : memref<32x768xf32, #tpu.memory_space<vmem>>, vector<1x16xf32>,
      } {sc.loop_unroll_factor = 4 : i64, sc.parallel_access}
    } {sc.loop_unroll_factor = 1 : i64, sc.parallel_access}
    %add3A_249 = arith.constant 0 : i32
    %add3A_250 = arith.addi %add3A_249, %mul3A_2 : i32
    %add3A_251 = arith.constant 16 : i32
    %add3A_252 = arith.addi %add3A_250, %add3A_251 : i32
    %dma_start3A_253 = arith.constant 0 : i32
    %dma_start3A_254 = arith.constant 0 : i32
    %dma_start3A_255 = tpu.memref_slice %arg9[%dma_start3A_253, %dma_start3A_254] : memref<32x768xf32, #tpu.memory_space<vmem>> -> memref<8x768xf32, #tpu.memory_space<vmem>>
    %dma_start3A_256 = arith.constant 0 : i32
    %dma_start3A_257 = tpu.memref_slice %arg5[%add3A_252, %dma_start3A_256] : memref<8192x768xf32, #tpu.memory_space<hbm>> -> memref<8x768xf32, #tpu.memory_space<hbm>>
    %dma_start3A_258 = arith.constant 0 : i32
    %dma_start3A_259 = tpu.memref_slice %arg5[%add3A_252, %dma_start3A_258] : memref<8192x768xf32, #tpu.memory_space<hbm>> -> memref<8x768xf32, #tpu.memory_space<hbm>>
    %dma_start3A_260 = arith.constant 0 : i32
    %dma_start3A_261 = arith.constant 0 : i32
    %dma_start3A_262 = tpu.memref_slice %arg9[%dma_start3A_260, %dma_start3A_261] : memref<32x768xf32, #tpu.memory_space<vmem>> -> memref<8x768xf32, #tpu.memory_space<vmem>>
    tpu.enqueue_dma source(%dma_start3A_262 : memref<8x768xf32, #tpu.memory_space<vmem>>) target(%dma_start3A_259 : memref<8x768xf32, #tpu.memory_space<hbm>>) target_semaphore(%arg22 : memref<!tpu.dma_semaphore, #tpu.memory_space<semaphore_mem>>)
    %add3A_263 = arith.constant 2048 : i32
    %add3A_264 = arith.addi %add3A_263, %mul3A_2 : i32
    %add3A_265 = arith.constant 16 : i32
    %add3A_266 = arith.addi %add3A_264, %add3A_265 : i32
    %dma_start3A_267 = arith.constant 8 : i32
    %dma_start3A_268 = arith.constant 0 : i32
    %dma_start3A_269 = tpu.memref_slice %arg9[%dma_start3A_267, %dma_start3A_268] : memref<32x768xf32, #tpu.memory_space<vmem>> -> memref<8x768xf32, #tpu.memory_space<vmem>>
    %dma_start3A_270 = arith.constant 0 : i32
    %dma_start3A_271 = tpu.memref_slice %arg5[%add3A_266, %dma_start3A_270] : memref<8192x768xf32, #tpu.memory_space<hbm>> -> memref<8x768xf32, #tpu.memory_space<hbm>>
    %dma_start3A_272 = arith.constant 0 : i32
    %dma_start3A_273 = tpu.memref_slice %arg5[%add3A_266, %dma_start3A_272] : memref<8192x768xf32, #tpu.memory_space<hbm>> -> memref<8x768xf32, #tpu.memory_space<hbm>>
    %dma_start3A_274 = arith.constant 8 : i32
    %dma_start3A_275 = arith.constant 0 : i32
    %dma_start3A_276 = tpu.memref_slice %arg9[%dma_start3A_274, %dma_start3A_275] : memref<32x768xf32, #tpu.memory_space<vmem>> -> memref<8x768xf32, #tpu.memory_space<vmem>>
    tpu.enqueue_dma source(%dma_start3A_276 : memref<8x768xf32, #tpu.memory_space<vmem>>) target(%dma_start3A_273 : memref<8x768xf32, #tpu.memory_space<hbm>>) target_semaphore(%arg22 : memref<!tpu.dma_semaphore, #tpu.memory_space<semaphore_mem>>)
    %add3A_277 = arith.constant 4096 : i32
    %add3A_278 = arith.addi %add3A_277, %mul3A_2 : i32
    %add3A_279 = arith.constant 16 : i32
    %add3A_280 = arith.addi %add3A_278, %add3A_279 : i32
    %dma_start3A_281 = arith.constant 16 : i32
    %dma_start3A_282 = arith.constant 0 : i32
    %dma_start3A_283 = tpu.memref_slice %arg9[%dma_start3A_281, %dma_start3A_282] : memref<32x768xf32, #tpu.memory_space<vmem>> -> memref<8x768xf32, #tpu.memory_space<vmem>>
    %dma_start3A_284 = arith.constant 0 : i32
    %dma_start3A_285 = tpu.memref_slice %arg5[%add3A_280, %dma_start3A_284] : memref<8192x768xf32, #tpu.memory_space<hbm>> -> memref<8x768xf32, #tpu.memory_space<hbm>>
    %dma_start3A_286 = arith.constant 0 : i32
    %dma_start3A_287 = tpu.memref_slice %arg5[%add3A_280, %dma_start3A_286] : memref<8192x768xf32, #tpu.memory_space<hbm>> -> memref<8x768xf32, #tpu.memory_space<hbm>>
    %dma_start3A_288 = arith.constant 16 : i32
    %dma_start3A_289 = arith.constant 0 : i32
    %dma_start3A_290 = tpu.memref_slice %arg9[%dma_start3A_288, %dma_start3A_289] : memref<32x768xf32, #tpu.memory_space<vmem>> -> memref<8x768xf32, #tpu.memory_space<vmem>>
    tpu.enqueue_dma source(%dma_start3A_290 : memref<8x768xf32, #tpu.memory_space<vmem>>) target(%dma_start3A_287 : memref<8x768xf32, #tpu.memory_space<hbm>>) target_semaphore(%arg22 : memref<!tpu.dma_semaphore, #tpu.memory_space<semaphore_mem>>)
    %add3A_291 = arith.constant 6144 : i32
    %add3A_292 = arith.addi %add3A_291, %mul3A_2 : i32
    %add3A_293 = arith.constant 16 : i32
    %add3A_294 = arith.addi %add3A_292, %add3A_293 : i32
    %dma_start3A_295 = arith.constant 24 : i32
    %dma_start3A_296 = arith.constant 0 : i32
    %dma_start3A_297 = tpu.memref_slice %arg9[%dma_start3A_295, %dma_start3A_296] : memref<32x768xf32, #tpu.memory_space<vmem>> -> memref<8x768xf32, #tpu.memory_space<vmem>>
    %dma_start3A_298 = arith.constant 0 : i32
    %dma_start3A_299 = tpu.memref_slice %arg5[%add3A_294, %dma_start3A_298] : memref<8192x768xf32, #tpu.memory_space<hbm>> -> memref<8x768xf32, #tpu.memory_space<hbm>>
    %dma_start3A_300 = arith.constant 0 : i32
    %dma_start3A_301 = tpu.memref_slice %arg5[%add3A_294, %dma_start3A_300] : memref<8192x768xf32, #tpu.memory_space<hbm>> -> memref<8x768xf32, #tpu.memory_space<hbm>>
    %dma_start3A_302 = arith.constant 24 : i32
    %dma_start3A_303 = arith.constant 0 : i32
    %dma_start3A_304 = tpu.memref_slice %arg9[%dma_start3A_302, %dma_start3A_303] : memref<32x768xf32, #tpu.memory_space<vmem>> -> memref<8x768xf32, #tpu.memory_space<vmem>>
    tpu.enqueue_dma source(%dma_start3A_304 : memref<8x768xf32, #tpu.memory_space<vmem>>) target(%dma_start3A_301 : memref<8x768xf32, #tpu.memory_space<hbm>>) target_semaphore(%arg22 : memref<!tpu.dma_semaphore, #tpu.memory_space<semaphore_mem>>)
    %dma_wait3A_305 = arith.constant 0 : i32
    %dma_wait3A_306 = tpu.memref_slice %arg4[%add3A_117, %dma_wait3A_305] : memref<2048x768xf32, #tpu.memory_space<hbm>> -> memref<8x768xf32, #tpu.memory_space<hbm>>
    %dma_wait3A_307 = arith.constant 0 : i32
    %dma_wait3A_308 = tpu.memref_slice %arg4[%add3A_117, %dma_wait3A_307] : memref<2048x768xf32, #tpu.memory_space<hbm>> -> memref<8x768xf32, #tpu.memory_space<hbm>>
    tpu.wait_dma2 semaphore(%arg19 : memref<!tpu.dma_semaphore, #tpu.memory_space<semaphore_mem>>) src(%dma_wait3A_308 : memref<8x768xf32, #tpu.memory_space<hbm>>) dst(%arg14 : memref<8x768xf32, #tpu.memory_space<vmem>>)
    %dma_wait3A_309 = arith.constant 96 : i32
    %dma_wait3A_310 = tpu.memref_slice %arg6[%dma_wait3A_309] : memref<256xi32, #tpu.memory_space<vmem>> -> memref<32xi32, #tpu.memory_space<vmem>>
    %dma_wait3A_311 = arith.constant 0 : i32
    %dma_wait3A_312 = arith.constant 0 : i32
    %dma_wait3A_313 = tpu.memref_slice %arg3[%dma_wait3A_311, %dma_wait3A_312] : memref<100000x768xf32, #tpu.memory_space<hbm>> -> memref<100000x768xf32, #tpu.memory_space<hbm>>
    tpu.wait_indirect_dma semaphore(%arg19 : memref<!tpu.dma_semaphore, #tpu.memory_space<semaphore_mem>>) src(%dma_wait3A_313 : memref<100000x768xf32, #tpu.memory_space<hbm>>) dst(%arg10 : memref<32x768xf32, #tpu.memory_space<vmem>>)
    %dma_wait3A_314 = arith.constant 0 : i32
    %dma_wait3A_315 = arith.constant 0 : i32
    %dma_wait3A_316 = tpu.memref_slice %arg8[%dma_wait3A_314, %dma_wait3A_315] : memref<32x768xf32, #tpu.memory_space<vmem>> -> memref<8x768xf32, #tpu.memory_space<vmem>>
    %dma_wait3A_317 = arith.constant 0 : i32
    %dma_wait3A_318 = tpu.memref_slice %arg5[%add3A_133, %dma_wait3A_317] : memref<8192x768xf32, #tpu.memory_space<hbm>> -> memref<8x768xf32, #tpu.memory_space<hbm>>
    %dma_wait3A_319 = arith.constant 0 : i32
    %dma_wait3A_320 = tpu.memref_slice %arg5[%add3A_133, %dma_wait3A_319] : memref<8192x768xf32, #tpu.memory_space<hbm>> -> memref<8x768xf32, #tpu.memory_space<hbm>>
    %dma_wait3A_321 = arith.constant 0 : i32
    %dma_wait3A_322 = arith.constant 0 : i32
    %dma_wait3A_323 = tpu.memref_slice %arg8[%dma_wait3A_321, %dma_wait3A_322] : memref<32x768xf32, #tpu.memory_space<vmem>> -> memref<8x768xf32, #tpu.memory_space<vmem>>
    tpu.wait_dma2 semaphore(%arg21 : memref<!tpu.dma_semaphore, #tpu.memory_space<semaphore_mem>>) src(%dma_wait3A_323 : memref<8x768xf32, #tpu.memory_space<vmem>>) dst(%dma_wait3A_320 : memref<8x768xf32, #tpu.memory_space<hbm>>)
    %dma_wait3A_324 = arith.constant 8 : i32
    %dma_wait3A_325 = arith.constant 0 : i32
    %dma_wait3A_326 = tpu.memref_slice %arg8[%dma_wait3A_324, %dma_wait3A_325] : memref<32x768xf32, #tpu.memory_space<vmem>> -> memref<8x768xf32, #tpu.memory_space<vmem>>
    %dma_wait3A_327 = arith.constant 0 : i32
    %dma_wait3A_328 = tpu.memref_slice %arg5[%add3A_147, %dma_wait3A_327] : memref<8192x768xf32, #tpu.memory_space<hbm>> -> memref<8x768xf32, #tpu.memory_space<hbm>>
    %dma_wait3A_329 = arith.constant 0 : i32
    %dma_wait3A_330 = tpu.memref_slice %arg5[%add3A_147, %dma_wait3A_329] : memref<8192x768xf32, #tpu.memory_space<hbm>> -> memref<8x768xf32, #tpu.memory_space<hbm>>
    %dma_wait3A_331 = arith.constant 8 : i32
    %dma_wait3A_332 = arith.constant 0 : i32
    %dma_wait3A_333 = tpu.memref_slice %arg8[%dma_wait3A_331, %dma_wait3A_332] : memref<32x768xf32, #tpu.memory_space<vmem>> -> memref<8x768xf32, #tpu.memory_space<vmem>>
    tpu.wait_dma2 semaphore(%arg21 : memref<!tpu.dma_semaphore, #tpu.memory_space<semaphore_mem>>) src(%dma_wait3A_333 : memref<8x768xf32, #tpu.memory_space<vmem>>) dst(%dma_wait3A_330 : memref<8x768xf32, #tpu.memory_space<hbm>>)
    %dma_wait3A_334 = arith.constant 16 : i32
    %dma_wait3A_335 = arith.constant 0 : i32
    %dma_wait3A_336 = tpu.memref_slice %arg8[%dma_wait3A_334, %dma_wait3A_335] : memref<32x768xf32, #tpu.memory_space<vmem>> -> memref<8x768xf32, #tpu.memory_space<vmem>>
    %dma_wait3A_337 = arith.constant 0 : i32
    %dma_wait3A_338 = tpu.memref_slice %arg5[%add3A_161, %dma_wait3A_337] : memref<8192x768xf32, #tpu.memory_space<hbm>> -> memref<8x768xf32, #tpu.memory_space<hbm>>
    %dma_wait3A_339 = arith.constant 0 : i32
    %dma_wait3A_340 = tpu.memref_slice %arg5[%add3A_161, %dma_wait3A_339] : memref<8192x768xf32, #tpu.memory_space<hbm>> -> memref<8x768xf32, #tpu.memory_space<hbm>>
    %dma_wait3A_341 = arith.constant 16 : i32
    %dma_wait3A_342 = arith.constant 0 : i32
    %dma_wait3A_343 = tpu.memref_slice %arg8[%dma_wait3A_341, %dma_wait3A_342] : memref<32x768xf32, #tpu.memory_space<vmem>> -> memref<8x768xf32, #tpu.memory_space<vmem>>
    tpu.wait_dma2 semaphore(%arg21 : memref<!tpu.dma_semaphore, #tpu.memory_space<semaphore_mem>>) src(%dma_wait3A_343 : memref<8x768xf32, #tpu.memory_space<vmem>>) dst(%dma_wait3A_340 : memref<8x768xf32, #tpu.memory_space<hbm>>)
    %dma_wait3A_344 = arith.constant 24 : i32
    %dma_wait3A_345 = arith.constant 0 : i32
    %dma_wait3A_346 = tpu.memref_slice %arg8[%dma_wait3A_344, %dma_wait3A_345] : memref<32x768xf32, #tpu.memory_space<vmem>> -> memref<8x768xf32, #tpu.memory_space<vmem>>
    %dma_wait3A_347 = arith.constant 0 : i32
    %dma_wait3A_348 = tpu.memref_slice %arg5[%add3A_175, %dma_wait3A_347] : memref<8192x768xf32, #tpu.memory_space<hbm>> -> memref<8x768xf32, #tpu.memory_space<hbm>>
    %dma_wait3A_349 = arith.constant 0 : i32
    %dma_wait3A_350 = tpu.memref_slice %arg5[%add3A_175, %dma_wait3A_349] : memref<8192x768xf32, #tpu.memory_space<hbm>> -> memref<8x768xf32, #tpu.memory_space<hbm>>
    %dma_wait3A_351 = arith.constant 24 : i32
    %dma_wait3A_352 = arith.constant 0 : i32
    %dma_wait3A_353 = tpu.memref_slice %arg8[%dma_wait3A_351, %dma_wait3A_352] : memref<32x768xf32, #tpu.memory_space<vmem>> -> memref<8x768xf32, #tpu.memory_space<vmem>>
    tpu.wait_dma2 semaphore(%arg21 : memref<!tpu.dma_semaphore, #tpu.memory_space<semaphore_mem>>) src(%dma_wait3A_353 : memref<8x768xf32, #tpu.memory_space<vmem>>) dst(%dma_wait3A_350 : memref<8x768xf32, #tpu.memory_space<hbm>>)
    %add3A_354 = arith.constant 40 : i32
    %add3A_355 = arith.addi %mul3A_2, %add3A_354 : i32
    %dma_start3A_356 = arith.constant 0 : i32
    %dma_start3A_357 = tpu.memref_slice %arg4[%add3A_355, %dma_start3A_356] : memref<2048x768xf32, #tpu.memory_space<hbm>> -> memref<8x768xf32, #tpu.memory_space<hbm>>
    %dma_start3A_358 = arith.constant 0 : i32
    %dma_start3A_359 = tpu.memref_slice %arg4[%add3A_355, %dma_start3A_358] : memref<2048x768xf32, #tpu.memory_space<hbm>> -> memref<8x768xf32, #tpu.memory_space<hbm>>
    tpu.enqueue_dma source(%dma_start3A_359 : memref<8x768xf32, #tpu.memory_space<hbm>>) target(%arg12 : memref<8x768xf32, #tpu.memory_space<vmem>>) target_semaphore(%arg17 : memref<!tpu.dma_semaphore, #tpu.memory_space<semaphore_mem>>)
    %dma_start3A_360 = arith.constant 160 : i32
    %dma_start3A_361 = tpu.memref_slice %arg6[%dma_start3A_360] : memref<256xi32, #tpu.memory_space<vmem>> -> memref<32xi32, #tpu.memory_space<vmem>>
    %dma_start3A_362 = arith.constant 0 : i32
    %dma_start3A_363 = arith.constant 0 : i32
    %dma_start3A_364 = tpu.memref_slice %arg3[%dma_start3A_362, %dma_start3A_363] : memref<100000x768xf32, #tpu.memory_space<hbm>> -> memref<100000x768xf32, #tpu.memory_space<hbm>>
    tpu.enqueue_indirect_dma source(%dma_start3A_364 : memref<100000x768xf32, #tpu.memory_space<hbm>>) target(%arg8 : memref<32x768xf32, #tpu.memory_space<vmem>>) offsets(%dma_start3A_361 : memref<32xi32, #tpu.memory_space<vmem>>) semaphore(%arg17 : memref<!tpu.dma_semaphore, #tpu.memory_space<semaphore_mem>>)
    %parallel_loop3A_365 = arith.constant 0 : i32
    %parallel_loop3A_366 = arith.constant 8 : i32
    %parallel_loop3A_367 = arith.constant 1 : i32
    scf.for %parallel_loop3A_958 = %parallel_loop3A_365 to %parallel_loop3A_366 step %parallel_loop3A_367  : i32 {
      %parallel_loop3A_959 = arith.constant 0 : i32
      %parallel_loop3A_960 = arith.constant 768 : i32
      %parallel_loop3A_961 = arith.constant 16 : i32
      scf.for %parallel_loop3A_962 = %parallel_loop3A_959 to %parallel_loop3A_960 step %parallel_loop3A_961  : i32 {
        %parallel_loop3A_963 = arith.index_cast %parallel_loop3A_958 : i32 to index
        %parallel_loop3A_964 = arith.index_cast %parallel_loop3A_962 : i32 to index
        %parallel_loop3A_965 = tpu.vector_load %arg14[%parallel_loop3A_963, %parallel_loop3A_964] {strides = array<i32>} : memref<8x768xf32, #tpu.memory_space<vmem>>, vector<1x16xf32>,
        %parallel_loop3A_966 = vector.shape_cast %parallel_loop3A_965 : vector<1x16xf32> to vector<16xf32>
        %parallel_loop3A_967 = arith.index_cast %parallel_loop3A_958 : i32 to index
        %parallel_loop3A_968 = arith.index_cast %parallel_loop3A_962 : i32 to index
        %parallel_loop3A_969 = tpu.vector_load %arg10[%parallel_loop3A_967, %parallel_loop3A_968] {strides = array<i32>} : memref<32x768xf32, #tpu.memory_space<vmem>>, vector<1x16xf32>,
        %parallel_loop3A_970 = vector.shape_cast %parallel_loop3A_969 : vector<1x16xf32> to vector<16xf32>
        %parallel_loop3A_971 = arith.constant 27.7128124 : f32
        %parallel_loop3A_972 = vector.broadcast %parallel_loop3A_971 : f32 to vector<16xf32>
        %parallel_loop3A_973 = arith.mulf %parallel_loop3A_970, %parallel_loop3A_972 : vector<16xf32>
        %parallel_loop3A_974 = arith.addf %parallel_loop3A_973, %parallel_loop3A_966 : vector<16xf32>
        %parallel_loop3A_975 = arith.index_cast %parallel_loop3A_958 : i32 to index
        %parallel_loop3A_976 = arith.index_cast %parallel_loop3A_962 : i32 to index
        %parallel_loop3A_977 = tpu.vector_load %arg10[%parallel_loop3A_975, %parallel_loop3A_976] {strides = array<i32>} : memref<32x768xf32, #tpu.memory_space<vmem>>, vector<1x16xf32>,
        %parallel_loop3A_978 = vector.shape_cast %parallel_loop3A_977 : vector<1x16xf32> to vector<16xf32>
        %parallel_loop3A_979 = vector.shape_cast %parallel_loop3A_974 : vector<16xf32> to vector<1x16xf32>
        tpu.vector_store %arg10[%parallel_loop3A_975, %parallel_loop3A_976], %parallel_loop3A_979 {strides = array<i32>} : memref<32x768xf32, #tpu.memory_space<vmem>>, vector<1x16xf32>,
        %parallel_loop3A_980 = arith.constant 8 : i32
        %parallel_loop3A_981 = arith.addi %parallel_loop3A_980, %parallel_loop3A_958 : i32
        %parallel_loop3A_982 = arith.index_cast %parallel_loop3A_981 : i32 to index
        %parallel_loop3A_983 = arith.index_cast %parallel_loop3A_962 : i32 to index
        %parallel_loop3A_984 = tpu.vector_load %arg10[%parallel_loop3A_982, %parallel_loop3A_983] {strides = array<i32>} : memref<32x768xf32, #tpu.memory_space<vmem>>, vector<1x16xf32>,
        %parallel_loop3A_985 = vector.shape_cast %parallel_loop3A_984 : vector<1x16xf32> to vector<16xf32>
        %parallel_loop3A_986 = arith.constant 27.7128124 : f32
        %parallel_loop3A_987 = vector.broadcast %parallel_loop3A_986 : f32 to vector<16xf32>
        %parallel_loop3A_988 = arith.mulf %parallel_loop3A_985, %parallel_loop3A_987 : vector<16xf32>
        %parallel_loop3A_989 = arith.addf %parallel_loop3A_988, %parallel_loop3A_966 : vector<16xf32>
        %parallel_loop3A_990 = arith.constant 8 : i32
        %parallel_loop3A_991 = arith.addi %parallel_loop3A_990, %parallel_loop3A_958 : i32
        %parallel_loop3A_992 = arith.index_cast %parallel_loop3A_991 : i32 to index
        %parallel_loop3A_993 = arith.index_cast %parallel_loop3A_962 : i32 to index
        %parallel_loop3A_994 = tpu.vector_load %arg10[%parallel_loop3A_992, %parallel_loop3A_993] {strides = array<i32>} : memref<32x768xf32, #tpu.memory_space<vmem>>, vector<1x16xf32>,
        %parallel_loop3A_995 = vector.shape_cast %parallel_loop3A_994 : vector<1x16xf32> to vector<16xf32>
        %parallel_loop3A_996 = vector.shape_cast %parallel_loop3A_989 : vector<16xf32> to vector<1x16xf32>
        tpu.vector_store %arg10[%parallel_loop3A_992, %parallel_loop3A_993], %parallel_loop3A_996 {strides = array<i32>} : memref<32x768xf32, #tpu.memory_space<vmem>>, vector<1x16xf32>,
        %parallel_loop3A_997 = arith.constant 16 : i32
        %parallel_loop3A_998 = arith.addi %parallel_loop3A_997, %parallel_loop3A_958 : i32
        %parallel_loop3A_999 = arith.index_cast %parallel_loop3A_998 : i32 to index
        %parallel_loop3A_1000 = arith.index_cast %parallel_loop3A_962 : i32 to index
        %parallel_loop3A_1001 = tpu.vector_load %arg10[%parallel_loop3A_999, %parallel_loop3A_1000] {strides = array<i32>} : memref<32x768xf32, #tpu.memory_space<vmem>>, vector<1x16xf32>,
        %parallel_loop3A_1002 = vector.shape_cast %parallel_loop3A_1001 : vector<1x16xf32> to vector<16xf32>
        %parallel_loop3A_1003 = arith.constant 27.7128124 : f32
        %parallel_loop3A_1004 = vector.broadcast %parallel_loop3A_1003 : f32 to vector<16xf32>
        %parallel_loop3A_1005 = arith.mulf %parallel_loop3A_1002, %parallel_loop3A_1004 : vector<16xf32>
        %parallel_loop3A_1006 = arith.addf %parallel_loop3A_1005, %parallel_loop3A_966 : vector<16xf32>
        %parallel_loop3A_1007 = arith.constant 16 : i32
        %parallel_loop3A_1008 = arith.addi %parallel_loop3A_1007, %parallel_loop3A_958 : i32
        %parallel_loop3A_1009 = arith.index_cast %parallel_loop3A_1008 : i32 to index
        %parallel_loop3A_1010 = arith.index_cast %parallel_loop3A_962 : i32 to index
        %parallel_loop3A_1011 = tpu.vector_load %arg10[%parallel_loop3A_1009, %parallel_loop3A_1010] {strides = array<i32>} : memref<32x768xf32, #tpu.memory_space<vmem>>, vector<1x16xf32>,
        %parallel_loop3A_1012 = vector.shape_cast %parallel_loop3A_1011 : vector<1x16xf32> to vector<16xf32>
        %parallel_loop3A_1013 = vector.shape_cast %parallel_loop3A_1006 : vector<16xf32> to vector<1x16xf32>
        tpu.vector_store %arg10[%parallel_loop3A_1009, %parallel_loop3A_1010], %parallel_loop3A_1013 {strides = array<i32>} : memref<32x768xf32, #tpu.memory_space<vmem>>, vector<1x16xf32>,
        %parallel_loop3A_1014 = arith.constant 24 : i32
        %parallel_loop3A_1015 = arith.addi %parallel_loop3A_1014, %parallel_loop3A_958 : i32
        %parallel_loop3A_1016 = arith.index_cast %parallel_loop3A_1015 : i32 to index
        %parallel_loop3A_1017 = arith.index_cast %parallel_loop3A_962 : i32 to index
        %parallel_loop3A_1018 = tpu.vector_load %arg10[%parallel_loop3A_1016, %parallel_loop3A_1017] {strides = array<i32>} : memref<32x768xf32, #tpu.memory_space<vmem>>, vector<1x16xf32>,
        %parallel_loop3A_1019 = vector.shape_cast %parallel_loop3A_1018 : vector<1x16xf32> to vector<16xf32>
        %parallel_loop3A_1020 = arith.constant 27.7128124 : f32
        %parallel_loop3A_1021 = vector.broadcast %parallel_loop3A_1020 : f32 to vector<16xf32>
        %parallel_loop3A_1022 = arith.mulf %parallel_loop3A_1019, %parallel_loop3A_1021 : vector<16xf32>
        %parallel_loop3A_1023 = arith.addf %parallel_loop3A_1022, %parallel_loop3A_966 : vector<16xf32>
        %parallel_loop3A_1024 = arith.constant 24 : i32
        %parallel_loop3A_1025 = arith.addi %parallel_loop3A_1024, %parallel_loop3A_958 : i32
        %parallel_loop3A_1026 = arith.index_cast %parallel_loop3A_1025 : i32 to index
        %parallel_loop3A_1027 = arith.index_cast %parallel_loop3A_962 : i32 to index
        %parallel_loop3A_1028 = tpu.vector_load %arg10[%parallel_loop3A_1026, %parallel_loop3A_1027] {strides = array<i32>} : memref<32x768xf32, #tpu.memory_space<vmem>>, vector<1x16xf32>,
        %parallel_loop3A_1029 = vector.shape_cast %parallel_loop3A_1028 : vector<1x16xf32> to vector<16xf32>
        %parallel_loop3A_1030 = vector.shape_cast %parallel_loop3A_1023 : vector<16xf32> to vector<1x16xf32>
        tpu.vector_store %arg10[%parallel_loop3A_1026, %parallel_loop3A_1027], %parallel_loop3A_1030 {strides = array<i32>} : memref<32x768xf32, #tpu.memory_space<vmem>>, vector<1x16xf32>,
      } {sc.loop_unroll_factor = 4 : i64, sc.parallel_access}
    } {sc.loop_unroll_factor = 1 : i64, sc.parallel_access}
    %add3A_368 = arith.constant 0 : i32
    %add3A_369 = arith.addi %add3A_368, %mul3A_2 : i32
    %add3A_370 = arith.constant 24 : i32
    %add3A_371 = arith.addi %add3A_369, %add3A_370 : i32
    %dma_start3A_372 = arith.constant 0 : i32
    %dma_start3A_373 = arith.constant 0 : i32
    %dma_start3A_374 = tpu.memref_slice %arg10[%dma_start3A_372, %dma_start3A_373] : memref<32x768xf32, #tpu.memory_space<vmem>> -> memref<8x768xf32, #tpu.memory_space<vmem>>
    %dma_start3A_375 = arith.constant 0 : i32
    %dma_start3A_376 = tpu.memref_slice %arg5[%add3A_371, %dma_start3A_375] : memref<8192x768xf32, #tpu.memory_space<hbm>> -> memref<8x768xf32, #tpu.memory_space<hbm>>
    %dma_start3A_377 = arith.constant 0 : i32
    %dma_start3A_378 = tpu.memref_slice %arg5[%add3A_371, %dma_start3A_377] : memref<8192x768xf32, #tpu.memory_space<hbm>> -> memref<8x768xf32, #tpu.memory_space<hbm>>
    %dma_start3A_379 = arith.constant 0 : i32
    %dma_start3A_380 = arith.constant 0 : i32
    %dma_start3A_381 = tpu.memref_slice %arg10[%dma_start3A_379, %dma_start3A_380] : memref<32x768xf32, #tpu.memory_space<vmem>> -> memref<8x768xf32, #tpu.memory_space<vmem>>
    tpu.enqueue_dma source(%dma_start3A_381 : memref<8x768xf32, #tpu.memory_space<vmem>>) target(%dma_start3A_378 : memref<8x768xf32, #tpu.memory_space<hbm>>) target_semaphore(%arg23 : memref<!tpu.dma_semaphore, #tpu.memory_space<semaphore_mem>>)
    %add3A_382 = arith.constant 2048 : i32
    %add3A_383 = arith.addi %add3A_382, %mul3A_2 : i32
    %add3A_384 = arith.constant 24 : i32
    %add3A_385 = arith.addi %add3A_383, %add3A_384 : i32
    %dma_start3A_386 = arith.constant 8 : i32
    %dma_start3A_387 = arith.constant 0 : i32
    %dma_start3A_388 = tpu.memref_slice %arg10[%dma_start3A_386, %dma_start3A_387] : memref<32x768xf32, #tpu.memory_space<vmem>> -> memref<8x768xf32, #tpu.memory_space<vmem>>
    %dma_start3A_389 = arith.constant 0 : i32
    %dma_start3A_390 = tpu.memref_slice %arg5[%add3A_385, %dma_start3A_389] : memref<8192x768xf32, #tpu.memory_space<hbm>> -> memref<8x768xf32, #tpu.memory_space<hbm>>
    %dma_start3A_391 = arith.constant 0 : i32
    %dma_start3A_392 = tpu.memref_slice %arg5[%add3A_385, %dma_start3A_391] : memref<8192x768xf32, #tpu.memory_space<hbm>> -> memref<8x768xf32, #tpu.memory_space<hbm>>
    %dma_start3A_393 = arith.constant 8 : i32
    %dma_start3A_394 = arith.constant 0 : i32
    %dma_start3A_395 = tpu.memref_slice %arg10[%dma_start3A_393, %dma_start3A_394] : memref<32x768xf32, #tpu.memory_space<vmem>> -> memref<8x768xf32, #tpu.memory_space<vmem>>
    tpu.enqueue_dma source(%dma_start3A_395 : memref<8x768xf32, #tpu.memory_space<vmem>>) target(%dma_start3A_392 : memref<8x768xf32, #tpu.memory_space<hbm>>) target_semaphore(%arg23 : memref<!tpu.dma_semaphore, #tpu.memory_space<semaphore_mem>>)
    %add3A_396 = arith.constant 4096 : i32
    %add3A_397 = arith.addi %add3A_396, %mul3A_2 : i32
    %add3A_398 = arith.constant 24 : i32
    %add3A_399 = arith.addi %add3A_397, %add3A_398 : i32
    %dma_start3A_400 = arith.constant 16 : i32
    %dma_start3A_401 = arith.constant 0 : i32
    %dma_start3A_402 = tpu.memref_slice %arg10[%dma_start3A_400, %dma_start3A_401] : memref<32x768xf32, #tpu.memory_space<vmem>> -> memref<8x768xf32, #tpu.memory_space<vmem>>
    %dma_start3A_403 = arith.constant 0 : i32
    %dma_start3A_404 = tpu.memref_slice %arg5[%add3A_399, %dma_start3A_403] : memref<8192x768xf32, #tpu.memory_space<hbm>> -> memref<8x768xf32, #tpu.memory_space<hbm>>
    %dma_start3A_405 = arith.constant 0 : i32
    %dma_start3A_406 = tpu.memref_slice %arg5[%add3A_399, %dma_start3A_405] : memref<8192x768xf32, #tpu.memory_space<hbm>> -> memref<8x768xf32, #tpu.memory_space<hbm>>
    %dma_start3A_407 = arith.constant 16 : i32
    %dma_start3A_408 = arith.constant 0 : i32
    %dma_start3A_409 = tpu.memref_slice %arg10[%dma_start3A_407, %dma_start3A_408] : memref<32x768xf32, #tpu.memory_space<vmem>> -> memref<8x768xf32, #tpu.memory_space<vmem>>
    tpu.enqueue_dma source(%dma_start3A_409 : memref<8x768xf32, #tpu.memory_space<vmem>>) target(%dma_start3A_406 : memref<8x768xf32, #tpu.memory_space<hbm>>) target_semaphore(%arg23 : memref<!tpu.dma_semaphore, #tpu.memory_space<semaphore_mem>>)
    %add3A_410 = arith.constant 6144 : i32
    %add3A_411 = arith.addi %add3A_410, %mul3A_2 : i32
    %add3A_412 = arith.constant 24 : i32
    %add3A_413 = arith.addi %add3A_411, %add3A_412 : i32
    %dma_start3A_414 = arith.constant 24 : i32
    %dma_start3A_415 = arith.constant 0 : i32
    %dma_start3A_416 = tpu.memref_slice %arg10[%dma_start3A_414, %dma_start3A_415] : memref<32x768xf32, #tpu.memory_space<vmem>> -> memref<8x768xf32, #tpu.memory_space<vmem>>
    %dma_start3A_417 = arith.constant 0 : i32
    %dma_start3A_418 = tpu.memref_slice %arg5[%add3A_413, %dma_start3A_417] : memref<8192x768xf32, #tpu.memory_space<hbm>> -> memref<8x768xf32, #tpu.memory_space<hbm>>
    %dma_start3A_419 = arith.constant 0 : i32
    %dma_start3A_420 = tpu.memref_slice %arg5[%add3A_413, %dma_start3A_419] : memref<8192x768xf32, #tpu.memory_space<hbm>> -> memref<8x768xf32, #tpu.memory_space<hbm>>
    %dma_start3A_421 = arith.constant 24 : i32
    %dma_start3A_422 = arith.constant 0 : i32
    %dma_start3A_423 = tpu.memref_slice %arg10[%dma_start3A_421, %dma_start3A_422] : memref<32x768xf32, #tpu.memory_space<vmem>> -> memref<8x768xf32, #tpu.memory_space<vmem>>
    tpu.enqueue_dma source(%dma_start3A_423 : memref<8x768xf32, #tpu.memory_space<vmem>>) target(%dma_start3A_420 : memref<8x768xf32, #tpu.memory_space<hbm>>) target_semaphore(%arg23 : memref<!tpu.dma_semaphore, #tpu.memory_space<semaphore_mem>>)
    %dma_wait3A_424 = arith.constant 0 : i32
    %dma_wait3A_425 = tpu.memref_slice %arg4[%add3A_236, %dma_wait3A_424] : memref<2048x768xf32, #tpu.memory_space<hbm>> -> memref<8x768xf32, #tpu.memory_space<hbm>>
    %dma_wait3A_426 = arith.constant 0 : i32
    %dma_wait3A_427 = tpu.memref_slice %arg4[%add3A_236, %dma_wait3A_426] : memref<2048x768xf32, #tpu.memory_space<hbm>> -> memref<8x768xf32, #tpu.memory_space<hbm>>
    tpu.wait_dma2 semaphore(%arg16 : memref<!tpu.dma_semaphore, #tpu.memory_space<semaphore_mem>>) src(%dma_wait3A_427 : memref<8x768xf32, #tpu.memory_space<hbm>>) dst(%arg11 : memref<8x768xf32, #tpu.memory_space<vmem>>)
    %dma_wait3A_428 = arith.constant 128 : i32
    %dma_wait3A_429 = tpu.memref_slice %arg6[%dma_wait3A_428] : memref<256xi32, #tpu.memory_space<vmem>> -> memref<32xi32, #tpu.memory_space<vmem>>
    %dma_wait3A_430 = arith.constant 0 : i32
    %dma_wait3A_431 = arith.constant 0 : i32
    %dma_wait3A_432 = tpu.memref_slice %arg3[%dma_wait3A_430, %dma_wait3A_431] : memref<100000x768xf32, #tpu.memory_space<hbm>> -> memref<100000x768xf32, #tpu.memory_space<hbm>>
    tpu.wait_indirect_dma semaphore(%arg16 : memref<!tpu.dma_semaphore, #tpu.memory_space<semaphore_mem>>) src(%dma_wait3A_432 : memref<100000x768xf32, #tpu.memory_space<hbm>>) dst(%arg7 : memref<32x768xf32, #tpu.memory_space<vmem>>)
    %dma_wait3A_433 = arith.constant 0 : i32
    %dma_wait3A_434 = arith.constant 0 : i32
    %dma_wait3A_435 = tpu.memref_slice %arg9[%dma_wait3A_433, %dma_wait3A_434] : memref<32x768xf32, #tpu.memory_space<vmem>> -> memref<8x768xf32, #tpu.memory_space<vmem>>
    %dma_wait3A_436 = arith.constant 0 : i32
    %dma_wait3A_437 = tpu.memref_slice %arg5[%add3A_252, %dma_wait3A_436] : memref<8192x768xf32, #tpu.memory_space<hbm>> -> memref<8x768xf32, #tpu.memory_space<hbm>>
    %dma_wait3A_438 = arith.constant 0 : i32
    %dma_wait3A_439 = tpu.memref_slice %arg5[%add3A_252, %dma_wait3A_438] : memref<8192x768xf32, #tpu.memory_space<hbm>> -> memref<8x768xf32, #tpu.memory_space<hbm>>
    %dma_wait3A_440 = arith.constant 0 : i32
    %dma_wait3A_441 = arith.constant 0 : i32
    %dma_wait3A_442 = tpu.memref_slice %arg9[%dma_wait3A_440, %dma_wait3A_441] : memref<32x768xf32, #tpu.memory_space<vmem>> -> memref<8x768xf32, #tpu.memory_space<vmem>>
    tpu.wait_dma2 semaphore(%arg22 : memref<!tpu.dma_semaphore, #tpu.memory_space<semaphore_mem>>) src(%dma_wait3A_442 : memref<8x768xf32, #tpu.memory_space<vmem>>) dst(%dma_wait3A_439 : memref<8x768xf32, #tpu.memory_space<hbm>>)
    %dma_wait3A_443 = arith.constant 8 : i32
    %dma_wait3A_444 = arith.constant 0 : i32
    %dma_wait3A_445 = tpu.memref_slice %arg9[%dma_wait3A_443, %dma_wait3A_444] : memref<32x768xf32, #tpu.memory_space<vmem>> -> memref<8x768xf32, #tpu.memory_space<vmem>>
    %dma_wait3A_446 = arith.constant 0 : i32
    %dma_wait3A_447 = tpu.memref_slice %arg5[%add3A_266, %dma_wait3A_446] : memref<8192x768xf32, #tpu.memory_space<hbm>> -> memref<8x768xf32, #tpu.memory_space<hbm>>
    %dma_wait3A_448 = arith.constant 0 : i32
    %dma_wait3A_449 = tpu.memref_slice %arg5[%add3A_266, %dma_wait3A_448] : memref<8192x768xf32, #tpu.memory_space<hbm>> -> memref<8x768xf32, #tpu.memory_space<hbm>>
    %dma_wait3A_450 = arith.constant 8 : i32
    %dma_wait3A_451 = arith.constant 0 : i32
    %dma_wait3A_452 = tpu.memref_slice %arg9[%dma_wait3A_450, %dma_wait3A_451] : memref<32x768xf32, #tpu.memory_space<vmem>> -> memref<8x768xf32, #tpu.memory_space<vmem>>
    tpu.wait_dma2 semaphore(%arg22 : memref<!tpu.dma_semaphore, #tpu.memory_space<semaphore_mem>>) src(%dma_wait3A_452 : memref<8x768xf32, #tpu.memory_space<vmem>>) dst(%dma_wait3A_449 : memref<8x768xf32, #tpu.memory_space<hbm>>)
    %dma_wait3A_453 = arith.constant 16 : i32
    %dma_wait3A_454 = arith.constant 0 : i32
    %dma_wait3A_455 = tpu.memref_slice %arg9[%dma_wait3A_453, %dma_wait3A_454] : memref<32x768xf32, #tpu.memory_space<vmem>> -> memref<8x768xf32, #tpu.memory_space<vmem>>
    %dma_wait3A_456 = arith.constant 0 : i32
    %dma_wait3A_457 = tpu.memref_slice %arg5[%add3A_280, %dma_wait3A_456] : memref<8192x768xf32, #tpu.memory_space<hbm>> -> memref<8x768xf32, #tpu.memory_space<hbm>>
    %dma_wait3A_458 = arith.constant 0 : i32
    %dma_wait3A_459 = tpu.memref_slice %arg5[%add3A_280, %dma_wait3A_458] : memref<8192x768xf32, #tpu.memory_space<hbm>> -> memref<8x768xf32, #tpu.memory_space<hbm>>
    %dma_wait3A_460 = arith.constant 16 : i32
    %dma_wait3A_461 = arith.constant 0 : i32
    %dma_wait3A_462 = tpu.memref_slice %arg9[%dma_wait3A_460, %dma_wait3A_461] : memref<32x768xf32, #tpu.memory_space<vmem>> -> memref<8x768xf32, #tpu.memory_space<vmem>>
    tpu.wait_dma2 semaphore(%arg22 : memref<!tpu.dma_semaphore, #tpu.memory_space<semaphore_mem>>) src(%dma_wait3A_462 : memref<8x768xf32, #tpu.memory_space<vmem>>) dst(%dma_wait3A_459 : memref<8x768xf32, #tpu.memory_space<hbm>>)
    %dma_wait3A_463 = arith.constant 24 : i32
    %dma_wait3A_464 = arith.constant 0 : i32
    %dma_wait3A_465 = tpu.memref_slice %arg9[%dma_wait3A_463, %dma_wait3A_464] : memref<32x768xf32, #tpu.memory_space<vmem>> -> memref<8x768xf32, #tpu.memory_space<vmem>>
    %dma_wait3A_466 = arith.constant 0 : i32
    %dma_wait3A_467 = tpu.memref_slice %arg5[%add3A_294, %dma_wait3A_466] : memref<8192x768xf32, #tpu.memory_space<hbm>> -> memref<8x768xf32, #tpu.memory_space<hbm>>
    %dma_wait3A_468 = arith.constant 0 : i32
    %dma_wait3A_469 = tpu.memref_slice %arg5[%add3A_294, %dma_wait3A_468] : memref<8192x768xf32, #tpu.memory_space<hbm>> -> memref<8x768xf32, #tpu.memory_space<hbm>>
    %dma_wait3A_470 = arith.constant 24 : i32
    %dma_wait3A_471 = arith.constant 0 : i32
    %dma_wait3A_472 = tpu.memref_slice %arg9[%dma_wait3A_470, %dma_wait3A_471] : memref<32x768xf32, #tpu.memory_space<vmem>> -> memref<8x768xf32, #tpu.memory_space<vmem>>
    tpu.wait_dma2 semaphore(%arg22 : memref<!tpu.dma_semaphore, #tpu.memory_space<semaphore_mem>>) src(%dma_wait3A_472 : memref<8x768xf32, #tpu.memory_space<vmem>>) dst(%dma_wait3A_469 : memref<8x768xf32, #tpu.memory_space<hbm>>)
    %add3A_473 = arith.constant 48 : i32
    %add3A_474 = arith.addi %mul3A_2, %add3A_473 : i32
    %dma_start3A_475 = arith.constant 0 : i32
    %dma_start3A_476 = tpu.memref_slice %arg4[%add3A_474, %dma_start3A_475] : memref<2048x768xf32, #tpu.memory_space<hbm>> -> memref<8x768xf32, #tpu.memory_space<hbm>>
    %dma_start3A_477 = arith.constant 0 : i32
    %dma_start3A_478 = tpu.memref_slice %arg4[%add3A_474, %dma_start3A_477] : memref<2048x768xf32, #tpu.memory_space<hbm>> -> memref<8x768xf32, #tpu.memory_space<hbm>>
    tpu.enqueue_dma source(%dma_start3A_478 : memref<8x768xf32, #tpu.memory_space<hbm>>) target(%arg13 : memref<8x768xf32, #tpu.memory_space<vmem>>) target_semaphore(%arg18 : memref<!tpu.dma_semaphore, #tpu.memory_space<semaphore_mem>>)
    %dma_start3A_479 = arith.constant 192 : i32
    %dma_start3A_480 = tpu.memref_slice %arg6[%dma_start3A_479] : memref<256xi32, #tpu.memory_space<vmem>> -> memref<32xi32, #tpu.memory_space<vmem>>
    %dma_start3A_481 = arith.constant 0 : i32
    %dma_start3A_482 = arith.constant 0 : i32
    %dma_start3A_483 = tpu.memref_slice %arg3[%dma_start3A_481, %dma_start3A_482] : memref<100000x768xf32, #tpu.memory_space<hbm>> -> memref<100000x768xf32, #tpu.memory_space<hbm>>
    tpu.enqueue_indirect_dma source(%dma_start3A_483 : memref<100000x768xf32, #tpu.memory_space<hbm>>) target(%arg9 : memref<32x768xf32, #tpu.memory_space<vmem>>) offsets(%dma_start3A_480 : memref<32xi32, #tpu.memory_space<vmem>>) semaphore(%arg18 : memref<!tpu.dma_semaphore, #tpu.memory_space<semaphore_mem>>)
    %parallel_loop3A_484 = arith.constant 0 : i32
    %parallel_loop3A_485 = arith.constant 8 : i32
    %parallel_loop3A_486 = arith.constant 1 : i32
    scf.for %parallel_loop3A_958 = %parallel_loop3A_484 to %parallel_loop3A_485 step %parallel_loop3A_486  : i32 {
      %parallel_loop3A_959 = arith.constant 0 : i32
      %parallel_loop3A_960 = arith.constant 768 : i32
      %parallel_loop3A_961 = arith.constant 16 : i32
      scf.for %parallel_loop3A_962 = %parallel_loop3A_959 to %parallel_loop3A_960 step %parallel_loop3A_961  : i32 {
        %parallel_loop3A_963 = arith.index_cast %parallel_loop3A_958 : i32 to index
        %parallel_loop3A_964 = arith.index_cast %parallel_loop3A_962 : i32 to index
        %parallel_loop3A_965 = tpu.vector_load %arg11[%parallel_loop3A_963, %parallel_loop3A_964] {strides = array<i32>} : memref<8x768xf32, #tpu.memory_space<vmem>>, vector<1x16xf32>,
        %parallel_loop3A_966 = vector.shape_cast %parallel_loop3A_965 : vector<1x16xf32> to vector<16xf32>
        %parallel_loop3A_967 = arith.index_cast %parallel_loop3A_958 : i32 to index
        %parallel_loop3A_968 = arith.index_cast %parallel_loop3A_962 : i32 to index
        %parallel_loop3A_969 = tpu.vector_load %arg7[%parallel_loop3A_967, %parallel_loop3A_968] {strides = array<i32>} : memref<32x768xf32, #tpu.memory_space<vmem>>, vector<1x16xf32>,
        %parallel_loop3A_970 = vector.shape_cast %parallel_loop3A_969 : vector<1x16xf32> to vector<16xf32>
        %parallel_loop3A_971 = arith.constant 27.7128124 : f32
        %parallel_loop3A_972 = vector.broadcast %parallel_loop3A_971 : f32 to vector<16xf32>
        %parallel_loop3A_973 = arith.mulf %parallel_loop3A_970, %parallel_loop3A_972 : vector<16xf32>
        %parallel_loop3A_974 = arith.addf %parallel_loop3A_973, %parallel_loop3A_966 : vector<16xf32>
        %parallel_loop3A_975 = arith.index_cast %parallel_loop3A_958 : i32 to index
        %parallel_loop3A_976 = arith.index_cast %parallel_loop3A_962 : i32 to index
        %parallel_loop3A_977 = tpu.vector_load %arg7[%parallel_loop3A_975, %parallel_loop3A_976] {strides = array<i32>} : memref<32x768xf32, #tpu.memory_space<vmem>>, vector<1x16xf32>,
        %parallel_loop3A_978 = vector.shape_cast %parallel_loop3A_977 : vector<1x16xf32> to vector<16xf32>
        %parallel_loop3A_979 = vector.shape_cast %parallel_loop3A_974 : vector<16xf32> to vector<1x16xf32>
        tpu.vector_store %arg7[%parallel_loop3A_975, %parallel_loop3A_976], %parallel_loop3A_979 {strides = array<i32>} : memref<32x768xf32, #tpu.memory_space<vmem>>, vector<1x16xf32>,
        %parallel_loop3A_980 = arith.constant 8 : i32
        %parallel_loop3A_981 = arith.addi %parallel_loop3A_980, %parallel_loop3A_958 : i32
        %parallel_loop3A_982 = arith.index_cast %parallel_loop3A_981 : i32 to index
        %parallel_loop3A_983 = arith.index_cast %parallel_loop3A_962 : i32 to index
        %parallel_loop3A_984 = tpu.vector_load %arg7[%parallel_loop3A_982, %parallel_loop3A_983] {strides = array<i32>} : memref<32x768xf32, #tpu.memory_space<vmem>>, vector<1x16xf32>,
        %parallel_loop3A_985 = vector.shape_cast %parallel_loop3A_984 : vector<1x16xf32> to vector<16xf32>
        %parallel_loop3A_986 = arith.constant 27.7128124 : f32
        %parallel_loop3A_987 = vector.broadcast %parallel_loop3A_986 : f32 to vector<16xf32>
        %parallel_loop3A_988 = arith.mulf %parallel_loop3A_985, %parallel_loop3A_987 : vector<16xf32>
        %parallel_loop3A_989 = arith.addf %parallel_loop3A_988, %parallel_loop3A_966 : vector<16xf32>
        %parallel_loop3A_990 = arith.constant 8 : i32
        %parallel_loop3A_991 = arith.addi %parallel_loop3A_990, %parallel_loop3A_958 : i32
        %parallel_loop3A_992 = arith.index_cast %parallel_loop3A_991 : i32 to index
        %parallel_loop3A_993 = arith.index_cast %parallel_loop3A_962 : i32 to index
        %parallel_loop3A_994 = tpu.vector_load %arg7[%parallel_loop3A_992, %parallel_loop3A_993] {strides = array<i32>} : memref<32x768xf32, #tpu.memory_space<vmem>>, vector<1x16xf32>,
        %parallel_loop3A_995 = vector.shape_cast %parallel_loop3A_994 : vector<1x16xf32> to vector<16xf32>
        %parallel_loop3A_996 = vector.shape_cast %parallel_loop3A_989 : vector<16xf32> to vector<1x16xf32>
        tpu.vector_store %arg7[%parallel_loop3A_992, %parallel_loop3A_993], %parallel_loop3A_996 {strides = array<i32>} : memref<32x768xf32, #tpu.memory_space<vmem>>, vector<1x16xf32>,
        %parallel_loop3A_997 = arith.constant 16 : i32
        %parallel_loop3A_998 = arith.addi %parallel_loop3A_997, %parallel_loop3A_958 : i32
        %parallel_loop3A_999 = arith.index_cast %parallel_loop3A_998 : i32 to index
        %parallel_loop3A_1000 = arith.index_cast %parallel_loop3A_962 : i32 to index
        %parallel_loop3A_1001 = tpu.vector_load %arg7[%parallel_loop3A_999, %parallel_loop3A_1000] {strides = array<i32>} : memref<32x768xf32, #tpu.memory_space<vmem>>, vector<1x16xf32>,
        %parallel_loop3A_1002 = vector.shape_cast %parallel_loop3A_1001 : vector<1x16xf32> to vector<16xf32>
        %parallel_loop3A_1003 = arith.constant 27.7128124 : f32
        %parallel_loop3A_1004 = vector.broadcast %parallel_loop3A_1003 : f32 to vector<16xf32>
        %parallel_loop3A_1005 = arith.mulf %parallel_loop3A_1002, %parallel_loop3A_1004 : vector<16xf32>
        %parallel_loop3A_1006 = arith.addf %parallel_loop3A_1005, %parallel_loop3A_966 : vector<16xf32>
        %parallel_loop3A_1007 = arith.constant 16 : i32
        %parallel_loop3A_1008 = arith.addi %parallel_loop3A_1007, %parallel_loop3A_958 : i32
        %parallel_loop3A_1009 = arith.index_cast %parallel_loop3A_1008 : i32 to index
        %parallel_loop3A_1010 = arith.index_cast %parallel_loop3A_962 : i32 to index
        %parallel_loop3A_1011 = tpu.vector_load %arg7[%parallel_loop3A_1009, %parallel_loop3A_1010] {strides = array<i32>} : memref<32x768xf32, #tpu.memory_space<vmem>>, vector<1x16xf32>,
        %parallel_loop3A_1012 = vector.shape_cast %parallel_loop3A_1011 : vector<1x16xf32> to vector<16xf32>
        %parallel_loop3A_1013 = vector.shape_cast %parallel_loop3A_1006 : vector<16xf32> to vector<1x16xf32>
        tpu.vector_store %arg7[%parallel_loop3A_1009, %parallel_loop3A_1010], %parallel_loop3A_1013 {strides = array<i32>} : memref<32x768xf32, #tpu.memory_space<vmem>>, vector<1x16xf32>,
        %parallel_loop3A_1014 = arith.constant 24 : i32
        %parallel_loop3A_1015 = arith.addi %parallel_loop3A_1014, %parallel_loop3A_958 : i32
        %parallel_loop3A_1016 = arith.index_cast %parallel_loop3A_1015 : i32 to index
        %parallel_loop3A_1017 = arith.index_cast %parallel_loop3A_962 : i32 to index
        %parallel_loop3A_1018 = tpu.vector_load %arg7[%parallel_loop3A_1016, %parallel_loop3A_1017] {strides = array<i32>} : memref<32x768xf32, #tpu.memory_space<vmem>>, vector<1x16xf32>,
        %parallel_loop3A_1019 = vector.shape_cast %parallel_loop3A_1018 : vector<1x16xf32> to vector<16xf32>
        %parallel_loop3A_1020 = arith.constant 27.7128124 : f32
        %parallel_loop3A_1021 = vector.broadcast %parallel_loop3A_1020 : f32 to vector<16xf32>
        %parallel_loop3A_1022 = arith.mulf %parallel_loop3A_1019, %parallel_loop3A_1021 : vector<16xf32>
        %parallel_loop3A_1023 = arith.addf %parallel_loop3A_1022, %parallel_loop3A_966 : vector<16xf32>
        %parallel_loop3A_1024 = arith.constant 24 : i32
        %parallel_loop3A_1025 = arith.addi %parallel_loop3A_1024, %parallel_loop3A_958 : i32
        %parallel_loop3A_1026 = arith.index_cast %parallel_loop3A_1025 : i32 to index
        %parallel_loop3A_1027 = arith.index_cast %parallel_loop3A_962 : i32 to index
        %parallel_loop3A_1028 = tpu.vector_load %arg7[%parallel_loop3A_1026, %parallel_loop3A_1027] {strides = array<i32>} : memref<32x768xf32, #tpu.memory_space<vmem>>, vector<1x16xf32>,
        %parallel_loop3A_1029 = vector.shape_cast %parallel_loop3A_1028 : vector<1x16xf32> to vector<16xf32>
        %parallel_loop3A_1030 = vector.shape_cast %parallel_loop3A_1023 : vector<16xf32> to vector<1x16xf32>
        tpu.vector_store %arg7[%parallel_loop3A_1026, %parallel_loop3A_1027], %parallel_loop3A_1030 {strides = array<i32>} : memref<32x768xf32, #tpu.memory_space<vmem>>, vector<1x16xf32>,
      } {sc.loop_unroll_factor = 4 : i64, sc.parallel_access}
    } {sc.loop_unroll_factor = 1 : i64, sc.parallel_access}
    %add3A_487 = arith.constant 0 : i32
    %add3A_488 = arith.addi %add3A_487, %mul3A_2 : i32
    %add3A_489 = arith.constant 32 : i32
    %add3A_490 = arith.addi %add3A_488, %add3A_489 : i32
    %dma_start3A_491 = arith.constant 0 : i32
    %dma_start3A_492 = arith.constant 0 : i32
    %dma_start3A_493 = tpu.memref_slice %arg7[%dma_start3A_491, %dma_start3A_492] : memref<32x768xf32, #tpu.memory_space<vmem>> -> memref<8x768xf32, #tpu.memory_space<vmem>>
    %dma_start3A_494 = arith.constant 0 : i32
    %dma_start3A_495 = tpu.memref_slice %arg5[%add3A_490, %dma_start3A_494] : memref<8192x768xf32, #tpu.memory_space<hbm>> -> memref<8x768xf32, #tpu.memory_space<hbm>>
    %dma_start3A_496 = arith.constant 0 : i32
    %dma_start3A_497 = tpu.memref_slice %arg5[%add3A_490, %dma_start3A_496] : memref<8192x768xf32, #tpu.memory_space<hbm>> -> memref<8x768xf32, #tpu.memory_space<hbm>>
    %dma_start3A_498 = arith.constant 0 : i32
    %dma_start3A_499 = arith.constant 0 : i32
    %dma_start3A_500 = tpu.memref_slice %arg7[%dma_start3A_498, %dma_start3A_499] : memref<32x768xf32, #tpu.memory_space<vmem>> -> memref<8x768xf32, #tpu.memory_space<vmem>>
    tpu.enqueue_dma source(%dma_start3A_500 : memref<8x768xf32, #tpu.memory_space<vmem>>) target(%dma_start3A_497 : memref<8x768xf32, #tpu.memory_space<hbm>>) target_semaphore(%arg20 : memref<!tpu.dma_semaphore, #tpu.memory_space<semaphore_mem>>)
    %add3A_501 = arith.constant 2048 : i32
    %add3A_502 = arith.addi %add3A_501, %mul3A_2 : i32
    %add3A_503 = arith.constant 32 : i32
    %add3A_504 = arith.addi %add3A_502, %add3A_503 : i32
    %dma_start3A_505 = arith.constant 8 : i32
    %dma_start3A_506 = arith.constant 0 : i32
    %dma_start3A_507 = tpu.memref_slice %arg7[%dma_start3A_505, %dma_start3A_506] : memref<32x768xf32, #tpu.memory_space<vmem>> -> memref<8x768xf32, #tpu.memory_space<vmem>>
    %dma_start3A_508 = arith.constant 0 : i32
    %dma_start3A_509 = tpu.memref_slice %arg5[%add3A_504, %dma_start3A_508] : memref<8192x768xf32, #tpu.memory_space<hbm>> -> memref<8x768xf32, #tpu.memory_space<hbm>>
    %dma_start3A_510 = arith.constant 0 : i32
    %dma_start3A_511 = tpu.memref_slice %arg5[%add3A_504, %dma_start3A_510] : memref<8192x768xf32, #tpu.memory_space<hbm>> -> memref<8x768xf32, #tpu.memory_space<hbm>>
    %dma_start3A_512 = arith.constant 8 : i32
    %dma_start3A_513 = arith.constant 0 : i32
    %dma_start3A_514 = tpu.memref_slice %arg7[%dma_start3A_512, %dma_start3A_513] : memref<32x768xf32, #tpu.memory_space<vmem>> -> memref<8x768xf32, #tpu.memory_space<vmem>>
    tpu.enqueue_dma source(%dma_start3A_514 : memref<8x768xf32, #tpu.memory_space<vmem>>) target(%dma_start3A_511 : memref<8x768xf32, #tpu.memory_space<hbm>>) target_semaphore(%arg20 : memref<!tpu.dma_semaphore, #tpu.memory_space<semaphore_mem>>)
    %add3A_515 = arith.constant 4096 : i32
    %add3A_516 = arith.addi %add3A_515, %mul3A_2 : i32
    %add3A_517 = arith.constant 32 : i32
    %add3A_518 = arith.addi %add3A_516, %add3A_517 : i32
    %dma_start3A_519 = arith.constant 16 : i32
    %dma_start3A_520 = arith.constant 0 : i32
    %dma_start3A_521 = tpu.memref_slice %arg7[%dma_start3A_519, %dma_start3A_520] : memref<32x768xf32, #tpu.memory_space<vmem>> -> memref<8x768xf32, #tpu.memory_space<vmem>>
    %dma_start3A_522 = arith.constant 0 : i32
    %dma_start3A_523 = tpu.memref_slice %arg5[%add3A_518, %dma_start3A_522] : memref<8192x768xf32, #tpu.memory_space<hbm>> -> memref<8x768xf32, #tpu.memory_space<hbm>>
    %dma_start3A_524 = arith.constant 0 : i32
    %dma_start3A_525 = tpu.memref_slice %arg5[%add3A_518, %dma_start3A_524] : memref<8192x768xf32, #tpu.memory_space<hbm>> -> memref<8x768xf32, #tpu.memory_space<hbm>>
    %dma_start3A_526 = arith.constant 16 : i32
    %dma_start3A_527 = arith.constant 0 : i32
    %dma_start3A_528 = tpu.memref_slice %arg7[%dma_start3A_526, %dma_start3A_527] : memref<32x768xf32, #tpu.memory_space<vmem>> -> memref<8x768xf32, #tpu.memory_space<vmem>>
    tpu.enqueue_dma source(%dma_start3A_528 : memref<8x768xf32, #tpu.memory_space<vmem>>) target(%dma_start3A_525 : memref<8x768xf32, #tpu.memory_space<hbm>>) target_semaphore(%arg20 : memref<!tpu.dma_semaphore, #tpu.memory_space<semaphore_mem>>)
    %add3A_529 = arith.constant 6144 : i32
    %add3A_530 = arith.addi %add3A_529, %mul3A_2 : i32
    %add3A_531 = arith.constant 32 : i32
    %add3A_532 = arith.addi %add3A_530, %add3A_531 : i32
    %dma_start3A_533 = arith.constant 24 : i32
    %dma_start3A_534 = arith.constant 0 : i32
    %dma_start3A_535 = tpu.memref_slice %arg7[%dma_start3A_533, %dma_start3A_534] : memref<32x768xf32, #tpu.memory_space<vmem>> -> memref<8x768xf32, #tpu.memory_space<vmem>>
    %dma_start3A_536 = arith.constant 0 : i32
    %dma_start3A_537 = tpu.memref_slice %arg5[%add3A_532, %dma_start3A_536] : memref<8192x768xf32, #tpu.memory_space<hbm>> -> memref<8x768xf32, #tpu.memory_space<hbm>>
    %dma_start3A_538 = arith.constant 0 : i32
    %dma_start3A_539 = tpu.memref_slice %arg5[%add3A_532, %dma_start3A_538] : memref<8192x768xf32, #tpu.memory_space<hbm>> -> memref<8x768xf32, #tpu.memory_space<hbm>>
    %dma_start3A_540 = arith.constant 24 : i32
    %dma_start3A_541 = arith.constant 0 : i32
    %dma_start3A_542 = tpu.memref_slice %arg7[%dma_start3A_540, %dma_start3A_541] : memref<32x768xf32, #tpu.memory_space<vmem>> -> memref<8x768xf32, #tpu.memory_space<vmem>>
    tpu.enqueue_dma source(%dma_start3A_542 : memref<8x768xf32, #tpu.memory_space<vmem>>) target(%dma_start3A_539 : memref<8x768xf32, #tpu.memory_space<hbm>>) target_semaphore(%arg20 : memref<!tpu.dma_semaphore, #tpu.memory_space<semaphore_mem>>)
    %dma_wait3A_543 = arith.constant 0 : i32
    %dma_wait3A_544 = tpu.memref_slice %arg4[%add3A_355, %dma_wait3A_543] : memref<2048x768xf32, #tpu.memory_space<hbm>> -> memref<8x768xf32, #tpu.memory_space<hbm>>
    %dma_wait3A_545 = arith.constant 0 : i32
    %dma_wait3A_546 = tpu.memref_slice %arg4[%add3A_355, %dma_wait3A_545] : memref<2048x768xf32, #tpu.memory_space<hbm>> -> memref<8x768xf32, #tpu.memory_space<hbm>>
    tpu.wait_dma2 semaphore(%arg17 : memref<!tpu.dma_semaphore, #tpu.memory_space<semaphore_mem>>) src(%dma_wait3A_546 : memref<8x768xf32, #tpu.memory_space<hbm>>) dst(%arg12 : memref<8x768xf32, #tpu.memory_space<vmem>>)
    %dma_wait3A_547 = arith.constant 160 : i32
    %dma_wait3A_548 = tpu.memref_slice %arg6[%dma_wait3A_547] : memref<256xi32, #tpu.memory_space<vmem>> -> memref<32xi32, #tpu.memory_space<vmem>>
    %dma_wait3A_549 = arith.constant 0 : i32
    %dma_wait3A_550 = arith.constant 0 : i32
    %dma_wait3A_551 = tpu.memref_slice %arg3[%dma_wait3A_549, %dma_wait3A_550] : memref<100000x768xf32, #tpu.memory_space<hbm>> -> memref<100000x768xf32, #tpu.memory_space<hbm>>
    tpu.wait_indirect_dma semaphore(%arg17 : memref<!tpu.dma_semaphore, #tpu.memory_space<semaphore_mem>>) src(%dma_wait3A_551 : memref<100000x768xf32, #tpu.memory_space<hbm>>) dst(%arg8 : memref<32x768xf32, #tpu.memory_space<vmem>>)
    %dma_wait3A_552 = arith.constant 0 : i32
    %dma_wait3A_553 = arith.constant 0 : i32
    %dma_wait3A_554 = tpu.memref_slice %arg10[%dma_wait3A_552, %dma_wait3A_553] : memref<32x768xf32, #tpu.memory_space<vmem>> -> memref<8x768xf32, #tpu.memory_space<vmem>>
    %dma_wait3A_555 = arith.constant 0 : i32
    %dma_wait3A_556 = tpu.memref_slice %arg5[%add3A_371, %dma_wait3A_555] : memref<8192x768xf32, #tpu.memory_space<hbm>> -> memref<8x768xf32, #tpu.memory_space<hbm>>
    %dma_wait3A_557 = arith.constant 0 : i32
    %dma_wait3A_558 = tpu.memref_slice %arg5[%add3A_371, %dma_wait3A_557] : memref<8192x768xf32, #tpu.memory_space<hbm>> -> memref<8x768xf32, #tpu.memory_space<hbm>>
    %dma_wait3A_559 = arith.constant 0 : i32
    %dma_wait3A_560 = arith.constant 0 : i32
    %dma_wait3A_561 = tpu.memref_slice %arg10[%dma_wait3A_559, %dma_wait3A_560] : memref<32x768xf32, #tpu.memory_space<vmem>> -> memref<8x768xf32, #tpu.memory_space<vmem>>
    tpu.wait_dma2 semaphore(%arg23 : memref<!tpu.dma_semaphore, #tpu.memory_space<semaphore_mem>>) src(%dma_wait3A_561 : memref<8x768xf32, #tpu.memory_space<vmem>>) dst(%dma_wait3A_558 : memref<8x768xf32, #tpu.memory_space<hbm>>)
    %dma_wait3A_562 = arith.constant 8 : i32
    %dma_wait3A_563 = arith.constant 0 : i32
    %dma_wait3A_564 = tpu.memref_slice %arg10[%dma_wait3A_562, %dma_wait3A_563] : memref<32x768xf32, #tpu.memory_space<vmem>> -> memref<8x768xf32, #tpu.memory_space<vmem>>
    %dma_wait3A_565 = arith.constant 0 : i32
    %dma_wait3A_566 = tpu.memref_slice %arg5[%add3A_385, %dma_wait3A_565] : memref<8192x768xf32, #tpu.memory_space<hbm>> -> memref<8x768xf32, #tpu.memory_space<hbm>>
    %dma_wait3A_567 = arith.constant 0 : i32
    %dma_wait3A_568 = tpu.memref_slice %arg5[%add3A_385, %dma_wait3A_567] : memref<8192x768xf32, #tpu.memory_space<hbm>> -> memref<8x768xf32, #tpu.memory_space<hbm>>
    %dma_wait3A_569 = arith.constant 8 : i32
    %dma_wait3A_570 = arith.constant 0 : i32
    %dma_wait3A_571 = tpu.memref_slice %arg10[%dma_wait3A_569, %dma_wait3A_570] : memref<32x768xf32, #tpu.memory_space<vmem>> -> memref<8x768xf32, #tpu.memory_space<vmem>>
    tpu.wait_dma2 semaphore(%arg23 : memref<!tpu.dma_semaphore, #tpu.memory_space<semaphore_mem>>) src(%dma_wait3A_571 : memref<8x768xf32, #tpu.memory_space<vmem>>) dst(%dma_wait3A_568 : memref<8x768xf32, #tpu.memory_space<hbm>>)
    %dma_wait3A_572 = arith.constant 16 : i32
    %dma_wait3A_573 = arith.constant 0 : i32
    %dma_wait3A_574 = tpu.memref_slice %arg10[%dma_wait3A_572, %dma_wait3A_573] : memref<32x768xf32, #tpu.memory_space<vmem>> -> memref<8x768xf32, #tpu.memory_space<vmem>>
    %dma_wait3A_575 = arith.constant 0 : i32
    %dma_wait3A_576 = tpu.memref_slice %arg5[%add3A_399, %dma_wait3A_575] : memref<8192x768xf32, #tpu.memory_space<hbm>> -> memref<8x768xf32, #tpu.memory_space<hbm>>
    %dma_wait3A_577 = arith.constant 0 : i32
    %dma_wait3A_578 = tpu.memref_slice %arg5[%add3A_399, %dma_wait3A_577] : memref<8192x768xf32, #tpu.memory_space<hbm>> -> memref<8x768xf32, #tpu.memory_space<hbm>>
    %dma_wait3A_579 = arith.constant 16 : i32
    %dma_wait3A_580 = arith.constant 0 : i32
    %dma_wait3A_581 = tpu.memref_slice %arg10[%dma_wait3A_579, %dma_wait3A_580] : memref<32x768xf32, #tpu.memory_space<vmem>> -> memref<8x768xf32, #tpu.memory_space<vmem>>
    tpu.wait_dma2 semaphore(%arg23 : memref<!tpu.dma_semaphore, #tpu.memory_space<semaphore_mem>>) src(%dma_wait3A_581 : memref<8x768xf32, #tpu.memory_space<vmem>>) dst(%dma_wait3A_578 : memref<8x768xf32, #tpu.memory_space<hbm>>)
    %dma_wait3A_582 = arith.constant 24 : i32
    %dma_wait3A_583 = arith.constant 0 : i32
    %dma_wait3A_584 = tpu.memref_slice %arg10[%dma_wait3A_582, %dma_wait3A_583] : memref<32x768xf32, #tpu.memory_space<vmem>> -> memref<8x768xf32, #tpu.memory_space<vmem>>
    %dma_wait3A_585 = arith.constant 0 : i32
    %dma_wait3A_586 = tpu.memref_slice %arg5[%add3A_413, %dma_wait3A_585] : memref<8192x768xf32, #tpu.memory_space<hbm>> -> memref<8x768xf32, #tpu.memory_space<hbm>>
    %dma_wait3A_587 = arith.constant 0 : i32
    %dma_wait3A_588 = tpu.memref_slice %arg5[%add3A_413, %dma_wait3A_587] : memref<8192x768xf32, #tpu.memory_space<hbm>> -> memref<8x768xf32, #tpu.memory_space<hbm>>
    %dma_wait3A_589 = arith.constant 24 : i32
    %dma_wait3A_590 = arith.constant 0 : i32
    %dma_wait3A_591 = tpu.memref_slice %arg10[%dma_wait3A_589, %dma_wait3A_590] : memref<32x768xf32, #tpu.memory_space<vmem>> -> memref<8x768xf32, #tpu.memory_space<vmem>>
    tpu.wait_dma2 semaphore(%arg23 : memref<!tpu.dma_semaphore, #tpu.memory_space<semaphore_mem>>) src(%dma_wait3A_591 : memref<8x768xf32, #tpu.memory_space<vmem>>) dst(%dma_wait3A_588 : memref<8x768xf32, #tpu.memory_space<hbm>>)
    %add3A_592 = arith.constant 56 : i32
    %add3A_593 = arith.addi %mul3A_2, %add3A_592 : i32
    %dma_start3A_594 = arith.constant 0 : i32
    %dma_start3A_595 = tpu.memref_slice %arg4[%add3A_593, %dma_start3A_594] : memref<2048x768xf32, #tpu.memory_space<hbm>> -> memref<8x768xf32, #tpu.memory_space<hbm>>
    %dma_start3A_596 = arith.constant 0 : i32
    %dma_start3A_597 = tpu.memref_slice %arg4[%add3A_593, %dma_start3A_596] : memref<2048x768xf32, #tpu.memory_space<hbm>> -> memref<8x768xf32, #tpu.memory_space<hbm>>
    tpu.enqueue_dma source(%dma_start3A_597 : memref<8x768xf32, #tpu.memory_space<hbm>>) target(%arg14 : memref<8x768xf32, #tpu.memory_space<vmem>>) target_semaphore(%arg19 : memref<!tpu.dma_semaphore, #tpu.memory_space<semaphore_mem>>)
    %dma_start3A_598 = arith.constant 224 : i32
    %dma_start3A_599 = tpu.memref_slice %arg6[%dma_start3A_598] : memref<256xi32, #tpu.memory_space<vmem>> -> memref<32xi32, #tpu.memory_space<vmem>>
    %dma_start3A_600 = arith.constant 0 : i32
    %dma_start3A_601 = arith.constant 0 : i32
    %dma_start3A_602 = tpu.memref_slice %arg3[%dma_start3A_600, %dma_start3A_601] : memref<100000x768xf32, #tpu.memory_space<hbm>> -> memref<100000x768xf32, #tpu.memory_space<hbm>>
    tpu.enqueue_indirect_dma source(%dma_start3A_602 : memref<100000x768xf32, #tpu.memory_space<hbm>>) target(%arg10 : memref<32x768xf32, #tpu.memory_space<vmem>>) offsets(%dma_start3A_599 : memref<32xi32, #tpu.memory_space<vmem>>) semaphore(%arg19 : memref<!tpu.dma_semaphore, #tpu.memory_space<semaphore_mem>>)
    %parallel_loop3A_603 = arith.constant 0 : i32
    %parallel_loop3A_604 = arith.constant 8 : i32
    %parallel_loop3A_605 = arith.constant 1 : i32
    scf.for %parallel_loop3A_958 = %parallel_loop3A_603 to %parallel_loop3A_604 step %parallel_loop3A_605  : i32 {
      %parallel_loop3A_959 = arith.constant 0 : i32
      %parallel_loop3A_960 = arith.constant 768 : i32
      %parallel_loop3A_961 = arith.constant 16 : i32
      scf.for %parallel_loop3A_962 = %parallel_loop3A_959 to %parallel_loop3A_960 step %parallel_loop3A_961  : i32 {
        %parallel_loop3A_963 = arith.index_cast %parallel_loop3A_958 : i32 to index
        %parallel_loop3A_964 = arith.index_cast %parallel_loop3A_962 : i32 to index
        %parallel_loop3A_965 = tpu.vector_load %arg12[%parallel_loop3A_963, %parallel_loop3A_964] {strides = array<i32>} : memref<8x768xf32, #tpu.memory_space<vmem>>, vector<1x16xf32>,
        %parallel_loop3A_966 = vector.shape_cast %parallel_loop3A_965 : vector<1x16xf32> to vector<16xf32>
        %parallel_loop3A_967 = arith.index_cast %parallel_loop3A_958 : i32 to index
        %parallel_loop3A_968 = arith.index_cast %parallel_loop3A_962 : i32 to index
        %parallel_loop3A_969 = tpu.vector_load %arg8[%parallel_loop3A_967, %parallel_loop3A_968] {strides = array<i32>} : memref<32x768xf32, #tpu.memory_space<vmem>>, vector<1x16xf32>,
        %parallel_loop3A_970 = vector.shape_cast %parallel_loop3A_969 : vector<1x16xf32> to vector<16xf32>
        %parallel_loop3A_971 = arith.constant 27.7128124 : f32
        %parallel_loop3A_972 = vector.broadcast %parallel_loop3A_971 : f32 to vector<16xf32>
        %parallel_loop3A_973 = arith.mulf %parallel_loop3A_970, %parallel_loop3A_972 : vector<16xf32>
        %parallel_loop3A_974 = arith.addf %parallel_loop3A_973, %parallel_loop3A_966 : vector<16xf32>
        %parallel_loop3A_975 = arith.index_cast %parallel_loop3A_958 : i32 to index
        %parallel_loop3A_976 = arith.index_cast %parallel_loop3A_962 : i32 to index
        %parallel_loop3A_977 = tpu.vector_load %arg8[%parallel_loop3A_975, %parallel_loop3A_976] {strides = array<i32>} : memref<32x768xf32, #tpu.memory_space<vmem>>, vector<1x16xf32>,
        %parallel_loop3A_978 = vector.shape_cast %parallel_loop3A_977 : vector<1x16xf32> to vector<16xf32>
        %parallel_loop3A_979 = vector.shape_cast %parallel_loop3A_974 : vector<16xf32> to vector<1x16xf32>
        tpu.vector_store %arg8[%parallel_loop3A_975, %parallel_loop3A_976], %parallel_loop3A_979 {strides = array<i32>} : memref<32x768xf32, #tpu.memory_space<vmem>>, vector<1x16xf32>,
        %parallel_loop3A_980 = arith.constant 8 : i32
        %parallel_loop3A_981 = arith.addi %parallel_loop3A_980, %parallel_loop3A_958 : i32
        %parallel_loop3A_982 = arith.index_cast %parallel_loop3A_981 : i32 to index
        %parallel_loop3A_983 = arith.index_cast %parallel_loop3A_962 : i32 to index
        %parallel_loop3A_984 = tpu.vector_load %arg8[%parallel_loop3A_982, %parallel_loop3A_983] {strides = array<i32>} : memref<32x768xf32, #tpu.memory_space<vmem>>, vector<1x16xf32>,
        %parallel_loop3A_985 = vector.shape_cast %parallel_loop3A_984 : vector<1x16xf32> to vector<16xf32>
        %parallel_loop3A_986 = arith.constant 27.7128124 : f32
        %parallel_loop3A_987 = vector.broadcast %parallel_loop3A_986 : f32 to vector<16xf32>
        %parallel_loop3A_988 = arith.mulf %parallel_loop3A_985, %parallel_loop3A_987 : vector<16xf32>
        %parallel_loop3A_989 = arith.addf %parallel_loop3A_988, %parallel_loop3A_966 : vector<16xf32>
        %parallel_loop3A_990 = arith.constant 8 : i32
        %parallel_loop3A_991 = arith.addi %parallel_loop3A_990, %parallel_loop3A_958 : i32
        %parallel_loop3A_992 = arith.index_cast %parallel_loop3A_991 : i32 to index
        %parallel_loop3A_993 = arith.index_cast %parallel_loop3A_962 : i32 to index
        %parallel_loop3A_994 = tpu.vector_load %arg8[%parallel_loop3A_992, %parallel_loop3A_993] {strides = array<i32>} : memref<32x768xf32, #tpu.memory_space<vmem>>, vector<1x16xf32>,
        %parallel_loop3A_995 = vector.shape_cast %parallel_loop3A_994 : vector<1x16xf32> to vector<16xf32>
        %parallel_loop3A_996 = vector.shape_cast %parallel_loop3A_989 : vector<16xf32> to vector<1x16xf32>
        tpu.vector_store %arg8[%parallel_loop3A_992, %parallel_loop3A_993], %parallel_loop3A_996 {strides = array<i32>} : memref<32x768xf32, #tpu.memory_space<vmem>>, vector<1x16xf32>,
        %parallel_loop3A_997 = arith.constant 16 : i32
        %parallel_loop3A_998 = arith.addi %parallel_loop3A_997, %parallel_loop3A_958 : i32
        %parallel_loop3A_999 = arith.index_cast %parallel_loop3A_998 : i32 to index
        %parallel_loop3A_1000 = arith.index_cast %parallel_loop3A_962 : i32 to index
        %parallel_loop3A_1001 = tpu.vector_load %arg8[%parallel_loop3A_999, %parallel_loop3A_1000] {strides = array<i32>} : memref<32x768xf32, #tpu.memory_space<vmem>>, vector<1x16xf32>,
        %parallel_loop3A_1002 = vector.shape_cast %parallel_loop3A_1001 : vector<1x16xf32> to vector<16xf32>
        %parallel_loop3A_1003 = arith.constant 27.7128124 : f32
        %parallel_loop3A_1004 = vector.broadcast %parallel_loop3A_1003 : f32 to vector<16xf32>
        %parallel_loop3A_1005 = arith.mulf %parallel_loop3A_1002, %parallel_loop3A_1004 : vector<16xf32>
        %parallel_loop3A_1006 = arith.addf %parallel_loop3A_1005, %parallel_loop3A_966 : vector<16xf32>
        %parallel_loop3A_1007 = arith.constant 16 : i32
        %parallel_loop3A_1008 = arith.addi %parallel_loop3A_1007, %parallel_loop3A_958 : i32
        %parallel_loop3A_1009 = arith.index_cast %parallel_loop3A_1008 : i32 to index
        %parallel_loop3A_1010 = arith.index_cast %parallel_loop3A_962 : i32 to index
        %parallel_loop3A_1011 = tpu.vector_load %arg8[%parallel_loop3A_1009, %parallel_loop3A_1010] {strides = array<i32>} : memref<32x768xf32, #tpu.memory_space<vmem>>, vector<1x16xf32>,
        %parallel_loop3A_1012 = vector.shape_cast %parallel_loop3A_1011 : vector<1x16xf32> to vector<16xf32>
        %parallel_loop3A_1013 = vector.shape_cast %parallel_loop3A_1006 : vector<16xf32> to vector<1x16xf32>
        tpu.vector_store %arg8[%parallel_loop3A_1009, %parallel_loop3A_1010], %parallel_loop3A_1013 {strides = array<i32>} : memref<32x768xf32, #tpu.memory_space<vmem>>, vector<1x16xf32>,
        %parallel_loop3A_1014 = arith.constant 24 : i32
        %parallel_loop3A_1015 = arith.addi %parallel_loop3A_1014, %parallel_loop3A_958 : i32
        %parallel_loop3A_1016 = arith.index_cast %parallel_loop3A_1015 : i32 to index
        %parallel_loop3A_1017 = arith.index_cast %parallel_loop3A_962 : i32 to index
        %parallel_loop3A_1018 = tpu.vector_load %arg8[%parallel_loop3A_1016, %parallel_loop3A_1017] {strides = array<i32>} : memref<32x768xf32, #tpu.memory_space<vmem>>, vector<1x16xf32>,
        %parallel_loop3A_1019 = vector.shape_cast %parallel_loop3A_1018 : vector<1x16xf32> to vector<16xf32>
        %parallel_loop3A_1020 = arith.constant 27.7128124 : f32
        %parallel_loop3A_1021 = vector.broadcast %parallel_loop3A_1020 : f32 to vector<16xf32>
        %parallel_loop3A_1022 = arith.mulf %parallel_loop3A_1019, %parallel_loop3A_1021 : vector<16xf32>
        %parallel_loop3A_1023 = arith.addf %parallel_loop3A_1022, %parallel_loop3A_966 : vector<16xf32>
        %parallel_loop3A_1024 = arith.constant 24 : i32
        %parallel_loop3A_1025 = arith.addi %parallel_loop3A_1024, %parallel_loop3A_958 : i32
        %parallel_loop3A_1026 = arith.index_cast %parallel_loop3A_1025 : i32 to index
        %parallel_loop3A_1027 = arith.index_cast %parallel_loop3A_962 : i32 to index
        %parallel_loop3A_1028 = tpu.vector_load %arg8[%parallel_loop3A_1026, %parallel_loop3A_1027] {strides = array<i32>} : memref<32x768xf32, #tpu.memory_space<vmem>>, vector<1x16xf32>,
        %parallel_loop3A_1029 = vector.shape_cast %parallel_loop3A_1028 : vector<1x16xf32> to vector<16xf32>
        %parallel_loop3A_1030 = vector.shape_cast %parallel_loop3A_1023 : vector<16xf32> to vector<1x16xf32>
        tpu.vector_store %arg8[%parallel_loop3A_1026, %parallel_loop3A_1027], %parallel_loop3A_1030 {strides = array<i32>} : memref<32x768xf32, #tpu.memory_space<vmem>>, vector<1x16xf32>,
      } {sc.loop_unroll_factor = 4 : i64, sc.parallel_access}
    } {sc.loop_unroll_factor = 1 : i64, sc.parallel_access}
    %add3A_606 = arith.constant 0 : i32
    %add3A_607 = arith.addi %add3A_606, %mul3A_2 : i32
    %add3A_608 = arith.constant 40 : i32
    %add3A_609 = arith.addi %add3A_607, %add3A_608 : i32
    %dma_start3A_610 = arith.constant 0 : i32
    %dma_start3A_611 = arith.constant 0 : i32
    %dma_start3A_612 = tpu.memref_slice %arg8[%dma_start3A_610, %dma_start3A_611] : memref<32x768xf32, #tpu.memory_space<vmem>> -> memref<8x768xf32, #tpu.memory_space<vmem>>
    %dma_start3A_613 = arith.constant 0 : i32
    %dma_start3A_614 = tpu.memref_slice %arg5[%add3A_609, %dma_start3A_613] : memref<8192x768xf32, #tpu.memory_space<hbm>> -> memref<8x768xf32, #tpu.memory_space<hbm>>
    %dma_start3A_615 = arith.constant 0 : i32
    %dma_start3A_616 = tpu.memref_slice %arg5[%add3A_609, %dma_start3A_615] : memref<8192x768xf32, #tpu.memory_space<hbm>> -> memref<8x768xf32, #tpu.memory_space<hbm>>
    %dma_start3A_617 = arith.constant 0 : i32
    %dma_start3A_618 = arith.constant 0 : i32
    %dma_start3A_619 = tpu.memref_slice %arg8[%dma_start3A_617, %dma_start3A_618] : memref<32x768xf32, #tpu.memory_space<vmem>> -> memref<8x768xf32, #tpu.memory_space<vmem>>
    tpu.enqueue_dma source(%dma_start3A_619 : memref<8x768xf32, #tpu.memory_space<vmem>>) target(%dma_start3A_616 : memref<8x768xf32, #tpu.memory_space<hbm>>) target_semaphore(%arg21 : memref<!tpu.dma_semaphore, #tpu.memory_space<semaphore_mem>>)
    %add3A_620 = arith.constant 2048 : i32
    %add3A_621 = arith.addi %add3A_620, %mul3A_2 : i32
    %add3A_622 = arith.constant 40 : i32
    %add3A_623 = arith.addi %add3A_621, %add3A_622 : i32
    %dma_start3A_624 = arith.constant 8 : i32
    %dma_start3A_625 = arith.constant 0 : i32
    %dma_start3A_626 = tpu.memref_slice %arg8[%dma_start3A_624, %dma_start3A_625] : memref<32x768xf32, #tpu.memory_space<vmem>> -> memref<8x768xf32, #tpu.memory_space<vmem>>
    %dma_start3A_627 = arith.constant 0 : i32
    %dma_start3A_628 = tpu.memref_slice %arg5[%add3A_623, %dma_start3A_627] : memref<8192x768xf32, #tpu.memory_space<hbm>> -> memref<8x768xf32, #tpu.memory_space<hbm>>
    %dma_start3A_629 = arith.constant 0 : i32
    %dma_start3A_630 = tpu.memref_slice %arg5[%add3A_623, %dma_start3A_629] : memref<8192x768xf32, #tpu.memory_space<hbm>> -> memref<8x768xf32, #tpu.memory_space<hbm>>
    %dma_start3A_631 = arith.constant 8 : i32
    %dma_start3A_632 = arith.constant 0 : i32
    %dma_start3A_633 = tpu.memref_slice %arg8[%dma_start3A_631, %dma_start3A_632] : memref<32x768xf32, #tpu.memory_space<vmem>> -> memref<8x768xf32, #tpu.memory_space<vmem>>
    tpu.enqueue_dma source(%dma_start3A_633 : memref<8x768xf32, #tpu.memory_space<vmem>>) target(%dma_start3A_630 : memref<8x768xf32, #tpu.memory_space<hbm>>) target_semaphore(%arg21 : memref<!tpu.dma_semaphore, #tpu.memory_space<semaphore_mem>>)
    %add3A_634 = arith.constant 4096 : i32
    %add3A_635 = arith.addi %add3A_634, %mul3A_2 : i32
    %add3A_636 = arith.constant 40 : i32
    %add3A_637 = arith.addi %add3A_635, %add3A_636 : i32
    %dma_start3A_638 = arith.constant 16 : i32
    %dma_start3A_639 = arith.constant 0 : i32
    %dma_start3A_640 = tpu.memref_slice %arg8[%dma_start3A_638, %dma_start3A_639] : memref<32x768xf32, #tpu.memory_space<vmem>> -> memref<8x768xf32, #tpu.memory_space<vmem>>
    %dma_start3A_641 = arith.constant 0 : i32
    %dma_start3A_642 = tpu.memref_slice %arg5[%add3A_637, %dma_start3A_641] : memref<8192x768xf32, #tpu.memory_space<hbm>> -> memref<8x768xf32, #tpu.memory_space<hbm>>
    %dma_start3A_643 = arith.constant 0 : i32
    %dma_start3A_644 = tpu.memref_slice %arg5[%add3A_637, %dma_start3A_643] : memref<8192x768xf32, #tpu.memory_space<hbm>> -> memref<8x768xf32, #tpu.memory_space<hbm>>
    %dma_start3A_645 = arith.constant 16 : i32
    %dma_start3A_646 = arith.constant 0 : i32
    %dma_start3A_647 = tpu.memref_slice %arg8[%dma_start3A_645, %dma_start3A_646] : memref<32x768xf32, #tpu.memory_space<vmem>> -> memref<8x768xf32, #tpu.memory_space<vmem>>
    tpu.enqueue_dma source(%dma_start3A_647 : memref<8x768xf32, #tpu.memory_space<vmem>>) target(%dma_start3A_644 : memref<8x768xf32, #tpu.memory_space<hbm>>) target_semaphore(%arg21 : memref<!tpu.dma_semaphore, #tpu.memory_space<semaphore_mem>>)
    %add3A_648 = arith.constant 6144 : i32
    %add3A_649 = arith.addi %add3A_648, %mul3A_2 : i32
    %add3A_650 = arith.constant 40 : i32
    %add3A_651 = arith.addi %add3A_649, %add3A_650 : i32
    %dma_start3A_652 = arith.constant 24 : i32
    %dma_start3A_653 = arith.constant 0 : i32
    %dma_start3A_654 = tpu.memref_slice %arg8[%dma_start3A_652, %dma_start3A_653] : memref<32x768xf32, #tpu.memory_space<vmem>> -> memref<8x768xf32, #tpu.memory_space<vmem>>
    %dma_start3A_655 = arith.constant 0 : i32
    %dma_start3A_656 = tpu.memref_slice %arg5[%add3A_651, %dma_start3A_655] : memref<8192x768xf32, #tpu.memory_space<hbm>> -> memref<8x768xf32, #tpu.memory_space<hbm>>
    %dma_start3A_657 = arith.constant 0 : i32
    %dma_start3A_658 = tpu.memref_slice %arg5[%add3A_651, %dma_start3A_657] : memref<8192x768xf32, #tpu.memory_space<hbm>> -> memref<8x768xf32, #tpu.memory_space<hbm>>
    %dma_start3A_659 = arith.constant 24 : i32
    %dma_start3A_660 = arith.constant 0 : i32
    %dma_start3A_661 = tpu.memref_slice %arg8[%dma_start3A_659, %dma_start3A_660] : memref<32x768xf32, #tpu.memory_space<vmem>> -> memref<8x768xf32, #tpu.memory_space<vmem>>
    tpu.enqueue_dma source(%dma_start3A_661 : memref<8x768xf32, #tpu.memory_space<vmem>>) target(%dma_start3A_658 : memref<8x768xf32, #tpu.memory_space<hbm>>) target_semaphore(%arg21 : memref<!tpu.dma_semaphore, #tpu.memory_space<semaphore_mem>>)
    %dma_wait3A_662 = arith.constant 0 : i32
    %dma_wait3A_663 = tpu.memref_slice %arg4[%add3A_474, %dma_wait3A_662] : memref<2048x768xf32, #tpu.memory_space<hbm>> -> memref<8x768xf32, #tpu.memory_space<hbm>>
    %dma_wait3A_664 = arith.constant 0 : i32
    %dma_wait3A_665 = tpu.memref_slice %arg4[%add3A_474, %dma_wait3A_664] : memref<2048x768xf32, #tpu.memory_space<hbm>> -> memref<8x768xf32, #tpu.memory_space<hbm>>
    tpu.wait_dma2 semaphore(%arg18 : memref<!tpu.dma_semaphore, #tpu.memory_space<semaphore_mem>>) src(%dma_wait3A_665 : memref<8x768xf32, #tpu.memory_space<hbm>>) dst(%arg13 : memref<8x768xf32, #tpu.memory_space<vmem>>)
    %dma_wait3A_666 = arith.constant 192 : i32
    %dma_wait3A_667 = tpu.memref_slice %arg6[%dma_wait3A_666] : memref<256xi32, #tpu.memory_space<vmem>> -> memref<32xi32, #tpu.memory_space<vmem>>
    %dma_wait3A_668 = arith.constant 0 : i32
    %dma_wait3A_669 = arith.constant 0 : i32
    %dma_wait3A_670 = tpu.memref_slice %arg3[%dma_wait3A_668, %dma_wait3A_669] : memref<100000x768xf32, #tpu.memory_space<hbm>> -> memref<100000x768xf32, #tpu.memory_space<hbm>>
    tpu.wait_indirect_dma semaphore(%arg18 : memref<!tpu.dma_semaphore, #tpu.memory_space<semaphore_mem>>) src(%dma_wait3A_670 : memref<100000x768xf32, #tpu.memory_space<hbm>>) dst(%arg9 : memref<32x768xf32, #tpu.memory_space<vmem>>)
    %parallel_loop3A_671 = arith.constant 0 : i32
    %parallel_loop3A_672 = arith.constant 8 : i32
    %parallel_loop3A_673 = arith.constant 1 : i32
    scf.for %parallel_loop3A_958 = %parallel_loop3A_671 to %parallel_loop3A_672 step %parallel_loop3A_673  : i32 {
      %parallel_loop3A_959 = arith.constant 0 : i32
      %parallel_loop3A_960 = arith.constant 768 : i32
      %parallel_loop3A_961 = arith.constant 16 : i32
      scf.for %parallel_loop3A_962 = %parallel_loop3A_959 to %parallel_loop3A_960 step %parallel_loop3A_961  : i32 {
        %parallel_loop3A_963 = arith.index_cast %parallel_loop3A_958 : i32 to index
        %parallel_loop3A_964 = arith.index_cast %parallel_loop3A_962 : i32 to index
        %parallel_loop3A_965 = tpu.vector_load %arg13[%parallel_loop3A_963, %parallel_loop3A_964] {strides = array<i32>} : memref<8x768xf32, #tpu.memory_space<vmem>>, vector<1x16xf32>,
        %parallel_loop3A_966 = vector.shape_cast %parallel_loop3A_965 : vector<1x16xf32> to vector<16xf32>
        %parallel_loop3A_967 = arith.index_cast %parallel_loop3A_958 : i32 to index
        %parallel_loop3A_968 = arith.index_cast %parallel_loop3A_962 : i32 to index
        %parallel_loop3A_969 = tpu.vector_load %arg9[%parallel_loop3A_967, %parallel_loop3A_968] {strides = array<i32>} : memref<32x768xf32, #tpu.memory_space<vmem>>, vector<1x16xf32>,
        %parallel_loop3A_970 = vector.shape_cast %parallel_loop3A_969 : vector<1x16xf32> to vector<16xf32>
        %parallel_loop3A_971 = arith.constant 27.7128124 : f32
        %parallel_loop3A_972 = vector.broadcast %parallel_loop3A_971 : f32 to vector<16xf32>
        %parallel_loop3A_973 = arith.mulf %parallel_loop3A_970, %parallel_loop3A_972 : vector<16xf32>
        %parallel_loop3A_974 = arith.addf %parallel_loop3A_973, %parallel_loop3A_966 : vector<16xf32>
        %parallel_loop3A_975 = arith.index_cast %parallel_loop3A_958 : i32 to index
        %parallel_loop3A_976 = arith.index_cast %parallel_loop3A_962 : i32 to index
        %parallel_loop3A_977 = tpu.vector_load %arg9[%parallel_loop3A_975, %parallel_loop3A_976] {strides = array<i32>} : memref<32x768xf32, #tpu.memory_space<vmem>>, vector<1x16xf32>,
        %parallel_loop3A_978 = vector.shape_cast %parallel_loop3A_977 : vector<1x16xf32> to vector<16xf32>
        %parallel_loop3A_979 = vector.shape_cast %parallel_loop3A_974 : vector<16xf32> to vector<1x16xf32>
        tpu.vector_store %arg9[%parallel_loop3A_975, %parallel_loop3A_976], %parallel_loop3A_979 {strides = array<i32>} : memref<32x768xf32, #tpu.memory_space<vmem>>, vector<1x16xf32>,
        %parallel_loop3A_980 = arith.constant 8 : i32
        %parallel_loop3A_981 = arith.addi %parallel_loop3A_980, %parallel_loop3A_958 : i32
        %parallel_loop3A_982 = arith.index_cast %parallel_loop3A_981 : i32 to index
        %parallel_loop3A_983 = arith.index_cast %parallel_loop3A_962 : i32 to index
        %parallel_loop3A_984 = tpu.vector_load %arg9[%parallel_loop3A_982, %parallel_loop3A_983] {strides = array<i32>} : memref<32x768xf32, #tpu.memory_space<vmem>>, vector<1x16xf32>,
        %parallel_loop3A_985 = vector.shape_cast %parallel_loop3A_984 : vector<1x16xf32> to vector<16xf32>
        %parallel_loop3A_986 = arith.constant 27.7128124 : f32
        %parallel_loop3A_987 = vector.broadcast %parallel_loop3A_986 : f32 to vector<16xf32>
        %parallel_loop3A_988 = arith.mulf %parallel_loop3A_985, %parallel_loop3A_987 : vector<16xf32>
        %parallel_loop3A_989 = arith.addf %parallel_loop3A_988, %parallel_loop3A_966 : vector<16xf32>
        %parallel_loop3A_990 = arith.constant 8 : i32
        %parallel_loop3A_991 = arith.addi %parallel_loop3A_990, %parallel_loop3A_958 : i32
        %parallel_loop3A_992 = arith.index_cast %parallel_loop3A_991 : i32 to index
        %parallel_loop3A_993 = arith.index_cast %parallel_loop3A_962 : i32 to index
        %parallel_loop3A_994 = tpu.vector_load %arg9[%parallel_loop3A_992, %parallel_loop3A_993] {strides = array<i32>} : memref<32x768xf32, #tpu.memory_space<vmem>>, vector<1x16xf32>,
        %parallel_loop3A_995 = vector.shape_cast %parallel_loop3A_994 : vector<1x16xf32> to vector<16xf32>
        %parallel_loop3A_996 = vector.shape_cast %parallel_loop3A_989 : vector<16xf32> to vector<1x16xf32>
        tpu.vector_store %arg9[%parallel_loop3A_992, %parallel_loop3A_993], %parallel_loop3A_996 {strides = array<i32>} : memref<32x768xf32, #tpu.memory_space<vmem>>, vector<1x16xf32>,
        %parallel_loop3A_997 = arith.constant 16 : i32
        %parallel_loop3A_998 = arith.addi %parallel_loop3A_997, %parallel_loop3A_958 : i32
        %parallel_loop3A_999 = arith.index_cast %parallel_loop3A_998 : i32 to index
        %parallel_loop3A_1000 = arith.index_cast %parallel_loop3A_962 : i32 to index
        %parallel_loop3A_1001 = tpu.vector_load %arg9[%parallel_loop3A_999, %parallel_loop3A_1000] {strides = array<i32>} : memref<32x768xf32, #tpu.memory_space<vmem>>, vector<1x16xf32>,
        %parallel_loop3A_1002 = vector.shape_cast %parallel_loop3A_1001 : vector<1x16xf32> to vector<16xf32>
        %parallel_loop3A_1003 = arith.constant 27.7128124 : f32
        %parallel_loop3A_1004 = vector.broadcast %parallel_loop3A_1003 : f32 to vector<16xf32>
        %parallel_loop3A_1005 = arith.mulf %parallel_loop3A_1002, %parallel_loop3A_1004 : vector<16xf32>
        %parallel_loop3A_1006 = arith.addf %parallel_loop3A_1005, %parallel_loop3A_966 : vector<16xf32>
        %parallel_loop3A_1007 = arith.constant 16 : i32
        %parallel_loop3A_1008 = arith.addi %parallel_loop3A_1007, %parallel_loop3A_958 : i32
        %parallel_loop3A_1009 = arith.index_cast %parallel_loop3A_1008 : i32 to index
        %parallel_loop3A_1010 = arith.index_cast %parallel_loop3A_962 : i32 to index
        %parallel_loop3A_1011 = tpu.vector_load %arg9[%parallel_loop3A_1009, %parallel_loop3A_1010] {strides = array<i32>} : memref<32x768xf32, #tpu.memory_space<vmem>>, vector<1x16xf32>,
        %parallel_loop3A_1012 = vector.shape_cast %parallel_loop3A_1011 : vector<1x16xf32> to vector<16xf32>
        %parallel_loop3A_1013 = vector.shape_cast %parallel_loop3A_1006 : vector<16xf32> to vector<1x16xf32>
        tpu.vector_store %arg9[%parallel_loop3A_1009, %parallel_loop3A_1010], %parallel_loop3A_1013 {strides = array<i32>} : memref<32x768xf32, #tpu.memory_space<vmem>>, vector<1x16xf32>,
        %parallel_loop3A_1014 = arith.constant 24 : i32
        %parallel_loop3A_1015 = arith.addi %parallel_loop3A_1014, %parallel_loop3A_958 : i32
        %parallel_loop3A_1016 = arith.index_cast %parallel_loop3A_1015 : i32 to index
        %parallel_loop3A_1017 = arith.index_cast %parallel_loop3A_962 : i32 to index
        %parallel_loop3A_1018 = tpu.vector_load %arg9[%parallel_loop3A_1016, %parallel_loop3A_1017] {strides = array<i32>} : memref<32x768xf32, #tpu.memory_space<vmem>>, vector<1x16xf32>,
        %parallel_loop3A_1019 = vector.shape_cast %parallel_loop3A_1018 : vector<1x16xf32> to vector<16xf32>
        %parallel_loop3A_1020 = arith.constant 27.7128124 : f32
        %parallel_loop3A_1021 = vector.broadcast %parallel_loop3A_1020 : f32 to vector<16xf32>
        %parallel_loop3A_1022 = arith.mulf %parallel_loop3A_1019, %parallel_loop3A_1021 : vector<16xf32>
        %parallel_loop3A_1023 = arith.addf %parallel_loop3A_1022, %parallel_loop3A_966 : vector<16xf32>
        %parallel_loop3A_1024 = arith.constant 24 : i32
        %parallel_loop3A_1025 = arith.addi %parallel_loop3A_1024, %parallel_loop3A_958 : i32
        %parallel_loop3A_1026 = arith.index_cast %parallel_loop3A_1025 : i32 to index
        %parallel_loop3A_1027 = arith.index_cast %parallel_loop3A_962 : i32 to index
        %parallel_loop3A_1028 = tpu.vector_load %arg9[%parallel_loop3A_1026, %parallel_loop3A_1027] {strides = array<i32>} : memref<32x768xf32, #tpu.memory_space<vmem>>, vector<1x16xf32>,
        %parallel_loop3A_1029 = vector.shape_cast %parallel_loop3A_1028 : vector<1x16xf32> to vector<16xf32>
        %parallel_loop3A_1030 = vector.shape_cast %parallel_loop3A_1023 : vector<16xf32> to vector<1x16xf32>
        tpu.vector_store %arg9[%parallel_loop3A_1026, %parallel_loop3A_1027], %parallel_loop3A_1030 {strides = array<i32>} : memref<32x768xf32, #tpu.memory_space<vmem>>, vector<1x16xf32>,
      } {sc.loop_unroll_factor = 4 : i64, sc.parallel_access}
    } {sc.loop_unroll_factor = 1 : i64, sc.parallel_access}
    %add3A_674 = arith.constant 0 : i32
    %add3A_675 = arith.addi %add3A_674, %mul3A_2 : i32
    %add3A_676 = arith.constant 48 : i32
    %add3A_677 = arith.addi %add3A_675, %add3A_676 : i32
    %dma_start3A_678 = arith.constant 0 : i32
    %dma_start3A_679 = arith.constant 0 : i32
    %dma_start3A_680 = tpu.memref_slice %arg9[%dma_start3A_678, %dma_start3A_679] : memref<32x768xf32, #tpu.memory_space<vmem>> -> memref<8x768xf32, #tpu.memory_space<vmem>>
    %dma_start3A_681 = arith.constant 0 : i32
    %dma_start3A_682 = tpu.memref_slice %arg5[%add3A_677, %dma_start3A_681] : memref<8192x768xf32, #tpu.memory_space<hbm>> -> memref<8x768xf32, #tpu.memory_space<hbm>>
    %dma_start3A_683 = arith.constant 0 : i32
    %dma_start3A_684 = tpu.memref_slice %arg5[%add3A_677, %dma_start3A_683] : memref<8192x768xf32, #tpu.memory_space<hbm>> -> memref<8x768xf32, #tpu.memory_space<hbm>>
    %dma_start3A_685 = arith.constant 0 : i32
    %dma_start3A_686 = arith.constant 0 : i32
    %dma_start3A_687 = tpu.memref_slice %arg9[%dma_start3A_685, %dma_start3A_686] : memref<32x768xf32, #tpu.memory_space<vmem>> -> memref<8x768xf32, #tpu.memory_space<vmem>>
    tpu.enqueue_dma source(%dma_start3A_687 : memref<8x768xf32, #tpu.memory_space<vmem>>) target(%dma_start3A_684 : memref<8x768xf32, #tpu.memory_space<hbm>>) target_semaphore(%arg22 : memref<!tpu.dma_semaphore, #tpu.memory_space<semaphore_mem>>)
    %add3A_688 = arith.constant 2048 : i32
    %add3A_689 = arith.addi %add3A_688, %mul3A_2 : i32
    %add3A_690 = arith.constant 48 : i32
    %add3A_691 = arith.addi %add3A_689, %add3A_690 : i32
    %dma_start3A_692 = arith.constant 8 : i32
    %dma_start3A_693 = arith.constant 0 : i32
    %dma_start3A_694 = tpu.memref_slice %arg9[%dma_start3A_692, %dma_start3A_693] : memref<32x768xf32, #tpu.memory_space<vmem>> -> memref<8x768xf32, #tpu.memory_space<vmem>>
    %dma_start3A_695 = arith.constant 0 : i32
    %dma_start3A_696 = tpu.memref_slice %arg5[%add3A_691, %dma_start3A_695] : memref<8192x768xf32, #tpu.memory_space<hbm>> -> memref<8x768xf32, #tpu.memory_space<hbm>>
    %dma_start3A_697 = arith.constant 0 : i32
    %dma_start3A_698 = tpu.memref_slice %arg5[%add3A_691, %dma_start3A_697] : memref<8192x768xf32, #tpu.memory_space<hbm>> -> memref<8x768xf32, #tpu.memory_space<hbm>>
    %dma_start3A_699 = arith.constant 8 : i32
    %dma_start3A_700 = arith.constant 0 : i32
    %dma_start3A_701 = tpu.memref_slice %arg9[%dma_start3A_699, %dma_start3A_700] : memref<32x768xf32, #tpu.memory_space<vmem>> -> memref<8x768xf32, #tpu.memory_space<vmem>>
    tpu.enqueue_dma source(%dma_start3A_701 : memref<8x768xf32, #tpu.memory_space<vmem>>) target(%dma_start3A_698 : memref<8x768xf32, #tpu.memory_space<hbm>>) target_semaphore(%arg22 : memref<!tpu.dma_semaphore, #tpu.memory_space<semaphore_mem>>)
    %add3A_702 = arith.constant 4096 : i32
    %add3A_703 = arith.addi %add3A_702, %mul3A_2 : i32
    %add3A_704 = arith.constant 48 : i32
    %add3A_705 = arith.addi %add3A_703, %add3A_704 : i32
    %dma_start3A_706 = arith.constant 16 : i32
    %dma_start3A_707 = arith.constant 0 : i32
    %dma_start3A_708 = tpu.memref_slice %arg9[%dma_start3A_706, %dma_start3A_707] : memref<32x768xf32, #tpu.memory_space<vmem>> -> memref<8x768xf32, #tpu.memory_space<vmem>>
    %dma_start3A_709 = arith.constant 0 : i32
    %dma_start3A_710 = tpu.memref_slice %arg5[%add3A_705, %dma_start3A_709] : memref<8192x768xf32, #tpu.memory_space<hbm>> -> memref<8x768xf32, #tpu.memory_space<hbm>>
    %dma_start3A_711 = arith.constant 0 : i32
    %dma_start3A_712 = tpu.memref_slice %arg5[%add3A_705, %dma_start3A_711] : memref<8192x768xf32, #tpu.memory_space<hbm>> -> memref<8x768xf32, #tpu.memory_space<hbm>>
    %dma_start3A_713 = arith.constant 16 : i32
    %dma_start3A_714 = arith.constant 0 : i32
    %dma_start3A_715 = tpu.memref_slice %arg9[%dma_start3A_713, %dma_start3A_714] : memref<32x768xf32, #tpu.memory_space<vmem>> -> memref<8x768xf32, #tpu.memory_space<vmem>>
    tpu.enqueue_dma source(%dma_start3A_715 : memref<8x768xf32, #tpu.memory_space<vmem>>) target(%dma_start3A_712 : memref<8x768xf32, #tpu.memory_space<hbm>>) target_semaphore(%arg22 : memref<!tpu.dma_semaphore, #tpu.memory_space<semaphore_mem>>)
    %add3A_716 = arith.constant 6144 : i32
    %add3A_717 = arith.addi %add3A_716, %mul3A_2 : i32
    %add3A_718 = arith.constant 48 : i32
    %add3A_719 = arith.addi %add3A_717, %add3A_718 : i32
    %dma_start3A_720 = arith.constant 24 : i32
    %dma_start3A_721 = arith.constant 0 : i32
    %dma_start3A_722 = tpu.memref_slice %arg9[%dma_start3A_720, %dma_start3A_721] : memref<32x768xf32, #tpu.memory_space<vmem>> -> memref<8x768xf32, #tpu.memory_space<vmem>>
    %dma_start3A_723 = arith.constant 0 : i32
    %dma_start3A_724 = tpu.memref_slice %arg5[%add3A_719, %dma_start3A_723] : memref<8192x768xf32, #tpu.memory_space<hbm>> -> memref<8x768xf32, #tpu.memory_space<hbm>>
    %dma_start3A_725 = arith.constant 0 : i32
    %dma_start3A_726 = tpu.memref_slice %arg5[%add3A_719, %dma_start3A_725] : memref<8192x768xf32, #tpu.memory_space<hbm>> -> memref<8x768xf32, #tpu.memory_space<hbm>>
    %dma_start3A_727 = arith.constant 24 : i32
    %dma_start3A_728 = arith.constant 0 : i32
    %dma_start3A_729 = tpu.memref_slice %arg9[%dma_start3A_727, %dma_start3A_728] : memref<32x768xf32, #tpu.memory_space<vmem>> -> memref<8x768xf32, #tpu.memory_space<vmem>>
    tpu.enqueue_dma source(%dma_start3A_729 : memref<8x768xf32, #tpu.memory_space<vmem>>) target(%dma_start3A_726 : memref<8x768xf32, #tpu.memory_space<hbm>>) target_semaphore(%arg22 : memref<!tpu.dma_semaphore, #tpu.memory_space<semaphore_mem>>)
    %dma_wait3A_730 = arith.constant 0 : i32
    %dma_wait3A_731 = tpu.memref_slice %arg4[%add3A_593, %dma_wait3A_730] : memref<2048x768xf32, #tpu.memory_space<hbm>> -> memref<8x768xf32, #tpu.memory_space<hbm>>
    %dma_wait3A_732 = arith.constant 0 : i32
    %dma_wait3A_733 = tpu.memref_slice %arg4[%add3A_593, %dma_wait3A_732] : memref<2048x768xf32, #tpu.memory_space<hbm>> -> memref<8x768xf32, #tpu.memory_space<hbm>>
    tpu.wait_dma2 semaphore(%arg19 : memref<!tpu.dma_semaphore, #tpu.memory_space<semaphore_mem>>) src(%dma_wait3A_733 : memref<8x768xf32, #tpu.memory_space<hbm>>) dst(%arg14 : memref<8x768xf32, #tpu.memory_space<vmem>>)
    %dma_wait3A_734 = arith.constant 224 : i32
    %dma_wait3A_735 = tpu.memref_slice %arg6[%dma_wait3A_734] : memref<256xi32, #tpu.memory_space<vmem>> -> memref<32xi32, #tpu.memory_space<vmem>>
    %dma_wait3A_736 = arith.constant 0 : i32
    %dma_wait3A_737 = arith.constant 0 : i32
    %dma_wait3A_738 = tpu.memref_slice %arg3[%dma_wait3A_736, %dma_wait3A_737] : memref<100000x768xf32, #tpu.memory_space<hbm>> -> memref<100000x768xf32, #tpu.memory_space<hbm>>
    tpu.wait_indirect_dma semaphore(%arg19 : memref<!tpu.dma_semaphore, #tpu.memory_space<semaphore_mem>>) src(%dma_wait3A_738 : memref<100000x768xf32, #tpu.memory_space<hbm>>) dst(%arg10 : memref<32x768xf32, #tpu.memory_space<vmem>>)
    %parallel_loop3A_739 = arith.constant 0 : i32
    %parallel_loop3A_740 = arith.constant 8 : i32
    %parallel_loop3A_741 = arith.constant 1 : i32
    scf.for %parallel_loop3A_958 = %parallel_loop3A_739 to %parallel_loop3A_740 step %parallel_loop3A_741  : i32 {
      %parallel_loop3A_959 = arith.constant 0 : i32
      %parallel_loop3A_960 = arith.constant 768 : i32
      %parallel_loop3A_961 = arith.constant 16 : i32
      scf.for %parallel_loop3A_962 = %parallel_loop3A_959 to %parallel_loop3A_960 step %parallel_loop3A_961  : i32 {
        %parallel_loop3A_963 = arith.index_cast %parallel_loop3A_958 : i32 to index
        %parallel_loop3A_964 = arith.index_cast %parallel_loop3A_962 : i32 to index
        %parallel_loop3A_965 = tpu.vector_load %arg14[%parallel_loop3A_963, %parallel_loop3A_964] {strides = array<i32>} : memref<8x768xf32, #tpu.memory_space<vmem>>, vector<1x16xf32>,
        %parallel_loop3A_966 = vector.shape_cast %parallel_loop3A_965 : vector<1x16xf32> to vector<16xf32>
        %parallel_loop3A_967 = arith.index_cast %parallel_loop3A_958 : i32 to index
        %parallel_loop3A_968 = arith.index_cast %parallel_loop3A_962 : i32 to index
        %parallel_loop3A_969 = tpu.vector_load %arg10[%parallel_loop3A_967, %parallel_loop3A_968] {strides = array<i32>} : memref<32x768xf32, #tpu.memory_space<vmem>>, vector<1x16xf32>,
        %parallel_loop3A_970 = vector.shape_cast %parallel_loop3A_969 : vector<1x16xf32> to vector<16xf32>
        %parallel_loop3A_971 = arith.constant 27.7128124 : f32
        %parallel_loop3A_972 = vector.broadcast %parallel_loop3A_971 : f32 to vector<16xf32>
        %parallel_loop3A_973 = arith.mulf %parallel_loop3A_970, %parallel_loop3A_972 : vector<16xf32>
        %parallel_loop3A_974 = arith.addf %parallel_loop3A_973, %parallel_loop3A_966 : vector<16xf32>
        %parallel_loop3A_975 = arith.index_cast %parallel_loop3A_958 : i32 to index
        %parallel_loop3A_976 = arith.index_cast %parallel_loop3A_962 : i32 to index
        %parallel_loop3A_977 = tpu.vector_load %arg10[%parallel_loop3A_975, %parallel_loop3A_976] {strides = array<i32>} : memref<32x768xf32, #tpu.memory_space<vmem>>, vector<1x16xf32>,
        %parallel_loop3A_978 = vector.shape_cast %parallel_loop3A_977 : vector<1x16xf32> to vector<16xf32>
        %parallel_loop3A_979 = vector.shape_cast %parallel_loop3A_974 : vector<16xf32> to vector<1x16xf32>
        tpu.vector_store %arg10[%parallel_loop3A_975, %parallel_loop3A_976], %parallel_loop3A_979 {strides = array<i32>} : memref<32x768xf32, #tpu.memory_space<vmem>>, vector<1x16xf32>,
        %parallel_loop3A_980 = arith.constant 8 : i32
        %parallel_loop3A_981 = arith.addi %parallel_loop3A_980, %parallel_loop3A_958 : i32
        %parallel_loop3A_982 = arith.index_cast %parallel_loop3A_981 : i32 to index
        %parallel_loop3A_983 = arith.index_cast %parallel_loop3A_962 : i32 to index
        %parallel_loop3A_984 = tpu.vector_load %arg10[%parallel_loop3A_982, %parallel_loop3A_983] {strides = array<i32>} : memref<32x768xf32, #tpu.memory_space<vmem>>, vector<1x16xf32>,
        %parallel_loop3A_985 = vector.shape_cast %parallel_loop3A_984 : vector<1x16xf32> to vector<16xf32>
        %parallel_loop3A_986 = arith.constant 27.7128124 : f32
        %parallel_loop3A_987 = vector.broadcast %parallel_loop3A_986 : f32 to vector<16xf32>
        %parallel_loop3A_988 = arith.mulf %parallel_loop3A_985, %parallel_loop3A_987 : vector<16xf32>
        %parallel_loop3A_989 = arith.addf %parallel_loop3A_988, %parallel_loop3A_966 : vector<16xf32>
        %parallel_loop3A_990 = arith.constant 8 : i32
        %parallel_loop3A_991 = arith.addi %parallel_loop3A_990, %parallel_loop3A_958 : i32
        %parallel_loop3A_992 = arith.index_cast %parallel_loop3A_991 : i32 to index
        %parallel_loop3A_993 = arith.index_cast %parallel_loop3A_962 : i32 to index
        %parallel_loop3A_994 = tpu.vector_load %arg10[%parallel_loop3A_992, %parallel_loop3A_993] {strides = array<i32>} : memref<32x768xf32, #tpu.memory_space<vmem>>, vector<1x16xf32>,
        %parallel_loop3A_995 = vector.shape_cast %parallel_loop3A_994 : vector<1x16xf32> to vector<16xf32>
        %parallel_loop3A_996 = vector.shape_cast %parallel_loop3A_989 : vector<16xf32> to vector<1x16xf32>
        tpu.vector_store %arg10[%parallel_loop3A_992, %parallel_loop3A_993], %parallel_loop3A_996 {strides = array<i32>} : memref<32x768xf32, #tpu.memory_space<vmem>>, vector<1x16xf32>,
        %parallel_loop3A_997 = arith.constant 16 : i32
        %parallel_loop3A_998 = arith.addi %parallel_loop3A_997, %parallel_loop3A_958 : i32
        %parallel_loop3A_999 = arith.index_cast %parallel_loop3A_998 : i32 to index
        %parallel_loop3A_1000 = arith.index_cast %parallel_loop3A_962 : i32 to index
        %parallel_loop3A_1001 = tpu.vector_load %arg10[%parallel_loop3A_999, %parallel_loop3A_1000] {strides = array<i32>} : memref<32x768xf32, #tpu.memory_space<vmem>>, vector<1x16xf32>,
        %parallel_loop3A_1002 = vector.shape_cast %parallel_loop3A_1001 : vector<1x16xf32> to vector<16xf32>
        %parallel_loop3A_1003 = arith.constant 27.7128124 : f32
        %parallel_loop3A_1004 = vector.broadcast %parallel_loop3A_1003 : f32 to vector<16xf32>
        %parallel_loop3A_1005 = arith.mulf %parallel_loop3A_1002, %parallel_loop3A_1004 : vector<16xf32>
        %parallel_loop3A_1006 = arith.addf %parallel_loop3A_1005, %parallel_loop3A_966 : vector<16xf32>
        %parallel_loop3A_1007 = arith.constant 16 : i32
        %parallel_loop3A_1008 = arith.addi %parallel_loop3A_1007, %parallel_loop3A_958 : i32
        %parallel_loop3A_1009 = arith.index_cast %parallel_loop3A_1008 : i32 to index
        %parallel_loop3A_1010 = arith.index_cast %parallel_loop3A_962 : i32 to index
        %parallel_loop3A_1011 = tpu.vector_load %arg10[%parallel_loop3A_1009, %parallel_loop3A_1010] {strides = array<i32>} : memref<32x768xf32, #tpu.memory_space<vmem>>, vector<1x16xf32>,
        %parallel_loop3A_1012 = vector.shape_cast %parallel_loop3A_1011 : vector<1x16xf32> to vector<16xf32>
        %parallel_loop3A_1013 = vector.shape_cast %parallel_loop3A_1006 : vector<16xf32> to vector<1x16xf32>
        tpu.vector_store %arg10[%parallel_loop3A_1009, %parallel_loop3A_1010], %parallel_loop3A_1013 {strides = array<i32>} : memref<32x768xf32, #tpu.memory_space<vmem>>, vector<1x16xf32>,
        %parallel_loop3A_1014 = arith.constant 24 : i32
        %parallel_loop3A_1015 = arith.addi %parallel_loop3A_1014, %parallel_loop3A_958 : i32
        %parallel_loop3A_1016 = arith.index_cast %parallel_loop3A_1015 : i32 to index
        %parallel_loop3A_1017 = arith.index_cast %parallel_loop3A_962 : i32 to index
        %parallel_loop3A_1018 = tpu.vector_load %arg10[%parallel_loop3A_1016, %parallel_loop3A_1017] {strides = array<i32>} : memref<32x768xf32, #tpu.memory_space<vmem>>, vector<1x16xf32>,
        %parallel_loop3A_1019 = vector.shape_cast %parallel_loop3A_1018 : vector<1x16xf32> to vector<16xf32>
        %parallel_loop3A_1020 = arith.constant 27.7128124 : f32
        %parallel_loop3A_1021 = vector.broadcast %parallel_loop3A_1020 : f32 to vector<16xf32>
        %parallel_loop3A_1022 = arith.mulf %parallel_loop3A_1019, %parallel_loop3A_1021 : vector<16xf32>
        %parallel_loop3A_1023 = arith.addf %parallel_loop3A_1022, %parallel_loop3A_966 : vector<16xf32>
        %parallel_loop3A_1024 = arith.constant 24 : i32
        %parallel_loop3A_1025 = arith.addi %parallel_loop3A_1024, %parallel_loop3A_958 : i32
        %parallel_loop3A_1026 = arith.index_cast %parallel_loop3A_1025 : i32 to index
        %parallel_loop3A_1027 = arith.index_cast %parallel_loop3A_962 : i32 to index
        %parallel_loop3A_1028 = tpu.vector_load %arg10[%parallel_loop3A_1026, %parallel_loop3A_1027] {strides = array<i32>} : memref<32x768xf32, #tpu.memory_space<vmem>>, vector<1x16xf32>,
        %parallel_loop3A_1029 = vector.shape_cast %parallel_loop3A_1028 : vector<1x16xf32> to vector<16xf32>
        %parallel_loop3A_1030 = vector.shape_cast %parallel_loop3A_1023 : vector<16xf32> to vector<1x16xf32>
        tpu.vector_store %arg10[%parallel_loop3A_1026, %parallel_loop3A_1027], %parallel_loop3A_1030 {strides = array<i32>} : memref<32x768xf32, #tpu.memory_space<vmem>>, vector<1x16xf32>,
      } {sc.loop_unroll_factor = 4 : i64, sc.parallel_access}
    } {sc.loop_unroll_factor = 1 : i64, sc.parallel_access}
    %add3A_742 = arith.constant 0 : i32
    %add3A_743 = arith.addi %add3A_742, %mul3A_2 : i32
    %add3A_744 = arith.constant 56 : i32
    %add3A_745 = arith.addi %add3A_743, %add3A_744 : i32
    %dma_start3A_746 = arith.constant 0 : i32
    %dma_start3A_747 = arith.constant 0 : i32
    %dma_start3A_748 = tpu.memref_slice %arg10[%dma_start3A_746, %dma_start3A_747] : memref<32x768xf32, #tpu.memory_space<vmem>> -> memref<8x768xf32, #tpu.memory_space<vmem>>
    %dma_start3A_749 = arith.constant 0 : i32
    %dma_start3A_750 = tpu.memref_slice %arg5[%add3A_745, %dma_start3A_749] : memref<8192x768xf32, #tpu.memory_space<hbm>> -> memref<8x768xf32, #tpu.memory_space<hbm>>
    %dma_start3A_751 = arith.constant 0 : i32
    %dma_start3A_752 = tpu.memref_slice %arg5[%add3A_745, %dma_start3A_751] : memref<8192x768xf32, #tpu.memory_space<hbm>> -> memref<8x768xf32, #tpu.memory_space<hbm>>
    %dma_start3A_753 = arith.constant 0 : i32
    %dma_start3A_754 = arith.constant 0 : i32
    %dma_start3A_755 = tpu.memref_slice %arg10[%dma_start3A_753, %dma_start3A_754] : memref<32x768xf32, #tpu.memory_space<vmem>> -> memref<8x768xf32, #tpu.memory_space<vmem>>
    tpu.enqueue_dma source(%dma_start3A_755 : memref<8x768xf32, #tpu.memory_space<vmem>>) target(%dma_start3A_752 : memref<8x768xf32, #tpu.memory_space<hbm>>) target_semaphore(%arg23 : memref<!tpu.dma_semaphore, #tpu.memory_space<semaphore_mem>>)
    %add3A_756 = arith.constant 2048 : i32
    %add3A_757 = arith.addi %add3A_756, %mul3A_2 : i32
    %add3A_758 = arith.constant 56 : i32
    %add3A_759 = arith.addi %add3A_757, %add3A_758 : i32
    %dma_start3A_760 = arith.constant 8 : i32
    %dma_start3A_761 = arith.constant 0 : i32
    %dma_start3A_762 = tpu.memref_slice %arg10[%dma_start3A_760, %dma_start3A_761] : memref<32x768xf32, #tpu.memory_space<vmem>> -> memref<8x768xf32, #tpu.memory_space<vmem>>
    %dma_start3A_763 = arith.constant 0 : i32
    %dma_start3A_764 = tpu.memref_slice %arg5[%add3A_759, %dma_start3A_763] : memref<8192x768xf32, #tpu.memory_space<hbm>> -> memref<8x768xf32, #tpu.memory_space<hbm>>
    %dma_start3A_765 = arith.constant 0 : i32
    %dma_start3A_766 = tpu.memref_slice %arg5[%add3A_759, %dma_start3A_765] : memref<8192x768xf32, #tpu.memory_space<hbm>> -> memref<8x768xf32, #tpu.memory_space<hbm>>
    %dma_start3A_767 = arith.constant 8 : i32
    %dma_start3A_768 = arith.constant 0 : i32
    %dma_start3A_769 = tpu.memref_slice %arg10[%dma_start3A_767, %dma_start3A_768] : memref<32x768xf32, #tpu.memory_space<vmem>> -> memref<8x768xf32, #tpu.memory_space<vmem>>
    tpu.enqueue_dma source(%dma_start3A_769 : memref<8x768xf32, #tpu.memory_space<vmem>>) target(%dma_start3A_766 : memref<8x768xf32, #tpu.memory_space<hbm>>) target_semaphore(%arg23 : memref<!tpu.dma_semaphore, #tpu.memory_space<semaphore_mem>>)
    %add3A_770 = arith.constant 4096 : i32
    %add3A_771 = arith.addi %add3A_770, %mul3A_2 : i32
    %add3A_772 = arith.constant 56 : i32
    %add3A_773 = arith.addi %add3A_771, %add3A_772 : i32
    %dma_start3A_774 = arith.constant 16 : i32
    %dma_start3A_775 = arith.constant 0 : i32
    %dma_start3A_776 = tpu.memref_slice %arg10[%dma_start3A_774, %dma_start3A_775] : memref<32x768xf32, #tpu.memory_space<vmem>> -> memref<8x768xf32, #tpu.memory_space<vmem>>
    %dma_start3A_777 = arith.constant 0 : i32
    %dma_start3A_778 = tpu.memref_slice %arg5[%add3A_773, %dma_start3A_777] : memref<8192x768xf32, #tpu.memory_space<hbm>> -> memref<8x768xf32, #tpu.memory_space<hbm>>
    %dma_start3A_779 = arith.constant 0 : i32
    %dma_start3A_780 = tpu.memref_slice %arg5[%add3A_773, %dma_start3A_779] : memref<8192x768xf32, #tpu.memory_space<hbm>> -> memref<8x768xf32, #tpu.memory_space<hbm>>
    %dma_start3A_781 = arith.constant 16 : i32
    %dma_start3A_782 = arith.constant 0 : i32
    %dma_start3A_783 = tpu.memref_slice %arg10[%dma_start3A_781, %dma_start3A_782] : memref<32x768xf32, #tpu.memory_space<vmem>> -> memref<8x768xf32, #tpu.memory_space<vmem>>
    tpu.enqueue_dma source(%dma_start3A_783 : memref<8x768xf32, #tpu.memory_space<vmem>>) target(%dma_start3A_780 : memref<8x768xf32, #tpu.memory_space<hbm>>) target_semaphore(%arg23 : memref<!tpu.dma_semaphore, #tpu.memory_space<semaphore_mem>>)
    %add3A_784 = arith.constant 6144 : i32
    %add3A_785 = arith.addi %add3A_784, %mul3A_2 : i32
    %add3A_786 = arith.constant 56 : i32
    %add3A_787 = arith.addi %add3A_785, %add3A_786 : i32
    %dma_start3A_788 = arith.constant 24 : i32
    %dma_start3A_789 = arith.constant 0 : i32
    %dma_start3A_790 = tpu.memref_slice %arg10[%dma_start3A_788, %dma_start3A_789] : memref<32x768xf32, #tpu.memory_space<vmem>> -> memref<8x768xf32, #tpu.memory_space<vmem>>
    %dma_start3A_791 = arith.constant 0 : i32
    %dma_start3A_792 = tpu.memref_slice %arg5[%add3A_787, %dma_start3A_791] : memref<8192x768xf32, #tpu.memory_space<hbm>> -> memref<8x768xf32, #tpu.memory_space<hbm>>
    %dma_start3A_793 = arith.constant 0 : i32
    %dma_start3A_794 = tpu.memref_slice %arg5[%add3A_787, %dma_start3A_793] : memref<8192x768xf32, #tpu.memory_space<hbm>> -> memref<8x768xf32, #tpu.memory_space<hbm>>
    %dma_start3A_795 = arith.constant 24 : i32
    %dma_start3A_796 = arith.constant 0 : i32
    %dma_start3A_797 = tpu.memref_slice %arg10[%dma_start3A_795, %dma_start3A_796] : memref<32x768xf32, #tpu.memory_space<vmem>> -> memref<8x768xf32, #tpu.memory_space<vmem>>
    tpu.enqueue_dma source(%dma_start3A_797 : memref<8x768xf32, #tpu.memory_space<vmem>>) target(%dma_start3A_794 : memref<8x768xf32, #tpu.memory_space<hbm>>) target_semaphore(%arg23 : memref<!tpu.dma_semaphore, #tpu.memory_space<semaphore_mem>>)
    %dma_wait3A_798 = arith.constant 0 : i32
    %dma_wait3A_799 = arith.constant 0 : i32
    %dma_wait3A_800 = tpu.memref_slice %arg7[%dma_wait3A_798, %dma_wait3A_799] : memref<32x768xf32, #tpu.memory_space<vmem>> -> memref<8x768xf32, #tpu.memory_space<vmem>>
    %dma_wait3A_801 = arith.constant 0 : i32
    %dma_wait3A_802 = tpu.memref_slice %arg5[%add3A_490, %dma_wait3A_801] : memref<8192x768xf32, #tpu.memory_space<hbm>> -> memref<8x768xf32, #tpu.memory_space<hbm>>
    %dma_wait3A_803 = arith.constant 0 : i32
    %dma_wait3A_804 = tpu.memref_slice %arg5[%add3A_490, %dma_wait3A_803] : memref<8192x768xf32, #tpu.memory_space<hbm>> -> memref<8x768xf32, #tpu.memory_space<hbm>>
    %dma_wait3A_805 = arith.constant 0 : i32
    %dma_wait3A_806 = arith.constant 0 : i32
    %dma_wait3A_807 = tpu.memref_slice %arg7[%dma_wait3A_805, %dma_wait3A_806] : memref<32x768xf32, #tpu.memory_space<vmem>> -> memref<8x768xf32, #tpu.memory_space<vmem>>
    tpu.wait_dma2 semaphore(%arg20 : memref<!tpu.dma_semaphore, #tpu.memory_space<semaphore_mem>>) src(%dma_wait3A_807 : memref<8x768xf32, #tpu.memory_space<vmem>>) dst(%dma_wait3A_804 : memref<8x768xf32, #tpu.memory_space<hbm>>)
    %dma_wait3A_808 = arith.constant 8 : i32
    %dma_wait3A_809 = arith.constant 0 : i32
    %dma_wait3A_810 = tpu.memref_slice %arg7[%dma_wait3A_808, %dma_wait3A_809] : memref<32x768xf32, #tpu.memory_space<vmem>> -> memref<8x768xf32, #tpu.memory_space<vmem>>
    %dma_wait3A_811 = arith.constant 0 : i32
    %dma_wait3A_812 = tpu.memref_slice %arg5[%add3A_504, %dma_wait3A_811] : memref<8192x768xf32, #tpu.memory_space<hbm>> -> memref<8x768xf32, #tpu.memory_space<hbm>>
    %dma_wait3A_813 = arith.constant 0 : i32
    %dma_wait3A_814 = tpu.memref_slice %arg5[%add3A_504, %dma_wait3A_813] : memref<8192x768xf32, #tpu.memory_space<hbm>> -> memref<8x768xf32, #tpu.memory_space<hbm>>
    %dma_wait3A_815 = arith.constant 8 : i32
    %dma_wait3A_816 = arith.constant 0 : i32
    %dma_wait3A_817 = tpu.memref_slice %arg7[%dma_wait3A_815, %dma_wait3A_816] : memref<32x768xf32, #tpu.memory_space<vmem>> -> memref<8x768xf32, #tpu.memory_space<vmem>>
    tpu.wait_dma2 semaphore(%arg20 : memref<!tpu.dma_semaphore, #tpu.memory_space<semaphore_mem>>) src(%dma_wait3A_817 : memref<8x768xf32, #tpu.memory_space<vmem>>) dst(%dma_wait3A_814 : memref<8x768xf32, #tpu.memory_space<hbm>>)
    %dma_wait3A_818 = arith.constant 16 : i32
    %dma_wait3A_819 = arith.constant 0 : i32
    %dma_wait3A_820 = tpu.memref_slice %arg7[%dma_wait3A_818, %dma_wait3A_819] : memref<32x768xf32, #tpu.memory_space<vmem>> -> memref<8x768xf32, #tpu.memory_space<vmem>>
    %dma_wait3A_821 = arith.constant 0 : i32
    %dma_wait3A_822 = tpu.memref_slice %arg5[%add3A_518, %dma_wait3A_821] : memref<8192x768xf32, #tpu.memory_space<hbm>> -> memref<8x768xf32, #tpu.memory_space<hbm>>
    %dma_wait3A_823 = arith.constant 0 : i32
    %dma_wait3A_824 = tpu.memref_slice %arg5[%add3A_518, %dma_wait3A_823] : memref<8192x768xf32, #tpu.memory_space<hbm>> -> memref<8x768xf32, #tpu.memory_space<hbm>>
    %dma_wait3A_825 = arith.constant 16 : i32
    %dma_wait3A_826 = arith.constant 0 : i32
    %dma_wait3A_827 = tpu.memref_slice %arg7[%dma_wait3A_825, %dma_wait3A_826] : memref<32x768xf32, #tpu.memory_space<vmem>> -> memref<8x768xf32, #tpu.memory_space<vmem>>
    tpu.wait_dma2 semaphore(%arg20 : memref<!tpu.dma_semaphore, #tpu.memory_space<semaphore_mem>>) src(%dma_wait3A_827 : memref<8x768xf32, #tpu.memory_space<vmem>>) dst(%dma_wait3A_824 : memref<8x768xf32, #tpu.memory_space<hbm>>)
    %dma_wait3A_828 = arith.constant 24 : i32
    %dma_wait3A_829 = arith.constant 0 : i32
    %dma_wait3A_830 = tpu.memref_slice %arg7[%dma_wait3A_828, %dma_wait3A_829] : memref<32x768xf32, #tpu.memory_space<vmem>> -> memref<8x768xf32, #tpu.memory_space<vmem>>
    %dma_wait3A_831 = arith.constant 0 : i32
    %dma_wait3A_832 = tpu.memref_slice %arg5[%add3A_532, %dma_wait3A_831] : memref<8192x768xf32, #tpu.memory_space<hbm>> -> memref<8x768xf32, #tpu.memory_space<hbm>>
    %dma_wait3A_833 = arith.constant 0 : i32
    %dma_wait3A_834 = tpu.memref_slice %arg5[%add3A_532, %dma_wait3A_833] : memref<8192x768xf32, #tpu.memory_space<hbm>> -> memref<8x768xf32, #tpu.memory_space<hbm>>
    %dma_wait3A_835 = arith.constant 24 : i32
    %dma_wait3A_836 = arith.constant 0 : i32
    %dma_wait3A_837 = tpu.memref_slice %arg7[%dma_wait3A_835, %dma_wait3A_836] : memref<32x768xf32, #tpu.memory_space<vmem>> -> memref<8x768xf32, #tpu.memory_space<vmem>>
    tpu.wait_dma2 semaphore(%arg20 : memref<!tpu.dma_semaphore, #tpu.memory_space<semaphore_mem>>) src(%dma_wait3A_837 : memref<8x768xf32, #tpu.memory_space<vmem>>) dst(%dma_wait3A_834 : memref<8x768xf32, #tpu.memory_space<hbm>>)
    %dma_wait3A_838 = arith.constant 0 : i32
    %dma_wait3A_839 = arith.constant 0 : i32
    %dma_wait3A_840 = tpu.memref_slice %arg8[%dma_wait3A_838, %dma_wait3A_839] : memref<32x768xf32, #tpu.memory_space<vmem>> -> memref<8x768xf32, #tpu.memory_space<vmem>>
    %dma_wait3A_841 = arith.constant 0 : i32
    %dma_wait3A_842 = tpu.memref_slice %arg5[%add3A_609, %dma_wait3A_841] : memref<8192x768xf32, #tpu.memory_space<hbm>> -> memref<8x768xf32, #tpu.memory_space<hbm>>
    %dma_wait3A_843 = arith.constant 0 : i32
    %dma_wait3A_844 = tpu.memref_slice %arg5[%add3A_609, %dma_wait3A_843] : memref<8192x768xf32, #tpu.memory_space<hbm>> -> memref<8x768xf32, #tpu.memory_space<hbm>>
    %dma_wait3A_845 = arith.constant 0 : i32
    %dma_wait3A_846 = arith.constant 0 : i32
    %dma_wait3A_847 = tpu.memref_slice %arg8[%dma_wait3A_845, %dma_wait3A_846] : memref<32x768xf32, #tpu.memory_space<vmem>> -> memref<8x768xf32, #tpu.memory_space<vmem>>
    tpu.wait_dma2 semaphore(%arg21 : memref<!tpu.dma_semaphore, #tpu.memory_space<semaphore_mem>>) src(%dma_wait3A_847 : memref<8x768xf32, #tpu.memory_space<vmem>>) dst(%dma_wait3A_844 : memref<8x768xf32, #tpu.memory_space<hbm>>)
    %dma_wait3A_848 = arith.constant 8 : i32
    %dma_wait3A_849 = arith.constant 0 : i32
    %dma_wait3A_850 = tpu.memref_slice %arg8[%dma_wait3A_848, %dma_wait3A_849] : memref<32x768xf32, #tpu.memory_space<vmem>> -> memref<8x768xf32, #tpu.memory_space<vmem>>
    %dma_wait3A_851 = arith.constant 0 : i32
    %dma_wait3A_852 = tpu.memref_slice %arg5[%add3A_623, %dma_wait3A_851] : memref<8192x768xf32, #tpu.memory_space<hbm>> -> memref<8x768xf32, #tpu.memory_space<hbm>>
    %dma_wait3A_853 = arith.constant 0 : i32
    %dma_wait3A_854 = tpu.memref_slice %arg5[%add3A_623, %dma_wait3A_853] : memref<8192x768xf32, #tpu.memory_space<hbm>> -> memref<8x768xf32, #tpu.memory_space<hbm>>
    %dma_wait3A_855 = arith.constant 8 : i32
    %dma_wait3A_856 = arith.constant 0 : i32
    %dma_wait3A_857 = tpu.memref_slice %arg8[%dma_wait3A_855, %dma_wait3A_856] : memref<32x768xf32, #tpu.memory_space<vmem>> -> memref<8x768xf32, #tpu.memory_space<vmem>>
    tpu.wait_dma2 semaphore(%arg21 : memref<!tpu.dma_semaphore, #tpu.memory_space<semaphore_mem>>) src(%dma_wait3A_857 : memref<8x768xf32, #tpu.memory_space<vmem>>) dst(%dma_wait3A_854 : memref<8x768xf32, #tpu.memory_space<hbm>>)
    %dma_wait3A_858 = arith.constant 16 : i32
    %dma_wait3A_859 = arith.constant 0 : i32
    %dma_wait3A_860 = tpu.memref_slice %arg8[%dma_wait3A_858, %dma_wait3A_859] : memref<32x768xf32, #tpu.memory_space<vmem>> -> memref<8x768xf32, #tpu.memory_space<vmem>>
    %dma_wait3A_861 = arith.constant 0 : i32
    %dma_wait3A_862 = tpu.memref_slice %arg5[%add3A_637, %dma_wait3A_861] : memref<8192x768xf32, #tpu.memory_space<hbm>> -> memref<8x768xf32, #tpu.memory_space<hbm>>
    %dma_wait3A_863 = arith.constant 0 : i32
    %dma_wait3A_864 = tpu.memref_slice %arg5[%add3A_637, %dma_wait3A_863] : memref<8192x768xf32, #tpu.memory_space<hbm>> -> memref<8x768xf32, #tpu.memory_space<hbm>>
    %dma_wait3A_865 = arith.constant 16 : i32
    %dma_wait3A_866 = arith.constant 0 : i32
    %dma_wait3A_867 = tpu.memref_slice %arg8[%dma_wait3A_865, %dma_wait3A_866] : memref<32x768xf32, #tpu.memory_space<vmem>> -> memref<8x768xf32, #tpu.memory_space<vmem>>
    tpu.wait_dma2 semaphore(%arg21 : memref<!tpu.dma_semaphore, #tpu.memory_space<semaphore_mem>>) src(%dma_wait3A_867 : memref<8x768xf32, #tpu.memory_space<vmem>>) dst(%dma_wait3A_864 : memref<8x768xf32, #tpu.memory_space<hbm>>)
    %dma_wait3A_868 = arith.constant 24 : i32
    %dma_wait3A_869 = arith.constant 0 : i32
    %dma_wait3A_870 = tpu.memref_slice %arg8[%dma_wait3A_868, %dma_wait3A_869] : memref<32x768xf32, #tpu.memory_space<vmem>> -> memref<8x768xf32, #tpu.memory_space<vmem>>
    %dma_wait3A_871 = arith.constant 0 : i32
    %dma_wait3A_872 = tpu.memref_slice %arg5[%add3A_651, %dma_wait3A_871] : memref<8192x768xf32, #tpu.memory_space<hbm>> -> memref<8x768xf32, #tpu.memory_space<hbm>>
    %dma_wait3A_873 = arith.constant 0 : i32
    %dma_wait3A_874 = tpu.memref_slice %arg5[%add3A_651, %dma_wait3A_873] : memref<8192x768xf32, #tpu.memory_space<hbm>> -> memref<8x768xf32, #tpu.memory_space<hbm>>
    %dma_wait3A_875 = arith.constant 24 : i32
    %dma_wait3A_876 = arith.constant 0 : i32
    %dma_wait3A_877 = tpu.memref_slice %arg8[%dma_wait3A_875, %dma_wait3A_876] : memref<32x768xf32, #tpu.memory_space<vmem>> -> memref<8x768xf32, #tpu.memory_space<vmem>>
    tpu.wait_dma2 semaphore(%arg21 : memref<!tpu.dma_semaphore, #tpu.memory_space<semaphore_mem>>) src(%dma_wait3A_877 : memref<8x768xf32, #tpu.memory_space<vmem>>) dst(%dma_wait3A_874 : memref<8x768xf32, #tpu.memory_space<hbm>>)
    %dma_wait3A_878 = arith.constant 0 : i32
    %dma_wait3A_879 = arith.constant 0 : i32
    %dma_wait3A_880 = tpu.memref_slice %arg9[%dma_wait3A_878, %dma_wait3A_879] : memref<32x768xf32, #tpu.memory_space<vmem>> -> memref<8x768xf32, #tpu.memory_space<vmem>>
    %dma_wait3A_881 = arith.constant 0 : i32
    %dma_wait3A_882 = tpu.memref_slice %arg5[%add3A_677, %dma_wait3A_881] : memref<8192x768xf32, #tpu.memory_space<hbm>> -> memref<8x768xf32, #tpu.memory_space<hbm>>
    %dma_wait3A_883 = arith.constant 0 : i32
    %dma_wait3A_884 = tpu.memref_slice %arg5[%add3A_677, %dma_wait3A_883] : memref<8192x768xf32, #tpu.memory_space<hbm>> -> memref<8x768xf32, #tpu.memory_space<hbm>>
    %dma_wait3A_885 = arith.constant 0 : i32
    %dma_wait3A_886 = arith.constant 0 : i32
    %dma_wait3A_887 = tpu.memref_slice %arg9[%dma_wait3A_885, %dma_wait3A_886] : memref<32x768xf32, #tpu.memory_space<vmem>> -> memref<8x768xf32, #tpu.memory_space<vmem>>
    tpu.wait_dma2 semaphore(%arg22 : memref<!tpu.dma_semaphore, #tpu.memory_space<semaphore_mem>>) src(%dma_wait3A_887 : memref<8x768xf32, #tpu.memory_space<vmem>>) dst(%dma_wait3A_884 : memref<8x768xf32, #tpu.memory_space<hbm>>)
    %dma_wait3A_888 = arith.constant 8 : i32
    %dma_wait3A_889 = arith.constant 0 : i32
    %dma_wait3A_890 = tpu.memref_slice %arg9[%dma_wait3A_888, %dma_wait3A_889] : memref<32x768xf32, #tpu.memory_space<vmem>> -> memref<8x768xf32, #tpu.memory_space<vmem>>
    %dma_wait3A_891 = arith.constant 0 : i32
    %dma_wait3A_892 = tpu.memref_slice %arg5[%add3A_691, %dma_wait3A_891] : memref<8192x768xf32, #tpu.memory_space<hbm>> -> memref<8x768xf32, #tpu.memory_space<hbm>>
    %dma_wait3A_893 = arith.constant 0 : i32
    %dma_wait3A_894 = tpu.memref_slice %arg5[%add3A_691, %dma_wait3A_893] : memref<8192x768xf32, #tpu.memory_space<hbm>> -> memref<8x768xf32, #tpu.memory_space<hbm>>
    %dma_wait3A_895 = arith.constant 8 : i32
    %dma_wait3A_896 = arith.constant 0 : i32
    %dma_wait3A_897 = tpu.memref_slice %arg9[%dma_wait3A_895, %dma_wait3A_896] : memref<32x768xf32, #tpu.memory_space<vmem>> -> memref<8x768xf32, #tpu.memory_space<vmem>>
    tpu.wait_dma2 semaphore(%arg22 : memref<!tpu.dma_semaphore, #tpu.memory_space<semaphore_mem>>) src(%dma_wait3A_897 : memref<8x768xf32, #tpu.memory_space<vmem>>) dst(%dma_wait3A_894 : memref<8x768xf32, #tpu.memory_space<hbm>>)
    %dma_wait3A_898 = arith.constant 16 : i32
    %dma_wait3A_899 = arith.constant 0 : i32
    %dma_wait3A_900 = tpu.memref_slice %arg9[%dma_wait3A_898, %dma_wait3A_899] : memref<32x768xf32, #tpu.memory_space<vmem>> -> memref<8x768xf32, #tpu.memory_space<vmem>>
    %dma_wait3A_901 = arith.constant 0 : i32
    %dma_wait3A_902 = tpu.memref_slice %arg5[%add3A_705, %dma_wait3A_901] : memref<8192x768xf32, #tpu.memory_space<hbm>> -> memref<8x768xf32, #tpu.memory_space<hbm>>
    %dma_wait3A_903 = arith.constant 0 : i32
    %dma_wait3A_904 = tpu.memref_slice %arg5[%add3A_705, %dma_wait3A_903] : memref<8192x768xf32, #tpu.memory_space<hbm>> -> memref<8x768xf32, #tpu.memory_space<hbm>>
    %dma_wait3A_905 = arith.constant 16 : i32
    %dma_wait3A_906 = arith.constant 0 : i32
    %dma_wait3A_907 = tpu.memref_slice %arg9[%dma_wait3A_905, %dma_wait3A_906] : memref<32x768xf32, #tpu.memory_space<vmem>> -> memref<8x768xf32, #tpu.memory_space<vmem>>
    tpu.wait_dma2 semaphore(%arg22 : memref<!tpu.dma_semaphore, #tpu.memory_space<semaphore_mem>>) src(%dma_wait3A_907 : memref<8x768xf32, #tpu.memory_space<vmem>>) dst(%dma_wait3A_904 : memref<8x768xf32, #tpu.memory_space<hbm>>)
    %dma_wait3A_908 = arith.constant 24 : i32
    %dma_wait3A_909 = arith.constant 0 : i32
    %dma_wait3A_910 = tpu.memref_slice %arg9[%dma_wait3A_908, %dma_wait3A_909] : memref<32x768xf32, #tpu.memory_space<vmem>> -> memref<8x768xf32, #tpu.memory_space<vmem>>
    %dma_wait3A_911 = arith.constant 0 : i32
    %dma_wait3A_912 = tpu.memref_slice %arg5[%add3A_719, %dma_wait3A_911] : memref<8192x768xf32, #tpu.memory_space<hbm>> -> memref<8x768xf32, #tpu.memory_space<hbm>>
    %dma_wait3A_913 = arith.constant 0 : i32
    %dma_wait3A_914 = tpu.memref_slice %arg5[%add3A_719, %dma_wait3A_913] : memref<8192x768xf32, #tpu.memory_space<hbm>> -> memref<8x768xf32, #tpu.memory_space<hbm>>
    %dma_wait3A_915 = arith.constant 24 : i32
    %dma_wait3A_916 = arith.constant 0 : i32
    %dma_wait3A_917 = tpu.memref_slice %arg9[%dma_wait3A_915, %dma_wait3A_916] : memref<32x768xf32, #tpu.memory_space<vmem>> -> memref<8x768xf32, #tpu.memory_space<vmem>>
    tpu.wait_dma2 semaphore(%arg22 : memref<!tpu.dma_semaphore, #tpu.memory_space<semaphore_mem>>) src(%dma_wait3A_917 : memref<8x768xf32, #tpu.memory_space<vmem>>) dst(%dma_wait3A_914 : memref<8x768xf32, #tpu.memory_space<hbm>>)
    %dma_wait3A_918 = arith.constant 0 : i32
    %dma_wait3A_919 = arith.constant 0 : i32
    %dma_wait3A_920 = tpu.memref_slice %arg10[%dma_wait3A_918, %dma_wait3A_919] : memref<32x768xf32, #tpu.memory_space<vmem>> -> memref<8x768xf32, #tpu.memory_space<vmem>>
    %dma_wait3A_921 = arith.constant 0 : i32
    %dma_wait3A_922 = tpu.memref_slice %arg5[%add3A_745, %dma_wait3A_921] : memref<8192x768xf32, #tpu.memory_space<hbm>> -> memref<8x768xf32, #tpu.memory_space<hbm>>
    %dma_wait3A_923 = arith.constant 0 : i32
    %dma_wait3A_924 = tpu.memref_slice %arg5[%add3A_745, %dma_wait3A_923] : memref<8192x768xf32, #tpu.memory_space<hbm>> -> memref<8x768xf32, #tpu.memory_space<hbm>>
    %dma_wait3A_925 = arith.constant 0 : i32
    %dma_wait3A_926 = arith.constant 0 : i32
    %dma_wait3A_927 = tpu.memref_slice %arg10[%dma_wait3A_925, %dma_wait3A_926] : memref<32x768xf32, #tpu.memory_space<vmem>> -> memref<8x768xf32, #tpu.memory_space<vmem>>
    tpu.wait_dma2 semaphore(%arg23 : memref<!tpu.dma_semaphore, #tpu.memory_space<semaphore_mem>>) src(%dma_wait3A_927 : memref<8x768xf32, #tpu.memory_space<vmem>>) dst(%dma_wait3A_924 : memref<8x768xf32, #tpu.memory_space<hbm>>)
    %dma_wait3A_928 = arith.constant 8 : i32
    %dma_wait3A_929 = arith.constant 0 : i32
    %dma_wait3A_930 = tpu.memref_slice %arg10[%dma_wait3A_928, %dma_wait3A_929] : memref<32x768xf32, #tpu.memory_space<vmem>> -> memref<8x768xf32, #tpu.memory_space<vmem>>
    %dma_wait3A_931 = arith.constant 0 : i32
    %dma_wait3A_932 = tpu.memref_slice %arg5[%add3A_759, %dma_wait3A_931] : memref<8192x768xf32, #tpu.memory_space<hbm>> -> memref<8x768xf32, #tpu.memory_space<hbm>>
    %dma_wait3A_933 = arith.constant 0 : i32
    %dma_wait3A_934 = tpu.memref_slice %arg5[%add3A_759, %dma_wait3A_933] : memref<8192x768xf32, #tpu.memory_space<hbm>> -> memref<8x768xf32, #tpu.memory_space<hbm>>
    %dma_wait3A_935 = arith.constant 8 : i32
    %dma_wait3A_936 = arith.constant 0 : i32
    %dma_wait3A_937 = tpu.memref_slice %arg10[%dma_wait3A_935, %dma_wait3A_936] : memref<32x768xf32, #tpu.memory_space<vmem>> -> memref<8x768xf32, #tpu.memory_space<vmem>>
    tpu.wait_dma2 semaphore(%arg23 : memref<!tpu.dma_semaphore, #tpu.memory_space<semaphore_mem>>) src(%dma_wait3A_937 : memref<8x768xf32, #tpu.memory_space<vmem>>) dst(%dma_wait3A_934 : memref<8x768xf32, #tpu.memory_space<hbm>>)
    %dma_wait3A_938 = arith.constant 16 : i32
    %dma_wait3A_939 = arith.constant 0 : i32
    %dma_wait3A_940 = tpu.memref_slice %arg10[%dma_wait3A_938, %dma_wait3A_939] : memref<32x768xf32, #tpu.memory_space<vmem>> -> memref<8x768xf32, #tpu.memory_space<vmem>>
    %dma_wait3A_941 = arith.constant 0 : i32
    %dma_wait3A_942 = tpu.memref_slice %arg5[%add3A_773, %dma_wait3A_941] : memref<8192x768xf32, #tpu.memory_space<hbm>> -> memref<8x768xf32, #tpu.memory_space<hbm>>
    %dma_wait3A_943 = arith.constant 0 : i32
    %dma_wait3A_944 = tpu.memref_slice %arg5[%add3A_773, %dma_wait3A_943] : memref<8192x768xf32, #tpu.memory_space<hbm>> -> memref<8x768xf32, #tpu.memory_space<hbm>>
    %dma_wait3A_945 = arith.constant 16 : i32
    %dma_wait3A_946 = arith.constant 0 : i32
    %dma_wait3A_947 = tpu.memref_slice %arg10[%dma_wait3A_945, %dma_wait3A_946] : memref<32x768xf32, #tpu.memory_space<vmem>> -> memref<8x768xf32, #tpu.memory_space<vmem>>
    tpu.wait_dma2 semaphore(%arg23 : memref<!tpu.dma_semaphore, #tpu.memory_space<semaphore_mem>>) src(%dma_wait3A_947 : memref<8x768xf32, #tpu.memory_space<vmem>>) dst(%dma_wait3A_944 : memref<8x768xf32, #tpu.memory_space<hbm>>)
    %dma_wait3A_948 = arith.constant 24 : i32
    %dma_wait3A_949 = arith.constant 0 : i32
    %dma_wait3A_950 = tpu.memref_slice %arg10[%dma_wait3A_948, %dma_wait3A_949] : memref<32x768xf32, #tpu.memory_space<vmem>> -> memref<8x768xf32, #tpu.memory_space<vmem>>
    %dma_wait3A_951 = arith.constant 0 : i32
    %dma_wait3A_952 = tpu.memref_slice %arg5[%add3A_787, %dma_wait3A_951] : memref<8192x768xf32, #tpu.memory_space<hbm>> -> memref<8x768xf32, #tpu.memory_space<hbm>>
    %dma_wait3A_953 = arith.constant 0 : i32
    %dma_wait3A_954 = tpu.memref_slice %arg5[%add3A_787, %dma_wait3A_953] : memref<8192x768xf32, #tpu.memory_space<hbm>> -> memref<8x768xf32, #tpu.memory_space<hbm>>
    %dma_wait3A_955 = arith.constant 24 : i32
    %dma_wait3A_956 = arith.constant 0 : i32
    %dma_wait3A_957 = tpu.memref_slice %arg10[%dma_wait3A_955, %dma_wait3A_956] : memref<32x768xf32, #tpu.memory_space<vmem>> -> memref<8x768xf32, #tpu.memory_space<vmem>>
    tpu.wait_dma2 semaphore(%arg23 : memref<!tpu.dma_semaphore, #tpu.memory_space<semaphore_mem>>) src(%dma_wait3A_957 : memref<8x768xf32, #tpu.memory_space<vmem>>) dst(%dma_wait3A_954 : memref<8x768xf32, #tpu.memory_space<hbm>>)
    return
  }
}

</mosaic_0001>

<sc_bundles>
// kernel: kernel.3.cloned.1.call-start
scs
__scs_entry_jumppad:
0x0: {  	(pc) =	sbr.rel $0x88, $3  }
0x1: {  	(tag) =	ssettag $0x0;
	lr =	simm.s32 $0x1  }
0x2: {  	[smem:$0x3F9E] =	sst lr;
	_ =	strace $0xD0000000  }
0x3: {  	_ = 	snop  }
0x4: {  	_ = 	snop  }
0x5: {  	_ = 	snop  }
0x6: {  	_ = 	snop  }
0x7: {  	_ = 	snop  }
__scs_overlays_trampoline_lowered:
0x8: {  	[smem:$0x3FAD] =	sst s0  }
0x9: {  	[smem:$0x3FAE] =	sst s1  }
0xa: {  	[smem:$0x3FAF] =	sst s2  }
0xb: {  	[smem:$0x3FB0] =	sst s3  }
0xc: {  	[smem:$0x3FB1] =	sst s4  }
0xd: {  	[smem:$0x3FB2] =	sst s5  }
0xe: {  	[smem:$0x3FB3] =	sst s6  }
0xf: {  	[smem:$0x3FB4] =	sst s7  }
0x10: {  	[smem:$0x3FB5] =	sst s8  }
0x11: {  	[smem:$0x3FB6] =	sst s9;
	s0 =	simm.s32 @!p0 $0x0  }
0x12: {  	s1 =	sld [smem:$0x3F9C];
	s0 =	simm.s32 @p0 $0x1  }
0x13: {  	[smem:$0x3FB7] =	sst s0;
	s0 =	simm.s32 @!p1 $0x0  }
0x14: {  	s2 =	sld [smem:$0x3F9B];
	s0 =	simm.s32 @p1 $0x1  }
0x15: {  	[smem:$0x3FB8] =	sst s0;
	s0 =	simm.s32 @!p2 $0x0  }
0x16: {  	s3 =	sld [smem:$0x3FDB];
	s0 =	simm.s32 @p2 $0x1  }
0x17: {  	s4 =	simm.s32 $0x1BF5;
	[smem:$0x3FBA] =	sst s0  }
0x18: {  	s0 =	sld [smem:$0x3F9D];
	_ =	swait.ge [sflag:s4], $0x0  }
0x19: {  	s7 =	sld [smem:$0x3F9E]  }
0x1a: {  	s8 =	sadd.s32 $0xFFFFE003, lr  }
0x1b: {  	s9 =	sadd.s32 $0xFFFFFEF7, lr;
	s5 =	simm.s32 $0xFFFFFFFF;
	p2 =	slt.u32 s8, $0xFFFFF086  }
0x1c: {  	p1 =	slt.u32 s9, $0xF7A;
	s5 =	simm.s32 @!p2 $0x0  }
0x1d: {  	s5 =	simm.s32 @p1 $0x1;
	p0 =	seq.s32 s7, s2  }
0x1e: {  	s7 =	smul.u32 @!p0 $0xF7A, s2;
	p2 =	seq.s32 @!p0 s5, $0x0  }
0x1f: {  	s9 =	smul.u32 $0xF7A, s1;
	s8 =	simm.s32 @!p0 $0x1BF5;
	p2 =	por !p2, p0  }
0x20: {  	[sflag:s8] =	ssyncset.s32 @!p0 $0xFFFFF086;
	s6 =	sadd.s32 @!p0 s3, s7;
	s7 =	simm.s32 @!p0 $0x108  }
0x21: {  	s3 =	sadd.s32 s3, s9;
	s6 =	sadd.s32 @!p0 $0x88, s6;
	s7 =	simm.s32 @p2 $0x1082  }
0x22: {  	[simem:s7], [sflag:s8] =	dma.local @!p0 [hbm:s6], $0xF7A  }
0x23: {  	s9 =	sor.u32 $0xD0000000, s2;
	s6 =	simm.s32 $0x108;
	_ =	swait.ge @!p0 [sflag:s8], $0x0  }
0x24: {  	s3 =	sadd.s32 $0x88, s3;
	s6 =	simm.s32 @!p1 $0x1082;
	[sflag:s4] =	ssyncset.s32 $0xFFFFF086  }
0x25: {  	[simem:s6], [sflag:s4] =	dma.local [hbm:s3], $0xF7A  }
0x26: {  	[smem:$0x3F9E] =	sst s1;
	(tag) =	ssettag s2;
	_ =	strace s9  }
0x27: {  	s1 =	sld [smem:$0x3FAE]  }
0x28: {  	s2 =	sld [smem:$0x3FAF]  }
0x29: {  	s4 =	sld [smem:$0x3FB1]  }
0x2a: {  	p0 =	seq.s32 s5, $0x0;
	s5 =	sld [smem:$0x3FB2]  }
0x2b: {  	s6 =	sld [smem:$0x3FB3]  }
0x2c: {  	s7 =	sld [smem:$0x3FB4]  }
0x2d: {  	s3 =	simm.s32 $0x108;
	s8 =	sld [smem:$0x3FB5]  }
0x2e: {  	s3 =	simm.s32 @!p0 $0x1082;
	s9 =	sld [smem:$0x3FB6]  }
0x2f: {  	lr =	sadd.s32 s0, s3;
	s0 =	sld [smem:$0x3FAD]  }
0x30: {  	s3 =	sld [smem:$0x3FB0]  }
0x31: {  	[smem:$0x3FB9] =	sst s10  }
0x32: {  	s10 =	sld [smem:$0x3FB7];
	_ =	sdelay $0x3  }
0x33: {  	p0 =	seq.s32 s10, $0x1;
	s10 =	sld [smem:$0x3FB9];
	_ =	sdelay $0x3  }
0x34: {  	[smem:$0x3FB9] =	sst s10  }
0x35: {  	s10 =	sld [smem:$0x3FB8];
	_ =	sdelay $0x3  }
0x36: {  	p1 =	seq.s32 s10, $0x1;
	s10 =	sld [smem:$0x3FB9];
	_ =	sdelay $0x3  }
0x37: {  	[smem:$0x3FB9] =	sst s10  }
0x38: {  	s10 =	sld [smem:$0x3FBA]  }
0x39: {  	_ = 	snop;
	(pc) =	sbr.ind lr, $3  }
0x3a: {  	_ = 	snop  }
0x3b: {  	_ = 	snop  }
0x3c: {  	p2 =	seq.s32 s10, $0x1;
	s10 =	sld [smem:$0x3FB9]  }
0x3d: {  	_ =	shalt  }
0x3e: {  	_ =	shalt  }
0x3f: {  	_ =	shalt  }
0x40: {  	_ =	shalt  }
0x41: {  	_ =	shalt  }
0x42: {  	_ =	shalt  }
0x43: {  	_ =	shalt  }
0x44: {  	_ =	shalt  }
0x45: {  	_ =	shalt  }
0x46: {  	_ =	shalt  }
0x47: {  	_ =	shalt  }
0x48: {  	_ =	shalt  }
0x49: {  	_ =	shalt  }
0x4a: {  	_ =	shalt  }
0x4b: {  	_ =	shalt  }
0x4c: {  	_ =	shalt  }
0x4d: {  	_ =	shalt  }
0x4e: {  	_ =	shalt  }
0x4f: {  	_ =	shalt  }
0x50: {  	_ =	shalt  }
0x51: {  	_ =	shalt  }
0x52: {  	_ =	shalt  }
0x53: {  	_ =	shalt  }
0x54: {  	_ =	shalt  }
0x55: {  	_ =	shalt  }
0x56: {  	_ =	shalt  }
0x57: {  	_ =	shalt  }
0x58: {  	_ =	shalt  }
0x59: {  	_ =	shalt  }
0x5a: {  	_ =	shalt  }
0x5b: {  	_ =	shalt  }
0x5c: {  	_ =	shalt  }
0x5d: {  	_ =	shalt  }
0x5e: {  	_ =	shalt  }
0x5f: {  	_ =	shalt  }
0x60: {  	_ =	shalt  }
0x61: {  	_ =	shalt  }
0x62: {  	_ =	shalt  }
0x63: {  	_ =	shalt  }
0x64: {  	_ =	shalt  }
0x65: {  	_ =	shalt  }
0x66: {  	_ =	shalt  }
0x67: {  	_ =	shalt  }
0x68: {  	_ =	shalt  }
0x69: {  	_ =	shalt  }
0x6a: {  	_ =	shalt  }
0x6b: {  	_ =	shalt  }
0x6c: {  	_ =	shalt  }
0x6d: {  	_ =	shalt  }
0x6e: {  	_ =	shalt  }
0x6f: {  	_ =	shalt  }
0x70: {  	_ =	shalt  }
0x71: {  	_ =	shalt  }
0x72: {  	_ =	shalt  }
0x73: {  	_ =	shalt  }
0x74: {  	_ =	shalt  }
0x75: {  	_ =	shalt  }
0x76: {  	_ =	shalt  }
0x77: {  	_ =	shalt  }
0x78: {  	_ =	shalt  }
0x79: {  	_ =	shalt  }
0x7a: {  	_ =	shalt  }
0x7b: {  	_ =	shalt  }
0x7c: {  	_ =	shalt  }
0x7d: {  	_ =	shalt  }
0x7e: {  	_ =	shalt  }
0x7f: {  	_ =	shalt  }
0x80: {  	_ =	shalt  }
0x81: {  	_ =	shalt  }
0x82: {  	_ =	shalt  }
0x83: {  	_ =	shalt  }
0x84: {  	_ =	shalt  }
0x85: {  	_ =	shalt  }
0x86: {  	_ =	shalt  }
0x87: {  	_ =	shalt  }
.Lfunc_end0:
.L_simem_size_0:
called_computation_lowered:
.L_overlay_start_0:
0x88: {  	s2 =	sld [smem:$0x3FD9]  }
0x89: {  	s3 =	sld [smem:$0x3FFE];
	_ =	sdelay $0x1  }
0x8a: {  	s1 =	srdreg.scid  }
0x8b: {  	s0 =	sand.u32 $0x1, s1  }
0x8c: {  	s17 =	sshll.u32 s0, $0xA;
	s2 =	sadd.s32 s3, s2  }
0x8d: {  	s2 =	sadd.s32 s2, s17  }
0x8e: {  	[smem:$0x3FC5] =	sst s2  }
0x8f: {  	_ = 	snop  }
0x90: {  	s2 =	sld [smem:$0x3FC8]  }
0x91: {  	s18 =	sld [smem:$0x3FC7]  }
0x92: {  	s4 =	sld [smem:$0x3FD0];
	(tm) =	ssettm $0x1  }
0x93: {  	s5 =	sld [smem:$0x3FFB];
	_ =	sdelay $0x3  }
0x94: {  	_ =	strace s5  }
0x95: {  	s5 =	sld [smem:$0x3FFC];
	_ =	sdelay $0x3  }
0x96: {  	_ =	strace s5  }
0x97: {  	s5 =	sld [smem:$0x3FFD];
	_ =	sdelay $0x3  }
0x98: {  	_ =	strace s5  }
0x99: {  	_ =	strace $0x8FFFFFFF  }
0x9a: {  	s19 =	sld [smem:$0x3FDB];
	_ =	sdelay $0x1  }
0x9b: {  	s6 =	simm.s32 $_scs_section_size  }
0x9c: {  	s7 =	simm.s32 $_size__tile_overlayer_lowered;
	s8 =	simm.s32 $_tile_overlayer_lowered  }
0x9d: {  	s22 =	simm.s32 $0x1BFF;
	s21 =	sshll.u32 s8, $0x1;
	s5 =	sadd.s32 s6, s19  }
0x9e: {  	s9 =	simm.s32 $0x0;
	s20 =	sshll.u32 s7, $0x1;
	s7 =	sadd.s32 s21, s5  }
0x9f: {  	[timem:s9], [sflag:s22] =	dma.local [hbm:s7], s20  }
0xa0: {  	_ =	swait.ge [sflag:s22], s20  }
0xa1: {  	s6 =	ssub.s32 $0x0, s20;
	[sflag:s22] =	ssyncset.done $0x0  }
0xa2: {  	[sflag:s22] =	ssyncadd.s32 s6;
	_ =	sdelay $0x1  }
0xa3: {  	s23 =	simm.s32 $0x1B8B  }
0xa4: {  	_ =	swait.ge [sflag:s23], $0x1  }
0xa5: {  	[sflag:s23] =	ssyncset.done $0x0  }
0xa6: {  	s25 =	simm.s32 $0x1B8E;
	s24 =	sld [smem:$0x3FFE];
	[sflag:s23] =	ssyncadd.s32 $0xFFFFFFFF  }
0xa7: {  	s26 =	simm.s32 $execute0_lowered;
	[smem:$0x3FD2] =	sst s25  }
0xa8: {  	s7 =	sshll.u32 s26, $0x1;
	_ =	strace $0x80000046;
	[dreg:$0x1] =	wrdreg $0xFFFFFFFF  }
0xa9: {  	s28 =	simm.s32 $_size_execute0_lowered;
	s5 =	sadd.s32 s5, s7;
	[dreg:$0x0] =	wrdreg $0x0  }
0xaa: {  	s7 =	sshll.u32 s28, $0x1;
	[dreg:$0x2] =	wrdreg s5  }
0xab: {  	[dreg:$0x3] =	wrdreg s7  }
0xac: {  	[dreg:$0x4] =	wrdreg $0xC0  }
0xad: {  	_ =	task [dreg:s9], $0x5FFFF  }
0xae: {  	[dreg:$0x1] =	wrdreg $0xFFFFFFFF  }
0xaf: {  	[dreg:$0x0] =	wrdreg $0x60  }
0xb0: {  	[dreg:$0x2] =	wrdreg s24  }
0xb1: {  	[dreg:$0x3] =	wrdreg s2  }
0xb2: {  	[dreg:$0x4] =	wrdreg s18  }
0xb3: {  	[dreg:$0x5] =	wrdreg s4  }
0xb4: {  	[dreg:$0x6] =	wrdreg $0x9  }
0xb5: {  	_ =	task.clear_ibuf [dreg:s9], $0x7FFFF;
	_ =	strace $0x90000046  }
0xb6: {  	s29 =	simm.s32 $0x9;
	_ =	strace $0x80000048  }
0xb7: {  	_ =	swait.ge [sflag:s29], $0x1  }
0xb8: {  	[sflag:s29] =	ssyncadd.s32 $0xFFFFFFFF  }
0xb9: {  	_ =	strace $0x90000048  }
0xba: {  	_ =	sfence  }
0xbb: {  	s30 =	sld [smem:$0x0];
	_ =	sdelay $0x2  }
0xbc: {  	s31 =	sshll.u32 s1, $0xD;
	s1 =	sshrl.u32 s1, $0x2  }
0xbd: {  	s3 =	sand.u32 $0x4000, s31;
	s1 =	sadd.s32 s1, s30  }
0xbe: {  	s0 =	sor.u32 s3, s0;
	s1 =	sshll.u32 s1, $0x11  }
0xbf: {  	s0 =	sor.u32 s1, s0  }
0xc0: {  	s0 =	sadd.s32 $0x8F2B, s0  }
0xc1: {  	[sflag:s0] =	ssyncadd.remote.s32 $0x1  }
0xc2: {  	_ =	sfence.sel $0xFFFF  }
0xc3: {  	[dreg:$0x0] =	wrdreg $0xFFFFFFFF;
	(pc) =	sbr.abs _section_cstart, $3  }
0xc4: {  	[dreg:$0x1] =	wrdreg $0xFFFFFFFF  }
0xc5: {  	_ =	task.clear_ibuf [dreg:s9], $0x2FFFF;
	_ =	strace $0x9FFFFFFF  }
0xc6: {  	(tm) =	ssettm $0x7FFFFFFF  }
0xc7: {  	_ =	shalt  }
tec
execute0_lowered:
.L_overlay_start_1:
0x0: {  	(tag) =	ssettag $0x1  }
0x1: {  	s0 =	rddreg [dreg:$0x0]  }
0x2: {  	s7 =	rddreg [dreg:$0x1]  }
0x3: {  	s1 =	rddreg [dreg:$0x2];
	s2 =	srdreg.scid  }
0x4: {  	s4 =	stileid.u32;
	s3 =	rddreg [dreg:$0x3]  }
0x5: {  	s8 =	simm.s32 $0x0;
	s2 =	sand.u32 $0x1, s2;
	s4 =	sshll.u32 s4, $0x1  }
0x6: {  	[smem:$0x7FF] =	sst s8;
	s16 =	sadd.s32 $0x100, s7;
	s4 =	sor.u32 s2, s4  }
0x7: {  	s17 =	sadd.s32 $0x200, s7;
	_ =	strace $0x80000047;
	s5 =	sshll.u32 s4, $0x5  }
0x8: {  	[dreg:$0x17] =	wrdreg s16;
	s6 =	smul.u32 $0x1800, s4;
	s0 =	sadd.s32 s5, s0  }
0x9: {  	[dreg:$0x18] =	wrdreg s17;
	s0 =	sadd.s32 $0x400, s0  }
0xa: {  	s14 =	sadd.s32 s1, s6;
	[dreg:$0x15] =	wrdreg s0  }
0xb: {  	s15 =	sor.u32 $0x300, s6;
	s7 =	sadd.s32 s3, s6;
	[dreg:$0x16] =	wrdreg s14  }
0xc: {  	s19 =	sor.u32 $0x600, s6;
	s18 =	sadd.s32 s1, s15;
	[dreg:$0x1a] =	wrdreg s7  }
0xd: {  	s20 =	sadd.s32 s1, s19;
	[dreg:$0x19] =	wrdreg s18  }
0xe: {  	s21 =	sadd.s32 $0x30000, s7;
	[dreg:$0x1b] =	wrdreg s20  }
0xf: {  	s0 =	sadd.s32 s3, s15;
	[dreg:$0x1c] =	wrdreg s21  }
0x10: {  	s5 =	sadd.s32 s3, s19;
	[dreg:$0x1e] =	wrdreg s0  }
0x11: {  	s10 =	sadd.s32 $0x30300, s7;
	[smem:$0x7DD] =	sst s5  }
0x12: {  	s2 =	ssub.s32 $0x2, s2;
	s11 =	sadd.s32 $0x60300, s7;
	[smem:$0x7E9] =	sst s10  }
0x13: {  	s13 =	sshrl.u32 s2, $0x1;
	s12 =	sadd.s32 $0x90300, s7;
	[smem:$0x7EA] =	sst s11  }
0x14: {  	s2 =	ssub.s32 s2, s13;
	s13 =	sadd.s32 $0x30600, s7;
	[smem:$0x7EB] =	sst s12  }
0x15: {  	s14 =	sadd.s32 $0x60600, s7;
	[smem:$0x7EC] =	sst s13  }
0x16: {  	s4 =	smul.u32 $0xC000, s4;
	s15 =	sadd.s32 $0x90600, s7;
	[smem:$0x7ED] =	sst s14  }
0x17: {  	s16 =	sadd.s32 $0x30900, s7;
	[smem:$0x7EE] =	sst s15  }
0x18: {  	s4 =	sshrl.u32 s4, $0x3;
	s17 =	sadd.s32 $0x60900, s7;
	[smem:$0x7EF] =	sst s16  }
0x19: {  	s22 =	sadd.s32 $0x900, s4;
	s19 =	sadd.s32 $0x30C00, s7;
	[smem:$0x7F0] =	sst s17  }
0x1a: {  	s23 =	sadd.s32 $0xC00, s4;
	s9 =	sadd.s32 s1, s22;
	[smem:$0x7F2] =	sst s19  }
0x1b: {  	s25 =	sadd.s32 $0xF00, s4;
	s24 =	sadd.s32 s1, s23;
	[dreg:$0x1d] =	wrdreg s9  }
0x1c: {  	s26 =	sadd.s32 s1, s25;
	[dreg:$0x1f] =	wrdreg s24  }
0x1d: {  	s28 =	sadd.s32 $0x1200, s4;
	s6 =	sadd.s32 s3, s22;
	[smem:$0x7DE] =	sst s26  }
0x1e: {  	s29 =	sadd.s32 s1, s28;
	[smem:$0x7DF] =	sst s6  }
0x1f: {  	s30 =	sadd.s32 $0x1500, s4;
	s0 =	sadd.s32 s3, s23;
	[smem:$0x7E0] =	sst s29  }
0x20: {  	s1 =	sadd.s32 s1, s30;
	[smem:$0x7E1] =	sst s0  }
0x21: {  	s31 =	sadd.s32 s3, s25;
	[smem:$0x7E2] =	sst s1  }
0x22: {  	s4 =	sadd.s32 s3, s28;
	[smem:$0x7E3] =	sst s31  }
0x23: {  	s5 =	sadd.s32 $0x60000, s7;
	[smem:$0x7E4] =	sst s4  }
0x24: {  	s18 =	sadd.s32 $0x90900, s7;
	[smem:$0x7E6] =	sst s5  }
0x25: {  	s20 =	sadd.s32 $0x60C00, s7;
	[smem:$0x7F1] =	sst s18  }
0x26: {  	s21 =	sadd.s32 $0x90C00, s7;
	[smem:$0x7F3] =	sst s20  }
0x27: {  	s22 =	sadd.s32 $0x30F00, s7;
	[smem:$0x7F4] =	sst s21  }
0x28: {  	s23 =	sadd.s32 $0x60F00, s7;
	[smem:$0x7F5] =	sst s22  }
0x29: {  	s25 =	sadd.s32 $0x31200, s7;
	[smem:$0x7F6] =	sst s23  }
0x2a: {  	s28 =	sadd.s32 $0x91200, s7;
	[smem:$0x7F8] =	sst s25  }
0x2b: {  	s0 =	sadd.s32 s3, s30;
	[smem:$0x7FA] =	sst s28  }
0x2c: {  	s6 =	smax.u32 s2, $0x1;
	[smem:$0x7E5] =	sst s0  }
0x2d: {  	s9 =	sadd.s32 $0x90000, s7;
	[smem:$0x7E7] =	sst s6  }
0x2e: {  	s24 =	sadd.s32 $0x90F00, s7;
	[smem:$0x7E8] =	sst s9  }
0x2f: {  	s26 =	sadd.s32 $0x61200, s7;
	[smem:$0x7F7] =	sst s24  }
0x30: {  	s29 =	sadd.s32 $0x31500, s7;
	[smem:$0x7F9] =	sst s26  }
0x31: {  	v2 =	vlaneseq.u32;
	s30 =	sadd.s32 $0x61500, s7;
	[smem:$0x7FB] =	sst s29  }
0x32: {  	vm0 =	vmmov $0xffff;
	v1 =	vshrl.u32 v2, $0x3;
	s31 =	sadd.s32 $0x91500, s7;
	[smem:$0x7FC] =	sst s30  }
0x33: {  	v0 =	vand.u32 $0x7, v2;
	v2 =	vor.u32 $0x8, v2;
	v1 =	vmul.u32 $0x8, v1;
	s2 =	simm.s32 $0x0;
	[smem:$0x7FD] =	sst s31  }
.LBB2_1:
0x34: {  	[smem:$0x7DC] =	sst s2  }
0x35: {  	s0 =	rddreg [dreg:$0x15];
	s16 =	simm.s32 $0x1  }
0x36: {  	[tilespmem:s8], [sflag:$0x1] =	stream.linear.gather [hbm4b:s0+s8], $0x100, $0x38;
	[tilespmem:$0x1E100] =	vst v63  }
0x37: {  	_ =	swait.ge [sflag:s16], $0x100  }
0x38: {  	[sflag:s16] =	ssyncset.done $0x0  }
0x39: {  	s1 =	simm.s32 $0x18100;
	s17 =	rddreg [dreg:$0x16];
	[sflag:s16] =	ssyncadd.s32 $0xFFFFFF00  }
0x3a: {  	[tilespmem:s1], [sflag:$0x2] =	stream.linear.gather [hbm4b:s17+s8], $0x1800, $0x38;
	[tilespmem:$0x1E100] =	vst v63  }
0x3b: {  	v3 =	vld [tilespmem:$0x0];
	_ =	sdelay $0x4  }
0x3c: {  	v4 =	vshrl.u32 v3, $0x3  }
0x3d: {  	v4 =	vmul.u32 $0x30, v4  }
0x3e: {  	v3 =	vand.u32 $0x7, v3  }
0x3f: {  	v3 =	vor.u32 v3, v4  }
0x40: {  	v4 =	vperm.xlane v3, v0;
	_ =	sdelay $0x1  }
0x41: {  	v4 =	vadd.s32 v1, v4;
	_ =	sdelay $0x3  }
0x42: {  	s18 =	simm.s32 $0x100;
	s0 =	rddreg [dreg:$0x1];
	v3 =	vperm.xlane v3, v2  }
0x43: {  	[tilespmem:s18], [sflag:$0x2] =	stream.indirect_vreg.gather [hbm4b:s0+s8], $0x80, v4, vm0, $0xb8;
	[tilespmem:$0x1E100] =	vst v63  }
0x44: {  	s19 =	simm.s32 $0x900;
	s1 =	rddreg [dreg:$0x17];
	v3 =	vadd.s32 v1, v3  }
0x45: {  	[tilespmem:s19], [sflag:$0x2] =	stream.indirect_vreg.gather [hbm4b:s1+s8], $0x80, v4, vm0, $0xb8;
	[tilespmem:$0x1E100] =	vst v63  }
0x46: {  	s3 =	simm.s32 $0x1100;
	s2 =	rddreg [dreg:$0x18]  }
0x47: {  	[tilespmem:s3], [sflag:$0x2] =	stream.indirect_vreg.gather [hbm4b:s2+s8], $0x80, v4, vm0, $0xb8;
	[tilespmem:$0x1E100] =	vst v63  }
0x48: {  	s20 =	simm.s32 $0x1900  }
0x49: {  	[tilespmem:s20], [sflag:$0x2] =	stream.indirect_vreg.gather [hbm4b:s0+s8], $0x80, v3, vm0, $0xb8;
	[tilespmem:$0x1E100] =	vst v63  }
0x4a: {  	s21 =	simm.s32 $0x2100  }
0x4b: {  	[tilespmem:s21], [sflag:$0x2] =	stream.indirect_vreg.gather [hbm4b:s1+s8], $0x80, v3, vm0, $0xb8;
	[tilespmem:$0x1E100] =	vst v63  }
0x4c: {  	s22 =	simm.s32 $0x2900  }
0x4d: {  	[tilespmem:s22], [sflag:$0x2] =	stream.indirect_vreg.gather [hbm4b:s2+s8], $0x80, v3, vm0, $0xb8;
	[tilespmem:$0x1E100] =	vst v63  }
0x4e: {  	v3 =	vld [tilespmem:$0x10];
	_ =	sdelay $0x4  }
0x4f: {  	v59 =	vshrl.u32 v3, $0x3  }
0x50: {  	v4 =	vmul.u32 $0x30, v59  }
0x51: {  	v3 =	vand.u32 $0x7, v3  }
0x52: {  	v3 =	vor.u32 v3, v4  }
0x53: {  	v4 =	vperm.xlane v3, v0;
	_ =	sdelay $0x1  }
0x54: {  	v4 =	vadd.s32 v1, v4;
	_ =	sdelay $0x3  }
0x55: {  	s23 =	simm.s32 $0x3100;
	v3 =	vperm.xlane v3, v2  }
0x56: {  	[tilespmem:s23], [sflag:$0x2] =	stream.indirect_vreg.gather [hbm4b:s0+s8], $0x80, v4, vm0, $0xb8;
	[tilespmem:$0x1E100] =	vst v63  }
0x57: {  	s24 =	simm.s32 $0x3900;
	v3 =	vadd.s32 v1, v3  }
0x58: {  	[tilespmem:s24], [sflag:$0x2] =	stream.indirect_vreg.gather [hbm4b:s1+s8], $0x80, v4, vm0, $0xb8;
	[tilespmem:$0x1E100] =	vst v63  }
0x59: {  	s25 =	simm.s32 $0x4100  }
0x5a: {  	[tilespmem:s25], [sflag:$0x2] =	stream.indirect_vreg.gather [hbm4b:s2+s8], $0x80, v4, vm0, $0xb8;
	[tilespmem:$0x1E100] =	vst v63  }
0x5b: {  	s26 =	simm.s32 $0x4900  }
0x5c: {  	[tilespmem:s26], [sflag:$0x2] =	stream.indirect_vreg.gather [hbm4b:s0+s8], $0x80, v3, vm0, $0xb8;
	[tilespmem:$0x1E100] =	vst v63  }
0x5d: {  	s28 =	simm.s32 $0x5100  }
0x5e: {  	[tilespmem:s28], [sflag:$0x2] =	stream.indirect_vreg.gather [hbm4b:s1+s8], $0x80, v3, vm0, $0xb8;
	[tilespmem:$0x1E100] =	vst v63  }
0x5f: {  	s29 =	simm.s32 $0x5900  }
0x60: {  	[tilespmem:s29], [sflag:$0x2] =	stream.indirect_vreg.gather [hbm4b:s2+s8], $0x80, v3, vm0, $0xb8;
	[tilespmem:$0x1E100] =	vst v63  }
0x61: {  	s4 =	simm.s32 $0x19900;
	s30 =	rddreg [dreg:$0x19]  }
0x62: {  	[tilespmem:s4], [sflag:$0x3] =	stream.linear.gather [hbm4b:s30+s8], $0x1800, $0x38;
	[tilespmem:$0x1E100] =	vst v63  }
0x63: {  	v3 =	vld [tilespmem:$0x20];
	_ =	sdelay $0x4  }
0x64: {  	v60 =	vshrl.u32 v3, $0x3  }
0x65: {  	v4 =	vmul.u32 $0x30, v60  }
0x66: {  	v3 =	vand.u32 $0x7, v3  }
0x67: {  	v3 =	vor.u32 v3, v4  }
0x68: {  	v4 =	vperm.xlane v3, v0;
	_ =	sdelay $0x1  }
0x69: {  	v4 =	vadd.s32 v1, v4;
	_ =	sdelay $0x3  }
0x6a: {  	s31 =	simm.s32 $0x6100;
	v3 =	vperm.xlane v3, v2  }
0x6b: {  	[tilespmem:s31], [sflag:$0x3] =	stream.indirect_vreg.gather [hbm4b:s0+s8], $0x80, v4, vm0, $0xb8;
	[tilespmem:$0x1E100] =	vst v63  }
0x6c: {  	s4 =	simm.s32 $0x6900;
	v3 =	vadd.s32 v1, v3  }
0x6d: {  	[tilespmem:s4], [sflag:$0x3] =	stream.indirect_vreg.gather [hbm4b:s1+s8], $0x80, v4, vm0, $0xb8;
	[tilespmem:$0x1E100] =	vst v63  }
0x6e: {  	s5 =	simm.s32 $0x7100  }
0x6f: {  	[tilespmem:s5], [sflag:$0x3] =	stream.indirect_vreg.gather [hbm4b:s2+s8], $0x80, v4, vm0, $0xb8;
	[tilespmem:$0x1E100] =	vst v63  }
0x70: {  	s6 =	simm.s32 $0x7900  }
0x71: {  	[tilespmem:s6], [sflag:$0x3] =	stream.indirect_vreg.gather [hbm4b:s0+s8], $0x80, v3, vm0, $0xb8;
	[tilespmem:$0x1E100] =	vst v63  }
0x72: {  	s7 =	simm.s32 $0x8100  }
0x73: {  	[tilespmem:s7], [sflag:$0x3] =	stream.indirect_vreg.gather [hbm4b:s1+s8], $0x80, v3, vm0, $0xb8;
	[tilespmem:$0x1E100] =	vst v63  }
0x74: {  	s9 =	simm.s32 $0x8900  }
0x75: {  	[tilespmem:s9], [sflag:$0x3] =	stream.indirect_vreg.gather [hbm4b:s2+s8], $0x80, v3, vm0, $0xb8;
	[tilespmem:$0x1E100] =	vst v63  }
0x76: {  	v3 =	vld [tilespmem:$0x30];
	_ =	sdelay $0x4  }
0x77: {  	v61 =	vshrl.u32 v3, $0x3  }
0x78: {  	v4 =	vmul.u32 $0x30, v61  }
0x79: {  	v3 =	vand.u32 $0x7, v3  }
0x7a: {  	v3 =	vor.u32 v3, v4  }
0x7b: {  	v4 =	vperm.xlane v3, v0;
	_ =	sdelay $0x1  }
0x7c: {  	v4 =	vadd.s32 v1, v4;
	_ =	sdelay $0x3  }
0x7d: {  	s10 =	simm.s32 $0x9100;
	v3 =	vperm.xlane v3, v2  }
0x7e: {  	[tilespmem:s10], [sflag:$0x3] =	stream.indirect_vreg.gather [hbm4b:s0+s8], $0x80, v4, vm0, $0xb8;
	[tilespmem:$0x1E100] =	vst v63  }
0x7f: {  	s11 =	simm.s32 $0x9900;
	v3 =	vadd.s32 v1, v3  }
0x80: {  	[tilespmem:s11], [sflag:$0x3] =	stream.indirect_vreg.gather [hbm4b:s1+s8], $0x80, v4, vm0, $0xb8;
	[tilespmem:$0x1E100] =	vst v63  }
0x81: {  	s12 =	simm.s32 $0xA100  }
0x82: {  	[tilespmem:s12], [sflag:$0x3] =	stream.indirect_vreg.gather [hbm4b:s2+s8], $0x80, v4, vm0, $0xb8;
	[tilespmem:$0x1E100] =	vst v63  }
0x83: {  	s13 =	simm.s32 $0xA900  }
0x84: {  	[tilespmem:s13], [sflag:$0x3] =	stream.indirect_vreg.gather [hbm4b:s0+s8], $0x80, v3, vm0, $0xb8;
	[tilespmem:$0x1E100] =	vst v63  }
0x85: {  	s14 =	simm.s32 $0xB100  }
0x86: {  	[tilespmem:s14], [sflag:$0x3] =	stream.indirect_vreg.gather [hbm4b:s1+s8], $0x80, v3, vm0, $0xb8;
	[tilespmem:$0x1E100] =	vst v63  }
0x87: {  	s15 =	simm.s32 $0xB900;
	s16 =	simm.s32 $0x2  }
0x88: {  	[tilespmem:s15], [sflag:$0x3] =	stream.indirect_vreg.gather [hbm4b:s2+s8], $0x80, v3, vm0, $0xb8;
	[tilespmem:$0x1E100] =	vst v63  }
0x89: {  	_ =	swait.ge [sflag:s16], $0x1800  }
0x8a: {  	[sflag:s16] =	ssyncset.done $0x0  }
0x8b: {  	[sflag:s16] =	ssyncadd.s32 $0xFFFFE800  }
0x8c: {  	_ =	swait.ge [sflag:s16], $0x6000  }
0x8d: {  	[sflag:s16] =	ssyncset.done $0x0  }
0x8e: {  	s18 =	simm.s32 $0x1B100;
	s17 =	rddreg [dreg:$0x1b];
	[sflag:s16] =	ssyncadd.s32 $0xFFFFA000  }
0x8f: {  	[tilespmem:s18], [sflag:$0x4] =	stream.linear.gather [hbm4b:s17+s8], $0x1800, $0x38;
	[tilespmem:$0x1E100] =	vst v63  }
0x90: {  	v3 =	vld [tilespmem:$0x40];
	_ =	sdelay $0x4  }
0x91: {  	v62 =	vshrl.u32 v3, $0x3  }
0x92: {  	v4 =	vmul.u32 $0x30, v62  }
0x93: {  	v3 =	vand.u32 $0x7, v3  }
0x94: {  	v3 =	vor.u32 v3, v4  }
0x95: {  	v4 =	vperm.xlane v3, v0;
	_ =	sdelay $0x1  }
0x96: {  	v4 =	vadd.s32 v1, v4;
	_ =	sdelay $0x3  }
0x97: {  	s19 =	simm.s32 $0xC100;
	v3 =	vperm.xlane v3, v2  }
0x98: {  	[tilespmem:s19], [sflag:$0x4] =	stream.indirect_vreg.gather [hbm4b:s0+s8], $0x80, v4, vm0, $0xb8;
	[tilespmem:$0x1E100] =	vst v63  }
0x99: {  	s20 =	simm.s32 $0xC900;
	v3 =	vadd.s32 v1, v3  }
0x9a: {  	[tilespmem:s20], [sflag:$0x4] =	stream.indirect_vreg.gather [hbm4b:s1+s8], $0x80, v4, vm0, $0xb8;
	[tilespmem:$0x1E100] =	vst v63  }
0x9b: {  	s21 =	simm.s32 $0xD100  }
0x9c: {  	[tilespmem:s21], [sflag:$0x4] =	stream.indirect_vreg.gather [hbm4b:s2+s8], $0x80, v4, vm0, $0xb8;
	[tilespmem:$0x1E100] =	vst v63  }
0x9d: {  	s22 =	simm.s32 $0xD900  }
0x9e: {  	[tilespmem:s22], [sflag:$0x4] =	stream.indirect_vreg.gather [hbm4b:s0+s8], $0x80, v3, vm0, $0xb8;
	[tilespmem:$0x1E100] =	vst v63  }
0x9f: {  	s23 =	simm.s32 $0xE100  }
0xa0: {  	[tilespmem:s23], [sflag:$0x4] =	stream.indirect_vreg.gather [hbm4b:s1+s8], $0x80, v3, vm0, $0xb8;
	[tilespmem:$0x1E100] =	vst v63  }
0xa1: {  	s24 =	simm.s32 $0xE900  }
0xa2: {  	[tilespmem:s24], [sflag:$0x4] =	stream.indirect_vreg.gather [hbm4b:s2+s8], $0x80, v3, vm0, $0xb8;
	[tilespmem:$0x1E100] =	vst v63  }
0xa3: {  	v3 =	vld [tilespmem:$0x50];
	_ =	sdelay $0x4  }
0xa4: {  	v63 =	vshrl.u32 v3, $0x3  }
0xa5: {  	v4 =	vmul.u32 $0x30, v63  }
0xa6: {  	v3 =	vand.u32 $0x7, v3  }
0xa7: {  	v3 =	vor.u32 v3, v4  }
0xa8: {  	v4 =	vperm.xlane v3, v0;
	_ =	sdelay $0x1  }
0xa9: {  	v4 =	vadd.s32 v1, v4;
	_ =	sdelay $0x3  }
0xaa: {  	s25 =	simm.s32 $0xF100;
	v3 =	vperm.xlane v3, v2  }
0xab: {  	[tilespmem:s25], [sflag:$0x4] =	stream.indirect_vreg.gather [hbm4b:s0+s8], $0x80, v4, vm0, $0xb8;
	[tilespmem:$0x1E100] =	vst v63  }
0xac: {  	s26 =	simm.s32 $0xF900;
	v3 =	vadd.s32 v1, v3  }
0xad: {  	[tilespmem:s26], [sflag:$0x4] =	stream.indirect_vreg.gather [hbm4b:s1+s8], $0x80, v4, vm0, $0xb8;
	[tilespmem:$0x1E100] =	vst v63  }
0xae: {  	s28 =	simm.s32 $0x10100  }
0xaf: {  	[tilespmem:s28], [sflag:$0x4] =	stream.indirect_vreg.gather [hbm4b:s2+s8], $0x80, v4, vm0, $0xb8;
	[tilespmem:$0x1E100] =	vst v63  }
0xb0: {  	s29 =	simm.s32 $0x10900  }
0xb1: {  	[tilespmem:s29], [sflag:$0x4] =	stream.indirect_vreg.gather [hbm4b:s0+s8], $0x80, v3, vm0, $0xb8;
	[tilespmem:$0x1E100] =	vst v63  }
0xb2: {  	s30 =	simm.s32 $0x11100  }
0xb3: {  	[tilespmem:s30], [sflag:$0x4] =	stream.indirect_vreg.gather [hbm4b:s1+s8], $0x80, v3, vm0, $0xb8;
	[tilespmem:$0x1E100] =	vst v63  }
0xb4: {  	s31 =	simm.s32 $0x11900  }
0xb5: {  	[tilespmem:s31], [sflag:$0x4] =	stream.indirect_vreg.gather [hbm4b:s2+s8], $0x80, v3, vm0, $0xb8;
	[tilespmem:$0x1E100] =	vst v63  }
0xb6: {  	s2 =	simm.s32 $0x0  }
.LBB2_2:
0xb7: {  	s1 =	simm.s32 $0x0;
	s0 =	simm.s32 $0x0  }
0xb8: {  	s9 =	sshll.u32 s2, $0x7;
	s0 =	sand.u32 $0x40, s0;
	s24 =	sand.u32 $0x1C00, s1  }
0xb9: {  	s1 =	sor.u32 s9, s24;
	s3 =	sor.u32 $0x30, s0  }
0xba: {  	[smem:$0x7DB] =	sst s2;
	s4 =	sor.u32 s3, s1  }
0xbb: {  	v3 =	vld [tilespmem:s4+$0x100]  }
0xbc: {  	s5 =	sor.u32 $0x10, s0  }
0xbd: {  	s6 =	sor.u32 s5, s1;
	v4 =	vld [tilespmem:s4+$0x18100]  }
0xbe: {  	v5 =	vld [tilespmem:s6+$0x100]  }
0xbf: {  	s7 =	sor.u32 $0x20, s0  }
0xc0: {  	s8 =	sor.u32 s7, s1;
	v7 =	vld [tilespmem:s6+$0x18100];
	v3 =	vmul.f32 $2.771281240e+01, v3  }
0xc1: {  	s10 =	sor.u32 s0, s1;
	v6 =	vld [tilespmem:s8+$0x100]  }
0xc2: {  	s21 =	sadd.s32 $0x4900, s9;
	v8 =	vld [tilespmem:s10+$0x100];
	v9 =	vadd.f32 v3, v4  }
0xc3: {  	s22 =	sadd.s32 $0x1900, s9;
	s25 =	sadd.s32 s24, s21;
	v10 =	vld [tilespmem:s8+$0x18100];
	v5 =	vmul.f32 $2.771281240e+01, v5  }
0xc4: {  	s23 =	sadd.s32 $0x3100, s9;
	s11 =	sadd.s32 s24, s22;
	s12 =	sadd.s32 s3, s25;
	v3 =	vld [tilespmem:s10+$0x18100];
	[tilespmem:s4+$0x100] =	vst v9  }
0xc5: {  	s2 =	sadd.s32 s24, s23;
	s13 =	sadd.s32 s3, s11;
	v5 =	vadd.f32 v5, v7;
	v9 =	vld [tilespmem:s12+$0x0]  }
0xc6: {  	s14 =	sadd.s32 s3, s2;
	v6 =	vmul.f32 $2.771281240e+01, v6;
	v11 =	vld [tilespmem:s13+$0x0]  }
0xc7: {  	s15 =	sadd.s32 s5, s11;
	v8 =	vmul.f32 $2.771281240e+01, v8;
	[tilespmem:s6+$0x100] =	vst v5;
	v5 =	vld [tilespmem:s14+$0x0]  }
0xc8: {  	s16 =	sadd.s32 s5, s2;
	v6 =	vadd.f32 v6, v10;
	v12 =	vld [tilespmem:s15+$0x0]  }
0xc9: {  	s17 =	sadd.s32 s5, s25;
	v13 =	vld [tilespmem:s16+$0x0];
	v8 =	vadd.f32 v8, v3  }
0xca: {  	s4 =	sadd.s32 s7, s11;
	[tilespmem:s8+$0x100] =	vst v6;
	v14 =	vld [tilespmem:s17+$0x0]  }
0xcb: {  	s5 =	sadd.s32 s7, s2;
	v15 =	vld [tilespmem:s4+$0x0];
	[tilespmem:s10+$0x100] =	vst v8  }
0xcc: {  	s11 =	sadd.s32 s0, s11;
	v8 =	vld [tilespmem:s5+$0x0];
	[dreg:$0x5] =	wrdreg s9  }
0xcd: {  	s26 =	simm.s32 $0x40;
	s28 =	simm.s32 $0x200;
	v6 =	vmul.f32 $2.771281240e+01, v9;
	v9 =	vld [tilespmem:s11+$0x0]  }
0xce: {  	s8 =	sand.u32 $0x40, s26;
	s6 =	sand.u32 $0x1C00, s28;
	v11 =	vmul.f32 $2.771281240e+01, v11  }
0xcf: {  	s3 =	sadd.s32 s7, s25;
	s18 =	sor.u32 s9, s6;
	s19 =	sor.u32 $0x30, s8;
	v5 =	vmul.f32 $2.771281240e+01, v5;
	v6 =	vadd.f32 v6, v4  }
0xd0: {  	s7 =	sor.u32 $0x10, s8;
	s20 =	sor.u32 s19, s18;
	v12 =	vmul.f32 $2.771281240e+01, v12;
	v16 =	vld [tilespmem:s3+$0x0];
	v11 =	vadd.f32 v11, v4  }
0xd1: {  	s29 =	sor.u32 s7, s18;
	v13 =	vmul.f32 $2.771281240e+01, v13;
	v17 =	vld [tilespmem:s20+$0x100];
	v4 =	vadd.f32 v5, v4;
	[tilespmem:s12+$0x0] =	vst v6  }
0xd2: {  	s9 =	sor.u32 $0x20, s8;
	v18 =	vld [tilespmem:s29+$0x100];
	v5 =	vadd.f32 v12, v7;
	[tilespmem:s13+$0x0] =	vst v11;
	v9 =	vmul.f32 $2.771281240e+01, v9  }
0xd3: {  	s30 =	sor.u32 s9, s18;
	s18 =	sor.u32 s8, s18;
	v12 =	vadd.f32 v13, v7;
	v6 =	vld [tilespmem:s20+$0x18100];
	[tilespmem:s14+$0x0] =	vst v4;
	v4 =	vmul.f32 $2.771281240e+01, v14  }
0xd4: {  	v13 =	vld [tilespmem:s18+$0x100];
	[tilespmem:s15+$0x0] =	vst v5;
	v9 =	vadd.f32 v9, v3  }
0xd5: {  	v5 =	vld [tilespmem:s29+$0x18100];
	[tilespmem:s16+$0x0] =	vst v12;
	v12 =	vmul.f32 $2.771281240e+01, v15;
	v15 =	vadd.f32 v4, v7  }
0xd6: {  	v11 =	vld [tilespmem:s30+$0x100];
	v14 =	vmul.f32 $2.771281240e+01, v17;
	[tilespmem:s11+$0x0] =	vst v9  }
0xd7: {  	v4 =	vld [tilespmem:s30+$0x18100];
	[tilespmem:s17+$0x0] =	vst v15  }
0xd8: {  	s12 =	sadd.s32 s0, s2;
	v8 =	vmul.f32 $2.771281240e+01, v8;
	v7 =	vld [tilespmem:s18+$0x18100];
	v9 =	vadd.f32 v14, v6;
	[dreg:$0xd] =	wrdreg s21  }
0xd9: {  	s2 =	sadd.s32 s0, s25;
	s16 =	sadd.s32 s6, s21;
	v12 =	vadd.f32 v12, v10;
	v14 =	vmul.f32 $2.771281240e+01, v18;
	v15 =	vld [tilespmem:s12+$0x0]  }
0xda: {  	s24 =	smov.u32 s22;
	s22 =	sadd.s32 s6, s22;
	v16 =	vmul.f32 $2.771281240e+01, v16;
	v8 =	vadd.f32 v8, v10;
	s21 =	sadd.s32 s19, s16;
	[tilespmem:s20+$0x100] =	vst v9;
	v17 =	vld [tilespmem:s2+$0x0]  }
0xdb: {  	s10 =	sadd.s32 s6, s23;
	s0 =	sadd.s32 s19, s22;
	[tilespmem:s4+$0x0] =	vst v12;
	v9 =	vmul.f32 $2.771281240e+01, v11;
	v11 =	vadd.f32 v14, v5;
	v14 =	vld [tilespmem:s21+$0x0]  }
0xdc: {  	v10 =	vadd.f32 v16, v10;
	s4 =	sadd.s32 s19, s10;
	[tilespmem:s5+$0x0] =	vst v8;
	v8 =	vmul.f32 $2.771281240e+01, v13;
	v12 =	vld [tilespmem:s0+$0x0]  }
0xdd: {  	s13 =	sadd.s32 s7, s22;
	v9 =	vadd.f32 v9, v4;
	[tilespmem:s29+$0x100] =	vst v11;
	v11 =	vld [tilespmem:s4+$0x0]  }
0xde: {  	s31 =	sadd.s32 s8, s10;
	s25 =	smov.u32 s23;
	s5 =	sadd.s32 s7, s10;
	[tilespmem:s3+$0x0] =	vst v10;
	v8 =	vadd.f32 v8, v7;
	v10 =	vld [tilespmem:s13+$0x0];
	v16 =	vmul.f32 $2.771281240e+01, v15  }
0xdf: {  	s14 =	sadd.s32 s7, s16;
	s15 =	sadd.s32 s8, s16;
	s17 =	sadd.s32 s8, s22;
	[tilespmem:s30+$0x100] =	vst v9;
	v9 =	vld [tilespmem:s5+$0x0]  }
0xe0: {  	s29 =	sadd.s32 s9, s22;
	s30 =	sadd.s32 s9, s10;
	s10 =	sadd.s32 s9, s16;
	[tilespmem:s18+$0x100] =	vst v8;
	v15 =	vmul.f32 $2.771281240e+01, v17;
	v8 =	vld [tilespmem:s14+$0x0];
	v13 =	vmul.f32 $2.771281240e+01, v14;
	v14 =	vadd.f32 v16, v3  }
.LBB2_3:
0xe1: {  	_ = 	snop  }
0xe2: {  	s26 =	sadd.s32 $0x40, s26;
	v16 =	vld [tilespmem:s29+$0x0];
	s28 =	sadd.s32 $0x200, s28;
	v15 =	vadd.f32 v15, v3;
	v12 =	vmul.f32 $2.771281240e+01, v12  }
0xe3: {  	s1 =	rddreg [dreg:$0x5];
	v3 =	vmov v7;
	s16 =	sand.u32 $0x40, s26;
	s18 =	sand.u32 $0x1C00, s28;
	v7 =	vld [tilespmem:s30+$0x0];
	v13 =	vadd.f32 v13, v6;
	[tilespmem:s12+$0x0] =	vst v14;
	v11 =	vmul.f32 $2.771281240e+01, v11  }
0xe4: {  	v14 =	vld [tilespmem:s10+$0x0];
	s7 =	sor.u32 s1, s18;
	s11 =	sor.u32 $0x30, s16;
	[tilespmem:s2+$0x0] =	vst v15;
	v10 =	vmul.f32 $2.771281240e+01, v10;
	v12 =	vadd.f32 v12, v6  }
0xe5: {  	s1 =	sor.u32 $0x10, s16;
	s6 =	sor.u32 s11, s7;
	v15 =	vld [tilespmem:s17+$0x0];
	[tilespmem:s21+$0x0] =	vst v13;
	v9 =	vmul.f32 $2.771281240e+01, v9;
	v6 =	vadd.f32 v11, v6  }
0xe6: {  	s20 =	sor.u32 s1, s7;
	v8 =	vmul.f32 $2.771281240e+01, v8;
	v11 =	vld [tilespmem:s6+$0x100];
	v10 =	vadd.f32 v10, v5;
	[tilespmem:s0+$0x0] =	vst v12  }
0xe7: {  	s3 =	sor.u32 $0x20, s16;
	v13 =	vmul.f32 $2.771281240e+01, v16;
	v9 =	vadd.f32 v9, v5;
	v12 =	vld [tilespmem:s20+$0x100];
	[tilespmem:s4+$0x0] =	vst v6  }
0xe8: {  	s19 =	sor.u32 s3, s7;
	v5 =	vadd.f32 v8, v5;
	[tilespmem:s13+$0x0] =	vst v10;
	v6 =	vld [tilespmem:s6+$0x18100]  }
0xe9: {  	s23 =	sadd.s32 s18, s24;
	s8 =	sor.u32 s16, s7;
	v7 =	vmul.f32 $2.771281240e+01, v7;
	v8 =	vld [tilespmem:s19+$0x100];
	[tilespmem:s5+$0x0] =	vst v9;
	v9 =	vadd.f32 v13, v4  }
0xea: {  	s7 =	sadd.s32 s18, s25;
	s12 =	sadd.s32 s1, s23;
	v10 =	vmul.f32 $2.771281240e+01, v14;
	v13 =	vld [tilespmem:s8+$0x100];
	[tilespmem:s14+$0x0] =	vst v5  }
0xeb: {  	s21 =	sadd.s32 s3, s23;
	s22 =	sadd.s32 s1, s7;
	s9 =	sadd.s32 s3, s7;
	v7 =	vadd.f32 v7, v4;
	v5 =	vld [tilespmem:s20+$0x18100];
	[tilespmem:s29+$0x0] =	vst v9;
	v11 =	vmul.f32 $2.771281240e+01, v11  }
0xec: {  	s2 =	sadd.s32 s16, s7;
	s4 =	sadd.s32 s11, s7;
	s13 =	smov.u32 s12;
	v9 =	vadd.f32 v10, v4;
	v4 =	vld [tilespmem:s19+$0x18100]  }
0xed: {  	v14 =	vmul.f32 $2.771281240e+01, v15;
	s5 =	smov.u32 s22;
	s12 =	smov.u32 s31;
	s22 =	rddreg [dreg:$0xd];
	[tilespmem:s30+$0x0] =	vst v7;
	v7 =	vld [tilespmem:s8+$0x18100];
	v11 =	vadd.f32 v11, v6  }
0xee: {  	s31 =	smov.u32 s2;
	s2 =	smov.u32 s15;
	s7 =	sadd.s32 s18, s22;
	[tilespmem:s10+$0x0] =	vst v9;
	v9 =	vld [tilespmem:s12+$0x0];
	v10 =	vmul.f32 $2.771281240e+01, v12  }
0xef: {  	s29 =	smov.u32 s21;
	s21 =	sadd.s32 s11, s7;
	v12 =	vadd.f32 v14, v3;
	v14 =	vld [tilespmem:s2+$0x0];
	[tilespmem:s6+$0x100] =	vst v11  }
0xf0: {  	p0 =	slt.u32 s26, $0x2C0;
	s0 =	sadd.s32 s11, s23;
	v8 =	vmul.f32 $2.771281240e+01, v8;
	v10 =	vadd.f32 v10, v5;
	v16 =	vld [tilespmem:s21+$0x0]  }
.Ltmp0:
0xf1: {  	v13 =	vmul.f32 $2.771281240e+01, v13;
	[tilespmem:s17+$0x0] =	vst v12;
	v12 =	vld [tilespmem:s0+$0x0];
	(pc) =	sbr.rel @p0 .LBB2_3-.Ltmp0, $4  }
0xf2: {  	v8 =	vadd.f32 v8, v4;
	[tilespmem:s20+$0x100] =	vst v10;
	v11 =	vld [tilespmem:s4+$0x0]  }
0xf3: {  	v13 =	vadd.f32 v13, v7;
	v17 =	vmul.f32 $2.771281240e+01, v9;
	v10 =	vld [tilespmem:s13+$0x0]  }
0xf4: {  	s23 =	sadd.s32 s16, s23;
	s14 =	sadd.s32 s1, s7;
	s15 =	sadd.s32 s16, s7;
	[tilespmem:s19+$0x100] =	vst v8;
	v9 =	vld [tilespmem:s5+$0x0]  }
0xf5: {  	s30 =	smov.u32 s9;
	s10 =	sadd.s32 s3, s7;
	s17 =	smov.u32 s23;
	[tilespmem:s8+$0x100] =	vst v13;
	v15 =	vmul.f32 $2.771281240e+01, v14;
	v8 =	vld [tilespmem:s14+$0x0];
	v14 =	vadd.f32 v17, v3;
	v13 =	vmul.f32 $2.771281240e+01, v16  }
0xf6: {  	v16 =	vld [tilespmem:s17+$0x0]  }
0xf7: {  	v12 =	vmul.f32 $2.771281240e+01, v12;
	v3 =	vadd.f32 v15, v3  }
0xf8: {  	v49 =	vld [tilespmem:s29+$0x0];
	[tilespmem:s12+$0x0] =	vst v14;
	v11 =	vmul.f32 $2.771281240e+01, v11;
	v13 =	vadd.f32 v13, v6  }
0xf9: {  	v51 =	vld [tilespmem:s30+$0x0];
	v12 =	vadd.f32 v12, v6;
	[tilespmem:s2+$0x0] =	vst v3;
	v3 =	vmul.f32 $2.771281240e+01, v10  }
0xfa: {  	v52 =	vld [tilespmem:s10+$0x0];
	v9 =	vmul.f32 $2.771281240e+01, v9;
	v53 =	vadd.f32 v11, v6;
	[tilespmem:s21+$0x0] =	vst v13  }
0xfb: {  	[tilespmem:s0+$0x0] =	vst v12;
	v16 =	vmul.f32 $2.771281240e+01, v16;
	v3 =	vadd.f32 v3, v5  }
0xfc: {  	v8 =	vmul.f32 $2.771281240e+01, v8;
	v9 =	vadd.f32 v9, v5;
	[tilespmem:s4+$0x0] =	vst v53  }
0xfd: {  	v56 =	vmul.f32 $2.771281240e+01, v49;
	v50 =	vadd.f32 v16, v7;
	[tilespmem:s13+$0x0] =	vst v3  }
0xfe: {  	v57 =	vmul.f32 $2.771281240e+01, v51;
	v3 =	vadd.f32 v8, v5;
	[tilespmem:s5+$0x0] =	vst v9  }
0xff: {  	v59 =	vmul.f32 $2.771281240e+01, v52;
	v58 =	vadd.f32 v56, v4;
	[tilespmem:s17+$0x0] =	vst v50  }
0x100: {  	[tilespmem:s14+$0x0] =	vst v3;
	v3 =	vadd.f32 v57, v4  }
0x101: {  	v61 =	vadd.f32 v59, v4;
	[tilespmem:s29+$0x0] =	vst v58  }
0x102: {  	[tilespmem:s30+$0x0] =	vst v3  }
0x103: {  	v54 =	vld [tilespmem:s31+$0x0];
	[tilespmem:s10+$0x0] =	vst v61  }
0x104: {  	v55 =	vld [tilespmem:s15+$0x0];
	s2 =	sld [smem:$0x7DB];
	_ =	sdelay $0x2  }
0x105: {  	s2 =	sadd.s32 $0x1, s2  }
0x106: {  	v60 =	vmul.f32 $2.771281240e+01, v54;
	p0 =	sne.s32 s2, $0x8  }
.Ltmp1:
0x107: {  	v62 =	vmul.f32 $2.771281240e+01, v55;
	(pc) =	sbr.rel @p0 .LBB2_2-.Ltmp1, $4  }
0x108: {  	v3 =	vadd.f32 v60, v7  }
0x109: {  	v63 =	vadd.f32 v62, v7  }
0x10a: {  	[tilespmem:s31+$0x0] =	vst v3  }
0x10b: {  	[tilespmem:s15+$0x0] =	vst v63  }
0x10c: {  	s0 =	rddreg [dreg:$0x1a]  }
0x10d: {  	s4 =	simm.s32 $0x0;
	s1 =	simm.s32 $0x100;
	s9 =	rddreg [dreg:$0x1c]  }
0x10e: {  	[hbm4b:s0+s4] =	stream.linear.scatter [tilespmem:s1], [sflag:$0x6], $0x1800, $0x38;
	[tilespmem:$0x1E100] =	vst v63  }
0x10f: {  	s10 =	simm.s32 $0x1900;
	s11 =	sld [smem:$0x7E6]  }
0x110: {  	[hbm4b:s9+s4] =	stream.linear.scatter [tilespmem:s10], [sflag:$0x6], $0x1800, $0x38;
	[tilespmem:$0x1E100] =	vst v63  }
0x111: {  	s12 =	simm.s32 $0x3100;
	s13 =	sld [smem:$0x7E8]  }
0x112: {  	[hbm4b:s11+s4] =	stream.linear.scatter [tilespmem:s12], [sflag:$0x6], $0x1800, $0x38;
	[tilespmem:$0x1E100] =	vst v63  }
0x113: {  	s14 =	simm.s32 $0x4900;
	s15 =	simm.s32 $0x3  }
0x114: {  	[hbm4b:s13+s4] =	stream.linear.scatter [tilespmem:s14], [sflag:$0x6], $0x1800, $0x38;
	[tilespmem:$0x1E100] =	vst v63  }
0x115: {  	_ =	swait.ge [sflag:s15], $0x1800  }
0x116: {  	[sflag:s15] =	ssyncset.done $0x0  }
0x117: {  	[sflag:s15] =	ssyncadd.s32 $0xFFFFE800  }
0x118: {  	_ =	swait.ge [sflag:s15], $0x6000  }
0x119: {  	[sflag:s15] =	ssyncset.done $0x0  }
0x11a: {  	s17 =	simm.s32 $0x1C900;
	s16 =	rddreg [dreg:$0x1d];
	[sflag:s15] =	ssyncadd.s32 $0xFFFFA000  }
0x11b: {  	[tilespmem:s17], [sflag:$0x5] =	stream.linear.gather [hbm4b:s16+s4], $0x1800, $0x38;
	[tilespmem:$0x1E100] =	vst v63  }
0x11c: {  	v3 =	vld [tilespmem:$0x60];
	_ =	sdelay $0x4  }
0x11d: {  	v4 =	vshrl.u32 v3, $0x3  }
0x11e: {  	v4 =	vmul.u32 $0x30, v4  }
0x11f: {  	v3 =	vand.u32 $0x7, v3  }
0x120: {  	v3 =	vor.u32 v3, v4  }
0x121: {  	v4 =	vperm.xlane v3, v0;
	_ =	sdelay $0x1  }
0x122: {  	v4 =	vadd.s32 v1, v4;
	_ =	sdelay $0x3  }
0x123: {  	s19 =	simm.s32 $0x12100;
	s18 =	rddreg [dreg:$0x1];
	v3 =	vperm.xlane v3, v2  }
0x124: {  	[tilespmem:s19], [sflag:$0x5] =	stream.indirect_vreg.gather [hbm4b:s18+s4], $0x80, v4, vm0, $0xb8;
	[tilespmem:$0x1E100] =	vst v63  }
0x125: {  	s2 =	simm.s32 $0x12900;
	s20 =	rddreg [dreg:$0x17];
	v3 =	vadd.s32 v1, v3  }
0x126: {  	[tilespmem:s2], [sflag:$0x5] =	stream.indirect_vreg.gather [hbm4b:s20+s4], $0x80, v4, vm0, $0xb8;
	[tilespmem:$0x1E100] =	vst v63  }
0x127: {  	s3 =	simm.s32 $0x13100;
	s21 =	rddreg [dreg:$0x18]  }
0x128: {  	[tilespmem:s3], [sflag:$0x5] =	stream.indirect_vreg.gather [hbm4b:s21+s4], $0x80, v4, vm0, $0xb8;
	[tilespmem:$0x1E100] =	vst v63  }
0x129: {  	s22 =	simm.s32 $0x13900  }
0x12a: {  	[tilespmem:s22], [sflag:$0x5] =	stream.indirect_vreg.gather [hbm4b:s18+s4], $0x80, v3, vm0, $0xb8;
	[tilespmem:$0x1E100] =	vst v63  }
0x12b: {  	s23 =	simm.s32 $0x14100  }
0x12c: {  	[tilespmem:s23], [sflag:$0x5] =	stream.indirect_vreg.gather [hbm4b:s20+s4], $0x80, v3, vm0, $0xb8;
	[tilespmem:$0x1E100] =	vst v63  }
0x12d: {  	s24 =	simm.s32 $0x14900  }
0x12e: {  	[tilespmem:s24], [sflag:$0x5] =	stream.indirect_vreg.gather [hbm4b:s21+s4], $0x80, v3, vm0, $0xb8;
	[tilespmem:$0x1E100] =	vst v63  }
0x12f: {  	v3 =	vld [tilespmem:$0x70];
	_ =	sdelay $0x4  }
0x130: {  	v63 =	vshrl.u32 v3, $0x3  }
0x131: {  	v4 =	vmul.u32 $0x30, v63  }
0x132: {  	v3 =	vand.u32 $0x7, v3  }
0x133: {  	v3 =	vor.u32 v3, v4  }
0x134: {  	v4 =	vperm.xlane v3, v0;
	_ =	sdelay $0x1  }
0x135: {  	v4 =	vadd.s32 v1, v4;
	_ =	sdelay $0x3  }
0x136: {  	s25 =	simm.s32 $0x15100;
	v3 =	vperm.xlane v3, v2  }
0x137: {  	[tilespmem:s25], [sflag:$0x5] =	stream.indirect_vreg.gather [hbm4b:s18+s4], $0x80, v4, vm0, $0xb8;
	[tilespmem:$0x1E100] =	vst v63  }
0x138: {  	s26 =	simm.s32 $0x15900;
	v3 =	vadd.s32 v1, v3  }
0x139: {  	[tilespmem:s26], [sflag:$0x5] =	stream.indirect_vreg.gather [hbm4b:s20+s4], $0x80, v4, vm0, $0xb8;
	[tilespmem:$0x1E100] =	vst v63  }
0x13a: {  	s28 =	simm.s32 $0x16100  }
0x13b: {  	[tilespmem:s28], [sflag:$0x5] =	stream.indirect_vreg.gather [hbm4b:s21+s4], $0x80, v4, vm0, $0xb8;
	[tilespmem:$0x1E100] =	vst v63  }
0x13c: {  	s29 =	simm.s32 $0x16900  }
0x13d: {  	[tilespmem:s29], [sflag:$0x5] =	stream.indirect_vreg.gather [hbm4b:s18+s4], $0x80, v3, vm0, $0xb8;
	[tilespmem:$0x1E100] =	vst v63  }
0x13e: {  	s30 =	simm.s32 $0x17100  }
0x13f: {  	[tilespmem:s30], [sflag:$0x5] =	stream.indirect_vreg.gather [hbm4b:s20+s4], $0x80, v3, vm0, $0xb8;
	[tilespmem:$0x1E100] =	vst v63  }
0x140: {  	s31 =	simm.s32 $0x17900;
	s1 =	simm.s32 $0x0  }
0x141: {  	[tilespmem:s31], [sflag:$0x5] =	stream.indirect_vreg.gather [hbm4b:s21+s4], $0x80, v3, vm0, $0xb8;
	[tilespmem:$0x1E100] =	vst v63  }
.LBB2_6:
0x142: {  	s0 =	simm.s32 $0x0;
	s24 =	simm.s32 $0x0  }
0x143: {  	s9 =	sshll.u32 s1, $0x7;
	s0 =	sand.u32 $0x40, s0;
	s2 =	sand.u32 $0x1C00, s24  }
0x144: {  	[smem:$0x7DA] =	sst s1;
	s1 =	sor.u32 s9, s2;
	s3 =	sor.u32 $0x30, s0  }
0x145: {  	s4 =	sor.u32 s3, s1  }
0x146: {  	v3 =	vld [tilespmem:s4+$0x6100]  }
0x147: {  	s6 =	sor.u32 $0x10, s0  }
0x148: {  	s7 =	sor.u32 s6, s1;
	v4 =	vld [tilespmem:s4+$0x19900]  }
0x149: {  	v5 =	vld [tilespmem:s7+$0x6100]  }
0x14a: {  	s10 =	sor.u32 $0x20, s0  }
0x14b: {  	s8 =	sor.u32 s10, s1;
	v7 =	vld [tilespmem:s7+$0x19900];
	v3 =	vmul.f32 $2.771281240e+01, v3  }
0x14c: {  	s11 =	sor.u32 s0, s1;
	v6 =	vld [tilespmem:s8+$0x6100]  }
0x14d: {  	s23 =	sadd.s32 $0xA900, s9;
	v8 =	vld [tilespmem:s11+$0x6100];
	v9 =	vadd.f32 v3, v4  }
0x14e: {  	s24 =	sadd.s32 $0x7900, s9;
	s25 =	sadd.s32 s2, s23;
	v10 =	vld [tilespmem:s8+$0x19900];
	v5 =	vmul.f32 $2.771281240e+01, v5  }
0x14f: {  	s31 =	sadd.s32 $0x9100, s9;
	s12 =	sadd.s32 s2, s24;
	s13 =	sadd.s32 s3, s25;
	v3 =	vld [tilespmem:s11+$0x19900];
	[tilespmem:s4+$0x6100] =	vst v9  }
0x150: {  	s5 =	sadd.s32 s2, s31;
	s14 =	sadd.s32 s3, s12;
	v5 =	vadd.f32 v5, v7;
	v9 =	vld [tilespmem:s13+$0x0]  }
0x151: {  	s15 =	sadd.s32 s3, s5;
	v6 =	vmul.f32 $2.771281240e+01, v6;
	v11 =	vld [tilespmem:s14+$0x0]  }
0x152: {  	s16 =	sadd.s32 s6, s12;
	v8 =	vmul.f32 $2.771281240e+01, v8;
	[tilespmem:s7+$0x6100] =	vst v5;
	v5 =	vld [tilespmem:s15+$0x0]  }
0x153: {  	s17 =	sadd.s32 s6, s5;
	v6 =	vadd.f32 v6, v10;
	v12 =	vld [tilespmem:s16+$0x0]  }
0x154: {  	s18 =	sadd.s32 s6, s25;
	v13 =	vld [tilespmem:s17+$0x0];
	v8 =	vadd.f32 v8, v3  }
0x155: {  	s4 =	sadd.s32 s10, s12;
	[tilespmem:s8+$0x6100] =	vst v6;
	v14 =	vld [tilespmem:s18+$0x0]  }
0x156: {  	s3 =	sadd.s32 s10, s5;
	v15 =	vld [tilespmem:s4+$0x0];
	[tilespmem:s11+$0x6100] =	vst v8  }
0x157: {  	s12 =	sadd.s32 s0, s12;
	v8 =	vld [tilespmem:s3+$0x0];
	[dreg:$0x6] =	wrdreg s9  }
0x158: {  	s28 =	simm.s32 $0x40;
	s29 =	simm.s32 $0x200;
	v6 =	vmul.f32 $2.771281240e+01, v9;
	v9 =	vld [tilespmem:s12+$0x0]  }
0x159: {  	s8 =	sand.u32 $0x40, s28;
	s11 =	sand.u32 $0x1C00, s29;
	v11 =	vmul.f32 $2.771281240e+01, v11  }
0x15a: {  	s6 =	sadd.s32 s10, s25;
	s19 =	sor.u32 $0x30, s8;
	s26 =	sor.u32 s9, s11;
	v5 =	vmul.f32 $2.771281240e+01, v5;
	v6 =	vadd.f32 v6, v4  }
0x15b: {  	s2 =	sor.u32 $0x10, s8;
	v12 =	vmul.f32 $2.771281240e+01, v12;
	v16 =	vld [tilespmem:s6+$0x0];
	s20 =	sor.u32 s19, s26;
	v11 =	vadd.f32 v11, v4  }
0x15c: {  	v13 =	vmul.f32 $2.771281240e+01, v13;
	s30 =	sor.u32 s2, s26;
	v17 =	vld [tilespmem:s20+$0x6100];
	v4 =	vadd.f32 v5, v4;
	[tilespmem:s13+$0x0] =	vst v6  }
0x15d: {  	v18 =	vld [tilespmem:s30+$0x6100];
	v5 =	vadd.f32 v12, v7;
	[tilespmem:s14+$0x0] =	vst v11;
	v9 =	vmul.f32 $2.771281240e+01, v9  }
0x15e: {  	s22 =	sor.u32 s8, s26;
	v12 =	vadd.f32 v13, v7;
	v6 =	vld [tilespmem:s20+$0x19900];
	[tilespmem:s15+$0x0] =	vst v4;
	v4 =	vmul.f32 $2.771281240e+01, v14  }
0x15f: {  	s7 =	sor.u32 $0x20, s8;
	v13 =	vld [tilespmem:s22+$0x6100];
	[tilespmem:s16+$0x0] =	vst v5;
	v9 =	vadd.f32 v9, v3  }
0x160: {  	s9 =	sor.u32 s7, s26;
	v5 =	vld [tilespmem:s30+$0x19900];
	[tilespmem:s17+$0x0] =	vst v12;
	v12 =	vmul.f32 $2.771281240e+01, v15;
	v15 =	vadd.f32 v4, v7  }
0x161: {  	v11 =	vld [tilespmem:s9+$0x6100];
	v14 =	vmul.f32 $2.771281240e+01, v17;
	[tilespmem:s12+$0x0] =	vst v9  }
0x162: {  	v4 =	vld [tilespmem:s9+$0x19900];
	[tilespmem:s18+$0x0] =	vst v15  }
0x163: {  	s21 =	sadd.s32 s0, s5;
	v8 =	vmul.f32 $2.771281240e+01, v8;
	v7 =	vld [tilespmem:s22+$0x19900];
	v9 =	vadd.f32 v14, v6;
	[dreg:$0xe] =	wrdreg s23  }
0x164: {  	v12 =	vadd.f32 v12, v10;
	s12 =	sadd.s32 s0, s25;
	v14 =	vmul.f32 $2.771281240e+01, v18;
	s23 =	sadd.s32 s11, s23;
	v15 =	vld [tilespmem:s21+$0x0]  }
0x165: {  	v16 =	vmul.f32 $2.771281240e+01, v16;
	v8 =	vadd.f32 v8, v10;
	s25 =	smov.u32 s24;
	s24 =	sadd.s32 s11, s24;
	[tilespmem:s20+$0x6100] =	vst v9;
	s16 =	sadd.s32 s19, s23;
	v17 =	vld [tilespmem:s12+$0x0]  }
0x166: {  	s11 =	sadd.s32 s11, s31;
	[tilespmem:s4+$0x0] =	vst v12;
	s4 =	sadd.s32 s19, s24;
	v9 =	vmul.f32 $2.771281240e+01, v11;
	v11 =	vadd.f32 v14, v5;
	v14 =	vld [tilespmem:s16+$0x0]  }
0x167: {  	v10 =	vadd.f32 v16, v10;
	s5 =	sadd.s32 s19, s11;
	[tilespmem:s3+$0x0] =	vst v8;
	v8 =	vmul.f32 $2.771281240e+01, v13;
	v12 =	vld [tilespmem:s4+$0x0]  }
0x168: {  	s15 =	sadd.s32 s2, s24;
	v9 =	vadd.f32 v9, v4;
	[tilespmem:s30+$0x6100] =	vst v11;
	v11 =	vld [tilespmem:s5+$0x0]  }
0x169: {  	s26 =	smov.u32 s31;
	s14 =	sadd.s32 s8, s24;
	s10 =	sadd.s32 s2, s11;
	[tilespmem:s6+$0x0] =	vst v10;
	v8 =	vadd.f32 v8, v7;
	v10 =	vld [tilespmem:s15+$0x0];
	v16 =	vmul.f32 $2.771281240e+01, v15  }
0x16a: {  	s31 =	sadd.s32 s7, s11;
	s2 =	sadd.s32 s2, s23;
	s0 =	sadd.s32 s8, s11;
	[tilespmem:s9+$0x6100] =	vst v9;
	v9 =	vld [tilespmem:s10+$0x0]  }
0x16b: {  	s13 =	sadd.s32 s7, s23;
	s17 =	sadd.s32 s8, s23;
	s30 =	sadd.s32 s7, s24;
	[tilespmem:s22+$0x6100] =	vst v8;
	v15 =	vmul.f32 $2.771281240e+01, v17;
	v8 =	vld [tilespmem:s2+$0x0];
	v13 =	vmul.f32 $2.771281240e+01, v14;
	v14 =	vadd.f32 v16, v3  }
.LBB2_7:
0x16c: {  	_ = 	snop  }
0x16d: {  	s28 =	sadd.s32 $0x40, s28;
	v16 =	vld [tilespmem:s30+$0x0];
	s29 =	sadd.s32 $0x200, s29;
	v15 =	vadd.f32 v15, v3;
	v12 =	vmul.f32 $2.771281240e+01, v12  }
0x16e: {  	s1 =	rddreg [dreg:$0x6];
	v3 =	vmov v7;
	s20 =	sand.u32 $0x40, s28;
	s19 =	sand.u32 $0x1C00, s29;
	v7 =	vld [tilespmem:s31+$0x0];
	v13 =	vadd.f32 v13, v6;
	[tilespmem:s21+$0x0] =	vst v14;
	v11 =	vmul.f32 $2.771281240e+01, v11  }
0x16f: {  	v14 =	vld [tilespmem:s13+$0x0];
	s1 =	sor.u32 s1, s19;
	s18 =	sor.u32 $0x30, s20;
	[tilespmem:s12+$0x0] =	vst v15;
	v10 =	vmul.f32 $2.771281240e+01, v10;
	v12 =	vadd.f32 v12, v6  }
0x170: {  	s3 =	sor.u32 $0x10, s20;
	s7 =	sor.u32 s18, s1;
	v15 =	vld [tilespmem:s14+$0x0];
	[tilespmem:s16+$0x0] =	vst v13;
	v9 =	vmul.f32 $2.771281240e+01, v9;
	v6 =	vadd.f32 v11, v6  }
0x171: {  	s8 =	sor.u32 s3, s1;
	v8 =	vmul.f32 $2.771281240e+01, v8;
	v11 =	vld [tilespmem:s7+$0x6100];
	v10 =	vadd.f32 v10, v5;
	[tilespmem:s4+$0x0] =	vst v12  }
0x172: {  	s6 =	sor.u32 $0x20, s20;
	v13 =	vmul.f32 $2.771281240e+01, v16;
	v9 =	vadd.f32 v9, v5;
	v12 =	vld [tilespmem:s8+$0x6100];
	[tilespmem:s5+$0x0] =	vst v6  }
0x173: {  	s11 =	sor.u32 s20, s1;
	s1 =	sor.u32 s6, s1;
	v5 =	vadd.f32 v8, v5;
	[tilespmem:s15+$0x0] =	vst v10;
	v6 =	vld [tilespmem:s7+$0x19900]  }
0x174: {  	v7 =	vmul.f32 $2.771281240e+01, v7;
	v8 =	vld [tilespmem:s1+$0x6100];
	[tilespmem:s10+$0x0] =	vst v9;
	v9 =	vadd.f32 v13, v4  }
0x175: {  	s24 =	sadd.s32 s19, s25;
	s16 =	sadd.s32 s19, s26;
	v10 =	vmul.f32 $2.771281240e+01, v14;
	v13 =	vld [tilespmem:s11+$0x6100];
	[tilespmem:s2+$0x0] =	vst v5  }
0x176: {  	s21 =	sadd.s32 s3, s24;
	s22 =	sadd.s32 s6, s24;
	s23 =	sadd.s32 s6, s16;
	v7 =	vadd.f32 v7, v4;
	v5 =	vld [tilespmem:s8+$0x19900];
	[tilespmem:s30+$0x0] =	vst v9;
	v11 =	vmul.f32 $2.771281240e+01, v11  }
0x177: {  	s12 =	sadd.s32 s20, s16;
	s15 =	smov.u32 s21;
	s21 =	smov.u32 s0;
	v9 =	vadd.f32 v10, v4;
	v4 =	vld [tilespmem:s1+$0x19900]  }
0x178: {  	v14 =	vmul.f32 $2.771281240e+01, v15;
	s0 =	smov.u32 s12;
	s30 =	smov.u32 s22;
	s22 =	rddreg [dreg:$0xe];
	[tilespmem:s31+$0x0] =	vst v7;
	v7 =	vld [tilespmem:s11+$0x19900];
	v11 =	vadd.f32 v11, v6  }
0x179: {  	s12 =	smov.u32 s17;
	s31 =	smov.u32 s23;
	s23 =	sadd.s32 s19, s22;
	[tilespmem:s13+$0x0] =	vst v9;
	v9 =	vld [tilespmem:s21+$0x0];
	v10 =	vmul.f32 $2.771281240e+01, v12  }
0x17a: {  	s9 =	sadd.s32 s3, s16;
	s5 =	sadd.s32 s18, s16;
	s16 =	sadd.s32 s18, s23;
	v12 =	vadd.f32 v14, v3;
	v14 =	vld [tilespmem:s12+$0x0];
	[tilespmem:s7+$0x6100] =	vst v11  }
0x17b: {  	p0 =	slt.u32 s28, $0x2C0;
	s4 =	sadd.s32 s18, s24;
	v8 =	vmul.f32 $2.771281240e+01, v8;
	v10 =	vadd.f32 v10, v5;
	v16 =	vld [tilespmem:s16+$0x0]  }
.Ltmp2:
0x17c: {  	v13 =	vmul.f32 $2.771281240e+01, v13;
	[tilespmem:s14+$0x0] =	vst v12;
	v12 =	vld [tilespmem:s4+$0x0];
	(pc) =	sbr.rel @p0 .LBB2_7-.Ltmp2, $4  }
0x17d: {  	v8 =	vadd.f32 v8, v4;
	[tilespmem:s8+$0x6100] =	vst v10;
	v11 =	vld [tilespmem:s5+$0x0]  }
0x17e: {  	s10 =	smov.u32 s9;
	v13 =	vadd.f32 v13, v7;
	v17 =	vmul.f32 $2.771281240e+01, v9;
	v10 =	vld [tilespmem:s15+$0x0]  }
0x17f: {  	s24 =	sadd.s32 s20, s24;
	s2 =	sadd.s32 s3, s23;
	[tilespmem:s1+$0x6100] =	vst v8;
	v9 =	vld [tilespmem:s10+$0x0]  }
0x180: {  	s13 =	sadd.s32 s6, s23;
	s17 =	sadd.s32 s20, s23;
	s14 =	smov.u32 s24;
	[tilespmem:s11+$0x6100] =	vst v13;
	v15 =	vmul.f32 $2.771281240e+01, v14;
	v8 =	vld [tilespmem:s2+$0x0];
	v14 =	vadd.f32 v17, v3;
	v13 =	vmul.f32 $2.771281240e+01, v16  }
0x181: {  	v16 =	vld [tilespmem:s14+$0x0]  }
0x182: {  	v12 =	vmul.f32 $2.771281240e+01, v12;
	v3 =	vadd.f32 v15, v3  }
0x183: {  	v49 =	vld [tilespmem:s30+$0x0];
	[tilespmem:s21+$0x0] =	vst v14;
	v11 =	vmul.f32 $2.771281240e+01, v11;
	v13 =	vadd.f32 v13, v6  }
0x184: {  	v51 =	vld [tilespmem:s31+$0x0];
	v12 =	vadd.f32 v12, v6;
	[tilespmem:s12+$0x0] =	vst v3;
	v3 =	vmul.f32 $2.771281240e+01, v10  }
0x185: {  	v52 =	vld [tilespmem:s13+$0x0];
	v9 =	vmul.f32 $2.771281240e+01, v9;
	v53 =	vadd.f32 v11, v6;
	[tilespmem:s16+$0x0] =	vst v13  }
0x186: {  	[tilespmem:s4+$0x0] =	vst v12;
	v16 =	vmul.f32 $2.771281240e+01, v16;
	v3 =	vadd.f32 v3, v5  }
0x187: {  	v8 =	vmul.f32 $2.771281240e+01, v8;
	v9 =	vadd.f32 v9, v5;
	[tilespmem:s5+$0x0] =	vst v53  }
0x188: {  	v56 =	vmul.f32 $2.771281240e+01, v49;
	v50 =	vadd.f32 v16, v7;
	[tilespmem:s15+$0x0] =	vst v3  }
0x189: {  	v57 =	vmul.f32 $2.771281240e+01, v51;
	v3 =	vadd.f32 v8, v5;
	[tilespmem:s10+$0x0] =	vst v9  }
0x18a: {  	v59 =	vmul.f32 $2.771281240e+01, v52;
	v58 =	vadd.f32 v56, v4;
	[tilespmem:s14+$0x0] =	vst v50  }
0x18b: {  	[tilespmem:s2+$0x0] =	vst v3;
	v3 =	vadd.f32 v57, v4  }
0x18c: {  	v61 =	vadd.f32 v59, v4;
	[tilespmem:s30+$0x0] =	vst v58  }
0x18d: {  	[tilespmem:s31+$0x0] =	vst v3  }
0x18e: {  	v54 =	vld [tilespmem:s0+$0x0];
	[tilespmem:s13+$0x0] =	vst v61  }
0x18f: {  	v55 =	vld [tilespmem:s17+$0x0];
	s1 =	sld [smem:$0x7DA];
	_ =	sdelay $0x2  }
0x190: {  	s1 =	sadd.s32 $0x1, s1  }
0x191: {  	v60 =	vmul.f32 $2.771281240e+01, v54;
	p0 =	sne.s32 s1, $0x8  }
.Ltmp3:
0x192: {  	v62 =	vmul.f32 $2.771281240e+01, v55;
	(pc) =	sbr.rel @p0 .LBB2_6-.Ltmp3, $4  }
0x193: {  	v3 =	vadd.f32 v60, v7  }
0x194: {  	v63 =	vadd.f32 v62, v7  }
0x195: {  	[tilespmem:s0+$0x0] =	vst v3  }
0x196: {  	[tilespmem:s17+$0x0] =	vst v63  }
0x197: {  	s0 =	rddreg [dreg:$0x1e]  }
0x198: {  	s4 =	simm.s32 $0x0;
	s1 =	simm.s32 $0x6100;
	s8 =	sld [smem:$0x7E9]  }
0x199: {  	[hbm4b:s0+s4] =	stream.linear.scatter [tilespmem:s1], [sflag:$0x7], $0x1800, $0x38;
	[tilespmem:$0x1E100] =	vst v63  }
0x19a: {  	s9 =	simm.s32 $0x7900;
	s10 =	sld [smem:$0x7EA]  }
0x19b: {  	[hbm4b:s8+s4] =	stream.linear.scatter [tilespmem:s9], [sflag:$0x7], $0x1800, $0x38;
	[tilespmem:$0x1E100] =	vst v63  }
0x19c: {  	s11 =	simm.s32 $0x9100;
	s12 =	sld [smem:$0x7EB]  }
0x19d: {  	[hbm4b:s10+s4] =	stream.linear.scatter [tilespmem:s11], [sflag:$0x7], $0x1800, $0x38;
	[tilespmem:$0x1E100] =	vst v63  }
0x19e: {  	s13 =	simm.s32 $0xA900;
	s14 =	simm.s32 $0x4  }
0x19f: {  	[hbm4b:s12+s4] =	stream.linear.scatter [tilespmem:s13], [sflag:$0x7], $0x1800, $0x38;
	[tilespmem:$0x1E100] =	vst v63  }
0x1a0: {  	_ =	swait.ge [sflag:s14], $0x1800  }
0x1a1: {  	[sflag:s14] =	ssyncset.done $0x0  }
0x1a2: {  	[sflag:s14] =	ssyncadd.s32 $0xFFFFE800  }
0x1a3: {  	_ =	swait.ge [sflag:s14], $0x6000  }
0x1a4: {  	[sflag:s14] =	ssyncset.done $0x0  }
0x1a5: {  	s15 =	simm.s32 $0x6;
	[sflag:s14] =	ssyncadd.s32 $0xFFFFA000  }
0x1a6: {  	_ =	swait.ge [sflag:s15], $0x1800  }
0x1a7: {  	[sflag:s15] =	ssyncset.done $0x0  }
0x1a8: {  	[sflag:s15] =	ssyncadd.s32 $0xFFFFE800  }
0x1a9: {  	_ =	swait.ge [sflag:s15], $0x1800  }
0x1aa: {  	[sflag:s15] =	ssyncset.done $0x0  }
0x1ab: {  	[sflag:s15] =	ssyncadd.s32 $0xFFFFE800  }
0x1ac: {  	_ =	swait.ge [sflag:s15], $0x1800  }
0x1ad: {  	[sflag:s15] =	ssyncset.done $0x0  }
0x1ae: {  	[sflag:s15] =	ssyncadd.s32 $0xFFFFE800  }
0x1af: {  	_ =	swait.ge [sflag:s15], $0x1800  }
0x1b0: {  	[sflag:s15] =	ssyncset.done $0x0  }
0x1b1: {  	s17 =	simm.s32 $0x18100;
	s16 =	rddreg [dreg:$0x1f];
	[sflag:s15] =	ssyncadd.s32 $0xFFFFE800  }
0x1b2: {  	[tilespmem:s17], [sflag:$0x2] =	stream.linear.gather [hbm4b:s16+s4], $0x1800, $0x38;
	[tilespmem:$0x1E100] =	vst v63  }
0x1b3: {  	v3 =	vld [tilespmem:$0x80];
	_ =	sdelay $0x4  }
0x1b4: {  	v4 =	vshrl.u32 v3, $0x3  }
0x1b5: {  	v4 =	vmul.u32 $0x30, v4  }
0x1b6: {  	v3 =	vand.u32 $0x7, v3  }
0x1b7: {  	v3 =	vor.u32 v3, v4  }
0x1b8: {  	v4 =	vperm.xlane v3, v0;
	_ =	sdelay $0x1  }
0x1b9: {  	v4 =	vadd.s32 v1, v4;
	_ =	sdelay $0x3  }
0x1ba: {  	s19 =	simm.s32 $0x100;
	s18 =	rddreg [dreg:$0x1];
	v3 =	vperm.xlane v3, v2  }
0x1bb: {  	[tilespmem:s19], [sflag:$0x2] =	stream.indirect_vreg.gather [hbm4b:s18+s4], $0x80, v4, vm0, $0xb8;
	[tilespmem:$0x1E100] =	vst v63  }
0x1bc: {  	s2 =	simm.s32 $0x900;
	s20 =	rddreg [dreg:$0x17];
	v3 =	vadd.s32 v1, v3  }
0x1bd: {  	[tilespmem:s2], [sflag:$0x2] =	stream.indirect_vreg.gather [hbm4b:s20+s4], $0x80, v4, vm0, $0xb8;
	[tilespmem:$0x1E100] =	vst v63  }
0x1be: {  	s3 =	simm.s32 $0x1100;
	s21 =	rddreg [dreg:$0x18]  }
0x1bf: {  	[tilespmem:s3], [sflag:$0x2] =	stream.indirect_vreg.gather [hbm4b:s21+s4], $0x80, v4, vm0, $0xb8;
	[tilespmem:$0x1E100] =	vst v63  }
0x1c0: {  	s22 =	simm.s32 $0x1900  }
0x1c1: {  	[tilespmem:s22], [sflag:$0x2] =	stream.indirect_vreg.gather [hbm4b:s18+s4], $0x80, v3, vm0, $0xb8;
	[tilespmem:$0x1E100] =	vst v63  }
0x1c2: {  	s23 =	simm.s32 $0x2100  }
0x1c3: {  	[tilespmem:s23], [sflag:$0x2] =	stream.indirect_vreg.gather [hbm4b:s20+s4], $0x80, v3, vm0, $0xb8;
	[tilespmem:$0x1E100] =	vst v63  }
0x1c4: {  	s24 =	simm.s32 $0x2900  }
0x1c5: {  	[tilespmem:s24], [sflag:$0x2] =	stream.indirect_vreg.gather [hbm4b:s21+s4], $0x80, v3, vm0, $0xb8;
	[tilespmem:$0x1E100] =	vst v63  }
0x1c6: {  	v3 =	vld [tilespmem:$0x90];
	_ =	sdelay $0x4  }
0x1c7: {  	v63 =	vshrl.u32 v3, $0x3  }
0x1c8: {  	v4 =	vmul.u32 $0x30, v63  }
0x1c9: {  	v3 =	vand.u32 $0x7, v3  }
0x1ca: {  	v3 =	vor.u32 v3, v4  }
0x1cb: {  	v4 =	vperm.xlane v3, v0;
	_ =	sdelay $0x1  }
0x1cc: {  	v4 =	vadd.s32 v1, v4;
	_ =	sdelay $0x3  }
0x1cd: {  	s25 =	simm.s32 $0x3100;
	v3 =	vperm.xlane v3, v2  }
0x1ce: {  	[tilespmem:s25], [sflag:$0x2] =	stream.indirect_vreg.gather [hbm4b:s18+s4], $0x80, v4, vm0, $0xb8;
	[tilespmem:$0x1E100] =	vst v63  }
0x1cf: {  	s26 =	simm.s32 $0x3900;
	v3 =	vadd.s32 v1, v3  }
0x1d0: {  	[tilespmem:s26], [sflag:$0x2] =	stream.indirect_vreg.gather [hbm4b:s20+s4], $0x80, v4, vm0, $0xb8;
	[tilespmem:$0x1E100] =	vst v63  }
0x1d1: {  	s28 =	simm.s32 $0x4100  }
0x1d2: {  	[tilespmem:s28], [sflag:$0x2] =	stream.indirect_vreg.gather [hbm4b:s21+s4], $0x80, v4, vm0, $0xb8;
	[tilespmem:$0x1E100] =	vst v63  }
0x1d3: {  	s29 =	simm.s32 $0x4900  }
0x1d4: {  	[tilespmem:s29], [sflag:$0x2] =	stream.indirect_vreg.gather [hbm4b:s18+s4], $0x80, v3, vm0, $0xb8;
	[tilespmem:$0x1E100] =	vst v63  }
0x1d5: {  	s30 =	simm.s32 $0x5100  }
0x1d6: {  	[tilespmem:s30], [sflag:$0x2] =	stream.indirect_vreg.gather [hbm4b:s20+s4], $0x80, v3, vm0, $0xb8;
	[tilespmem:$0x1E100] =	vst v63  }
0x1d7: {  	s31 =	simm.s32 $0x5900;
	s1 =	simm.s32 $0x0  }
0x1d8: {  	[tilespmem:s31], [sflag:$0x2] =	stream.indirect_vreg.gather [hbm4b:s21+s4], $0x80, v3, vm0, $0xb8;
	[tilespmem:$0x1E100] =	vst v63  }
.LBB2_10:
0x1d9: {  	s0 =	simm.s32 $0x0;
	s24 =	simm.s32 $0x0  }
0x1da: {  	s9 =	sshll.u32 s1, $0x7;
	s0 =	sand.u32 $0x40, s0;
	s2 =	sand.u32 $0x1C00, s24  }
0x1db: {  	[smem:$0x7D9] =	sst s1;
	s1 =	sor.u32 s9, s2;
	s3 =	sor.u32 $0x30, s0  }
0x1dc: {  	s4 =	sor.u32 s3, s1  }
0x1dd: {  	v3 =	vld [tilespmem:s4+$0xC100]  }
0x1de: {  	s6 =	sor.u32 $0x10, s0  }
0x1df: {  	s7 =	sor.u32 s6, s1;
	v4 =	vld [tilespmem:s4+$0x1B100]  }
0x1e0: {  	v5 =	vld [tilespmem:s7+$0xC100]  }
0x1e1: {  	s10 =	sor.u32 $0x20, s0  }
0x1e2: {  	s8 =	sor.u32 s10, s1;
	v7 =	vld [tilespmem:s7+$0x1B100];
	v3 =	vmul.f32 $2.771281240e+01, v3  }
0x1e3: {  	s11 =	sor.u32 s0, s1;
	v6 =	vld [tilespmem:s8+$0xC100]  }
0x1e4: {  	s23 =	sadd.s32 $0x10900, s9;
	v8 =	vld [tilespmem:s11+$0xC100];
	v9 =	vadd.f32 v3, v4  }
0x1e5: {  	s24 =	sadd.s32 $0xD900, s9;
	s25 =	sadd.s32 s2, s23;
	v10 =	vld [tilespmem:s8+$0x1B100];
	v5 =	vmul.f32 $2.771281240e+01, v5  }
0x1e6: {  	s31 =	sadd.s32 $0xF100, s9;
	s12 =	sadd.s32 s2, s24;
	s13 =	sadd.s32 s3, s25;
	v3 =	vld [tilespmem:s11+$0x1B100];
	[tilespmem:s4+$0xC100] =	vst v9  }
0x1e7: {  	s5 =	sadd.s32 s2, s31;
	s14 =	sadd.s32 s3, s12;
	v5 =	vadd.f32 v5, v7;
	v9 =	vld [tilespmem:s13+$0x0]  }
0x1e8: {  	s15 =	sadd.s32 s3, s5;
	v6 =	vmul.f32 $2.771281240e+01, v6;
	v11 =	vld [tilespmem:s14+$0x0]  }
0x1e9: {  	s16 =	sadd.s32 s6, s12;
	v8 =	vmul.f32 $2.771281240e+01, v8;
	[tilespmem:s7+$0xC100] =	vst v5;
	v5 =	vld [tilespmem:s15+$0x0]  }
0x1ea: {  	s17 =	sadd.s32 s6, s5;
	v6 =	vadd.f32 v6, v10;
	v12 =	vld [tilespmem:s16+$0x0]  }
0x1eb: {  	s18 =	sadd.s32 s6, s25;
	v13 =	vld [tilespmem:s17+$0x0];
	v8 =	vadd.f32 v8, v3  }
0x1ec: {  	s4 =	sadd.s32 s10, s12;
	[tilespmem:s8+$0xC100] =	vst v6;
	v14 =	vld [tilespmem:s18+$0x0]  }
0x1ed: {  	s3 =	sadd.s32 s10, s5;
	v15 =	vld [tilespmem:s4+$0x0];
	[tilespmem:s11+$0xC100] =	vst v8  }
0x1ee: {  	s12 =	sadd.s32 s0, s12;
	v8 =	vld [tilespmem:s3+$0x0];
	[dreg:$0x7] =	wrdreg s9  }
0x1ef: {  	s28 =	simm.s32 $0x40;
	s29 =	simm.s32 $0x200;
	v6 =	vmul.f32 $2.771281240e+01, v9;
	v9 =	vld [tilespmem:s12+$0x0]  }
0x1f0: {  	s8 =	sand.u32 $0x40, s28;
	s11 =	sand.u32 $0x1C00, s29;
	v11 =	vmul.f32 $2.771281240e+01, v11  }
0x1f1: {  	s6 =	sadd.s32 s10, s25;
	s19 =	sor.u32 $0x30, s8;
	s26 =	sor.u32 s9, s11;
	v5 =	vmul.f32 $2.771281240e+01, v5;
	v6 =	vadd.f32 v6, v4  }
0x1f2: {  	s2 =	sor.u32 $0x10, s8;
	v12 =	vmul.f32 $2.771281240e+01, v12;
	v16 =	vld [tilespmem:s6+$0x0];
	s20 =	sor.u32 s19, s26;
	v11 =	vadd.f32 v11, v4  }
0x1f3: {  	v13 =	vmul.f32 $2.771281240e+01, v13;
	s30 =	sor.u32 s2, s26;
	v17 =	vld [tilespmem:s20+$0xC100];
	v4 =	vadd.f32 v5, v4;
	[tilespmem:s13+$0x0] =	vst v6  }
0x1f4: {  	v18 =	vld [tilespmem:s30+$0xC100];
	v5 =	vadd.f32 v12, v7;
	[tilespmem:s14+$0x0] =	vst v11;
	v9 =	vmul.f32 $2.771281240e+01, v9  }
0x1f5: {  	s22 =	sor.u32 s8, s26;
	v12 =	vadd.f32 v13, v7;
	v6 =	vld [tilespmem:s20+$0x1B100];
	[tilespmem:s15+$0x0] =	vst v4;
	v4 =	vmul.f32 $2.771281240e+01, v14  }
0x1f6: {  	s7 =	sor.u32 $0x20, s8;
	v13 =	vld [tilespmem:s22+$0xC100];
	[tilespmem:s16+$0x0] =	vst v5;
	v9 =	vadd.f32 v9, v3  }
0x1f7: {  	s9 =	sor.u32 s7, s26;
	v5 =	vld [tilespmem:s30+$0x1B100];
	[tilespmem:s17+$0x0] =	vst v12;
	v12 =	vmul.f32 $2.771281240e+01, v15;
	v15 =	vadd.f32 v4, v7  }
0x1f8: {  	v11 =	vld [tilespmem:s9+$0xC100];
	v14 =	vmul.f32 $2.771281240e+01, v17;
	[tilespmem:s12+$0x0] =	vst v9  }
0x1f9: {  	v4 =	vld [tilespmem:s9+$0x1B100];
	[tilespmem:s18+$0x0] =	vst v15  }
0x1fa: {  	s21 =	sadd.s32 s0, s5;
	v8 =	vmul.f32 $2.771281240e+01, v8;
	v7 =	vld [tilespmem:s22+$0x1B100];
	v9 =	vadd.f32 v14, v6;
	[dreg:$0xf] =	wrdreg s23  }
0x1fb: {  	v12 =	vadd.f32 v12, v10;
	s12 =	sadd.s32 s0, s25;
	v14 =	vmul.f32 $2.771281240e+01, v18;
	s23 =	sadd.s32 s11, s23;
	v15 =	vld [tilespmem:s21+$0x0]  }
0x1fc: {  	v16 =	vmul.f32 $2.771281240e+01, v16;
	v8 =	vadd.f32 v8, v10;
	s25 =	smov.u32 s24;
	s24 =	sadd.s32 s11, s24;
	[tilespmem:s20+$0xC100] =	vst v9;
	s16 =	sadd.s32 s19, s23;
	v17 =	vld [tilespmem:s12+$0x0]  }
0x1fd: {  	s11 =	sadd.s32 s11, s31;
	[tilespmem:s4+$0x0] =	vst v12;
	s4 =	sadd.s32 s19, s24;
	v9 =	vmul.f32 $2.771281240e+01, v11;
	v11 =	vadd.f32 v14, v5;
	v14 =	vld [tilespmem:s16+$0x0]  }
0x1fe: {  	v10 =	vadd.f32 v16, v10;
	s5 =	sadd.s32 s19, s11;
	[tilespmem:s3+$0x0] =	vst v8;
	v8 =	vmul.f32 $2.771281240e+01, v13;
	v12 =	vld [tilespmem:s4+$0x0]  }
0x1ff: {  	s15 =	sadd.s32 s2, s24;
	v9 =	vadd.f32 v9, v4;
	[tilespmem:s30+$0xC100] =	vst v11;
	v11 =	vld [tilespmem:s5+$0x0]  }
0x200: {  	s26 =	smov.u32 s31;
	s14 =	sadd.s32 s8, s24;
	s10 =	sadd.s32 s2, s11;
	[tilespmem:s6+$0x0] =	vst v10;
	v8 =	vadd.f32 v8, v7;
	v10 =	vld [tilespmem:s15+$0x0];
	v16 =	vmul.f32 $2.771281240e+01, v15  }
0x201: {  	s31 =	sadd.s32 s7, s11;
	s2 =	sadd.s32 s2, s23;
	s0 =	sadd.s32 s8, s11;
	[tilespmem:s9+$0xC100] =	vst v9;
	v9 =	vld [tilespmem:s10+$0x0]  }
0x202: {  	s13 =	sadd.s32 s7, s23;
	s17 =	sadd.s32 s8, s23;
	s30 =	sadd.s32 s7, s24;
	[tilespmem:s22+$0xC100] =	vst v8;
	v15 =	vmul.f32 $2.771281240e+01, v17;
	v8 =	vld [tilespmem:s2+$0x0];
	v13 =	vmul.f32 $2.771281240e+01, v14;
	v14 =	vadd.f32 v16, v3  }
.LBB2_11:
0x203: {  	_ = 	snop  }
0x204: {  	s28 =	sadd.s32 $0x40, s28;
	v16 =	vld [tilespmem:s30+$0x0];
	s29 =	sadd.s32 $0x200, s29;
	v15 =	vadd.f32 v15, v3;
	v12 =	vmul.f32 $2.771281240e+01, v12  }
0x205: {  	s3 =	rddreg [dreg:$0x7];
	v3 =	vmov v7;
	s20 =	sand.u32 $0x40, s28;
	s1 =	sand.u32 $0x1C00, s29;
	v7 =	vld [tilespmem:s31+$0x0];
	v13 =	vadd.f32 v13, v6;
	[tilespmem:s21+$0x0] =	vst v14;
	v11 =	vmul.f32 $2.771281240e+01, v11  }
0x206: {  	v14 =	vld [tilespmem:s13+$0x0];
	s19 =	sor.u32 s3, s1;
	s18 =	sor.u32 $0x30, s20;
	[tilespmem:s12+$0x0] =	vst v15;
	v10 =	vmul.f32 $2.771281240e+01, v10;
	v12 =	vadd.f32 v12, v6  }
0x207: {  	s3 =	sor.u32 $0x10, s20;
	s7 =	sor.u32 s18, s19;
	v15 =	vld [tilespmem:s14+$0x0];
	[tilespmem:s16+$0x0] =	vst v13;
	v9 =	vmul.f32 $2.771281240e+01, v9;
	v6 =	vadd.f32 v11, v6  }
0x208: {  	s8 =	sor.u32 s3, s19;
	v8 =	vmul.f32 $2.771281240e+01, v8;
	v11 =	vld [tilespmem:s7+$0xC100];
	v10 =	vadd.f32 v10, v5;
	[tilespmem:s4+$0x0] =	vst v12  }
0x209: {  	s6 =	sor.u32 $0x20, s20;
	v13 =	vmul.f32 $2.771281240e+01, v16;
	v9 =	vadd.f32 v9, v5;
	v12 =	vld [tilespmem:s8+$0xC100];
	[tilespmem:s5+$0x0] =	vst v6  }
0x20a: {  	s11 =	sor.u32 s20, s19;
	s19 =	sor.u32 s6, s19;
	v5 =	vadd.f32 v8, v5;
	[tilespmem:s15+$0x0] =	vst v10;
	v6 =	vld [tilespmem:s7+$0x1B100]  }
0x20b: {  	v7 =	vmul.f32 $2.771281240e+01, v7;
	v8 =	vld [tilespmem:s19+$0xC100];
	[tilespmem:s10+$0x0] =	vst v9;
	v9 =	vadd.f32 v13, v4  }
0x20c: {  	s24 =	sadd.s32 s1, s25;
	v10 =	vmul.f32 $2.771281240e+01, v14;
	v13 =	vld [tilespmem:s11+$0xC100];
	[tilespmem:s2+$0x0] =	vst v5  }
0x20d: {  	s16 =	sadd.s32 s1, s26;
	s21 =	sadd.s32 s3, s24;
	v7 =	vadd.f32 v7, v4;
	v5 =	vld [tilespmem:s8+$0x1B100];
	[tilespmem:s30+$0x0] =	vst v9;
	v11 =	vmul.f32 $2.771281240e+01, v11  }
0x20e: {  	s23 =	sadd.s32 s6, s16;
	s12 =	sadd.s32 s20, s16;
	s15 =	smov.u32 s21;
	v9 =	vadd.f32 v10, v4;
	v4 =	vld [tilespmem:s19+$0x1B100]  }
0x20f: {  	v14 =	vmul.f32 $2.771281240e+01, v15;
	s21 =	smov.u32 s0;
	[tilespmem:s31+$0x0] =	vst v7;
	s31 =	smov.u32 s23;
	v7 =	vld [tilespmem:s11+$0x1B100];
	s23 =	rddreg [dreg:$0xf];
	v11 =	vadd.f32 v11, v6  }
0x210: {  	s0 =	smov.u32 s12;
	s12 =	smov.u32 s17;
	[tilespmem:s13+$0x0] =	vst v9;
	s1 =	sadd.s32 s1, s23;
	v9 =	vld [tilespmem:s21+$0x0];
	v10 =	vmul.f32 $2.771281240e+01, v12  }
0x211: {  	s9 =	sadd.s32 s3, s16;
	s5 =	sadd.s32 s18, s16;
	v12 =	vadd.f32 v14, v3;
	s16 =	sadd.s32 s18, s1;
	v14 =	vld [tilespmem:s12+$0x0];
	[tilespmem:s7+$0xC100] =	vst v11  }
0x212: {  	p0 =	slt.u32 s28, $0x2C0;
	s4 =	sadd.s32 s18, s24;
	v8 =	vmul.f32 $2.771281240e+01, v8;
	v10 =	vadd.f32 v10, v5;
	v16 =	vld [tilespmem:s16+$0x0]  }
.Ltmp4:
0x213: {  	v13 =	vmul.f32 $2.771281240e+01, v13;
	[tilespmem:s14+$0x0] =	vst v12;
	v12 =	vld [tilespmem:s4+$0x0];
	(pc) =	sbr.rel @p0 .LBB2_11-.Ltmp4, $4  }
0x214: {  	v8 =	vadd.f32 v8, v4;
	[tilespmem:s8+$0xC100] =	vst v10;
	v11 =	vld [tilespmem:s5+$0x0]  }
0x215: {  	s22 =	sadd.s32 s6, s24;
	s10 =	smov.u32 s9;
	v13 =	vadd.f32 v13, v7;
	v17 =	vmul.f32 $2.771281240e+01, v9;
	v10 =	vld [tilespmem:s15+$0x0]  }
0x216: {  	s24 =	sadd.s32 s20, s24;
	s30 =	smov.u32 s22;
	s2 =	sadd.s32 s3, s1;
	[tilespmem:s19+$0xC100] =	vst v8;
	v9 =	vld [tilespmem:s10+$0x0]  }
0x217: {  	s13 =	sadd.s32 s6, s1;
	s17 =	sadd.s32 s20, s1;
	s14 =	smov.u32 s24;
	[tilespmem:s11+$0xC100] =	vst v13;
	v15 =	vmul.f32 $2.771281240e+01, v14;
	v8 =	vld [tilespmem:s2+$0x0];
	v14 =	vadd.f32 v17, v3;
	v13 =	vmul.f32 $2.771281240e+01, v16  }
0x218: {  	v16 =	vld [tilespmem:s14+$0x0]  }
0x219: {  	v12 =	vmul.f32 $2.771281240e+01, v12;
	v3 =	vadd.f32 v15, v3  }
0x21a: {  	v49 =	vld [tilespmem:s30+$0x0];
	[tilespmem:s21+$0x0] =	vst v14;
	v11 =	vmul.f32 $2.771281240e+01, v11;
	v13 =	vadd.f32 v13, v6  }
0x21b: {  	v51 =	vld [tilespmem:s31+$0x0];
	v12 =	vadd.f32 v12, v6;
	[tilespmem:s12+$0x0] =	vst v3;
	v3 =	vmul.f32 $2.771281240e+01, v10  }
0x21c: {  	v52 =	vld [tilespmem:s13+$0x0];
	v9 =	vmul.f32 $2.771281240e+01, v9;
	v53 =	vadd.f32 v11, v6;
	[tilespmem:s16+$0x0] =	vst v13  }
0x21d: {  	[tilespmem:s4+$0x0] =	vst v12;
	v16 =	vmul.f32 $2.771281240e+01, v16;
	v3 =	vadd.f32 v3, v5  }
0x21e: {  	v8 =	vmul.f32 $2.771281240e+01, v8;
	v9 =	vadd.f32 v9, v5;
	[tilespmem:s5+$0x0] =	vst v53  }
0x21f: {  	v56 =	vmul.f32 $2.771281240e+01, v49;
	v50 =	vadd.f32 v16, v7;
	[tilespmem:s15+$0x0] =	vst v3  }
0x220: {  	v57 =	vmul.f32 $2.771281240e+01, v51;
	v3 =	vadd.f32 v8, v5;
	[tilespmem:s10+$0x0] =	vst v9  }
0x221: {  	v59 =	vmul.f32 $2.771281240e+01, v52;
	v58 =	vadd.f32 v56, v4;
	[tilespmem:s14+$0x0] =	vst v50  }
0x222: {  	[tilespmem:s2+$0x0] =	vst v3;
	v3 =	vadd.f32 v57, v4  }
0x223: {  	v61 =	vadd.f32 v59, v4;
	[tilespmem:s30+$0x0] =	vst v58  }
0x224: {  	[tilespmem:s31+$0x0] =	vst v3  }
0x225: {  	v54 =	vld [tilespmem:s0+$0x0];
	[tilespmem:s13+$0x0] =	vst v61  }
0x226: {  	v55 =	vld [tilespmem:s17+$0x0];
	s1 =	sld [smem:$0x7D9];
	_ =	sdelay $0x2  }
0x227: {  	s1 =	sadd.s32 $0x1, s1  }
0x228: {  	v60 =	vmul.f32 $2.771281240e+01, v54;
	p0 =	sne.s32 s1, $0x8  }
.Ltmp5:
0x229: {  	v62 =	vmul.f32 $2.771281240e+01, v55;
	(pc) =	sbr.rel @p0 .LBB2_10-.Ltmp5, $4  }
0x22a: {  	v3 =	vadd.f32 v60, v7  }
0x22b: {  	v63 =	vadd.f32 v62, v7  }
0x22c: {  	[tilespmem:s0+$0x0] =	vst v3  }
0x22d: {  	[tilespmem:s17+$0x0] =	vst v63  }
0x22e: {  	s0 =	sld [smem:$0x7DD];
	_ =	sdelay $0x1  }
0x22f: {  	s4 =	simm.s32 $0x0;
	s1 =	simm.s32 $0xC100;
	s8 =	sld [smem:$0x7EC]  }
0x230: {  	[hbm4b:s0+s4] =	stream.linear.scatter [tilespmem:s1], [sflag:$0x8], $0x1800, $0x38;
	[tilespmem:$0x1E100] =	vst v63  }
0x231: {  	s9 =	simm.s32 $0xD900;
	s10 =	sld [smem:$0x7ED]  }
0x232: {  	[hbm4b:s8+s4] =	stream.linear.scatter [tilespmem:s9], [sflag:$0x8], $0x1800, $0x38;
	[tilespmem:$0x1E100] =	vst v63  }
0x233: {  	s11 =	simm.s32 $0xF100;
	s12 =	sld [smem:$0x7EE]  }
0x234: {  	[hbm4b:s10+s4] =	stream.linear.scatter [tilespmem:s11], [sflag:$0x8], $0x1800, $0x38;
	[tilespmem:$0x1E100] =	vst v63  }
0x235: {  	s13 =	simm.s32 $0x10900;
	s14 =	simm.s32 $0x5  }
0x236: {  	[hbm4b:s12+s4] =	stream.linear.scatter [tilespmem:s13], [sflag:$0x8], $0x1800, $0x38;
	[tilespmem:$0x1E100] =	vst v63  }
0x237: {  	_ =	swait.ge [sflag:s14], $0x1800  }
0x238: {  	[sflag:s14] =	ssyncset.done $0x0  }
0x239: {  	[sflag:s14] =	ssyncadd.s32 $0xFFFFE800  }
0x23a: {  	_ =	swait.ge [sflag:s14], $0x6000  }
0x23b: {  	[sflag:s14] =	ssyncset.done $0x0  }
0x23c: {  	s15 =	simm.s32 $0x7;
	[sflag:s14] =	ssyncadd.s32 $0xFFFFA000  }
0x23d: {  	_ =	swait.ge [sflag:s15], $0x1800  }
0x23e: {  	[sflag:s15] =	ssyncset.done $0x0  }
0x23f: {  	[sflag:s15] =	ssyncadd.s32 $0xFFFFE800  }
0x240: {  	_ =	swait.ge [sflag:s15], $0x1800  }
0x241: {  	[sflag:s15] =	ssyncset.done $0x0  }
0x242: {  	[sflag:s15] =	ssyncadd.s32 $0xFFFFE800  }
0x243: {  	_ =	swait.ge [sflag:s15], $0x1800  }
0x244: {  	[sflag:s15] =	ssyncset.done $0x0  }
0x245: {  	[sflag:s15] =	ssyncadd.s32 $0xFFFFE800  }
0x246: {  	_ =	swait.ge [sflag:s15], $0x1800  }
0x247: {  	s16 =	sld [smem:$0x7DE]  }
0x248: {  	[sflag:s15] =	ssyncset.done $0x0  }
0x249: {  	s17 =	simm.s32 $0x19900;
	[sflag:s15] =	ssyncadd.s32 $0xFFFFE800  }
0x24a: {  	[tilespmem:s17], [sflag:$0x3] =	stream.linear.gather [hbm4b:s16+s4], $0x1800, $0x38;
	[tilespmem:$0x1E100] =	vst v63  }
0x24b: {  	v3 =	vld [tilespmem:$0xA0];
	_ =	sdelay $0x4  }
0x24c: {  	v4 =	vshrl.u32 v3, $0x3  }
0x24d: {  	v4 =	vmul.u32 $0x30, v4  }
0x24e: {  	v3 =	vand.u32 $0x7, v3  }
0x24f: {  	v3 =	vor.u32 v3, v4  }
0x250: {  	v4 =	vperm.xlane v3, v0;
	_ =	sdelay $0x1  }
0x251: {  	v4 =	vadd.s32 v1, v4;
	_ =	sdelay $0x3  }
0x252: {  	s19 =	simm.s32 $0x6100;
	s18 =	rddreg [dreg:$0x1];
	v3 =	vperm.xlane v3, v2  }
0x253: {  	[tilespmem:s19], [sflag:$0x3] =	stream.indirect_vreg.gather [hbm4b:s18+s4], $0x80, v4, vm0, $0xb8;
	[tilespmem:$0x1E100] =	vst v63  }
0x254: {  	s2 =	simm.s32 $0x6900;
	s20 =	rddreg [dreg:$0x17];
	v3 =	vadd.s32 v1, v3  }
0x255: {  	[tilespmem:s2], [sflag:$0x3] =	stream.indirect_vreg.gather [hbm4b:s20+s4], $0x80, v4, vm0, $0xb8;
	[tilespmem:$0x1E100] =	vst v63  }
0x256: {  	s3 =	simm.s32 $0x7100;
	s21 =	rddreg [dreg:$0x18]  }
0x257: {  	[tilespmem:s3], [sflag:$0x3] =	stream.indirect_vreg.gather [hbm4b:s21+s4], $0x80, v4, vm0, $0xb8;
	[tilespmem:$0x1E100] =	vst v63  }
0x258: {  	s22 =	simm.s32 $0x7900  }
0x259: {  	[tilespmem:s22], [sflag:$0x3] =	stream.indirect_vreg.gather [hbm4b:s18+s4], $0x80, v3, vm0, $0xb8;
	[tilespmem:$0x1E100] =	vst v63  }
0x25a: {  	s23 =	simm.s32 $0x8100  }
0x25b: {  	[tilespmem:s23], [sflag:$0x3] =	stream.indirect_vreg.gather [hbm4b:s20+s4], $0x80, v3, vm0, $0xb8;
	[tilespmem:$0x1E100] =	vst v63  }
0x25c: {  	s24 =	simm.s32 $0x8900  }
0x25d: {  	[tilespmem:s24], [sflag:$0x3] =	stream.indirect_vreg.gather [hbm4b:s21+s4], $0x80, v3, vm0, $0xb8;
	[tilespmem:$0x1E100] =	vst v63  }
0x25e: {  	v3 =	vld [tilespmem:$0xB0];
	_ =	sdelay $0x4  }
0x25f: {  	v63 =	vshrl.u32 v3, $0x3  }
0x260: {  	v4 =	vmul.u32 $0x30, v63  }
0x261: {  	v3 =	vand.u32 $0x7, v3  }
0x262: {  	v3 =	vor.u32 v3, v4  }
0x263: {  	v4 =	vperm.xlane v3, v0;
	_ =	sdelay $0x1  }
0x264: {  	v4 =	vadd.s32 v1, v4;
	_ =	sdelay $0x3  }
0x265: {  	s25 =	simm.s32 $0x9100;
	v3 =	vperm.xlane v3, v2  }
0x266: {  	[tilespmem:s25], [sflag:$0x3] =	stream.indirect_vreg.gather [hbm4b:s18+s4], $0x80, v4, vm0, $0xb8;
	[tilespmem:$0x1E100] =	vst v63  }
0x267: {  	s26 =	simm.s32 $0x9900;
	v3 =	vadd.s32 v1, v3  }
0x268: {  	[tilespmem:s26], [sflag:$0x3] =	stream.indirect_vreg.gather [hbm4b:s20+s4], $0x80, v4, vm0, $0xb8;
	[tilespmem:$0x1E100] =	vst v63  }
0x269: {  	s28 =	simm.s32 $0xA100  }
0x26a: {  	[tilespmem:s28], [sflag:$0x3] =	stream.indirect_vreg.gather [hbm4b:s21+s4], $0x80, v4, vm0, $0xb8;
	[tilespmem:$0x1E100] =	vst v63  }
0x26b: {  	s29 =	simm.s32 $0xA900  }
0x26c: {  	[tilespmem:s29], [sflag:$0x3] =	stream.indirect_vreg.gather [hbm4b:s18+s4], $0x80, v3, vm0, $0xb8;
	[tilespmem:$0x1E100] =	vst v63  }
0x26d: {  	s30 =	simm.s32 $0xB100  }
0x26e: {  	[tilespmem:s30], [sflag:$0x3] =	stream.indirect_vreg.gather [hbm4b:s20+s4], $0x80, v3, vm0, $0xb8;
	[tilespmem:$0x1E100] =	vst v63  }
0x26f: {  	s31 =	simm.s32 $0xB900;
	s1 =	simm.s32 $0x0  }
0x270: {  	[tilespmem:s31], [sflag:$0x3] =	stream.indirect_vreg.gather [hbm4b:s21+s4], $0x80, v3, vm0, $0xb8;
	[tilespmem:$0x1E100] =	vst v63  }
.LBB2_14:
0x271: {  	s0 =	simm.s32 $0x0;
	s24 =	simm.s32 $0x0  }
0x272: {  	s9 =	sshll.u32 s1, $0x7;
	s0 =	sand.u32 $0x40, s0;
	s2 =	sand.u32 $0x1C00, s24  }
0x273: {  	[smem:$0x7D8] =	sst s1;
	s1 =	sor.u32 s9, s2;
	s3 =	sor.u32 $0x30, s0  }
0x274: {  	s4 =	sor.u32 s3, s1  }
0x275: {  	v3 =	vld [tilespmem:s4+$0x12100]  }
0x276: {  	s6 =	sor.u32 $0x10, s0  }
0x277: {  	s7 =	sor.u32 s6, s1;
	v4 =	vld [tilespmem:s4+$0x1C900]  }
0x278: {  	v5 =	vld [tilespmem:s7+$0x12100]  }
0x279: {  	s10 =	sor.u32 $0x20, s0  }
0x27a: {  	s8 =	sor.u32 s10, s1;
	v7 =	vld [tilespmem:s7+$0x1C900];
	v3 =	vmul.f32 $2.771281240e+01, v3  }
0x27b: {  	s11 =	sor.u32 s0, s1;
	v6 =	vld [tilespmem:s8+$0x12100]  }
0x27c: {  	s23 =	sadd.s32 $0x16900, s9;
	v8 =	vld [tilespmem:s11+$0x12100];
	v9 =	vadd.f32 v3, v4  }
0x27d: {  	s24 =	sadd.s32 $0x13900, s9;
	s25 =	sadd.s32 s2, s23;
	v10 =	vld [tilespmem:s8+$0x1C900];
	v5 =	vmul.f32 $2.771281240e+01, v5  }
0x27e: {  	s31 =	sadd.s32 $0x15100, s9;
	s12 =	sadd.s32 s2, s24;
	s13 =	sadd.s32 s3, s25;
	v3 =	vld [tilespmem:s11+$0x1C900];
	[tilespmem:s4+$0x12100] =	vst v9  }
0x27f: {  	s5 =	sadd.s32 s2, s31;
	s14 =	sadd.s32 s3, s12;
	v5 =	vadd.f32 v5, v7;
	v9 =	vld [tilespmem:s13+$0x0]  }
0x280: {  	s15 =	sadd.s32 s3, s5;
	v6 =	vmul.f32 $2.771281240e+01, v6;
	v11 =	vld [tilespmem:s14+$0x0]  }
0x281: {  	s16 =	sadd.s32 s6, s12;
	v8 =	vmul.f32 $2.771281240e+01, v8;
	[tilespmem:s7+$0x12100] =	vst v5;
	v5 =	vld [tilespmem:s15+$0x0]  }
0x282: {  	s17 =	sadd.s32 s6, s5;
	v6 =	vadd.f32 v6, v10;
	v12 =	vld [tilespmem:s16+$0x0]  }
0x283: {  	s18 =	sadd.s32 s6, s25;
	v13 =	vld [tilespmem:s17+$0x0];
	v8 =	vadd.f32 v8, v3  }
0x284: {  	s4 =	sadd.s32 s10, s12;
	[tilespmem:s8+$0x12100] =	vst v6;
	v14 =	vld [tilespmem:s18+$0x0]  }
0x285: {  	s3 =	sadd.s32 s10, s5;
	v15 =	vld [tilespmem:s4+$0x0];
	[tilespmem:s11+$0x12100] =	vst v8  }
0x286: {  	s12 =	sadd.s32 s0, s12;
	v8 =	vld [tilespmem:s3+$0x0];
	[dreg:$0x8] =	wrdreg s9  }
0x287: {  	s28 =	simm.s32 $0x40;
	s29 =	simm.s32 $0x200;
	v6 =	vmul.f32 $2.771281240e+01, v9;
	v9 =	vld [tilespmem:s12+$0x0]  }
0x288: {  	s8 =	sand.u32 $0x40, s28;
	s11 =	sand.u32 $0x1C00, s29;
	v11 =	vmul.f32 $2.771281240e+01, v11  }
0x289: {  	s6 =	sadd.s32 s10, s25;
	s19 =	sor.u32 $0x30, s8;
	s26 =	sor.u32 s9, s11;
	v5 =	vmul.f32 $2.771281240e+01, v5;
	v6 =	vadd.f32 v6, v4  }
0x28a: {  	s2 =	sor.u32 $0x10, s8;
	v12 =	vmul.f32 $2.771281240e+01, v12;
	v16 =	vld [tilespmem:s6+$0x0];
	s20 =	sor.u32 s19, s26;
	v11 =	vadd.f32 v11, v4  }
0x28b: {  	v13 =	vmul.f32 $2.771281240e+01, v13;
	s30 =	sor.u32 s2, s26;
	v17 =	vld [tilespmem:s20+$0x12100];
	v4 =	vadd.f32 v5, v4;
	[tilespmem:s13+$0x0] =	vst v6  }
0x28c: {  	v18 =	vld [tilespmem:s30+$0x12100];
	v5 =	vadd.f32 v12, v7;
	[tilespmem:s14+$0x0] =	vst v11;
	v9 =	vmul.f32 $2.771281240e+01, v9  }
0x28d: {  	s22 =	sor.u32 s8, s26;
	v12 =	vadd.f32 v13, v7;
	v6 =	vld [tilespmem:s20+$0x1C900];
	[tilespmem:s15+$0x0] =	vst v4;
	v4 =	vmul.f32 $2.771281240e+01, v14  }
0x28e: {  	s7 =	sor.u32 $0x20, s8;
	v13 =	vld [tilespmem:s22+$0x12100];
	[tilespmem:s16+$0x0] =	vst v5;
	v9 =	vadd.f32 v9, v3  }
0x28f: {  	s9 =	sor.u32 s7, s26;
	v5 =	vld [tilespmem:s30+$0x1C900];
	[tilespmem:s17+$0x0] =	vst v12;
	v12 =	vmul.f32 $2.771281240e+01, v15;
	v15 =	vadd.f32 v4, v7  }
0x290: {  	v11 =	vld [tilespmem:s9+$0x12100];
	v14 =	vmul.f32 $2.771281240e+01, v17;
	[tilespmem:s12+$0x0] =	vst v9  }
0x291: {  	v4 =	vld [tilespmem:s9+$0x1C900];
	[tilespmem:s18+$0x0] =	vst v15  }
0x292: {  	s21 =	sadd.s32 s0, s5;
	v8 =	vmul.f32 $2.771281240e+01, v8;
	v7 =	vld [tilespmem:s22+$0x1C900];
	v9 =	vadd.f32 v14, v6;
	[dreg:$0x10] =	wrdreg s23  }
0x293: {  	v12 =	vadd.f32 v12, v10;
	s12 =	sadd.s32 s0, s25;
	v14 =	vmul.f32 $2.771281240e+01, v18;
	s23 =	sadd.s32 s11, s23;
	v15 =	vld [tilespmem:s21+$0x0]  }
0x294: {  	v16 =	vmul.f32 $2.771281240e+01, v16;
	v8 =	vadd.f32 v8, v10;
	s25 =	smov.u32 s24;
	s24 =	sadd.s32 s11, s24;
	[tilespmem:s20+$0x12100] =	vst v9;
	s16 =	sadd.s32 s19, s23;
	v17 =	vld [tilespmem:s12+$0x0]  }
0x295: {  	s11 =	sadd.s32 s11, s31;
	[tilespmem:s4+$0x0] =	vst v12;
	s4 =	sadd.s32 s19, s24;
	v9 =	vmul.f32 $2.771281240e+01, v11;
	v11 =	vadd.f32 v14, v5;
	v14 =	vld [tilespmem:s16+$0x0]  }
0x296: {  	v10 =	vadd.f32 v16, v10;
	s5 =	sadd.s32 s19, s11;
	[tilespmem:s3+$0x0] =	vst v8;
	v8 =	vmul.f32 $2.771281240e+01, v13;
	v12 =	vld [tilespmem:s4+$0x0]  }
0x297: {  	s15 =	sadd.s32 s2, s24;
	v9 =	vadd.f32 v9, v4;
	[tilespmem:s30+$0x12100] =	vst v11;
	v11 =	vld [tilespmem:s5+$0x0]  }
0x298: {  	s26 =	smov.u32 s31;
	s14 =	sadd.s32 s8, s24;
	s10 =	sadd.s32 s2, s11;
	[tilespmem:s6+$0x0] =	vst v10;
	v8 =	vadd.f32 v8, v7;
	v10 =	vld [tilespmem:s15+$0x0];
	v16 =	vmul.f32 $2.771281240e+01, v15  }
0x299: {  	s31 =	sadd.s32 s7, s11;
	s2 =	sadd.s32 s2, s23;
	s0 =	sadd.s32 s8, s11;
	[tilespmem:s9+$0x12100] =	vst v9;
	v9 =	vld [tilespmem:s10+$0x0]  }
0x29a: {  	s13 =	sadd.s32 s7, s23;
	s17 =	sadd.s32 s8, s23;
	s30 =	sadd.s32 s7, s24;
	[tilespmem:s22+$0x12100] =	vst v8;
	v15 =	vmul.f32 $2.771281240e+01, v17;
	v8 =	vld [tilespmem:s2+$0x0];
	v13 =	vmul.f32 $2.771281240e+01, v14;
	v14 =	vadd.f32 v16, v3  }
.LBB2_15:
0x29b: {  	_ = 	snop  }
0x29c: {  	s28 =	sadd.s32 $0x40, s28;
	v16 =	vld [tilespmem:s30+$0x0];
	s29 =	sadd.s32 $0x200, s29;
	v15 =	vadd.f32 v15, v3;
	v12 =	vmul.f32 $2.771281240e+01, v12  }
0x29d: {  	s3 =	rddreg [dreg:$0x8];
	v3 =	vmov v7;
	s20 =	sand.u32 $0x40, s28;
	s1 =	sand.u32 $0x1C00, s29;
	v7 =	vld [tilespmem:s31+$0x0];
	v13 =	vadd.f32 v13, v6;
	[tilespmem:s21+$0x0] =	vst v14;
	v11 =	vmul.f32 $2.771281240e+01, v11  }
0x29e: {  	v14 =	vld [tilespmem:s13+$0x0];
	s19 =	sor.u32 s3, s1;
	s18 =	sor.u32 $0x30, s20;
	[tilespmem:s12+$0x0] =	vst v15;
	v10 =	vmul.f32 $2.771281240e+01, v10;
	v12 =	vadd.f32 v12, v6  }
0x29f: {  	s3 =	sor.u32 $0x10, s20;
	s7 =	sor.u32 s18, s19;
	v15 =	vld [tilespmem:s14+$0x0];
	[tilespmem:s16+$0x0] =	vst v13;
	v9 =	vmul.f32 $2.771281240e+01, v9;
	v6 =	vadd.f32 v11, v6  }
0x2a0: {  	s8 =	sor.u32 s3, s19;
	v8 =	vmul.f32 $2.771281240e+01, v8;
	v11 =	vld [tilespmem:s7+$0x12100];
	v10 =	vadd.f32 v10, v5;
	[tilespmem:s4+$0x0] =	vst v12  }
0x2a1: {  	s6 =	sor.u32 $0x20, s20;
	v13 =	vmul.f32 $2.771281240e+01, v16;
	v9 =	vadd.f32 v9, v5;
	v12 =	vld [tilespmem:s8+$0x12100];
	[tilespmem:s5+$0x0] =	vst v6  }
0x2a2: {  	s11 =	sor.u32 s20, s19;
	s19 =	sor.u32 s6, s19;
	v5 =	vadd.f32 v8, v5;
	[tilespmem:s15+$0x0] =	vst v10;
	v6 =	vld [tilespmem:s7+$0x1C900]  }
0x2a3: {  	v7 =	vmul.f32 $2.771281240e+01, v7;
	v8 =	vld [tilespmem:s19+$0x12100];
	[tilespmem:s10+$0x0] =	vst v9;
	v9 =	vadd.f32 v13, v4  }
0x2a4: {  	s24 =	sadd.s32 s1, s25;
	v10 =	vmul.f32 $2.771281240e+01, v14;
	v13 =	vld [tilespmem:s11+$0x12100];
	[tilespmem:s2+$0x0] =	vst v5  }
0x2a5: {  	s16 =	sadd.s32 s1, s26;
	s21 =	sadd.s32 s3, s24;
	v7 =	vadd.f32 v7, v4;
	v5 =	vld [tilespmem:s8+$0x1C900];
	[tilespmem:s30+$0x0] =	vst v9;
	v11 =	vmul.f32 $2.771281240e+01, v11  }
0x2a6: {  	s23 =	sadd.s32 s6, s16;
	s12 =	sadd.s32 s20, s16;
	s15 =	smov.u32 s21;
	v9 =	vadd.f32 v10, v4;
	v4 =	vld [tilespmem:s19+$0x1C900]  }
0x2a7: {  	v14 =	vmul.f32 $2.771281240e+01, v15;
	s21 =	smov.u32 s0;
	[tilespmem:s31+$0x0] =	vst v7;
	s31 =	smov.u32 s23;
	v7 =	vld [tilespmem:s11+$0x1C900];
	s23 =	rddreg [dreg:$0x10];
	v11 =	vadd.f32 v11, v6  }
0x2a8: {  	s0 =	smov.u32 s12;
	s12 =	smov.u32 s17;
	[tilespmem:s13+$0x0] =	vst v9;
	s1 =	sadd.s32 s1, s23;
	v9 =	vld [tilespmem:s21+$0x0];
	v10 =	vmul.f32 $2.771281240e+01, v12  }
0x2a9: {  	s9 =	sadd.s32 s3, s16;
	s5 =	sadd.s32 s18, s16;
	v12 =	vadd.f32 v14, v3;
	s16 =	sadd.s32 s18, s1;
	v14 =	vld [tilespmem:s12+$0x0];
	[tilespmem:s7+$0x12100] =	vst v11  }
0x2aa: {  	p0 =	slt.u32 s28, $0x2C0;
	s4 =	sadd.s32 s18, s24;
	v8 =	vmul.f32 $2.771281240e+01, v8;
	v10 =	vadd.f32 v10, v5;
	v16 =	vld [tilespmem:s16+$0x0]  }
.Ltmp6:
0x2ab: {  	v13 =	vmul.f32 $2.771281240e+01, v13;
	[tilespmem:s14+$0x0] =	vst v12;
	v12 =	vld [tilespmem:s4+$0x0];
	(pc) =	sbr.rel @p0 .LBB2_15-.Ltmp6, $4  }
0x2ac: {  	v8 =	vadd.f32 v8, v4;
	[tilespmem:s8+$0x12100] =	vst v10;
	v11 =	vld [tilespmem:s5+$0x0]  }
0x2ad: {  	s22 =	sadd.s32 s6, s24;
	s10 =	smov.u32 s9;
	v13 =	vadd.f32 v13, v7;
	v17 =	vmul.f32 $2.771281240e+01, v9;
	v10 =	vld [tilespmem:s15+$0x0]  }
0x2ae: {  	s24 =	sadd.s32 s20, s24;
	s30 =	smov.u32 s22;
	s2 =	sadd.s32 s3, s1;
	[tilespmem:s19+$0x12100] =	vst v8;
	v9 =	vld [tilespmem:s10+$0x0]  }
0x2af: {  	s13 =	sadd.s32 s6, s1;
	s17 =	sadd.s32 s20, s1;
	s14 =	smov.u32 s24;
	[tilespmem:s11+$0x12100] =	vst v13;
	v15 =	vmul.f32 $2.771281240e+01, v14;
	v8 =	vld [tilespmem:s2+$0x0];
	v14 =	vadd.f32 v17, v3;
	v13 =	vmul.f32 $2.771281240e+01, v16  }
0x2b0: {  	v16 =	vld [tilespmem:s14+$0x0]  }
0x2b1: {  	v12 =	vmul.f32 $2.771281240e+01, v12;
	v3 =	vadd.f32 v15, v3  }
0x2b2: {  	v49 =	vld [tilespmem:s30+$0x0];
	[tilespmem:s21+$0x0] =	vst v14;
	v11 =	vmul.f32 $2.771281240e+01, v11;
	v13 =	vadd.f32 v13, v6  }
0x2b3: {  	v51 =	vld [tilespmem:s31+$0x0];
	v12 =	vadd.f32 v12, v6;
	[tilespmem:s12+$0x0] =	vst v3;
	v3 =	vmul.f32 $2.771281240e+01, v10  }
0x2b4: {  	v52 =	vld [tilespmem:s13+$0x0];
	v9 =	vmul.f32 $2.771281240e+01, v9;
	v53 =	vadd.f32 v11, v6;
	[tilespmem:s16+$0x0] =	vst v13  }
0x2b5: {  	[tilespmem:s4+$0x0] =	vst v12;
	v16 =	vmul.f32 $2.771281240e+01, v16;
	v3 =	vadd.f32 v3, v5  }
0x2b6: {  	v8 =	vmul.f32 $2.771281240e+01, v8;
	v9 =	vadd.f32 v9, v5;
	[tilespmem:s5+$0x0] =	vst v53  }
0x2b7: {  	v56 =	vmul.f32 $2.771281240e+01, v49;
	v50 =	vadd.f32 v16, v7;
	[tilespmem:s15+$0x0] =	vst v3  }
0x2b8: {  	v57 =	vmul.f32 $2.771281240e+01, v51;
	v3 =	vadd.f32 v8, v5;
	[tilespmem:s10+$0x0] =	vst v9  }
0x2b9: {  	v59 =	vmul.f32 $2.771281240e+01, v52;
	v58 =	vadd.f32 v56, v4;
	[tilespmem:s14+$0x0] =	vst v50  }
0x2ba: {  	[tilespmem:s2+$0x0] =	vst v3;
	v3 =	vadd.f32 v57, v4  }
0x2bb: {  	v61 =	vadd.f32 v59, v4;
	[tilespmem:s30+$0x0] =	vst v58  }
0x2bc: {  	[tilespmem:s31+$0x0] =	vst v3  }
0x2bd: {  	v54 =	vld [tilespmem:s0+$0x0];
	[tilespmem:s13+$0x0] =	vst v61  }
0x2be: {  	v55 =	vld [tilespmem:s17+$0x0];
	s1 =	sld [smem:$0x7D8];
	_ =	sdelay $0x2  }
0x2bf: {  	s1 =	sadd.s32 $0x1, s1  }
0x2c0: {  	v60 =	vmul.f32 $2.771281240e+01, v54;
	p0 =	sne.s32 s1, $0x8  }
.Ltmp7:
0x2c1: {  	v62 =	vmul.f32 $2.771281240e+01, v55;
	(pc) =	sbr.rel @p0 .LBB2_14-.Ltmp7, $4  }
0x2c2: {  	v3 =	vadd.f32 v60, v7  }
0x2c3: {  	v63 =	vadd.f32 v62, v7  }
0x2c4: {  	[tilespmem:s0+$0x0] =	vst v3  }
0x2c5: {  	[tilespmem:s17+$0x0] =	vst v63  }
0x2c6: {  	s0 =	sld [smem:$0x7DF];
	_ =	sdelay $0x1  }
0x2c7: {  	s4 =	simm.s32 $0x0;
	s1 =	simm.s32 $0x12100;
	s8 =	sld [smem:$0x7EF]  }
0x2c8: {  	[hbm4b:s0+s4] =	stream.linear.scatter [tilespmem:s1], [sflag:$0x9], $0x1800, $0x38;
	[tilespmem:$0x1E100] =	vst v63  }
0x2c9: {  	s9 =	simm.s32 $0x13900;
	s10 =	sld [smem:$0x7F0]  }
0x2ca: {  	[hbm4b:s8+s4] =	stream.linear.scatter [tilespmem:s9], [sflag:$0x9], $0x1800, $0x38;
	[tilespmem:$0x1E100] =	vst v63  }
0x2cb: {  	s11 =	simm.s32 $0x15100;
	s12 =	sld [smem:$0x7F1]  }
0x2cc: {  	[hbm4b:s10+s4] =	stream.linear.scatter [tilespmem:s11], [sflag:$0x9], $0x1800, $0x38;
	[tilespmem:$0x1E100] =	vst v63  }
0x2cd: {  	s13 =	simm.s32 $0x16900;
	s14 =	simm.s32 $0x2  }
0x2ce: {  	[hbm4b:s12+s4] =	stream.linear.scatter [tilespmem:s13], [sflag:$0x9], $0x1800, $0x38;
	[tilespmem:$0x1E100] =	vst v63  }
0x2cf: {  	_ =	swait.ge [sflag:s14], $0x1800  }
0x2d0: {  	[sflag:s14] =	ssyncset.done $0x0  }
0x2d1: {  	[sflag:s14] =	ssyncadd.s32 $0xFFFFE800  }
0x2d2: {  	_ =	swait.ge [sflag:s14], $0x6000  }
0x2d3: {  	[sflag:s14] =	ssyncset.done $0x0  }
0x2d4: {  	s15 =	simm.s32 $0x8;
	[sflag:s14] =	ssyncadd.s32 $0xFFFFA000  }
0x2d5: {  	_ =	swait.ge [sflag:s15], $0x1800  }
0x2d6: {  	[sflag:s15] =	ssyncset.done $0x0  }
0x2d7: {  	[sflag:s15] =	ssyncadd.s32 $0xFFFFE800  }
0x2d8: {  	_ =	swait.ge [sflag:s15], $0x1800  }
0x2d9: {  	[sflag:s15] =	ssyncset.done $0x0  }
0x2da: {  	[sflag:s15] =	ssyncadd.s32 $0xFFFFE800  }
0x2db: {  	_ =	swait.ge [sflag:s15], $0x1800  }
0x2dc: {  	[sflag:s15] =	ssyncset.done $0x0  }
0x2dd: {  	[sflag:s15] =	ssyncadd.s32 $0xFFFFE800  }
0x2de: {  	_ =	swait.ge [sflag:s15], $0x1800  }
0x2df: {  	s16 =	sld [smem:$0x7E0]  }
0x2e0: {  	[sflag:s15] =	ssyncset.done $0x0  }
0x2e1: {  	s17 =	simm.s32 $0x1B100;
	[sflag:s15] =	ssyncadd.s32 $0xFFFFE800  }
0x2e2: {  	[tilespmem:s17], [sflag:$0x4] =	stream.linear.gather [hbm4b:s16+s4], $0x1800, $0x38;
	[tilespmem:$0x1E100] =	vst v63  }
0x2e3: {  	v3 =	vld [tilespmem:$0xC0];
	_ =	sdelay $0x4  }
0x2e4: {  	v4 =	vshrl.u32 v3, $0x3  }
0x2e5: {  	v4 =	vmul.u32 $0x30, v4  }
0x2e6: {  	v3 =	vand.u32 $0x7, v3  }
0x2e7: {  	v3 =	vor.u32 v3, v4  }
0x2e8: {  	v4 =	vperm.xlane v3, v0;
	_ =	sdelay $0x1  }
0x2e9: {  	v4 =	vadd.s32 v1, v4;
	_ =	sdelay $0x3  }
0x2ea: {  	s19 =	simm.s32 $0xC100;
	s18 =	rddreg [dreg:$0x1];
	v3 =	vperm.xlane v3, v2  }
0x2eb: {  	[tilespmem:s19], [sflag:$0x4] =	stream.indirect_vreg.gather [hbm4b:s18+s4], $0x80, v4, vm0, $0xb8;
	[tilespmem:$0x1E100] =	vst v63  }
0x2ec: {  	s2 =	simm.s32 $0xC900;
	s20 =	rddreg [dreg:$0x17];
	v3 =	vadd.s32 v1, v3  }
0x2ed: {  	[tilespmem:s2], [sflag:$0x4] =	stream.indirect_vreg.gather [hbm4b:s20+s4], $0x80, v4, vm0, $0xb8;
	[tilespmem:$0x1E100] =	vst v63  }
0x2ee: {  	s3 =	simm.s32 $0xD100;
	s21 =	rddreg [dreg:$0x18]  }
0x2ef: {  	[tilespmem:s3], [sflag:$0x4] =	stream.indirect_vreg.gather [hbm4b:s21+s4], $0x80, v4, vm0, $0xb8;
	[tilespmem:$0x1E100] =	vst v63  }
0x2f0: {  	s22 =	simm.s32 $0xD900  }
0x2f1: {  	[tilespmem:s22], [sflag:$0x4] =	stream.indirect_vreg.gather [hbm4b:s18+s4], $0x80, v3, vm0, $0xb8;
	[tilespmem:$0x1E100] =	vst v63  }
0x2f2: {  	s23 =	simm.s32 $0xE100  }
0x2f3: {  	[tilespmem:s23], [sflag:$0x4] =	stream.indirect_vreg.gather [hbm4b:s20+s4], $0x80, v3, vm0, $0xb8;
	[tilespmem:$0x1E100] =	vst v63  }
0x2f4: {  	s24 =	simm.s32 $0xE900  }
0x2f5: {  	[tilespmem:s24], [sflag:$0x4] =	stream.indirect_vreg.gather [hbm4b:s21+s4], $0x80, v3, vm0, $0xb8;
	[tilespmem:$0x1E100] =	vst v63  }
0x2f6: {  	v3 =	vld [tilespmem:$0xD0];
	_ =	sdelay $0x4  }
0x2f7: {  	v63 =	vshrl.u32 v3, $0x3  }
0x2f8: {  	v4 =	vmul.u32 $0x30, v63  }
0x2f9: {  	v3 =	vand.u32 $0x7, v3  }
0x2fa: {  	v3 =	vor.u32 v3, v4  }
0x2fb: {  	v4 =	vperm.xlane v3, v0;
	_ =	sdelay $0x1  }
0x2fc: {  	v4 =	vadd.s32 v1, v4;
	_ =	sdelay $0x3  }
0x2fd: {  	s25 =	simm.s32 $0xF100;
	v3 =	vperm.xlane v3, v2  }
0x2fe: {  	[tilespmem:s25], [sflag:$0x4] =	stream.indirect_vreg.gather [hbm4b:s18+s4], $0x80, v4, vm0, $0xb8;
	[tilespmem:$0x1E100] =	vst v63  }
0x2ff: {  	s26 =	simm.s32 $0xF900;
	v3 =	vadd.s32 v1, v3  }
0x300: {  	[tilespmem:s26], [sflag:$0x4] =	stream.indirect_vreg.gather [hbm4b:s20+s4], $0x80, v4, vm0, $0xb8;
	[tilespmem:$0x1E100] =	vst v63  }
0x301: {  	s28 =	simm.s32 $0x10100  }
0x302: {  	[tilespmem:s28], [sflag:$0x4] =	stream.indirect_vreg.gather [hbm4b:s21+s4], $0x80, v4, vm0, $0xb8;
	[tilespmem:$0x1E100] =	vst v63  }
0x303: {  	s29 =	simm.s32 $0x10900  }
0x304: {  	[tilespmem:s29], [sflag:$0x4] =	stream.indirect_vreg.gather [hbm4b:s18+s4], $0x80, v3, vm0, $0xb8;
	[tilespmem:$0x1E100] =	vst v63  }
0x305: {  	s30 =	simm.s32 $0x11100  }
0x306: {  	[tilespmem:s30], [sflag:$0x4] =	stream.indirect_vreg.gather [hbm4b:s20+s4], $0x80, v3, vm0, $0xb8;
	[tilespmem:$0x1E100] =	vst v63  }
0x307: {  	s31 =	simm.s32 $0x11900;
	s1 =	simm.s32 $0x0  }
0x308: {  	[tilespmem:s31], [sflag:$0x4] =	stream.indirect_vreg.gather [hbm4b:s21+s4], $0x80, v3, vm0, $0xb8;
	[tilespmem:$0x1E100] =	vst v63  }
.LBB2_18:
0x309: {  	s0 =	simm.s32 $0x0;
	s24 =	simm.s32 $0x0  }
0x30a: {  	s9 =	sshll.u32 s1, $0x7;
	s0 =	sand.u32 $0x40, s0;
	s2 =	sand.u32 $0x1C00, s24  }
0x30b: {  	[smem:$0x7D7] =	sst s1;
	s1 =	sor.u32 s9, s2;
	s3 =	sor.u32 $0x30, s0  }
0x30c: {  	s4 =	sor.u32 s3, s1  }
0x30d: {  	v3 =	vld [tilespmem:s4+$0x100]  }
0x30e: {  	s6 =	sor.u32 $0x10, s0  }
0x30f: {  	s7 =	sor.u32 s6, s1;
	v4 =	vld [tilespmem:s4+$0x18100]  }
0x310: {  	v5 =	vld [tilespmem:s7+$0x100]  }
0x311: {  	s10 =	sor.u32 $0x20, s0  }
0x312: {  	s8 =	sor.u32 s10, s1;
	v7 =	vld [tilespmem:s7+$0x18100];
	v3 =	vmul.f32 $2.771281240e+01, v3  }
0x313: {  	s11 =	sor.u32 s0, s1;
	v6 =	vld [tilespmem:s8+$0x100]  }
0x314: {  	s23 =	sadd.s32 $0x4900, s9;
	v8 =	vld [tilespmem:s11+$0x100];
	v9 =	vadd.f32 v3, v4  }
0x315: {  	s24 =	sadd.s32 $0x1900, s9;
	s25 =	sadd.s32 s2, s23;
	v10 =	vld [tilespmem:s8+$0x18100];
	v5 =	vmul.f32 $2.771281240e+01, v5  }
0x316: {  	s31 =	sadd.s32 $0x3100, s9;
	s12 =	sadd.s32 s2, s24;
	s13 =	sadd.s32 s3, s25;
	v3 =	vld [tilespmem:s11+$0x18100];
	[tilespmem:s4+$0x100] =	vst v9  }
0x317: {  	s5 =	sadd.s32 s2, s31;
	s14 =	sadd.s32 s3, s12;
	v5 =	vadd.f32 v5, v7;
	v9 =	vld [tilespmem:s13+$0x0]  }
0x318: {  	s15 =	sadd.s32 s3, s5;
	v6 =	vmul.f32 $2.771281240e+01, v6;
	v11 =	vld [tilespmem:s14+$0x0]  }
0x319: {  	s16 =	sadd.s32 s6, s12;
	v8 =	vmul.f32 $2.771281240e+01, v8;
	[tilespmem:s7+$0x100] =	vst v5;
	v5 =	vld [tilespmem:s15+$0x0]  }
0x31a: {  	s17 =	sadd.s32 s6, s5;
	v6 =	vadd.f32 v6, v10;
	v12 =	vld [tilespmem:s16+$0x0]  }
0x31b: {  	s18 =	sadd.s32 s6, s25;
	v13 =	vld [tilespmem:s17+$0x0];
	v8 =	vadd.f32 v8, v3  }
0x31c: {  	s4 =	sadd.s32 s10, s12;
	[tilespmem:s8+$0x100] =	vst v6;
	v14 =	vld [tilespmem:s18+$0x0]  }
0x31d: {  	s3 =	sadd.s32 s10, s5;
	v15 =	vld [tilespmem:s4+$0x0];
	[tilespmem:s11+$0x100] =	vst v8  }
0x31e: {  	s12 =	sadd.s32 s0, s12;
	v8 =	vld [tilespmem:s3+$0x0];
	[dreg:$0x9] =	wrdreg s9  }
0x31f: {  	s28 =	simm.s32 $0x40;
	s29 =	simm.s32 $0x200;
	v6 =	vmul.f32 $2.771281240e+01, v9;
	v9 =	vld [tilespmem:s12+$0x0]  }
0x320: {  	s8 =	sand.u32 $0x40, s28;
	s11 =	sand.u32 $0x1C00, s29;
	v11 =	vmul.f32 $2.771281240e+01, v11  }
0x321: {  	s6 =	sadd.s32 s10, s25;
	s19 =	sor.u32 $0x30, s8;
	s26 =	sor.u32 s9, s11;
	v5 =	vmul.f32 $2.771281240e+01, v5;
	v6 =	vadd.f32 v6, v4  }
0x322: {  	s2 =	sor.u32 $0x10, s8;
	v12 =	vmul.f32 $2.771281240e+01, v12;
	v16 =	vld [tilespmem:s6+$0x0];
	s20 =	sor.u32 s19, s26;
	v11 =	vadd.f32 v11, v4  }
0x323: {  	v13 =	vmul.f32 $2.771281240e+01, v13;
	s30 =	sor.u32 s2, s26;
	v17 =	vld [tilespmem:s20+$0x100];
	v4 =	vadd.f32 v5, v4;
	[tilespmem:s13+$0x0] =	vst v6  }
0x324: {  	v18 =	vld [tilespmem:s30+$0x100];
	v5 =	vadd.f32 v12, v7;
	[tilespmem:s14+$0x0] =	vst v11;
	v9 =	vmul.f32 $2.771281240e+01, v9  }
0x325: {  	s22 =	sor.u32 s8, s26;
	v12 =	vadd.f32 v13, v7;
	v6 =	vld [tilespmem:s20+$0x18100];
	[tilespmem:s15+$0x0] =	vst v4;
	v4 =	vmul.f32 $2.771281240e+01, v14  }
0x326: {  	s7 =	sor.u32 $0x20, s8;
	v13 =	vld [tilespmem:s22+$0x100];
	[tilespmem:s16+$0x0] =	vst v5;
	v9 =	vadd.f32 v9, v3  }
0x327: {  	s9 =	sor.u32 s7, s26;
	v5 =	vld [tilespmem:s30+$0x18100];
	[tilespmem:s17+$0x0] =	vst v12;
	v12 =	vmul.f32 $2.771281240e+01, v15;
	v15 =	vadd.f32 v4, v7  }
0x328: {  	v11 =	vld [tilespmem:s9+$0x100];
	v14 =	vmul.f32 $2.771281240e+01, v17;
	[tilespmem:s12+$0x0] =	vst v9  }
0x329: {  	v4 =	vld [tilespmem:s9+$0x18100];
	[tilespmem:s18+$0x0] =	vst v15  }
0x32a: {  	s21 =	sadd.s32 s0, s5;
	v8 =	vmul.f32 $2.771281240e+01, v8;
	v7 =	vld [tilespmem:s22+$0x18100];
	v9 =	vadd.f32 v14, v6;
	[dreg:$0x11] =	wrdreg s23  }
0x32b: {  	v12 =	vadd.f32 v12, v10;
	s12 =	sadd.s32 s0, s25;
	v14 =	vmul.f32 $2.771281240e+01, v18;
	s23 =	sadd.s32 s11, s23;
	v15 =	vld [tilespmem:s21+$0x0]  }
0x32c: {  	v16 =	vmul.f32 $2.771281240e+01, v16;
	v8 =	vadd.f32 v8, v10;
	s25 =	smov.u32 s24;
	s24 =	sadd.s32 s11, s24;
	[tilespmem:s20+$0x100] =	vst v9;
	s16 =	sadd.s32 s19, s23;
	v17 =	vld [tilespmem:s12+$0x0]  }
0x32d: {  	s11 =	sadd.s32 s11, s31;
	[tilespmem:s4+$0x0] =	vst v12;
	s4 =	sadd.s32 s19, s24;
	v9 =	vmul.f32 $2.771281240e+01, v11;
	v11 =	vadd.f32 v14, v5;
	v14 =	vld [tilespmem:s16+$0x0]  }
0x32e: {  	v10 =	vadd.f32 v16, v10;
	s5 =	sadd.s32 s19, s11;
	[tilespmem:s3+$0x0] =	vst v8;
	v8 =	vmul.f32 $2.771281240e+01, v13;
	v12 =	vld [tilespmem:s4+$0x0]  }
0x32f: {  	s15 =	sadd.s32 s2, s24;
	v9 =	vadd.f32 v9, v4;
	[tilespmem:s30+$0x100] =	vst v11;
	v11 =	vld [tilespmem:s5+$0x0]  }
0x330: {  	s26 =	smov.u32 s31;
	s14 =	sadd.s32 s8, s24;
	s10 =	sadd.s32 s2, s11;
	[tilespmem:s6+$0x0] =	vst v10;
	v8 =	vadd.f32 v8, v7;
	v10 =	vld [tilespmem:s15+$0x0];
	v16 =	vmul.f32 $2.771281240e+01, v15  }
0x331: {  	s31 =	sadd.s32 s7, s11;
	s2 =	sadd.s32 s2, s23;
	s0 =	sadd.s32 s8, s11;
	[tilespmem:s9+$0x100] =	vst v9;
	v9 =	vld [tilespmem:s10+$0x0]  }
0x332: {  	s13 =	sadd.s32 s7, s23;
	s17 =	sadd.s32 s8, s23;
	s30 =	sadd.s32 s7, s24;
	[tilespmem:s22+$0x100] =	vst v8;
	v15 =	vmul.f32 $2.771281240e+01, v17;
	v8 =	vld [tilespmem:s2+$0x0];
	v13 =	vmul.f32 $2.771281240e+01, v14;
	v14 =	vadd.f32 v16, v3  }
.LBB2_19:
0x333: {  	_ = 	snop  }
0x334: {  	s28 =	sadd.s32 $0x40, s28;
	v16 =	vld [tilespmem:s30+$0x0];
	s29 =	sadd.s32 $0x200, s29;
	v15 =	vadd.f32 v15, v3;
	v12 =	vmul.f32 $2.771281240e+01, v12  }
0x335: {  	s3 =	rddreg [dreg:$0x9];
	v3 =	vmov v7;
	s20 =	sand.u32 $0x40, s28;
	s1 =	sand.u32 $0x1C00, s29;
	v7 =	vld [tilespmem:s31+$0x0];
	v13 =	vadd.f32 v13, v6;
	[tilespmem:s21+$0x0] =	vst v14;
	v11 =	vmul.f32 $2.771281240e+01, v11  }
0x336: {  	v14 =	vld [tilespmem:s13+$0x0];
	s19 =	sor.u32 s3, s1;
	s18 =	sor.u32 $0x30, s20;
	[tilespmem:s12+$0x0] =	vst v15;
	v10 =	vmul.f32 $2.771281240e+01, v10;
	v12 =	vadd.f32 v12, v6  }
0x337: {  	s3 =	sor.u32 $0x10, s20;
	s7 =	sor.u32 s18, s19;
	v15 =	vld [tilespmem:s14+$0x0];
	[tilespmem:s16+$0x0] =	vst v13;
	v9 =	vmul.f32 $2.771281240e+01, v9;
	v6 =	vadd.f32 v11, v6  }
0x338: {  	s8 =	sor.u32 s3, s19;
	v8 =	vmul.f32 $2.771281240e+01, v8;
	v11 =	vld [tilespmem:s7+$0x100];
	v10 =	vadd.f32 v10, v5;
	[tilespmem:s4+$0x0] =	vst v12  }
0x339: {  	s6 =	sor.u32 $0x20, s20;
	v13 =	vmul.f32 $2.771281240e+01, v16;
	v9 =	vadd.f32 v9, v5;
	v12 =	vld [tilespmem:s8+$0x100];
	[tilespmem:s5+$0x0] =	vst v6  }
0x33a: {  	s11 =	sor.u32 s20, s19;
	s19 =	sor.u32 s6, s19;
	v5 =	vadd.f32 v8, v5;
	[tilespmem:s15+$0x0] =	vst v10;
	v6 =	vld [tilespmem:s7+$0x18100]  }
0x33b: {  	v7 =	vmul.f32 $2.771281240e+01, v7;
	v8 =	vld [tilespmem:s19+$0x100];
	[tilespmem:s10+$0x0] =	vst v9;
	v9 =	vadd.f32 v13, v4  }
0x33c: {  	s24 =	sadd.s32 s1, s25;
	v10 =	vmul.f32 $2.771281240e+01, v14;
	v13 =	vld [tilespmem:s11+$0x100];
	[tilespmem:s2+$0x0] =	vst v5  }
0x33d: {  	s16 =	sadd.s32 s1, s26;
	s21 =	sadd.s32 s3, s24;
	v7 =	vadd.f32 v7, v4;
	v5 =	vld [tilespmem:s8+$0x18100];
	[tilespmem:s30+$0x0] =	vst v9;
	v11 =	vmul.f32 $2.771281240e+01, v11  }
0x33e: {  	s23 =	sadd.s32 s6, s16;
	s12 =	sadd.s32 s20, s16;
	s15 =	smov.u32 s21;
	v9 =	vadd.f32 v10, v4;
	v4 =	vld [tilespmem:s19+$0x18100]  }
0x33f: {  	v14 =	vmul.f32 $2.771281240e+01, v15;
	s21 =	smov.u32 s0;
	[tilespmem:s31+$0x0] =	vst v7;
	s31 =	smov.u32 s23;
	v7 =	vld [tilespmem:s11+$0x18100];
	s23 =	rddreg [dreg:$0x11];
	v11 =	vadd.f32 v11, v6  }
0x340: {  	s0 =	smov.u32 s12;
	s12 =	smov.u32 s17;
	[tilespmem:s13+$0x0] =	vst v9;
	s1 =	sadd.s32 s1, s23;
	v9 =	vld [tilespmem:s21+$0x0];
	v10 =	vmul.f32 $2.771281240e+01, v12  }
0x341: {  	s9 =	sadd.s32 s3, s16;
	s5 =	sadd.s32 s18, s16;
	v12 =	vadd.f32 v14, v3;
	s16 =	sadd.s32 s18, s1;
	v14 =	vld [tilespmem:s12+$0x0];
	[tilespmem:s7+$0x100] =	vst v11  }
0x342: {  	p0 =	slt.u32 s28, $0x2C0;
	s4 =	sadd.s32 s18, s24;
	v8 =	vmul.f32 $2.771281240e+01, v8;
	v10 =	vadd.f32 v10, v5;
	v16 =	vld [tilespmem:s16+$0x0]  }
.Ltmp8:
0x343: {  	v13 =	vmul.f32 $2.771281240e+01, v13;
	[tilespmem:s14+$0x0] =	vst v12;
	v12 =	vld [tilespmem:s4+$0x0];
	(pc) =	sbr.rel @p0 .LBB2_19-.Ltmp8, $4  }
0x344: {  	v8 =	vadd.f32 v8, v4;
	[tilespmem:s8+$0x100] =	vst v10;
	v11 =	vld [tilespmem:s5+$0x0]  }
0x345: {  	s22 =	sadd.s32 s6, s24;
	s10 =	smov.u32 s9;
	v13 =	vadd.f32 v13, v7;
	v17 =	vmul.f32 $2.771281240e+01, v9;
	v10 =	vld [tilespmem:s15+$0x0]  }
0x346: {  	s24 =	sadd.s32 s20, s24;
	s30 =	smov.u32 s22;
	s2 =	sadd.s32 s3, s1;
	[tilespmem:s19+$0x100] =	vst v8;
	v9 =	vld [tilespmem:s10+$0x0]  }
0x347: {  	s13 =	sadd.s32 s6, s1;
	s17 =	sadd.s32 s20, s1;
	s14 =	smov.u32 s24;
	[tilespmem:s11+$0x100] =	vst v13;
	v15 =	vmul.f32 $2.771281240e+01, v14;
	v8 =	vld [tilespmem:s2+$0x0];
	v14 =	vadd.f32 v17, v3;
	v13 =	vmul.f32 $2.771281240e+01, v16  }
0x348: {  	v16 =	vld [tilespmem:s14+$0x0]  }
0x349: {  	v12 =	vmul.f32 $2.771281240e+01, v12;
	v3 =	vadd.f32 v15, v3  }
0x34a: {  	v49 =	vld [tilespmem:s30+$0x0];
	[tilespmem:s21+$0x0] =	vst v14;
	v11 =	vmul.f32 $2.771281240e+01, v11;
	v13 =	vadd.f32 v13, v6  }
0x34b: {  	v51 =	vld [tilespmem:s31+$0x0];
	v12 =	vadd.f32 v12, v6;
	[tilespmem:s12+$0x0] =	vst v3;
	v3 =	vmul.f32 $2.771281240e+01, v10  }
0x34c: {  	v52 =	vld [tilespmem:s13+$0x0];
	v9 =	vmul.f32 $2.771281240e+01, v9;
	v53 =	vadd.f32 v11, v6;
	[tilespmem:s16+$0x0] =	vst v13  }
0x34d: {  	[tilespmem:s4+$0x0] =	vst v12;
	v16 =	vmul.f32 $2.771281240e+01, v16;
	v3 =	vadd.f32 v3, v5  }
0x34e: {  	v8 =	vmul.f32 $2.771281240e+01, v8;
	v9 =	vadd.f32 v9, v5;
	[tilespmem:s5+$0x0] =	vst v53  }
0x34f: {  	v56 =	vmul.f32 $2.771281240e+01, v49;
	v50 =	vadd.f32 v16, v7;
	[tilespmem:s15+$0x0] =	vst v3  }
0x350: {  	v57 =	vmul.f32 $2.771281240e+01, v51;
	v3 =	vadd.f32 v8, v5;
	[tilespmem:s10+$0x0] =	vst v9  }
0x351: {  	v59 =	vmul.f32 $2.771281240e+01, v52;
	v58 =	vadd.f32 v56, v4;
	[tilespmem:s14+$0x0] =	vst v50  }
0x352: {  	[tilespmem:s2+$0x0] =	vst v3;
	v3 =	vadd.f32 v57, v4  }
0x353: {  	v61 =	vadd.f32 v59, v4;
	[tilespmem:s30+$0x0] =	vst v58  }
0x354: {  	[tilespmem:s31+$0x0] =	vst v3  }
0x355: {  	v54 =	vld [tilespmem:s0+$0x0];
	[tilespmem:s13+$0x0] =	vst v61  }
0x356: {  	v55 =	vld [tilespmem:s17+$0x0];
	s1 =	sld [smem:$0x7D7];
	_ =	sdelay $0x2  }
0x357: {  	s1 =	sadd.s32 $0x1, s1  }
0x358: {  	v60 =	vmul.f32 $2.771281240e+01, v54;
	p0 =	sne.s32 s1, $0x8  }
.Ltmp9:
0x359: {  	v62 =	vmul.f32 $2.771281240e+01, v55;
	(pc) =	sbr.rel @p0 .LBB2_18-.Ltmp9, $4  }
0x35a: {  	v3 =	vadd.f32 v60, v7  }
0x35b: {  	v63 =	vadd.f32 v62, v7  }
0x35c: {  	[tilespmem:s0+$0x0] =	vst v3  }
0x35d: {  	[tilespmem:s17+$0x0] =	vst v63  }
0x35e: {  	s0 =	sld [smem:$0x7E1];
	_ =	sdelay $0x1  }
0x35f: {  	s4 =	simm.s32 $0x0;
	s1 =	simm.s32 $0x100;
	s8 =	sld [smem:$0x7F2]  }
0x360: {  	[hbm4b:s0+s4] =	stream.linear.scatter [tilespmem:s1], [sflag:$0x6], $0x1800, $0x38;
	[tilespmem:$0x1E100] =	vst v63  }
0x361: {  	s9 =	simm.s32 $0x1900;
	s10 =	sld [smem:$0x7F3]  }
0x362: {  	[hbm4b:s8+s4] =	stream.linear.scatter [tilespmem:s9], [sflag:$0x6], $0x1800, $0x38;
	[tilespmem:$0x1E100] =	vst v63  }
0x363: {  	s11 =	simm.s32 $0x3100;
	s12 =	sld [smem:$0x7F4]  }
0x364: {  	[hbm4b:s10+s4] =	stream.linear.scatter [tilespmem:s11], [sflag:$0x6], $0x1800, $0x38;
	[tilespmem:$0x1E100] =	vst v63  }
0x365: {  	s13 =	simm.s32 $0x4900;
	s14 =	simm.s32 $0x3  }
0x366: {  	[hbm4b:s12+s4] =	stream.linear.scatter [tilespmem:s13], [sflag:$0x6], $0x1800, $0x38;
	[tilespmem:$0x1E100] =	vst v63  }
0x367: {  	_ =	swait.ge [sflag:s14], $0x1800  }
0x368: {  	[sflag:s14] =	ssyncset.done $0x0  }
0x369: {  	[sflag:s14] =	ssyncadd.s32 $0xFFFFE800  }
0x36a: {  	_ =	swait.ge [sflag:s14], $0x6000  }
0x36b: {  	[sflag:s14] =	ssyncset.done $0x0  }
0x36c: {  	s15 =	simm.s32 $0x9;
	[sflag:s14] =	ssyncadd.s32 $0xFFFFA000  }
0x36d: {  	_ =	swait.ge [sflag:s15], $0x1800  }
0x36e: {  	[sflag:s15] =	ssyncset.done $0x0  }
0x36f: {  	[sflag:s15] =	ssyncadd.s32 $0xFFFFE800  }
0x370: {  	_ =	swait.ge [sflag:s15], $0x1800  }
0x371: {  	[sflag:s15] =	ssyncset.done $0x0  }
0x372: {  	[sflag:s15] =	ssyncadd.s32 $0xFFFFE800  }
0x373: {  	_ =	swait.ge [sflag:s15], $0x1800  }
0x374: {  	[sflag:s15] =	ssyncset.done $0x0  }
0x375: {  	[sflag:s15] =	ssyncadd.s32 $0xFFFFE800  }
0x376: {  	_ =	swait.ge [sflag:s15], $0x1800  }
0x377: {  	s16 =	sld [smem:$0x7E2]  }
0x378: {  	[sflag:s15] =	ssyncset.done $0x0  }
0x379: {  	s17 =	simm.s32 $0x1C900;
	[sflag:s15] =	ssyncadd.s32 $0xFFFFE800  }
0x37a: {  	[tilespmem:s17], [sflag:$0x5] =	stream.linear.gather [hbm4b:s16+s4], $0x1800, $0x38;
	[tilespmem:$0x1E100] =	vst v63  }
0x37b: {  	v3 =	vld [tilespmem:$0xE0];
	_ =	sdelay $0x4  }
0x37c: {  	v4 =	vshrl.u32 v3, $0x3  }
0x37d: {  	v4 =	vmul.u32 $0x30, v4  }
0x37e: {  	v3 =	vand.u32 $0x7, v3  }
0x37f: {  	v3 =	vor.u32 v3, v4  }
0x380: {  	v4 =	vperm.xlane v3, v0;
	_ =	sdelay $0x1  }
0x381: {  	v4 =	vadd.s32 v1, v4;
	_ =	sdelay $0x3  }
0x382: {  	s19 =	simm.s32 $0x12100;
	s18 =	rddreg [dreg:$0x1];
	v3 =	vperm.xlane v3, v2  }
0x383: {  	[tilespmem:s19], [sflag:$0x5] =	stream.indirect_vreg.gather [hbm4b:s18+s4], $0x80, v4, vm0, $0xb8;
	[tilespmem:$0x1E100] =	vst v63  }
0x384: {  	s2 =	simm.s32 $0x12900;
	s20 =	rddreg [dreg:$0x17];
	v3 =	vadd.s32 v1, v3  }
0x385: {  	[tilespmem:s2], [sflag:$0x5] =	stream.indirect_vreg.gather [hbm4b:s20+s4], $0x80, v4, vm0, $0xb8;
	[tilespmem:$0x1E100] =	vst v63  }
0x386: {  	s3 =	simm.s32 $0x13100;
	s21 =	rddreg [dreg:$0x18]  }
0x387: {  	[tilespmem:s3], [sflag:$0x5] =	stream.indirect_vreg.gather [hbm4b:s21+s4], $0x80, v4, vm0, $0xb8;
	[tilespmem:$0x1E100] =	vst v63  }
0x388: {  	s22 =	simm.s32 $0x13900  }
0x389: {  	[tilespmem:s22], [sflag:$0x5] =	stream.indirect_vreg.gather [hbm4b:s18+s4], $0x80, v3, vm0, $0xb8;
	[tilespmem:$0x1E100] =	vst v63  }
0x38a: {  	s23 =	simm.s32 $0x14100  }
0x38b: {  	[tilespmem:s23], [sflag:$0x5] =	stream.indirect_vreg.gather [hbm4b:s20+s4], $0x80, v3, vm0, $0xb8;
	[tilespmem:$0x1E100] =	vst v63  }
0x38c: {  	s24 =	simm.s32 $0x14900  }
0x38d: {  	[tilespmem:s24], [sflag:$0x5] =	stream.indirect_vreg.gather [hbm4b:s21+s4], $0x80, v3, vm0, $0xb8;
	[tilespmem:$0x1E100] =	vst v63  }
0x38e: {  	v3 =	vld [tilespmem:$0xF0];
	_ =	sdelay $0x4  }
0x38f: {  	v63 =	vshrl.u32 v3, $0x3  }
0x390: {  	v4 =	vmul.u32 $0x30, v63  }
0x391: {  	v3 =	vand.u32 $0x7, v3  }
0x392: {  	v3 =	vor.u32 v3, v4  }
0x393: {  	v4 =	vperm.xlane v3, v0;
	_ =	sdelay $0x1  }
0x394: {  	v4 =	vadd.s32 v1, v4;
	_ =	sdelay $0x3  }
0x395: {  	s25 =	simm.s32 $0x15100;
	v3 =	vperm.xlane v3, v2  }
0x396: {  	[tilespmem:s25], [sflag:$0x5] =	stream.indirect_vreg.gather [hbm4b:s18+s4], $0x80, v4, vm0, $0xb8;
	[tilespmem:$0x1E100] =	vst v63  }
0x397: {  	s26 =	simm.s32 $0x15900;
	v3 =	vadd.s32 v1, v3  }
0x398: {  	[tilespmem:s26], [sflag:$0x5] =	stream.indirect_vreg.gather [hbm4b:s20+s4], $0x80, v4, vm0, $0xb8;
	[tilespmem:$0x1E100] =	vst v63  }
0x399: {  	s28 =	simm.s32 $0x16100  }
0x39a: {  	[tilespmem:s28], [sflag:$0x5] =	stream.indirect_vreg.gather [hbm4b:s21+s4], $0x80, v4, vm0, $0xb8;
	[tilespmem:$0x1E100] =	vst v63  }
0x39b: {  	s29 =	simm.s32 $0x16900  }
0x39c: {  	[tilespmem:s29], [sflag:$0x5] =	stream.indirect_vreg.gather [hbm4b:s18+s4], $0x80, v3, vm0, $0xb8;
	[tilespmem:$0x1E100] =	vst v63  }
0x39d: {  	s30 =	simm.s32 $0x17100  }
0x39e: {  	[tilespmem:s30], [sflag:$0x5] =	stream.indirect_vreg.gather [hbm4b:s20+s4], $0x80, v3, vm0, $0xb8;
	[tilespmem:$0x1E100] =	vst v63  }
0x39f: {  	s31 =	simm.s32 $0x17900;
	s1 =	simm.s32 $0x0  }
0x3a0: {  	[tilespmem:s31], [sflag:$0x5] =	stream.indirect_vreg.gather [hbm4b:s21+s4], $0x80, v3, vm0, $0xb8;
	[tilespmem:$0x1E100] =	vst v63  }
.LBB2_22:
0x3a1: {  	s0 =	simm.s32 $0x0;
	s24 =	simm.s32 $0x0  }
0x3a2: {  	s9 =	sshll.u32 s1, $0x7;
	s0 =	sand.u32 $0x40, s0;
	s2 =	sand.u32 $0x1C00, s24  }
0x3a3: {  	[smem:$0x7D6] =	sst s1;
	s1 =	sor.u32 s9, s2;
	s3 =	sor.u32 $0x30, s0  }
0x3a4: {  	s4 =	sor.u32 s3, s1  }
0x3a5: {  	v3 =	vld [tilespmem:s4+$0x6100]  }
0x3a6: {  	s6 =	sor.u32 $0x10, s0  }
0x3a7: {  	s7 =	sor.u32 s6, s1;
	v4 =	vld [tilespmem:s4+$0x19900]  }
0x3a8: {  	v5 =	vld [tilespmem:s7+$0x6100]  }
0x3a9: {  	s10 =	sor.u32 $0x20, s0  }
0x3aa: {  	s8 =	sor.u32 s10, s1;
	v7 =	vld [tilespmem:s7+$0x19900];
	v3 =	vmul.f32 $2.771281240e+01, v3  }
0x3ab: {  	s11 =	sor.u32 s0, s1;
	v6 =	vld [tilespmem:s8+$0x6100]  }
0x3ac: {  	s23 =	sadd.s32 $0xA900, s9;
	v8 =	vld [tilespmem:s11+$0x6100];
	v9 =	vadd.f32 v3, v4  }
0x3ad: {  	s24 =	sadd.s32 $0x7900, s9;
	s25 =	sadd.s32 s2, s23;
	v10 =	vld [tilespmem:s8+$0x19900];
	v5 =	vmul.f32 $2.771281240e+01, v5  }
0x3ae: {  	s31 =	sadd.s32 $0x9100, s9;
	s12 =	sadd.s32 s2, s24;
	s13 =	sadd.s32 s3, s25;
	v3 =	vld [tilespmem:s11+$0x19900];
	[tilespmem:s4+$0x6100] =	vst v9  }
0x3af: {  	s5 =	sadd.s32 s2, s31;
	s14 =	sadd.s32 s3, s12;
	v5 =	vadd.f32 v5, v7;
	v9 =	vld [tilespmem:s13+$0x0]  }
0x3b0: {  	s15 =	sadd.s32 s3, s5;
	v6 =	vmul.f32 $2.771281240e+01, v6;
	v11 =	vld [tilespmem:s14+$0x0]  }
0x3b1: {  	s16 =	sadd.s32 s6, s12;
	v8 =	vmul.f32 $2.771281240e+01, v8;
	[tilespmem:s7+$0x6100] =	vst v5;
	v5 =	vld [tilespmem:s15+$0x0]  }
0x3b2: {  	s17 =	sadd.s32 s6, s5;
	v6 =	vadd.f32 v6, v10;
	v12 =	vld [tilespmem:s16+$0x0]  }
0x3b3: {  	s18 =	sadd.s32 s6, s25;
	v13 =	vld [tilespmem:s17+$0x0];
	v8 =	vadd.f32 v8, v3  }
0x3b4: {  	s4 =	sadd.s32 s10, s12;
	[tilespmem:s8+$0x6100] =	vst v6;
	v14 =	vld [tilespmem:s18+$0x0]  }
0x3b5: {  	s3 =	sadd.s32 s10, s5;
	v15 =	vld [tilespmem:s4+$0x0];
	[tilespmem:s11+$0x6100] =	vst v8  }
0x3b6: {  	s12 =	sadd.s32 s0, s12;
	v8 =	vld [tilespmem:s3+$0x0];
	[dreg:$0xa] =	wrdreg s9  }
0x3b7: {  	s28 =	simm.s32 $0x40;
	s29 =	simm.s32 $0x200;
	v6 =	vmul.f32 $2.771281240e+01, v9;
	v9 =	vld [tilespmem:s12+$0x0]  }
0x3b8: {  	s8 =	sand.u32 $0x40, s28;
	s11 =	sand.u32 $0x1C00, s29;
	v11 =	vmul.f32 $2.771281240e+01, v11  }
0x3b9: {  	s6 =	sadd.s32 s10, s25;
	s19 =	sor.u32 $0x30, s8;
	s26 =	sor.u32 s9, s11;
	v5 =	vmul.f32 $2.771281240e+01, v5;
	v6 =	vadd.f32 v6, v4  }
0x3ba: {  	s2 =	sor.u32 $0x10, s8;
	v12 =	vmul.f32 $2.771281240e+01, v12;
	v16 =	vld [tilespmem:s6+$0x0];
	s20 =	sor.u32 s19, s26;
	v11 =	vadd.f32 v11, v4  }
0x3bb: {  	v13 =	vmul.f32 $2.771281240e+01, v13;
	s30 =	sor.u32 s2, s26;
	v17 =	vld [tilespmem:s20+$0x6100];
	v4 =	vadd.f32 v5, v4;
	[tilespmem:s13+$0x0] =	vst v6  }
0x3bc: {  	v18 =	vld [tilespmem:s30+$0x6100];
	v5 =	vadd.f32 v12, v7;
	[tilespmem:s14+$0x0] =	vst v11;
	v9 =	vmul.f32 $2.771281240e+01, v9  }
0x3bd: {  	s22 =	sor.u32 s8, s26;
	v12 =	vadd.f32 v13, v7;
	v6 =	vld [tilespmem:s20+$0x19900];
	[tilespmem:s15+$0x0] =	vst v4;
	v4 =	vmul.f32 $2.771281240e+01, v14  }
0x3be: {  	s7 =	sor.u32 $0x20, s8;
	v13 =	vld [tilespmem:s22+$0x6100];
	[tilespmem:s16+$0x0] =	vst v5;
	v9 =	vadd.f32 v9, v3  }
0x3bf: {  	s9 =	sor.u32 s7, s26;
	v5 =	vld [tilespmem:s30+$0x19900];
	[tilespmem:s17+$0x0] =	vst v12;
	v12 =	vmul.f32 $2.771281240e+01, v15;
	v15 =	vadd.f32 v4, v7  }
0x3c0: {  	v11 =	vld [tilespmem:s9+$0x6100];
	v14 =	vmul.f32 $2.771281240e+01, v17;
	[tilespmem:s12+$0x0] =	vst v9  }
0x3c1: {  	v4 =	vld [tilespmem:s9+$0x19900];
	[tilespmem:s18+$0x0] =	vst v15  }
0x3c2: {  	s21 =	sadd.s32 s0, s5;
	v8 =	vmul.f32 $2.771281240e+01, v8;
	v7 =	vld [tilespmem:s22+$0x19900];
	v9 =	vadd.f32 v14, v6;
	[dreg:$0x12] =	wrdreg s23  }
0x3c3: {  	v12 =	vadd.f32 v12, v10;
	s12 =	sadd.s32 s0, s25;
	v14 =	vmul.f32 $2.771281240e+01, v18;
	s23 =	sadd.s32 s11, s23;
	v15 =	vld [tilespmem:s21+$0x0]  }
0x3c4: {  	v16 =	vmul.f32 $2.771281240e+01, v16;
	v8 =	vadd.f32 v8, v10;
	s25 =	smov.u32 s24;
	s24 =	sadd.s32 s11, s24;
	[tilespmem:s20+$0x6100] =	vst v9;
	s16 =	sadd.s32 s19, s23;
	v17 =	vld [tilespmem:s12+$0x0]  }
0x3c5: {  	s11 =	sadd.s32 s11, s31;
	[tilespmem:s4+$0x0] =	vst v12;
	s4 =	sadd.s32 s19, s24;
	v9 =	vmul.f32 $2.771281240e+01, v11;
	v11 =	vadd.f32 v14, v5;
	v14 =	vld [tilespmem:s16+$0x0]  }
0x3c6: {  	v10 =	vadd.f32 v16, v10;
	s5 =	sadd.s32 s19, s11;
	[tilespmem:s3+$0x0] =	vst v8;
	v8 =	vmul.f32 $2.771281240e+01, v13;
	v12 =	vld [tilespmem:s4+$0x0]  }
0x3c7: {  	s15 =	sadd.s32 s2, s24;
	v9 =	vadd.f32 v9, v4;
	[tilespmem:s30+$0x6100] =	vst v11;
	v11 =	vld [tilespmem:s5+$0x0]  }
0x3c8: {  	s26 =	smov.u32 s31;
	s14 =	sadd.s32 s8, s24;
	s10 =	sadd.s32 s2, s11;
	[tilespmem:s6+$0x0] =	vst v10;
	v8 =	vadd.f32 v8, v7;
	v10 =	vld [tilespmem:s15+$0x0];
	v16 =	vmul.f32 $2.771281240e+01, v15  }
0x3c9: {  	s31 =	sadd.s32 s7, s11;
	s2 =	sadd.s32 s2, s23;
	s0 =	sadd.s32 s8, s11;
	[tilespmem:s9+$0x6100] =	vst v9;
	v9 =	vld [tilespmem:s10+$0x0]  }
0x3ca: {  	s13 =	sadd.s32 s7, s23;
	s17 =	sadd.s32 s8, s23;
	s30 =	sadd.s32 s7, s24;
	[tilespmem:s22+$0x6100] =	vst v8;
	v15 =	vmul.f32 $2.771281240e+01, v17;
	v8 =	vld [tilespmem:s2+$0x0];
	v13 =	vmul.f32 $2.771281240e+01, v14;
	v14 =	vadd.f32 v16, v3  }
.LBB2_23:
0x3cb: {  	_ = 	snop  }
0x3cc: {  	s28 =	sadd.s32 $0x40, s28;
	v16 =	vld [tilespmem:s30+$0x0];
	s29 =	sadd.s32 $0x200, s29;
	v15 =	vadd.f32 v15, v3;
	v12 =	vmul.f32 $2.771281240e+01, v12  }
0x3cd: {  	s3 =	rddreg [dreg:$0xa];
	v3 =	vmov v7;
	s20 =	sand.u32 $0x40, s28;
	s1 =	sand.u32 $0x1C00, s29;
	v7 =	vld [tilespmem:s31+$0x0];
	v13 =	vadd.f32 v13, v6;
	[tilespmem:s21+$0x0] =	vst v14;
	v11 =	vmul.f32 $2.771281240e+01, v11  }
0x3ce: {  	v14 =	vld [tilespmem:s13+$0x0];
	s19 =	sor.u32 s3, s1;
	s18 =	sor.u32 $0x30, s20;
	[tilespmem:s12+$0x0] =	vst v15;
	v10 =	vmul.f32 $2.771281240e+01, v10;
	v12 =	vadd.f32 v12, v6  }
0x3cf: {  	s3 =	sor.u32 $0x10, s20;
	s7 =	sor.u32 s18, s19;
	v15 =	vld [tilespmem:s14+$0x0];
	[tilespmem:s16+$0x0] =	vst v13;
	v9 =	vmul.f32 $2.771281240e+01, v9;
	v6 =	vadd.f32 v11, v6  }
0x3d0: {  	s8 =	sor.u32 s3, s19;
	v8 =	vmul.f32 $2.771281240e+01, v8;
	v11 =	vld [tilespmem:s7+$0x6100];
	v10 =	vadd.f32 v10, v5;
	[tilespmem:s4+$0x0] =	vst v12  }
0x3d1: {  	s6 =	sor.u32 $0x20, s20;
	v13 =	vmul.f32 $2.771281240e+01, v16;
	v9 =	vadd.f32 v9, v5;
	v12 =	vld [tilespmem:s8+$0x6100];
	[tilespmem:s5+$0x0] =	vst v6  }
0x3d2: {  	s11 =	sor.u32 s20, s19;
	s19 =	sor.u32 s6, s19;
	v5 =	vadd.f32 v8, v5;
	[tilespmem:s15+$0x0] =	vst v10;
	v6 =	vld [tilespmem:s7+$0x19900]  }
0x3d3: {  	v7 =	vmul.f32 $2.771281240e+01, v7;
	v8 =	vld [tilespmem:s19+$0x6100];
	[tilespmem:s10+$0x0] =	vst v9;
	v9 =	vadd.f32 v13, v4  }
0x3d4: {  	s24 =	sadd.s32 s1, s25;
	v10 =	vmul.f32 $2.771281240e+01, v14;
	v13 =	vld [tilespmem:s11+$0x6100];
	[tilespmem:s2+$0x0] =	vst v5  }
0x3d5: {  	s16 =	sadd.s32 s1, s26;
	s21 =	sadd.s32 s3, s24;
	v7 =	vadd.f32 v7, v4;
	v5 =	vld [tilespmem:s8+$0x19900];
	[tilespmem:s30+$0x0] =	vst v9;
	v11 =	vmul.f32 $2.771281240e+01, v11  }
0x3d6: {  	s23 =	sadd.s32 s6, s16;
	s12 =	sadd.s32 s20, s16;
	s15 =	smov.u32 s21;
	v9 =	vadd.f32 v10, v4;
	v4 =	vld [tilespmem:s19+$0x19900]  }
0x3d7: {  	v14 =	vmul.f32 $2.771281240e+01, v15;
	s21 =	smov.u32 s0;
	[tilespmem:s31+$0x0] =	vst v7;
	s31 =	smov.u32 s23;
	v7 =	vld [tilespmem:s11+$0x19900];
	s23 =	rddreg [dreg:$0x12];
	v11 =	vadd.f32 v11, v6  }
0x3d8: {  	s0 =	smov.u32 s12;
	s12 =	smov.u32 s17;
	[tilespmem:s13+$0x0] =	vst v9;
	s1 =	sadd.s32 s1, s23;
	v9 =	vld [tilespmem:s21+$0x0];
	v10 =	vmul.f32 $2.771281240e+01, v12  }
0x3d9: {  	s9 =	sadd.s32 s3, s16;
	s5 =	sadd.s32 s18, s16;
	v12 =	vadd.f32 v14, v3;
	s16 =	sadd.s32 s18, s1;
	v14 =	vld [tilespmem:s12+$0x0];
	[tilespmem:s7+$0x6100] =	vst v11  }
0x3da: {  	p0 =	slt.u32 s28, $0x2C0;
	s4 =	sadd.s32 s18, s24;
	v8 =	vmul.f32 $2.771281240e+01, v8;
	v10 =	vadd.f32 v10, v5;
	v16 =	vld [tilespmem:s16+$0x0]  }
.Ltmp10:
0x3db: {  	v13 =	vmul.f32 $2.771281240e+01, v13;
	[tilespmem:s14+$0x0] =	vst v12;
	v12 =	vld [tilespmem:s4+$0x0];
	(pc) =	sbr.rel @p0 .LBB2_23-.Ltmp10, $4  }
0x3dc: {  	v8 =	vadd.f32 v8, v4;
	[tilespmem:s8+$0x6100] =	vst v10;
	v11 =	vld [tilespmem:s5+$0x0]  }
0x3dd: {  	s22 =	sadd.s32 s6, s24;
	s10 =	smov.u32 s9;
	v13 =	vadd.f32 v13, v7;
	v17 =	vmul.f32 $2.771281240e+01, v9;
	v10 =	vld [tilespmem:s15+$0x0]  }
0x3de: {  	s24 =	sadd.s32 s20, s24;
	s30 =	smov.u32 s22;
	s2 =	sadd.s32 s3, s1;
	[tilespmem:s19+$0x6100] =	vst v8;
	v9 =	vld [tilespmem:s10+$0x0]  }
0x3df: {  	s13 =	sadd.s32 s6, s1;
	s17 =	sadd.s32 s20, s1;
	s14 =	smov.u32 s24;
	[tilespmem:s11+$0x6100] =	vst v13;
	v15 =	vmul.f32 $2.771281240e+01, v14;
	v8 =	vld [tilespmem:s2+$0x0];
	v14 =	vadd.f32 v17, v3;
	v13 =	vmul.f32 $2.771281240e+01, v16  }
0x3e0: {  	v16 =	vld [tilespmem:s14+$0x0]  }
0x3e1: {  	v12 =	vmul.f32 $2.771281240e+01, v12;
	v3 =	vadd.f32 v15, v3  }
0x3e2: {  	v49 =	vld [tilespmem:s30+$0x0];
	[tilespmem:s21+$0x0] =	vst v14;
	v11 =	vmul.f32 $2.771281240e+01, v11;
	v13 =	vadd.f32 v13, v6  }
0x3e3: {  	v51 =	vld [tilespmem:s31+$0x0];
	v12 =	vadd.f32 v12, v6;
	[tilespmem:s12+$0x0] =	vst v3;
	v3 =	vmul.f32 $2.771281240e+01, v10  }
0x3e4: {  	v52 =	vld [tilespmem:s13+$0x0];
	v9 =	vmul.f32 $2.771281240e+01, v9;
	v53 =	vadd.f32 v11, v6;
	[tilespmem:s16+$0x0] =	vst v13  }
0x3e5: {  	[tilespmem:s4+$0x0] =	vst v12;
	v16 =	vmul.f32 $2.771281240e+01, v16;
	v3 =	vadd.f32 v3, v5  }
0x3e6: {  	v8 =	vmul.f32 $2.771281240e+01, v8;
	v9 =	vadd.f32 v9, v5;
	[tilespmem:s5+$0x0] =	vst v53  }
0x3e7: {  	v56 =	vmul.f32 $2.771281240e+01, v49;
	v50 =	vadd.f32 v16, v7;
	[tilespmem:s15+$0x0] =	vst v3  }
0x3e8: {  	v57 =	vmul.f32 $2.771281240e+01, v51;
	v3 =	vadd.f32 v8, v5;
	[tilespmem:s10+$0x0] =	vst v9  }
0x3e9: {  	v59 =	vmul.f32 $2.771281240e+01, v52;
	v58 =	vadd.f32 v56, v4;
	[tilespmem:s14+$0x0] =	vst v50  }
0x3ea: {  	[tilespmem:s2+$0x0] =	vst v3;
	v3 =	vadd.f32 v57, v4  }
0x3eb: {  	v61 =	vadd.f32 v59, v4;
	[tilespmem:s30+$0x0] =	vst v58  }
0x3ec: {  	[tilespmem:s31+$0x0] =	vst v3  }
0x3ed: {  	v54 =	vld [tilespmem:s0+$0x0];
	[tilespmem:s13+$0x0] =	vst v61  }
0x3ee: {  	v55 =	vld [tilespmem:s17+$0x0];
	s1 =	sld [smem:$0x7D6];
	_ =	sdelay $0x2  }
0x3ef: {  	s1 =	sadd.s32 $0x1, s1  }
0x3f0: {  	v60 =	vmul.f32 $2.771281240e+01, v54;
	p0 =	sne.s32 s1, $0x8  }
.Ltmp11:
0x3f1: {  	v62 =	vmul.f32 $2.771281240e+01, v55;
	(pc) =	sbr.rel @p0 .LBB2_22-.Ltmp11, $4  }
0x3f2: {  	v3 =	vadd.f32 v60, v7  }
0x3f3: {  	v63 =	vadd.f32 v62, v7  }
0x3f4: {  	[tilespmem:s0+$0x0] =	vst v3  }
0x3f5: {  	[tilespmem:s17+$0x0] =	vst v63  }
0x3f6: {  	s0 =	sld [smem:$0x7E3];
	_ =	sdelay $0x1  }
0x3f7: {  	s2 =	simm.s32 $0x0;
	s1 =	simm.s32 $0x6100;
	s24 =	sld [smem:$0x7F5]  }
0x3f8: {  	[hbm4b:s0+s2] =	stream.linear.scatter [tilespmem:s1], [sflag:$0x7], $0x1800, $0x38;
	[tilespmem:$0x1E100] =	vst v63  }
0x3f9: {  	s25 =	simm.s32 $0x7900;
	s26 =	sld [smem:$0x7F6]  }
0x3fa: {  	[hbm4b:s24+s2] =	stream.linear.scatter [tilespmem:s25], [sflag:$0x7], $0x1800, $0x38;
	[tilespmem:$0x1E100] =	vst v63  }
0x3fb: {  	s28 =	simm.s32 $0x9100;
	s29 =	sld [smem:$0x7F7]  }
0x3fc: {  	[hbm4b:s26+s2] =	stream.linear.scatter [tilespmem:s28], [sflag:$0x7], $0x1800, $0x38;
	[tilespmem:$0x1E100] =	vst v63  }
0x3fd: {  	s30 =	simm.s32 $0xA900;
	s31 =	simm.s32 $0x4  }
0x3fe: {  	[hbm4b:s29+s2] =	stream.linear.scatter [tilespmem:s30], [sflag:$0x7], $0x1800, $0x38;
	[tilespmem:$0x1E100] =	vst v63  }
0x3ff: {  	_ =	swait.ge [sflag:s31], $0x1800  }
0x400: {  	[sflag:s31] =	ssyncset.done $0x0  }
0x401: {  	[sflag:s31] =	ssyncadd.s32 $0xFFFFE800  }
0x402: {  	_ =	swait.ge [sflag:s31], $0x6000  }
0x403: {  	[sflag:s31] =	ssyncset.done $0x0  }
0x404: {  	s1 =	simm.s32 $0x0;
	[sflag:s31] =	ssyncadd.s32 $0xFFFFA000  }
.LBB2_26:
0x405: {  	s0 =	simm.s32 $0x0;
	s24 =	simm.s32 $0x0  }
0x406: {  	s9 =	sshll.u32 s1, $0x7;
	s0 =	sand.u32 $0x40, s0;
	s2 =	sand.u32 $0x1C00, s24  }
0x407: {  	[smem:$0x7D5] =	sst s1;
	s1 =	sor.u32 s9, s2;
	s3 =	sor.u32 $0x30, s0  }
0x408: {  	s4 =	sor.u32 s3, s1  }
0x409: {  	v3 =	vld [tilespmem:s4+$0xC100]  }
0x40a: {  	s6 =	sor.u32 $0x10, s0  }
0x40b: {  	s7 =	sor.u32 s6, s1;
	v4 =	vld [tilespmem:s4+$0x1B100]  }
0x40c: {  	v5 =	vld [tilespmem:s7+$0xC100]  }
0x40d: {  	s10 =	sor.u32 $0x20, s0  }
0x40e: {  	s8 =	sor.u32 s10, s1;
	v7 =	vld [tilespmem:s7+$0x1B100];
	v3 =	vmul.f32 $2.771281240e+01, v3  }
0x40f: {  	s11 =	sor.u32 s0, s1;
	v6 =	vld [tilespmem:s8+$0xC100]  }
0x410: {  	s23 =	sadd.s32 $0x10900, s9;
	v8 =	vld [tilespmem:s11+$0xC100];
	v9 =	vadd.f32 v3, v4  }
0x411: {  	s24 =	sadd.s32 $0xD900, s9;
	s25 =	sadd.s32 s2, s23;
	v10 =	vld [tilespmem:s8+$0x1B100];
	v5 =	vmul.f32 $2.771281240e+01, v5  }
0x412: {  	s31 =	sadd.s32 $0xF100, s9;
	s12 =	sadd.s32 s2, s24;
	s13 =	sadd.s32 s3, s25;
	v3 =	vld [tilespmem:s11+$0x1B100];
	[tilespmem:s4+$0xC100] =	vst v9  }
0x413: {  	s5 =	sadd.s32 s2, s31;
	s14 =	sadd.s32 s3, s12;
	v5 =	vadd.f32 v5, v7;
	v9 =	vld [tilespmem:s13+$0x0]  }
0x414: {  	s15 =	sadd.s32 s3, s5;
	v6 =	vmul.f32 $2.771281240e+01, v6;
	v11 =	vld [tilespmem:s14+$0x0]  }
0x415: {  	s16 =	sadd.s32 s6, s12;
	v8 =	vmul.f32 $2.771281240e+01, v8;
	[tilespmem:s7+$0xC100] =	vst v5;
	v5 =	vld [tilespmem:s15+$0x0]  }
0x416: {  	s17 =	sadd.s32 s6, s5;
	v6 =	vadd.f32 v6, v10;
	v12 =	vld [tilespmem:s16+$0x0]  }
0x417: {  	s18 =	sadd.s32 s6, s25;
	v13 =	vld [tilespmem:s17+$0x0];
	v8 =	vadd.f32 v8, v3  }
0x418: {  	s4 =	sadd.s32 s10, s12;
	[tilespmem:s8+$0xC100] =	vst v6;
	v14 =	vld [tilespmem:s18+$0x0]  }
0x419: {  	s3 =	sadd.s32 s10, s5;
	v15 =	vld [tilespmem:s4+$0x0];
	[tilespmem:s11+$0xC100] =	vst v8  }
0x41a: {  	s12 =	sadd.s32 s0, s12;
	v8 =	vld [tilespmem:s3+$0x0];
	[dreg:$0xb] =	wrdreg s9  }
0x41b: {  	s28 =	simm.s32 $0x40;
	s29 =	simm.s32 $0x200;
	v6 =	vmul.f32 $2.771281240e+01, v9;
	v9 =	vld [tilespmem:s12+$0x0]  }
0x41c: {  	s8 =	sand.u32 $0x40, s28;
	s11 =	sand.u32 $0x1C00, s29;
	v11 =	vmul.f32 $2.771281240e+01, v11  }
0x41d: {  	s6 =	sadd.s32 s10, s25;
	s19 =	sor.u32 $0x30, s8;
	s26 =	sor.u32 s9, s11;
	v5 =	vmul.f32 $2.771281240e+01, v5;
	v6 =	vadd.f32 v6, v4  }
0x41e: {  	s2 =	sor.u32 $0x10, s8;
	v12 =	vmul.f32 $2.771281240e+01, v12;
	v16 =	vld [tilespmem:s6+$0x0];
	s20 =	sor.u32 s19, s26;
	v11 =	vadd.f32 v11, v4  }
0x41f: {  	v13 =	vmul.f32 $2.771281240e+01, v13;
	s30 =	sor.u32 s2, s26;
	v17 =	vld [tilespmem:s20+$0xC100];
	v4 =	vadd.f32 v5, v4;
	[tilespmem:s13+$0x0] =	vst v6  }
0x420: {  	v18 =	vld [tilespmem:s30+$0xC100];
	v5 =	vadd.f32 v12, v7;
	[tilespmem:s14+$0x0] =	vst v11;
	v9 =	vmul.f32 $2.771281240e+01, v9  }
0x421: {  	s22 =	sor.u32 s8, s26;
	v12 =	vadd.f32 v13, v7;
	v6 =	vld [tilespmem:s20+$0x1B100];
	[tilespmem:s15+$0x0] =	vst v4;
	v4 =	vmul.f32 $2.771281240e+01, v14  }
0x422: {  	s7 =	sor.u32 $0x20, s8;
	v13 =	vld [tilespmem:s22+$0xC100];
	[tilespmem:s16+$0x0] =	vst v5;
	v9 =	vadd.f32 v9, v3  }
0x423: {  	s9 =	sor.u32 s7, s26;
	v5 =	vld [tilespmem:s30+$0x1B100];
	[tilespmem:s17+$0x0] =	vst v12;
	v12 =	vmul.f32 $2.771281240e+01, v15;
	v15 =	vadd.f32 v4, v7  }
0x424: {  	v11 =	vld [tilespmem:s9+$0xC100];
	v14 =	vmul.f32 $2.771281240e+01, v17;
	[tilespmem:s12+$0x0] =	vst v9  }
0x425: {  	v4 =	vld [tilespmem:s9+$0x1B100];
	[tilespmem:s18+$0x0] =	vst v15  }
0x426: {  	s21 =	sadd.s32 s0, s5;
	v8 =	vmul.f32 $2.771281240e+01, v8;
	v7 =	vld [tilespmem:s22+$0x1B100];
	v9 =	vadd.f32 v14, v6;
	[dreg:$0x13] =	wrdreg s23  }
0x427: {  	v12 =	vadd.f32 v12, v10;
	s12 =	sadd.s32 s0, s25;
	v14 =	vmul.f32 $2.771281240e+01, v18;
	s23 =	sadd.s32 s11, s23;
	v15 =	vld [tilespmem:s21+$0x0]  }
0x428: {  	v16 =	vmul.f32 $2.771281240e+01, v16;
	v8 =	vadd.f32 v8, v10;
	s25 =	smov.u32 s24;
	s24 =	sadd.s32 s11, s24;
	[tilespmem:s20+$0xC100] =	vst v9;
	s16 =	sadd.s32 s19, s23;
	v17 =	vld [tilespmem:s12+$0x0]  }
0x429: {  	s11 =	sadd.s32 s11, s31;
	[tilespmem:s4+$0x0] =	vst v12;
	s4 =	sadd.s32 s19, s24;
	v9 =	vmul.f32 $2.771281240e+01, v11;
	v11 =	vadd.f32 v14, v5;
	v14 =	vld [tilespmem:s16+$0x0]  }
0x42a: {  	v10 =	vadd.f32 v16, v10;
	s5 =	sadd.s32 s19, s11;
	[tilespmem:s3+$0x0] =	vst v8;
	v8 =	vmul.f32 $2.771281240e+01, v13;
	v12 =	vld [tilespmem:s4+$0x0]  }
0x42b: {  	s15 =	sadd.s32 s2, s24;
	v9 =	vadd.f32 v9, v4;
	[tilespmem:s30+$0xC100] =	vst v11;
	v11 =	vld [tilespmem:s5+$0x0]  }
0x42c: {  	s26 =	smov.u32 s31;
	s14 =	sadd.s32 s8, s24;
	s10 =	sadd.s32 s2, s11;
	[tilespmem:s6+$0x0] =	vst v10;
	v8 =	vadd.f32 v8, v7;
	v10 =	vld [tilespmem:s15+$0x0];
	v16 =	vmul.f32 $2.771281240e+01, v15  }
0x42d: {  	s31 =	sadd.s32 s7, s11;
	s2 =	sadd.s32 s2, s23;
	s0 =	sadd.s32 s8, s11;
	[tilespmem:s9+$0xC100] =	vst v9;
	v9 =	vld [tilespmem:s10+$0x0]  }
0x42e: {  	s13 =	sadd.s32 s7, s23;
	s17 =	sadd.s32 s8, s23;
	s30 =	sadd.s32 s7, s24;
	[tilespmem:s22+$0xC100] =	vst v8;
	v15 =	vmul.f32 $2.771281240e+01, v17;
	v8 =	vld [tilespmem:s2+$0x0];
	v13 =	vmul.f32 $2.771281240e+01, v14;
	v14 =	vadd.f32 v16, v3  }
.LBB2_27:
0x42f: {  	_ = 	snop  }
0x430: {  	s28 =	sadd.s32 $0x40, s28;
	v16 =	vld [tilespmem:s30+$0x0];
	s29 =	sadd.s32 $0x200, s29;
	v15 =	vadd.f32 v15, v3;
	v12 =	vmul.f32 $2.771281240e+01, v12  }
0x431: {  	s3 =	rddreg [dreg:$0xb];
	v3 =	vmov v7;
	s20 =	sand.u32 $0x40, s28;
	s1 =	sand.u32 $0x1C00, s29;
	v7 =	vld [tilespmem:s31+$0x0];
	v13 =	vadd.f32 v13, v6;
	[tilespmem:s21+$0x0] =	vst v14;
	v11 =	vmul.f32 $2.771281240e+01, v11  }
0x432: {  	v14 =	vld [tilespmem:s13+$0x0];
	s19 =	sor.u32 s3, s1;
	s18 =	sor.u32 $0x30, s20;
	[tilespmem:s12+$0x0] =	vst v15;
	v10 =	vmul.f32 $2.771281240e+01, v10;
	v12 =	vadd.f32 v12, v6  }
0x433: {  	s3 =	sor.u32 $0x10, s20;
	s7 =	sor.u32 s18, s19;
	v15 =	vld [tilespmem:s14+$0x0];
	[tilespmem:s16+$0x0] =	vst v13;
	v9 =	vmul.f32 $2.771281240e+01, v9;
	v6 =	vadd.f32 v11, v6  }
0x434: {  	s8 =	sor.u32 s3, s19;
	v8 =	vmul.f32 $2.771281240e+01, v8;
	v11 =	vld [tilespmem:s7+$0xC100];
	v10 =	vadd.f32 v10, v5;
	[tilespmem:s4+$0x0] =	vst v12  }
0x435: {  	s6 =	sor.u32 $0x20, s20;
	v13 =	vmul.f32 $2.771281240e+01, v16;
	v9 =	vadd.f32 v9, v5;
	v12 =	vld [tilespmem:s8+$0xC100];
	[tilespmem:s5+$0x0] =	vst v6  }
0x436: {  	s11 =	sor.u32 s20, s19;
	s19 =	sor.u32 s6, s19;
	v5 =	vadd.f32 v8, v5;
	[tilespmem:s15+$0x0] =	vst v10;
	v6 =	vld [tilespmem:s7+$0x1B100]  }
0x437: {  	v7 =	vmul.f32 $2.771281240e+01, v7;
	v8 =	vld [tilespmem:s19+$0xC100];
	[tilespmem:s10+$0x0] =	vst v9;
	v9 =	vadd.f32 v13, v4  }
0x438: {  	s24 =	sadd.s32 s1, s25;
	v10 =	vmul.f32 $2.771281240e+01, v14;
	v13 =	vld [tilespmem:s11+$0xC100];
	[tilespmem:s2+$0x0] =	vst v5  }
0x439: {  	s16 =	sadd.s32 s1, s26;
	s21 =	sadd.s32 s3, s24;
	v7 =	vadd.f32 v7, v4;
	v5 =	vld [tilespmem:s8+$0x1B100];
	[tilespmem:s30+$0x0] =	vst v9;
	v11 =	vmul.f32 $2.771281240e+01, v11  }
0x43a: {  	s23 =	sadd.s32 s6, s16;
	s12 =	sadd.s32 s20, s16;
	s15 =	smov.u32 s21;
	v9 =	vadd.f32 v10, v4;
	v4 =	vld [tilespmem:s19+$0x1B100]  }
0x43b: {  	v14 =	vmul.f32 $2.771281240e+01, v15;
	s21 =	smov.u32 s0;
	[tilespmem:s31+$0x0] =	vst v7;
	s31 =	smov.u32 s23;
	v7 =	vld [tilespmem:s11+$0x1B100];
	s23 =	rddreg [dreg:$0x13];
	v11 =	vadd.f32 v11, v6  }
0x43c: {  	s0 =	smov.u32 s12;
	s12 =	smov.u32 s17;
	[tilespmem:s13+$0x0] =	vst v9;
	s1 =	sadd.s32 s1, s23;
	v9 =	vld [tilespmem:s21+$0x0];
	v10 =	vmul.f32 $2.771281240e+01, v12  }
0x43d: {  	s9 =	sadd.s32 s3, s16;
	s5 =	sadd.s32 s18, s16;
	v12 =	vadd.f32 v14, v3;
	s16 =	sadd.s32 s18, s1;
	v14 =	vld [tilespmem:s12+$0x0];
	[tilespmem:s7+$0xC100] =	vst v11  }
0x43e: {  	p0 =	slt.u32 s28, $0x2C0;
	s4 =	sadd.s32 s18, s24;
	v8 =	vmul.f32 $2.771281240e+01, v8;
	v10 =	vadd.f32 v10, v5;
	v16 =	vld [tilespmem:s16+$0x0]  }
.Ltmp12:
0x43f: {  	v13 =	vmul.f32 $2.771281240e+01, v13;
	[tilespmem:s14+$0x0] =	vst v12;
	v12 =	vld [tilespmem:s4+$0x0];
	(pc) =	sbr.rel @p0 .LBB2_27-.Ltmp12, $4  }
0x440: {  	v8 =	vadd.f32 v8, v4;
	[tilespmem:s8+$0xC100] =	vst v10;
	v11 =	vld [tilespmem:s5+$0x0]  }
0x441: {  	s22 =	sadd.s32 s6, s24;
	s10 =	smov.u32 s9;
	v13 =	vadd.f32 v13, v7;
	v17 =	vmul.f32 $2.771281240e+01, v9;
	v10 =	vld [tilespmem:s15+$0x0]  }
0x442: {  	s24 =	sadd.s32 s20, s24;
	s30 =	smov.u32 s22;
	s2 =	sadd.s32 s3, s1;
	[tilespmem:s19+$0xC100] =	vst v8;
	v9 =	vld [tilespmem:s10+$0x0]  }
0x443: {  	s13 =	sadd.s32 s6, s1;
	s17 =	sadd.s32 s20, s1;
	s14 =	smov.u32 s24;
	[tilespmem:s11+$0xC100] =	vst v13;
	v15 =	vmul.f32 $2.771281240e+01, v14;
	v8 =	vld [tilespmem:s2+$0x0];
	v14 =	vadd.f32 v17, v3;
	v13 =	vmul.f32 $2.771281240e+01, v16  }
0x444: {  	v16 =	vld [tilespmem:s14+$0x0]  }
0x445: {  	v12 =	vmul.f32 $2.771281240e+01, v12;
	v3 =	vadd.f32 v15, v3  }
0x446: {  	v49 =	vld [tilespmem:s30+$0x0];
	[tilespmem:s21+$0x0] =	vst v14;
	v11 =	vmul.f32 $2.771281240e+01, v11;
	v13 =	vadd.f32 v13, v6  }
0x447: {  	v51 =	vld [tilespmem:s31+$0x0];
	v12 =	vadd.f32 v12, v6;
	[tilespmem:s12+$0x0] =	vst v3;
	v3 =	vmul.f32 $2.771281240e+01, v10  }
0x448: {  	v52 =	vld [tilespmem:s13+$0x0];
	v9 =	vmul.f32 $2.771281240e+01, v9;
	v53 =	vadd.f32 v11, v6;
	[tilespmem:s16+$0x0] =	vst v13  }
0x449: {  	[tilespmem:s4+$0x0] =	vst v12;
	v16 =	vmul.f32 $2.771281240e+01, v16;
	v3 =	vadd.f32 v3, v5  }
0x44a: {  	v8 =	vmul.f32 $2.771281240e+01, v8;
	v9 =	vadd.f32 v9, v5;
	[tilespmem:s5+$0x0] =	vst v53  }
0x44b: {  	v56 =	vmul.f32 $2.771281240e+01, v49;
	v50 =	vadd.f32 v16, v7;
	[tilespmem:s15+$0x0] =	vst v3  }
0x44c: {  	v57 =	vmul.f32 $2.771281240e+01, v51;
	v3 =	vadd.f32 v8, v5;
	[tilespmem:s10+$0x0] =	vst v9  }
0x44d: {  	v59 =	vmul.f32 $2.771281240e+01, v52;
	v58 =	vadd.f32 v56, v4;
	[tilespmem:s14+$0x0] =	vst v50  }
0x44e: {  	[tilespmem:s2+$0x0] =	vst v3;
	v3 =	vadd.f32 v57, v4  }
0x44f: {  	v61 =	vadd.f32 v59, v4;
	[tilespmem:s30+$0x0] =	vst v58  }
0x450: {  	[tilespmem:s31+$0x0] =	vst v3  }
0x451: {  	v54 =	vld [tilespmem:s0+$0x0];
	[tilespmem:s13+$0x0] =	vst v61  }
0x452: {  	v55 =	vld [tilespmem:s17+$0x0];
	s1 =	sld [smem:$0x7D5];
	_ =	sdelay $0x2  }
0x453: {  	s1 =	sadd.s32 $0x1, s1  }
0x454: {  	v60 =	vmul.f32 $2.771281240e+01, v54;
	p0 =	sne.s32 s1, $0x8  }
.Ltmp13:
0x455: {  	v62 =	vmul.f32 $2.771281240e+01, v55;
	(pc) =	sbr.rel @p0 .LBB2_26-.Ltmp13, $4  }
0x456: {  	v3 =	vadd.f32 v60, v7  }
0x457: {  	v63 =	vadd.f32 v62, v7  }
0x458: {  	[tilespmem:s0+$0x0] =	vst v3  }
0x459: {  	[tilespmem:s17+$0x0] =	vst v63  }
0x45a: {  	s0 =	sld [smem:$0x7E4];
	_ =	sdelay $0x1  }
0x45b: {  	s2 =	simm.s32 $0x0;
	s1 =	simm.s32 $0xC100;
	s24 =	sld [smem:$0x7F8]  }
0x45c: {  	[hbm4b:s0+s2] =	stream.linear.scatter [tilespmem:s1], [sflag:$0x8], $0x1800, $0x38;
	[tilespmem:$0x1E100] =	vst v63  }
0x45d: {  	s25 =	simm.s32 $0xD900;
	s26 =	sld [smem:$0x7F9]  }
0x45e: {  	[hbm4b:s24+s2] =	stream.linear.scatter [tilespmem:s25], [sflag:$0x8], $0x1800, $0x38;
	[tilespmem:$0x1E100] =	vst v63  }
0x45f: {  	s28 =	simm.s32 $0xF100;
	s29 =	sld [smem:$0x7FA]  }
0x460: {  	[hbm4b:s26+s2] =	stream.linear.scatter [tilespmem:s28], [sflag:$0x8], $0x1800, $0x38;
	[tilespmem:$0x1E100] =	vst v63  }
0x461: {  	s30 =	simm.s32 $0x10900;
	s31 =	simm.s32 $0x5  }
0x462: {  	[hbm4b:s29+s2] =	stream.linear.scatter [tilespmem:s30], [sflag:$0x8], $0x1800, $0x38;
	[tilespmem:$0x1E100] =	vst v63  }
0x463: {  	_ =	swait.ge [sflag:s31], $0x1800  }
0x464: {  	[sflag:s31] =	ssyncset.done $0x0  }
0x465: {  	[sflag:s31] =	ssyncadd.s32 $0xFFFFE800  }
0x466: {  	_ =	swait.ge [sflag:s31], $0x6000  }
0x467: {  	[sflag:s31] =	ssyncset.done $0x0  }
0x468: {  	s1 =	simm.s32 $0x0;
	[sflag:s31] =	ssyncadd.s32 $0xFFFFA000  }
.LBB2_30:
0x469: {  	s0 =	simm.s32 $0x0;
	s24 =	simm.s32 $0x0  }
0x46a: {  	s9 =	sshll.u32 s1, $0x7;
	s0 =	sand.u32 $0x40, s0;
	s2 =	sand.u32 $0x1C00, s24  }
0x46b: {  	[smem:$0x7D4] =	sst s1;
	s1 =	sor.u32 s9, s2;
	s3 =	sor.u32 $0x30, s0  }
0x46c: {  	s4 =	sor.u32 s3, s1  }
0x46d: {  	v3 =	vld [tilespmem:s4+$0x12100]  }
0x46e: {  	s6 =	sor.u32 $0x10, s0  }
0x46f: {  	s7 =	sor.u32 s6, s1;
	v4 =	vld [tilespmem:s4+$0x1C900]  }
0x470: {  	v5 =	vld [tilespmem:s7+$0x12100]  }
0x471: {  	s10 =	sor.u32 $0x20, s0  }
0x472: {  	s8 =	sor.u32 s10, s1;
	v7 =	vld [tilespmem:s7+$0x1C900];
	v3 =	vmul.f32 $2.771281240e+01, v3  }
0x473: {  	s11 =	sor.u32 s0, s1;
	v6 =	vld [tilespmem:s8+$0x12100]  }
0x474: {  	s23 =	sadd.s32 $0x16900, s9;
	v8 =	vld [tilespmem:s11+$0x12100];
	v9 =	vadd.f32 v3, v4  }
0x475: {  	s24 =	sadd.s32 $0x13900, s9;
	s25 =	sadd.s32 s2, s23;
	v10 =	vld [tilespmem:s8+$0x1C900];
	v5 =	vmul.f32 $2.771281240e+01, v5  }
0x476: {  	s31 =	sadd.s32 $0x15100, s9;
	s12 =	sadd.s32 s2, s24;
	s13 =	sadd.s32 s3, s25;
	v3 =	vld [tilespmem:s11+$0x1C900];
	[tilespmem:s4+$0x12100] =	vst v9  }
0x477: {  	s5 =	sadd.s32 s2, s31;
	s14 =	sadd.s32 s3, s12;
	v5 =	vadd.f32 v5, v7;
	v9 =	vld [tilespmem:s13+$0x0]  }
0x478: {  	s15 =	sadd.s32 s3, s5;
	v6 =	vmul.f32 $2.771281240e+01, v6;
	v11 =	vld [tilespmem:s14+$0x0]  }
0x479: {  	s16 =	sadd.s32 s6, s12;
	v8 =	vmul.f32 $2.771281240e+01, v8;
	[tilespmem:s7+$0x12100] =	vst v5;
	v5 =	vld [tilespmem:s15+$0x0]  }
0x47a: {  	s17 =	sadd.s32 s6, s5;
	v6 =	vadd.f32 v6, v10;
	v12 =	vld [tilespmem:s16+$0x0]  }
0x47b: {  	s18 =	sadd.s32 s6, s25;
	v13 =	vld [tilespmem:s17+$0x0];
	v8 =	vadd.f32 v8, v3  }
0x47c: {  	s4 =	sadd.s32 s10, s12;
	[tilespmem:s8+$0x12100] =	vst v6;
	v14 =	vld [tilespmem:s18+$0x0]  }
0x47d: {  	s3 =	sadd.s32 s10, s5;
	v15 =	vld [tilespmem:s4+$0x0];
	[tilespmem:s11+$0x12100] =	vst v8  }
0x47e: {  	s12 =	sadd.s32 s0, s12;
	v8 =	vld [tilespmem:s3+$0x0];
	[dreg:$0xc] =	wrdreg s9  }
0x47f: {  	s28 =	simm.s32 $0x40;
	s29 =	simm.s32 $0x200;
	v6 =	vmul.f32 $2.771281240e+01, v9;
	v9 =	vld [tilespmem:s12+$0x0]  }
0x480: {  	s8 =	sand.u32 $0x40, s28;
	s11 =	sand.u32 $0x1C00, s29;
	v11 =	vmul.f32 $2.771281240e+01, v11  }
0x481: {  	s6 =	sadd.s32 s10, s25;
	s19 =	sor.u32 $0x30, s8;
	s26 =	sor.u32 s9, s11;
	v5 =	vmul.f32 $2.771281240e+01, v5;
	v6 =	vadd.f32 v6, v4  }
0x482: {  	s2 =	sor.u32 $0x10, s8;
	v12 =	vmul.f32 $2.771281240e+01, v12;
	v16 =	vld [tilespmem:s6+$0x0];
	s20 =	sor.u32 s19, s26;
	v11 =	vadd.f32 v11, v4  }
0x483: {  	v13 =	vmul.f32 $2.771281240e+01, v13;
	s30 =	sor.u32 s2, s26;
	v17 =	vld [tilespmem:s20+$0x12100];
	v4 =	vadd.f32 v5, v4;
	[tilespmem:s13+$0x0] =	vst v6  }
0x484: {  	v18 =	vld [tilespmem:s30+$0x12100];
	v5 =	vadd.f32 v12, v7;
	[tilespmem:s14+$0x0] =	vst v11;
	v9 =	vmul.f32 $2.771281240e+01, v9  }
0x485: {  	s22 =	sor.u32 s8, s26;
	v12 =	vadd.f32 v13, v7;
	v6 =	vld [tilespmem:s20+$0x1C900];
	[tilespmem:s15+$0x0] =	vst v4;
	v4 =	vmul.f32 $2.771281240e+01, v14  }
0x486: {  	s7 =	sor.u32 $0x20, s8;
	v13 =	vld [tilespmem:s22+$0x12100];
	[tilespmem:s16+$0x0] =	vst v5;
	v9 =	vadd.f32 v9, v3  }
0x487: {  	s9 =	sor.u32 s7, s26;
	v5 =	vld [tilespmem:s30+$0x1C900];
	[tilespmem:s17+$0x0] =	vst v12;
	v12 =	vmul.f32 $2.771281240e+01, v15;
	v15 =	vadd.f32 v4, v7  }
0x488: {  	v11 =	vld [tilespmem:s9+$0x12100];
	v14 =	vmul.f32 $2.771281240e+01, v17;
	[tilespmem:s12+$0x0] =	vst v9  }
0x489: {  	v4 =	vld [tilespmem:s9+$0x1C900];
	[tilespmem:s18+$0x0] =	vst v15  }
0x48a: {  	s21 =	sadd.s32 s0, s5;
	v8 =	vmul.f32 $2.771281240e+01, v8;
	v7 =	vld [tilespmem:s22+$0x1C900];
	v9 =	vadd.f32 v14, v6;
	[dreg:$0x14] =	wrdreg s23  }
0x48b: {  	v12 =	vadd.f32 v12, v10;
	s12 =	sadd.s32 s0, s25;
	v14 =	vmul.f32 $2.771281240e+01, v18;
	s23 =	sadd.s32 s11, s23;
	v15 =	vld [tilespmem:s21+$0x0]  }
0x48c: {  	v16 =	vmul.f32 $2.771281240e+01, v16;
	v8 =	vadd.f32 v8, v10;
	s25 =	smov.u32 s24;
	s24 =	sadd.s32 s11, s24;
	[tilespmem:s20+$0x12100] =	vst v9;
	s16 =	sadd.s32 s19, s23;
	v17 =	vld [tilespmem:s12+$0x0]  }
0x48d: {  	s11 =	sadd.s32 s11, s31;
	[tilespmem:s4+$0x0] =	vst v12;
	s4 =	sadd.s32 s19, s24;
	v9 =	vmul.f32 $2.771281240e+01, v11;
	v11 =	vadd.f32 v14, v5;
	v14 =	vld [tilespmem:s16+$0x0]  }
0x48e: {  	v10 =	vadd.f32 v16, v10;
	s5 =	sadd.s32 s19, s11;
	[tilespmem:s3+$0x0] =	vst v8;
	v8 =	vmul.f32 $2.771281240e+01, v13;
	v12 =	vld [tilespmem:s4+$0x0]  }
0x48f: {  	s15 =	sadd.s32 s2, s24;
	v9 =	vadd.f32 v9, v4;
	[tilespmem:s30+$0x12100] =	vst v11;
	v11 =	vld [tilespmem:s5+$0x0]  }
0x490: {  	s26 =	smov.u32 s31;
	s14 =	sadd.s32 s8, s24;
	s10 =	sadd.s32 s2, s11;
	[tilespmem:s6+$0x0] =	vst v10;
	v8 =	vadd.f32 v8, v7;
	v10 =	vld [tilespmem:s15+$0x0];
	v16 =	vmul.f32 $2.771281240e+01, v15  }
0x491: {  	s31 =	sadd.s32 s7, s11;
	s2 =	sadd.s32 s2, s23;
	s0 =	sadd.s32 s8, s11;
	[tilespmem:s9+$0x12100] =	vst v9;
	v9 =	vld [tilespmem:s10+$0x0]  }
0x492: {  	s13 =	sadd.s32 s7, s23;
	s17 =	sadd.s32 s8, s23;
	s30 =	sadd.s32 s7, s24;
	[tilespmem:s22+$0x12100] =	vst v8;
	v15 =	vmul.f32 $2.771281240e+01, v17;
	v8 =	vld [tilespmem:s2+$0x0];
	v13 =	vmul.f32 $2.771281240e+01, v14;
	v14 =	vadd.f32 v16, v3  }
.LBB2_31:
0x493: {  	_ = 	snop  }
0x494: {  	s28 =	sadd.s32 $0x40, s28;
	v16 =	vld [tilespmem:s30+$0x0];
	s29 =	sadd.s32 $0x200, s29;
	v15 =	vadd.f32 v15, v3;
	v12 =	vmul.f32 $2.771281240e+01, v12  }
0x495: {  	s3 =	rddreg [dreg:$0xc];
	v3 =	vmov v7;
	s20 =	sand.u32 $0x40, s28;
	s1 =	sand.u32 $0x1C00, s29;
	v7 =	vld [tilespmem:s31+$0x0];
	v13 =	vadd.f32 v13, v6;
	[tilespmem:s21+$0x0] =	vst v14;
	v11 =	vmul.f32 $2.771281240e+01, v11  }
0x496: {  	v14 =	vld [tilespmem:s13+$0x0];
	s19 =	sor.u32 s3, s1;
	s18 =	sor.u32 $0x30, s20;
	[tilespmem:s12+$0x0] =	vst v15;
	v10 =	vmul.f32 $2.771281240e+01, v10;
	v12 =	vadd.f32 v12, v6  }
0x497: {  	s3 =	sor.u32 $0x10, s20;
	s7 =	sor.u32 s18, s19;
	v15 =	vld [tilespmem:s14+$0x0];
	[tilespmem:s16+$0x0] =	vst v13;
	v9 =	vmul.f32 $2.771281240e+01, v9;
	v6 =	vadd.f32 v11, v6  }
0x498: {  	s8 =	sor.u32 s3, s19;
	v8 =	vmul.f32 $2.771281240e+01, v8;
	v11 =	vld [tilespmem:s7+$0x12100];
	v10 =	vadd.f32 v10, v5;
	[tilespmem:s4+$0x0] =	vst v12  }
0x499: {  	s6 =	sor.u32 $0x20, s20;
	v13 =	vmul.f32 $2.771281240e+01, v16;
	v9 =	vadd.f32 v9, v5;
	v12 =	vld [tilespmem:s8+$0x12100];
	[tilespmem:s5+$0x0] =	vst v6  }
0x49a: {  	s11 =	sor.u32 s20, s19;
	s19 =	sor.u32 s6, s19;
	v5 =	vadd.f32 v8, v5;
	[tilespmem:s15+$0x0] =	vst v10;
	v6 =	vld [tilespmem:s7+$0x1C900]  }
0x49b: {  	v7 =	vmul.f32 $2.771281240e+01, v7;
	v8 =	vld [tilespmem:s19+$0x12100];
	[tilespmem:s10+$0x0] =	vst v9;
	v9 =	vadd.f32 v13, v4  }
0x49c: {  	s24 =	sadd.s32 s1, s25;
	v10 =	vmul.f32 $2.771281240e+01, v14;
	v13 =	vld [tilespmem:s11+$0x12100];
	[tilespmem:s2+$0x0] =	vst v5  }
0x49d: {  	s16 =	sadd.s32 s1, s26;
	s21 =	sadd.s32 s3, s24;
	v7 =	vadd.f32 v7, v4;
	v5 =	vld [tilespmem:s8+$0x1C900];
	[tilespmem:s30+$0x0] =	vst v9;
	v11 =	vmul.f32 $2.771281240e+01, v11  }
0x49e: {  	s23 =	sadd.s32 s6, s16;
	s12 =	sadd.s32 s20, s16;
	s15 =	smov.u32 s21;
	v9 =	vadd.f32 v10, v4;
	v4 =	vld [tilespmem:s19+$0x1C900]  }
0x49f: {  	v14 =	vmul.f32 $2.771281240e+01, v15;
	s21 =	smov.u32 s0;
	[tilespmem:s31+$0x0] =	vst v7;
	s31 =	smov.u32 s23;
	v7 =	vld [tilespmem:s11+$0x1C900];
	s23 =	rddreg [dreg:$0x14];
	v11 =	vadd.f32 v11, v6  }
0x4a0: {  	s0 =	smov.u32 s12;
	s12 =	smov.u32 s17;
	[tilespmem:s13+$0x0] =	vst v9;
	s1 =	sadd.s32 s1, s23;
	v9 =	vld [tilespmem:s21+$0x0];
	v10 =	vmul.f32 $2.771281240e+01, v12  }
0x4a1: {  	s9 =	sadd.s32 s3, s16;
	s5 =	sadd.s32 s18, s16;
	v12 =	vadd.f32 v14, v3;
	s16 =	sadd.s32 s18, s1;
	v14 =	vld [tilespmem:s12+$0x0];
	[tilespmem:s7+$0x12100] =	vst v11  }
0x4a2: {  	p0 =	slt.u32 s28, $0x2C0;
	s4 =	sadd.s32 s18, s24;
	v8 =	vmul.f32 $2.771281240e+01, v8;
	v10 =	vadd.f32 v10, v5;
	v16 =	vld [tilespmem:s16+$0x0]  }
.Ltmp14:
0x4a3: {  	v13 =	vmul.f32 $2.771281240e+01, v13;
	[tilespmem:s14+$0x0] =	vst v12;
	v12 =	vld [tilespmem:s4+$0x0];
	(pc) =	sbr.rel @p0 .LBB2_31-.Ltmp14, $4  }
0x4a4: {  	v8 =	vadd.f32 v8, v4;
	[tilespmem:s8+$0x12100] =	vst v10;
	v11 =	vld [tilespmem:s5+$0x0]  }
0x4a5: {  	s22 =	sadd.s32 s6, s24;
	s10 =	smov.u32 s9;
	v13 =	vadd.f32 v13, v7;
	v17 =	vmul.f32 $2.771281240e+01, v9;
	v10 =	vld [tilespmem:s15+$0x0]  }
0x4a6: {  	s24 =	sadd.s32 s20, s24;
	s30 =	smov.u32 s22;
	s2 =	sadd.s32 s3, s1;
	[tilespmem:s19+$0x12100] =	vst v8;
	v9 =	vld [tilespmem:s10+$0x0]  }
0x4a7: {  	s13 =	sadd.s32 s6, s1;
	s17 =	sadd.s32 s20, s1;
	s14 =	smov.u32 s24;
	[tilespmem:s11+$0x12100] =	vst v13;
	v15 =	vmul.f32 $2.771281240e+01, v14;
	v8 =	vld [tilespmem:s2+$0x0];
	v14 =	vadd.f32 v17, v3;
	v13 =	vmul.f32 $2.771281240e+01, v16  }
0x4a8: {  	v16 =	vld [tilespmem:s14+$0x0]  }
0x4a9: {  	v12 =	vmul.f32 $2.771281240e+01, v12;
	v3 =	vadd.f32 v15, v3  }
0x4aa: {  	v49 =	vld [tilespmem:s30+$0x0];
	[tilespmem:s21+$0x0] =	vst v14;
	v11 =	vmul.f32 $2.771281240e+01, v11;
	v13 =	vadd.f32 v13, v6  }
0x4ab: {  	v51 =	vld [tilespmem:s31+$0x0];
	v12 =	vadd.f32 v12, v6;
	[tilespmem:s12+$0x0] =	vst v3;
	v3 =	vmul.f32 $2.771281240e+01, v10  }
0x4ac: {  	v52 =	vld [tilespmem:s13+$0x0];
	v9 =	vmul.f32 $2.771281240e+01, v9;
	v53 =	vadd.f32 v11, v6;
	[tilespmem:s16+$0x0] =	vst v13  }
0x4ad: {  	[tilespmem:s4+$0x0] =	vst v12;
	v16 =	vmul.f32 $2.771281240e+01, v16;
	v3 =	vadd.f32 v3, v5  }
0x4ae: {  	v8 =	vmul.f32 $2.771281240e+01, v8;
	v9 =	vadd.f32 v9, v5;
	[tilespmem:s5+$0x0] =	vst v53  }
0x4af: {  	v56 =	vmul.f32 $2.771281240e+01, v49;
	v50 =	vadd.f32 v16, v7;
	[tilespmem:s15+$0x0] =	vst v3  }
0x4b0: {  	v57 =	vmul.f32 $2.771281240e+01, v51;
	v3 =	vadd.f32 v8, v5;
	[tilespmem:s10+$0x0] =	vst v9  }
0x4b1: {  	v59 =	vmul.f32 $2.771281240e+01, v52;
	v58 =	vadd.f32 v56, v4;
	[tilespmem:s14+$0x0] =	vst v50  }
0x4b2: {  	[tilespmem:s2+$0x0] =	vst v3;
	v3 =	vadd.f32 v57, v4  }
0x4b3: {  	v61 =	vadd.f32 v59, v4;
	[tilespmem:s30+$0x0] =	vst v58  }
0x4b4: {  	[tilespmem:s31+$0x0] =	vst v3  }
0x4b5: {  	v54 =	vld [tilespmem:s0+$0x0];
	[tilespmem:s13+$0x0] =	vst v61  }
0x4b6: {  	v55 =	vld [tilespmem:s17+$0x0];
	s1 =	sld [smem:$0x7D4];
	_ =	sdelay $0x2  }
0x4b7: {  	s1 =	sadd.s32 $0x1, s1  }
0x4b8: {  	v60 =	vmul.f32 $2.771281240e+01, v54;
	p0 =	sne.s32 s1, $0x8  }
.Ltmp15:
0x4b9: {  	v62 =	vmul.f32 $2.771281240e+01, v55;
	(pc) =	sbr.rel @p0 .LBB2_30-.Ltmp15, $4  }
0x4ba: {  	v3 =	vadd.f32 v60, v7  }
0x4bb: {  	v63 =	vadd.f32 v62, v7  }
0x4bc: {  	[tilespmem:s0+$0x0] =	vst v3  }
0x4bd: {  	[tilespmem:s17+$0x0] =	vst v63  }
0x4be: {  	s0 =	sld [smem:$0x7E5];
	_ =	sdelay $0x1  }
0x4bf: {  	s8 =	simm.s32 $0x0;
	s1 =	simm.s32 $0x12100;
	s20 =	sld [smem:$0x7FB]  }
0x4c0: {  	[hbm4b:s0+s8] =	stream.linear.scatter [tilespmem:s1], [sflag:$0x9], $0x1800, $0x38;
	[tilespmem:$0x1E100] =	vst v63  }
0x4c1: {  	s21 =	simm.s32 $0x13900;
	s22 =	sld [smem:$0x7FC]  }
0x4c2: {  	[hbm4b:s20+s8] =	stream.linear.scatter [tilespmem:s21], [sflag:$0x9], $0x1800, $0x38;
	[tilespmem:$0x1E100] =	vst v63  }
0x4c3: {  	s23 =	simm.s32 $0x15100;
	s24 =	sld [smem:$0x7FD]  }
0x4c4: {  	[hbm4b:s22+s8] =	stream.linear.scatter [tilespmem:s23], [sflag:$0x9], $0x1800, $0x38;
	[tilespmem:$0x1E100] =	vst v63  }
0x4c5: {  	s25 =	simm.s32 $0x16900;
	s26 =	simm.s32 $0x6  }
0x4c6: {  	[hbm4b:s24+s8] =	stream.linear.scatter [tilespmem:s25], [sflag:$0x9], $0x1800, $0x38;
	[tilespmem:$0x1E100] =	vst v63  }
0x4c7: {  	_ =	swait.ge [sflag:s26], $0x1800  }
0x4c8: {  	[sflag:s26] =	ssyncset.done $0x0  }
0x4c9: {  	[sflag:s26] =	ssyncadd.s32 $0xFFFFE800  }
0x4ca: {  	_ =	swait.ge [sflag:s26], $0x1800  }
0x4cb: {  	[sflag:s26] =	ssyncset.done $0x0  }
0x4cc: {  	[sflag:s26] =	ssyncadd.s32 $0xFFFFE800  }
0x4cd: {  	_ =	swait.ge [sflag:s26], $0x1800  }
0x4ce: {  	[sflag:s26] =	ssyncset.done $0x0  }
0x4cf: {  	[sflag:s26] =	ssyncadd.s32 $0xFFFFE800  }
0x4d0: {  	_ =	swait.ge [sflag:s26], $0x1800  }
0x4d1: {  	[sflag:s26] =	ssyncset.done $0x0  }
0x4d2: {  	s28 =	simm.s32 $0x7;
	[sflag:s26] =	ssyncadd.s32 $0xFFFFE800  }
0x4d3: {  	_ =	swait.ge [sflag:s28], $0x1800  }
0x4d4: {  	[sflag:s28] =	ssyncset.done $0x0  }
0x4d5: {  	[sflag:s28] =	ssyncadd.s32 $0xFFFFE800  }
0x4d6: {  	_ =	swait.ge [sflag:s28], $0x1800  }
0x4d7: {  	[sflag:s28] =	ssyncset.done $0x0  }
0x4d8: {  	[sflag:s28] =	ssyncadd.s32 $0xFFFFE800  }
0x4d9: {  	_ =	swait.ge [sflag:s28], $0x1800  }
0x4da: {  	[sflag:s28] =	ssyncset.done $0x0  }
0x4db: {  	[sflag:s28] =	ssyncadd.s32 $0xFFFFE800  }
0x4dc: {  	_ =	swait.ge [sflag:s28], $0x1800  }
0x4dd: {  	[sflag:s28] =	ssyncset.done $0x0  }
0x4de: {  	s29 =	simm.s32 $0x8;
	[sflag:s28] =	ssyncadd.s32 $0xFFFFE800  }
0x4df: {  	_ =	swait.ge [sflag:s29], $0x1800  }
0x4e0: {  	[sflag:s29] =	ssyncset.done $0x0  }
0x4e1: {  	[sflag:s29] =	ssyncadd.s32 $0xFFFFE800  }
0x4e2: {  	_ =	swait.ge [sflag:s29], $0x1800  }
0x4e3: {  	[sflag:s29] =	ssyncset.done $0x0  }
0x4e4: {  	[sflag:s29] =	ssyncadd.s32 $0xFFFFE800  }
0x4e5: {  	_ =	swait.ge [sflag:s29], $0x1800  }
0x4e6: {  	[sflag:s29] =	ssyncset.done $0x0  }
0x4e7: {  	[sflag:s29] =	ssyncadd.s32 $0xFFFFE800  }
0x4e8: {  	_ =	swait.ge [sflag:s29], $0x1800  }
0x4e9: {  	[sflag:s29] =	ssyncset.done $0x0  }
0x4ea: {  	s30 =	simm.s32 $0x9;
	[sflag:s29] =	ssyncadd.s32 $0xFFFFE800  }
0x4eb: {  	_ =	swait.ge [sflag:s30], $0x1800  }
0x4ec: {  	[sflag:s30] =	ssyncset.done $0x0  }
0x4ed: {  	[sflag:s30] =	ssyncadd.s32 $0xFFFFE800  }
0x4ee: {  	_ =	swait.ge [sflag:s30], $0x1800  }
0x4ef: {  	[sflag:s30] =	ssyncset.done $0x0  }
0x4f0: {  	[sflag:s30] =	ssyncadd.s32 $0xFFFFE800  }
0x4f1: {  	_ =	swait.ge [sflag:s30], $0x1800  }
0x4f2: {  	[sflag:s30] =	ssyncset.done $0x0  }
0x4f3: {  	[sflag:s30] =	ssyncadd.s32 $0xFFFFE800  }
0x4f4: {  	_ =	swait.ge [sflag:s30], $0x1800  }
0x4f5: {  	s2 =	sld [smem:$0x7DC]  }
0x4f6: {  	s31 =	sld [smem:$0x7E7];
	_ =	sdelay $0x1  }
0x4f7: {  	s2 =	sadd.s32 $0x1, s2  }
0x4f8: {  	p0 =	sne.s32 s2, s31  }
.Ltmp16:
0x4f9: {  	_ = 	snop;
	(pc) =	sbr.rel @p0 .LBB2_1-.Ltmp16, $3  }
0x4fa: {  	_ =	sdelay $0x1  }
0x4fb: {  	[sflag:s30] =	ssyncset.done $0x0  }
0x4fc: {  	[sflag:s30] =	ssyncadd.s32 $0xFFFFE800  }
0x4fd: {  	_ =	sfence.sel $0x180000  }
0x4fe: {  	[bflag:$0x0] =	sbarrier.arrive $0xFFFF  }
0x4ff: {  	_ =	strace $0x90000047  }
0x500: {  	s0 =	stileid.u32;
	[bflag:$0x2] =	sbarrier.arrive $0xFFFF  }
0x501: {  	p0 =	sne.s32 s0, $0x0;
	s0 =	rddreg [dreg:$0x4]  }
0x502: {  	s0 =	sadd.s32 @!p0 $0x100000, s0  }
0x503: {  	[sflag:s0] =	ssyncadd.tile.s32 @!p0 $0x1;
	_ =	shalt  }
.Lfunc_end2:
_tile_overlayer_lowered:
.L_overlay_start_2:
0x504: {  	(tag) =	ssettag $0x2  }
0x505: {  	s0 =	rddreg [dreg:$0x0];
	s2 =	stileid.u32  }
0x506: {  	s1 =	rddreg [dreg:$0x1];
	p0 =	sne.s32 s2, $0x0  }
0x507: {  	s3 =	rddreg [dreg:$0x2];
	[bflag:$0x3] =	sbarrier.arrive $0xFFFF;
	s2 =	simm.s32 @!p0 $0x1C0A  }
0x508: {  	[timem:s3], [sflag:s2] =	dma.local @!p0 [hbm:s0], s1  }
0x509: {  	s0 =	simm.s32 @!p0 $0xA  }
0x50a: {  	_ =	swait.ge @!p0 [sflag:s0], s1  }
0x50b: {  	s1 =	ssub.s32 @!p0 $0x0, s1;
	[sflag:s0] =	ssyncset.done @!p0 $0x0  }
0x50c: {  	[sflag:s0] =	ssyncadd.s32 @!p0 s1  }
0x50d: {  	[bflag:$0x3] =	sbarrier.arrive $0xFFFF  }
0x50e: {  	_ =	shalt  }

</sc_bundles>
